<compile_context>
chip_gen: v7x
topology: tpu7x:2x2x1
jax: 0.10.2.dev20260603
libtpu: 0.0.44.dev20260713+nightly
codegen_flags: <defaults>
</compile_context>

<pallas_src>
import functools

import jax
import jax.numpy as jnp
from jax import lax
from jax.experimental import pallas as pl
from jax.experimental.pallas import tpu as pltpu
from jax.experimental.pallas import tpu_sc as plsc

N = 10000
E = 320000
D_IN = 128
HID = 160
NG = 64
NC, NS = 2, 16
NW = NC * NS
EPW = E // NW
CH = 125
EPT = E // NS
NCK = EPT // CH
DEGC = NCK // NC
HH = HID // 2
RA = 624
REM = N - RA * NS

_mesh = plsc.VectorSubcoreMesh(
    core_axis_name="c", subcore_axis_name="s", num_cores=NC, num_subcores=NS)


def _per_tile_rows(sid, copy_fn):
    r0 = pl.multiple_of(sid * RA, 8)
    copy_fn(r0, RA)

    @pl.when(sid == NS - 1)
    def _():
        copy_fn(N - REM, REM)


@functools.partial(
    pl.kernel,
    out_type=jax.ShapeDtypeStruct((NC, N, 16), jnp.float32),
    mesh=_mesh,
    compiler_params=pltpu.CompilerParams(use_tc_tiling_on_sc=False),
    scratch_types=[
        pltpu.VMEM((DEGC, CH), jnp.int32),
        pltpu.VMEM((CH, 16), jnp.float32),
        pltpu.VMEM_SHARED((N, 16), jnp.float32),
    ],
)
def _deg_kernel(dst_hbm, ones_hbm, zeros_hbm, out_hbm, didx_all, ones_v, acc_sh):
    cid = lax.axis_index("c")
    sid = lax.axis_index("s")
    _per_tile_rows(sid, lambda r, n: pltpu.sync_copy(
        zeros_hbm.at[pl.ds(r, n)], acc_sh.at[pl.ds(r, n)]))
    pltpu.sync_copy(dst_hbm.at[sid, pl.ds(cid * DEGC, DEGC)], didx_all)
    pltpu.sync_copy(ones_hbm, ones_v)
    plsc.subcore_barrier()

    def body(c, carry):
        pltpu.sync_copy(ones_v, acc_sh.at[didx_all.at[c]], add=True)
        return carry

    lax.fori_loop(0, DEGC, body, 0)
    plsc.subcore_barrier()
    _per_tile_rows(sid, lambda r, n: pltpu.sync_copy(
        acc_sh.at[pl.ds(r, n)], out_hbm.at[cid, pl.ds(r, n)]))


RING = 5
assert NCK % RING == 0


@functools.partial(
    pl.kernel,
    out_type=jax.ShapeDtypeStruct((NC, N, HH), jnp.float32),
    mesh=_mesh,
    compiler_params=pltpu.CompilerParams(use_tc_tiling_on_sc=False),
    scratch_types=(
        [pltpu.VMEM((2, CH), jnp.int32)] * RING
        + [pltpu.VMEM((CH, HH), jnp.float32)] * RING
        + [pltpu.SemaphoreType.DMA] * (2 * RING)
        + [pltpu.VMEM_SHARED((N, HH), jnp.float32)]
    ),
)
def _spmm_kernel(hs0_hbm, hs1_hbm, edges_hbm, out_hbm, *sc):
    qs = sc[:RING]
    rows = sc[RING:2 * RING]
    isems = sc[2 * RING:3 * RING]
    gsems = sc[3 * RING:4 * RING]
    acc_sh = sc[4 * RING]
    cid = lax.axis_index("c")
    sid = lax.axis_index("s")

    def run(hs_hbm):
        _per_tile_rows(sid, lambda r, n: pltpu.sync_copy(
            hs_hbm.at[pl.ds(r, n)], acc_sh.at[pl.ds(r, n)]))
        for k in range(RING):
            pltpu.async_copy(edges_hbm.at[sid, k], qs[k], isems[k])
        plsc.subcore_barrier()
        for k in range(RING - 1):
            pltpu.make_async_copy(edges_hbm.at[sid, k], qs[k], isems[k]).wait()
            pltpu.async_copy(hs_hbm.at[qs[k].at[0]], rows[k], gsems[k])

        def body(g, carry):
            for k in range(RING):
                c = RING * g + k
                pltpu.make_async_copy(
                    hs_hbm.at[qs[k].at[0]], rows[k], gsems[k]).wait()
                pltpu.sync_copy(rows[k], acc_sh.at[qs[k].at[1]], add=True)

                @pl.when(c + RING < NCK)
                def _():
                    pltpu.async_copy(edges_hbm.at[sid, c + RING],
                                     qs[k], isems[k])

                @pl.when(c + RING - 1 < NCK)
                def _():
                    kn = (k + RING - 1) % RING
                    pltpu.make_async_copy(
                        edges_hbm.at[sid, c + RING - 1],
                        qs[kn], isems[kn]).wait()
                    pltpu.async_copy(
                        hs_hbm.at[qs[kn].at[0]], rows[kn], gsems[kn])
            return carry

        lax.fori_loop(0, NCK // RING, body, 0)

    @pl.when(cid == 0)
    def _():
        run(hs0_hbm)

    @pl.when(cid != 0)
    def _():
        run(hs1_hbm)

    plsc.subcore_barrier()
    _per_tile_rows(sid, lambda r, n: pltpu.sync_copy(
        acc_sh.at[pl.ds(r, n)], out_hbm.at[cid, pl.ds(r, n)]))


def _tc_layer0_body(x_ref, w_ref, degp_ref, hs0_ref, hs1_ref, dis_ref):
    deg = degp_ref[0, :, 0:1] + degp_ref[1, :, 0:1] + 1.0
    dis = lax.rsqrt(deg)
    h = jnp.dot(x_ref[...], w_ref[...], preferred_element_type=jnp.float32)
    hs = h * dis
    hs0_ref[...] = hs[:, :HH]
    hs1_ref[...] = hs[:, HH:]
    dis_ref[...] = dis


def _bn_relu(aggp_ref, dis_ref, b_ref, g_ref, be_ref):
    a = jnp.concatenate([aggp_ref[0], aggp_ref[1]], axis=1)
    conv = a * dis_ref[...] + b_ref[...]
    m = jnp.sum(conv, axis=0, keepdims=True) / N
    v = jnp.sum(conv * conv, axis=0, keepdims=True) / N - m * m
    scale = g_ref[...] * lax.rsqrt(v + 1e-5)
    shift = be_ref[...] - m * scale
    return jnp.maximum(conv * scale + shift, 0.0)


def _tc_mid_body(aggp_ref, dis_ref, b_ref, g_ref, be_ref, w_ref,
                 hs0_ref, hs1_ref):
    xx = _bn_relu(aggp_ref, dis_ref, b_ref, g_ref, be_ref)
    h = jnp.dot(xx, w_ref[...], preferred_element_type=jnp.float32)
    hs = h * dis_ref[...]
    hs0_ref[...] = hs[:, :HH]
    hs1_ref[...] = hs[:, HH:]


def _tc_final_body(aggp_ref, dis_ref, b_ref, g_ref, be_ref, batch_ref,
                   wc1_ref, bc1_ref, wc2_ref, bc2_ref, out_ref):
    xx = _bn_relu(aggp_ref, dis_ref, b_ref, g_ref, be_ref)
    gids = lax.broadcasted_iota(jnp.int32, (N, NG), 1)
    onehot = (batch_ref[...] == gids).astype(jnp.float32)
    psum = lax.dot_general(onehot, xx, (((0,), (0,)), ((), ())),
                           preferred_element_type=jnp.float32)
    ones = jnp.ones((N, 1), jnp.float32)
    cnt = lax.dot_general(onehot, ones, (((0,), (0,)), ((), ())),
                          preferred_element_type=jnp.float32)
    pooled = psum / jnp.maximum(cnt, 1.0)
    z = jnp.maximum(
        jnp.dot(pooled, wc1_ref[...], preferred_element_type=jnp.float32)
        + bc1_ref[...], 0.0)
    out_ref[...] = jnp.dot(z, wc2_ref[...],
                           preferred_element_type=jnp.float32) + bc2_ref[...]


_tc_layer0 = pl.pallas_call(
    _tc_layer0_body,
    out_shape=[jax.ShapeDtypeStruct((N, HH), jnp.float32),
               jax.ShapeDtypeStruct((N, HH), jnp.float32),
               jax.ShapeDtypeStruct((N, 1), jnp.float32)],
)

_tc_mid = pl.pallas_call(
    _tc_mid_body,
    out_shape=[jax.ShapeDtypeStruct((N, HH), jnp.float32),
               jax.ShapeDtypeStruct((N, HH), jnp.float32)],
)

_tc_final = pl.pallas_call(
    _tc_final_body,
    out_shape=jax.ShapeDtypeStruct((NG, 2), jnp.float32),
)


def kernel(x, edge_index, batch, W0, b0, g0, be0, W1, b1, g1, be1,
           W2, b2, gf, bef, Wc1, bc1, Wc2, bc2):
    src_r = edge_index[0].reshape(NS, NCK, CH)
    dst_r = edge_index[1].reshape(NS, NCK, CH)
    edges = jnp.stack([src_r, dst_r], axis=2)
    zeros16 = jnp.zeros((N, 16), jnp.float32)
    ones16 = jnp.ones((CH, 16), jnp.float32)

    degp = _deg_kernel(dst_r, ones16, zeros16)
    hs0, hs1, dis = _tc_layer0(x, W0, degp)
    agg = _spmm_kernel(hs0, hs1, edges)
    hs0, hs1 = _tc_mid(agg, dis, b0.reshape(1, HID), g0.reshape(1, HID),
                       be0.reshape(1, HID), W1)
    agg = _spmm_kernel(hs0, hs1, edges)
    hs0, hs1 = _tc_mid(agg, dis, b1.reshape(1, HID), g1.reshape(1, HID),
                       be1.reshape(1, HID), W2)
    agg = _spmm_kernel(hs0, hs1, edges)
    return _tc_final(agg, dis, b2.reshape(1, HID), gf.reshape(1, HID),
                     bef.reshape(1, HID), batch.reshape(N, 1),
                     Wc1, bc1.reshape(1, HID // 2), Wc2, bc2.reshape(1, 2))

# --- scband reference (transcript-rebuilt; emitter-appended) ---
"""Pipeline reference for scband-gcnclassifier-48490180772588 (READ-ONLY COPY).

The authoritative reference and input builder live on the scoring server;
editing this copy changes nothing except your own understanding.
"""

import jax, jax.numpy as jnp
import numpy as np

N_NODES = 10000
N_EDGES = 320000
D_IN = 128
HID = 160
N_GRAPHS = 64


def setup_inputs(seed: int = 0):
    key = jax.random.key(seed)
    ks = jax.random.split(key, 24)
    x = jax.random.normal(ks[0], (N_NODES, D_IN), dtype=jnp.float32)
    edge_index = jax.random.randint(ks[1], (2, N_EDGES), 0, N_NODES, dtype=jnp.int32)
    batch = jnp.sort(jax.random.randint(ks[2], (N_NODES,), 0, N_GRAPHS, dtype=jnp.int32))

    def p(k, shape):
        return jax.random.normal(k, shape, dtype=jnp.float32) * 0.05

    W0 = p(ks[3], (D_IN, HID)); b0 = jnp.zeros((HID,), jnp.float32)
    W1 = p(ks[4], (HID, HID)); b1 = jnp.zeros((HID,), jnp.float32)
    W2 = p(ks[5], (HID, HID)); b2 = jnp.zeros((HID,), jnp.float32)
    g0 = jnp.ones((HID,), jnp.float32); be0 = jnp.zeros((HID,), jnp.float32)
    g1 = jnp.ones((HID,), jnp.float32); be1 = jnp.zeros((HID,), jnp.float32)
    gf = jnp.ones((HID,), jnp.float32); bef = jnp.zeros((HID,), jnp.float32)
    Wc1 = p(ks[6], (HID, HID // 2)); bc1 = jnp.zeros((HID // 2,), jnp.float32)
    Wc2 = p(ks[7], (HID // 2, 2)); bc2 = jnp.zeros((2,), jnp.float32)
    return dict(x=x, edge_index=edge_index, batch=batch,
                W0=W0, b0=b0, g0=g0, be0=be0,
                W1=W1, b1=b1, g1=g1, be1=be1,
                W2=W2, b2=b2, gf=gf, bef=bef,
                Wc1=Wc1, bc1=bc1, Wc2=Wc2, bc2=bc2)


def gcn_conv(x, src, dst, W, b):
    # GCNConv: add self-loops, symmetric normalization D^-1/2 (A+I) D^-1/2 x W + b
    n = x.shape[0]
    loop = jnp.arange(n, dtype=src.dtype)
    s = jnp.concatenate([src, loop])
    d = jnp.concatenate([dst, loop])
    deg = jnp.zeros((n,), x.dtype).at[d].add(1.0)
    dis = jnp.where(deg > 0, 1.0 / jnp.sqrt(deg), 0.0)
    norm = dis[s] * dis[d]
    h = x @ W
    msg = h[s] * norm[:, None]
    out = jnp.zeros((n, W.shape[1]), x.dtype).at[d].add(msg)
    return out + b


def batch_norm(x, g, b):
    m = jnp.mean(x, axis=0)
    v = jnp.var(x, axis=0)
    return (x - m) / jnp.sqrt(v + 1e-5) * g + b


def reference(x, edge_index, batch, W0, b0, g0, be0, W1, b1, g1, be1, W2, b2, gf, bef, Wc1, bc1, Wc2, bc2):
    src = edge_index[0]
    dst = edge_index[1]
    h = jax.nn.relu(batch_norm(gcn_conv(x, src, dst, W0, b0), g0, be0))
    h = jax.nn.relu(batch_norm(gcn_conv(h, src, dst, W1, b1), g1, be1))
    h = jax.nn.relu(batch_norm(gcn_conv(h, src, dst, W2, b2), gf, bef))
    summ = jax.ops.segment_sum(h, batch, num_segments=N_GRAPHS)
    cnt = jax.ops.segment_sum(jnp.ones((h.shape[0], 1), h.dtype), batch, num_segments=N_GRAPHS)
    pooled = summ / jnp.maximum(cnt, 1.0)
    z = jax.nn.relu(pooled @ Wc1 + bc1)
    return z @ Wc2 + bc2

if __name__ == "__main__":
    import jax
    _d = setup_inputs()
    print(jax.jit(kernel)(*tuple(_d.values())))

</pallas_src>

<mosaic_0001>
#map = affine_map<(d0, d1) -> (0, 0)>
#map1 = affine_map<(d0, d1) -> (0, 0, 0, 0)>
#map2 = affine_map<(d0, d1) -> (0, 0, 0)>
module attributes {stable_mosaic.version = 14 : i64} {
  func.func @_spmm_kernel(%arg0: i32, %arg1: i32, %arg2: memref<10000x80xf32, #tpu.memory_space<hbm>>, %arg3: memref<10000x80xf32, #tpu.memory_space<hbm>>, %arg4: memref<16x160x2x125xi32, #tpu.memory_space<hbm>>, %arg5: memref<2x10000x80xf32, #tpu.memory_space<hbm>>, %arg6: memref<2x125xi32, #tpu.memory_space<vmem>>, %arg7: memref<2x125xi32, #tpu.memory_space<vmem>>, %arg8: memref<2x125xi32, #tpu.memory_space<vmem>>, %arg9: memref<2x125xi32, #tpu.memory_space<vmem>>, %arg10: memref<2x125xi32, #tpu.memory_space<vmem>>, %arg11: memref<125x80xf32, #tpu.memory_space<vmem>>, %arg12: memref<125x80xf32, #tpu.memory_space<vmem>>, %arg13: memref<125x80xf32, #tpu.memory_space<vmem>>, %arg14: memref<125x80xf32, #tpu.memory_space<vmem>>, %arg15: memref<125x80xf32, #tpu.memory_space<vmem>>, %arg16: memref<!tpu.dma_semaphore, #tpu.memory_space<semaphore_mem>>, %arg17: memref<!tpu.dma_semaphore, #tpu.memory_space<semaphore_mem>>, %arg18: memref<!tpu.dma_semaphore, #tpu.memory_space<semaphore_mem>>, %arg19: memref<!tpu.dma_semaphore, #tpu.memory_space<semaphore_mem>>, %arg20: memref<!tpu.dma_semaphore, #tpu.memory_space<semaphore_mem>>, %arg21: memref<!tpu.dma_semaphore, #tpu.memory_space<semaphore_mem>>, %arg22: memref<!tpu.dma_semaphore, #tpu.memory_space<semaphore_mem>>, %arg23: memref<!tpu.dma_semaphore, #tpu.memory_space<semaphore_mem>>, %arg24: memref<!tpu.dma_semaphore, #tpu.memory_space<semaphore_mem>>, %arg25: memref<!tpu.dma_semaphore, #tpu.memory_space<semaphore_mem>>, %arg26: memref<10000x80xf32, #tpu.memory_space<vmem_shared>>) attributes {dimension_semantics = [#tpu.dimension_semantics<core_parallel>, #tpu.dimension_semantics<subcore_parallel>], iteration_bounds = array<i64: 2, 16>, scalar_prefetch = 0 : i64, scratch_operands = 21 : i64, tpu.core_type = #tpu.core_type<sc_vector_subcore>, window_params = [{transform_indices = #map}, {transform_indices = #map}, {transform_indices = #map1}, {transform_indices = #map2}]} {
    %eq3A = arith.constant 0 : i32
    %eq3A_0 = arith.cmpi eq, %arg0, %eq3A : i32
    %convert_element_type3A = arith.extui %eq3A_0 : i1 to i32
    %cond3A = arith.constant 0 : i32
    %cond3A_1 = arith.cmpi ne, %convert_element_type3A, %cond3A : i32
    scf.if %cond3A_1 {
      %mul3A_12 = arith.constant 624 : i32
      %mul3A_13 = arith.muli %arg1, %mul3A_12 : i32
      %multiple_of3A_14 = tpu.assume_multiple %mul3A_13, 8 : i32
      "tpu.region"() ({
        %run_scoped3A = tpu.sem_alloc : memref<!tpu.dma_semaphore, #tpu.memory_space<semaphore_mem>>
        %dma_start3A_133 = arith.constant 0 : i32
        %dma_start3A_134 = tpu.memref_slice %arg26[%multiple_of3A_14, %dma_start3A_133] : memref<10000x80xf32, #tpu.memory_space<vmem_shared>> -> memref<624x80xf32, #tpu.memory_space<vmem_shared>>
        %dma_start3A_135 = arith.constant 0 : i32
        %dma_start3A_136 = tpu.memref_slice %arg2[%multiple_of3A_14, %dma_start3A_135] : memref<10000x80xf32, #tpu.memory_space<hbm>> -> memref<624x80xf32, #tpu.memory_space<hbm>>
        tpu.enqueue_dma source(%dma_start3A_136 : memref<624x80xf32, #tpu.memory_space<hbm>>) target(%dma_start3A_134 : memref<624x80xf32, #tpu.memory_space<vmem_shared>>) target_semaphore(%run_scoped3A : memref<!tpu.dma_semaphore, #tpu.memory_space<semaphore_mem>>)
        %dma_wait3A_137 = arith.constant 0 : i32
        %dma_wait3A_138 = tpu.memref_slice %arg26[%multiple_of3A_14, %dma_wait3A_137] : memref<10000x80xf32, #tpu.memory_space<vmem_shared>> -> memref<624x80xf32, #tpu.memory_space<vmem_shared>>
        %dma_wait3A_139 = arith.constant 0 : i32
        %dma_wait3A_140 = tpu.memref_slice %arg2[%multiple_of3A_14, %dma_wait3A_139] : memref<10000x80xf32, #tpu.memory_space<hbm>> -> memref<624x80xf32, #tpu.memory_space<hbm>>
        tpu.wait_dma2 semaphore(%run_scoped3A : memref<!tpu.dma_semaphore, #tpu.memory_space<semaphore_mem>>) src(%dma_wait3A_140 : memref<624x80xf32, #tpu.memory_space<hbm>>) dst(%dma_wait3A_138 : memref<624x80xf32, #tpu.memory_space<vmem_shared>>)
        tpu.yield
      }) : () -> ()
      %eq3A_15 = arith.constant 15 : i32
      %eq3A_16 = arith.cmpi eq, %arg1, %eq3A_15 : i32
      %convert_element_type3A_17 = arith.extui %eq3A_16 : i1 to i32
      %cond3A_18 = arith.constant 0 : i32
      %cond3A_19 = arith.cmpi ne, %convert_element_type3A_17, %cond3A_18 : i32
      scf.if %cond3A_19 {
        "tpu.region"() ({
          %run_scoped3A = tpu.sem_alloc : memref<!tpu.dma_semaphore, #tpu.memory_space<semaphore_mem>>
          %dma_start3A_133 = arith.constant 9984 : i32
          %dma_start3A_134 = arith.constant 0 : i32
          %dma_start3A_135 = tpu.memref_slice %arg26[%dma_start3A_133, %dma_start3A_134] : memref<10000x80xf32, #tpu.memory_space<vmem_shared>> -> memref<16x80xf32, #tpu.memory_space<vmem_shared>>
          %dma_start3A_136 = arith.constant 9984 : i32
          %dma_start3A_137 = arith.constant 0 : i32
          %dma_start3A_138 = tpu.memref_slice %arg2[%dma_start3A_136, %dma_start3A_137] : memref<10000x80xf32, #tpu.memory_space<hbm>> -> memref<16x80xf32, #tpu.memory_space<hbm>>
          tpu.enqueue_dma source(%dma_start3A_138 : memref<16x80xf32, #tpu.memory_space<hbm>>) target(%dma_start3A_135 : memref<16x80xf32, #tpu.memory_space<vmem_shared>>) target_semaphore(%run_scoped3A : memref<!tpu.dma_semaphore, #tpu.memory_space<semaphore_mem>>)
          %dma_wait3A_139 = arith.constant 9984 : i32
          %dma_wait3A_140 = arith.constant 0 : i32
          %dma_wait3A_141 = tpu.memref_slice %arg26[%dma_wait3A_139, %dma_wait3A_140] : memref<10000x80xf32, #tpu.memory_space<vmem_shared>> -> memref<16x80xf32, #tpu.memory_space<vmem_shared>>
          %dma_wait3A_142 = arith.constant 9984 : i32
          %dma_wait3A_143 = arith.constant 0 : i32
          %dma_wait3A_144 = tpu.memref_slice %arg2[%dma_wait3A_142, %dma_wait3A_143] : memref<10000x80xf32, #tpu.memory_space<hbm>> -> memref<16x80xf32, #tpu.memory_space<hbm>>
          tpu.wait_dma2 semaphore(%run_scoped3A : memref<!tpu.dma_semaphore, #tpu.memory_space<semaphore_mem>>) src(%dma_wait3A_144 : memref<16x80xf32, #tpu.memory_space<hbm>>) dst(%dma_wait3A_141 : memref<16x80xf32, #tpu.memory_space<vmem_shared>>)
          tpu.yield
        }) : () -> ()
      } else {
      }
      %dma_start3A = arith.constant 0 : i32
      %dma_start3A_20 = arith.constant 0 : i32
      %dma_start3A_21 = arith.constant 0 : i32
      %dma_start3A_22 = tpu.memref_slice %arg4[%arg1, %dma_start3A, %dma_start3A_20, %dma_start3A_21] : memref<16x160x2x125xi32, #tpu.memory_space<hbm>> -> memref<1x1x2x125xi32, #tpu.memory_space<hbm>>
      %dma_start3A_23 = tpu.memref_squeeze %dma_start3A_22 : memref<1x1x2x125xi32, #tpu.memory_space<hbm>> -> memref<2x125xi32, #tpu.memory_space<hbm>>
      %dma_start3A_24 = arith.constant 0 : i32
      %dma_start3A_25 = arith.constant 0 : i32
      %dma_start3A_26 = tpu.memref_slice %arg4[%arg1, %dma_start3A, %dma_start3A_24, %dma_start3A_25] : memref<16x160x2x125xi32, #tpu.memory_space<hbm>> -> memref<1x1x2x125xi32, #tpu.memory_space<hbm>>
      %dma_start3A_27 = tpu.memref_squeeze %dma_start3A_26 : memref<1x1x2x125xi32, #tpu.memory_space<hbm>> -> memref<2x125xi32, #tpu.memory_space<hbm>>
      tpu.enqueue_dma source(%dma_start3A_27 : memref<2x125xi32, #tpu.memory_space<hbm>>) target(%arg6 : memref<2x125xi32, #tpu.memory_space<vmem>>) target_semaphore(%arg16 : memref<!tpu.dma_semaphore, #tpu.memory_space<semaphore_mem>>)
      %dma_start3A_28 = arith.constant 1 : i32
      %dma_start3A_29 = arith.constant 0 : i32
      %dma_start3A_30 = arith.constant 0 : i32
      %dma_start3A_31 = tpu.memref_slice %arg4[%arg1, %dma_start3A_28, %dma_start3A_29, %dma_start3A_30] : memref<16x160x2x125xi32, #tpu.memory_space<hbm>> -> memref<1x1x2x125xi32, #tpu.memory_space<hbm>>
      %dma_start3A_32 = tpu.memref_squeeze %dma_start3A_31 : memref<1x1x2x125xi32, #tpu.memory_space<hbm>> -> memref<2x125xi32, #tpu.memory_space<hbm>>
      %dma_start3A_33 = arith.constant 0 : i32
      %dma_start3A_34 = arith.constant 0 : i32
      %dma_start3A_35 = tpu.memref_slice %arg4[%arg1, %dma_start3A_28, %dma_start3A_33, %dma_start3A_34] : memref<16x160x2x125xi32, #tpu.memory_space<hbm>> -> memref<1x1x2x125xi32, #tpu.memory_space<hbm>>
      %dma_start3A_36 = tpu.memref_squeeze %dma_start3A_35 : memref<1x1x2x125xi32, #tpu.memory_space<hbm>> -> memref<2x125xi32, #tpu.memory_space<hbm>>
      tpu.enqueue_dma source(%dma_start3A_36 : memref<2x125xi32, #tpu.memory_space<hbm>>) target(%arg7 : memref<2x125xi32, #tpu.memory_space<vmem>>) target_semaphore(%arg17 : memref<!tpu.dma_semaphore, #tpu.memory_space<semaphore_mem>>)
      %dma_start3A_37 = arith.constant 2 : i32
      %dma_start3A_38 = arith.constant 0 : i32
      %dma_start3A_39 = arith.constant 0 : i32
      %dma_start3A_40 = tpu.memref_slice %arg4[%arg1, %dma_start3A_37, %dma_start3A_38, %dma_start3A_39] : memref<16x160x2x125xi32, #tpu.memory_space<hbm>> -> memref<1x1x2x125xi32, #tpu.memory_space<hbm>>
      %dma_start3A_41 = tpu.memref_squeeze %dma_start3A_40 : memref<1x1x2x125xi32, #tpu.memory_space<hbm>> -> memref<2x125xi32, #tpu.memory_space<hbm>>
      %dma_start3A_42 = arith.constant 0 : i32
      %dma_start3A_43 = arith.constant 0 : i32
      %dma_start3A_44 = tpu.memref_slice %arg4[%arg1, %dma_start3A_37, %dma_start3A_42, %dma_start3A_43] : memref<16x160x2x125xi32, #tpu.memory_space<hbm>> -> memref<1x1x2x125xi32, #tpu.memory_space<hbm>>
      %dma_start3A_45 = tpu.memref_squeeze %dma_start3A_44 : memref<1x1x2x125xi32, #tpu.memory_space<hbm>> -> memref<2x125xi32, #tpu.memory_space<hbm>>
      tpu.enqueue_dma source(%dma_start3A_45 : memref<2x125xi32, #tpu.memory_space<hbm>>) target(%arg8 : memref<2x125xi32, #tpu.memory_space<vmem>>) target_semaphore(%arg18 : memref<!tpu.dma_semaphore, #tpu.memory_space<semaphore_mem>>)
      %dma_start3A_46 = arith.constant 3 : i32
      %dma_start3A_47 = arith.constant 0 : i32
      %dma_start3A_48 = arith.constant 0 : i32
      %dma_start3A_49 = tpu.memref_slice %arg4[%arg1, %dma_start3A_46, %dma_start3A_47, %dma_start3A_48] : memref<16x160x2x125xi32, #tpu.memory_space<hbm>> -> memref<1x1x2x125xi32, #tpu.memory_space<hbm>>
      %dma_start3A_50 = tpu.memref_squeeze %dma_start3A_49 : memref<1x1x2x125xi32, #tpu.memory_space<hbm>> -> memref<2x125xi32, #tpu.memory_space<hbm>>
      %dma_start3A_51 = arith.constant 0 : i32
      %dma_start3A_52 = arith.constant 0 : i32
      %dma_start3A_53 = tpu.memref_slice %arg4[%arg1, %dma_start3A_46, %dma_start3A_51, %dma_start3A_52] : memref<16x160x2x125xi32, #tpu.memory_space<hbm>> -> memref<1x1x2x125xi32, #tpu.memory_space<hbm>>
      %dma_start3A_54 = tpu.memref_squeeze %dma_start3A_53 : memref<1x1x2x125xi32, #tpu.memory_space<hbm>> -> memref<2x125xi32, #tpu.memory_space<hbm>>
      tpu.enqueue_dma source(%dma_start3A_54 : memref<2x125xi32, #tpu.memory_space<hbm>>) target(%arg9 : memref<2x125xi32, #tpu.memory_space<vmem>>) target_semaphore(%arg19 : memref<!tpu.dma_semaphore, #tpu.memory_space<semaphore_mem>>)
      %dma_start3A_55 = arith.constant 4 : i32
      %dma_start3A_56 = arith.constant 0 : i32
      %dma_start3A_57 = arith.constant 0 : i32
      %dma_start3A_58 = tpu.memref_slice %arg4[%arg1, %dma_start3A_55, %dma_start3A_56, %dma_start3A_57] : memref<16x160x2x125xi32, #tpu.memory_space<hbm>> -> memref<1x1x2x125xi32, #tpu.memory_space<hbm>>
      %dma_start3A_59 = tpu.memref_squeeze %dma_start3A_58 : memref<1x1x2x125xi32, #tpu.memory_space<hbm>> -> memref<2x125xi32, #tpu.memory_space<hbm>>
      %dma_start3A_60 = arith.constant 0 : i32
      %dma_start3A_61 = arith.constant 0 : i32
      %dma_start3A_62 = tpu.memref_slice %arg4[%arg1, %dma_start3A_55, %dma_start3A_60, %dma_start3A_61] : memref<16x160x2x125xi32, #tpu.memory_space<hbm>> -> memref<1x1x2x125xi32, #tpu.memory_space<hbm>>
      %dma_start3A_63 = tpu.memref_squeeze %dma_start3A_62 : memref<1x1x2x125xi32, #tpu.memory_space<hbm>> -> memref<2x125xi32, #tpu.memory_space<hbm>>
      tpu.enqueue_dma source(%dma_start3A_63 : memref<2x125xi32, #tpu.memory_space<hbm>>) target(%arg10 : memref<2x125xi32, #tpu.memory_space<vmem>>) target_semaphore(%arg20 : memref<!tpu.dma_semaphore, #tpu.memory_space<semaphore_mem>>)
      %barrier3A_64 = arith.constant 0 : index
      tpu.barrier barrier_id(%barrier3A_64)
      %dma_wait3A = arith.constant 0 : i32
      %dma_wait3A_65 = arith.constant 0 : i32
      %dma_wait3A_66 = arith.constant 0 : i32
      %dma_wait3A_67 = tpu.memref_slice %arg4[%arg1, %dma_wait3A, %dma_wait3A_65, %dma_wait3A_66] : memref<16x160x2x125xi32, #tpu.memory_space<hbm>> -> memref<1x1x2x125xi32, #tpu.memory_space<hbm>>
      %dma_wait3A_68 = tpu.memref_squeeze %dma_wait3A_67 : memref<1x1x2x125xi32, #tpu.memory_space<hbm>> -> memref<2x125xi32, #tpu.memory_space<hbm>>
      %dma_wait3A_69 = arith.constant 0 : i32
      %dma_wait3A_70 = arith.constant 0 : i32
      %dma_wait3A_71 = tpu.memref_slice %arg4[%arg1, %dma_wait3A, %dma_wait3A_69, %dma_wait3A_70] : memref<16x160x2x125xi32, #tpu.memory_space<hbm>> -> memref<1x1x2x125xi32, #tpu.memory_space<hbm>>
      %dma_wait3A_72 = tpu.memref_squeeze %dma_wait3A_71 : memref<1x1x2x125xi32, #tpu.memory_space<hbm>> -> memref<2x125xi32, #tpu.memory_space<hbm>>
      tpu.wait_dma2 semaphore(%arg16 : memref<!tpu.dma_semaphore, #tpu.memory_space<semaphore_mem>>) src(%dma_wait3A_72 : memref<2x125xi32, #tpu.memory_space<hbm>>) dst(%arg6 : memref<2x125xi32, #tpu.memory_space<vmem>>)
      %dma_start3A_73 = arith.constant 0 : i32
      %dma_start3A_74 = arith.constant 0 : i32
      %dma_start3A_75 = tpu.memref_slice %arg6[%dma_start3A_73, %dma_start3A_74] : memref<2x125xi32, #tpu.memory_space<vmem>> -> memref<1x125xi32, #tpu.memory_space<vmem>>
      %dma_start3A_76 = tpu.memref_squeeze %dma_start3A_75 : memref<1x125xi32, #tpu.memory_space<vmem>> -> memref<125xi32, #tpu.memory_space<vmem>>
      %dma_start3A_77 = arith.constant 0 : i32
      %dma_start3A_78 = arith.constant 0 : i32
      %dma_start3A_79 = tpu.memref_slice %arg2[%dma_start3A_77, %dma_start3A_78] : memref<10000x80xf32, #tpu.memory_space<hbm>> -> memref<10000x80xf32, #tpu.memory_space<hbm>>
      tpu.enqueue_indirect_dma source(%dma_start3A_79 : memref<10000x80xf32, #tpu.memory_space<hbm>>) target(%arg11 : memref<125x80xf32, #tpu.memory_space<vmem>>) offsets(%dma_start3A_76 : memref<125xi32, #tpu.memory_space<vmem>>) semaphore(%arg21 : memref<!tpu.dma_semaphore, #tpu.memory_space<semaphore_mem>>)
      %dma_wait3A_80 = arith.constant 1 : i32
      %dma_wait3A_81 = arith.constant 0 : i32
      %dma_wait3A_82 = arith.constant 0 : i32
      %dma_wait3A_83 = tpu.memref_slice %arg4[%arg1, %dma_wait3A_80, %dma_wait3A_81, %dma_wait3A_82] : memref<16x160x2x125xi32, #tpu.memory_space<hbm>> -> memref<1x1x2x125xi32, #tpu.memory_space<hbm>>
      %dma_wait3A_84 = tpu.memref_squeeze %dma_wait3A_83 : memref<1x1x2x125xi32, #tpu.memory_space<hbm>> -> memref<2x125xi32, #tpu.memory_space<hbm>>
      %dma_wait3A_85 = arith.constant 0 : i32
      %dma_wait3A_86 = arith.constant 0 : i32
      %dma_wait3A_87 = tpu.memref_slice %arg4[%arg1, %dma_wait3A_80, %dma_wait3A_85, %dma_wait3A_86] : memref<16x160x2x125xi32, #tpu.memory_space<hbm>> -> memref<1x1x2x125xi32, #tpu.memory_space<hbm>>
      %dma_wait3A_88 = tpu.memref_squeeze %dma_wait3A_87 : memref<1x1x2x125xi32, #tpu.memory_space<hbm>> -> memref<2x125xi32, #tpu.memory_space<hbm>>
      tpu.wait_dma2 semaphore(%arg17 : memref<!tpu.dma_semaphore, #tpu.memory_space<semaphore_mem>>) src(%dma_wait3A_88 : memref<2x125xi32, #tpu.memory_space<hbm>>) dst(%arg7 : memref<2x125xi32, #tpu.memory_space<vmem>>)
      %dma_start3A_89 = arith.constant 0 : i32
      %dma_start3A_90 = arith.constant 0 : i32
      %dma_start3A_91 = tpu.memref_slice %arg7[%dma_start3A_89, %dma_start3A_90] : memref<2x125xi32, #tpu.memory_space<vmem>> -> memref<1x125xi32, #tpu.memory_space<vmem>>
      %dma_start3A_92 = tpu.memref_squeeze %dma_start3A_91 : memref<1x125xi32, #tpu.memory_space<vmem>> -> memref<125xi32, #tpu.memory_space<vmem>>
      %dma_start3A_93 = arith.constant 0 : i32
      %dma_start3A_94 = arith.constant 0 : i32
      %dma_start3A_95 = tpu.memref_slice %arg2[%dma_start3A_93, %dma_start3A_94] : memref<10000x80xf32, #tpu.memory_space<hbm>> -> memref<10000x80xf32, #tpu.memory_space<hbm>>
      tpu.enqueue_indirect_dma source(%dma_start3A_95 : memref<10000x80xf32, #tpu.memory_space<hbm>>) target(%arg12 : memref<125x80xf32, #tpu.memory_space<vmem>>) offsets(%dma_start3A_92 : memref<125xi32, #tpu.memory_space<vmem>>) semaphore(%arg22 : memref<!tpu.dma_semaphore, #tpu.memory_space<semaphore_mem>>)
      %dma_wait3A_96 = arith.constant 2 : i32
      %dma_wait3A_97 = arith.constant 0 : i32
      %dma_wait3A_98 = arith.constant 0 : i32
      %dma_wait3A_99 = tpu.memref_slice %arg4[%arg1, %dma_wait3A_96, %dma_wait3A_97, %dma_wait3A_98] : memref<16x160x2x125xi32, #tpu.memory_space<hbm>> -> memref<1x1x2x125xi32, #tpu.memory_space<hbm>>
      %dma_wait3A_100 = tpu.memref_squeeze %dma_wait3A_99 : memref<1x1x2x125xi32, #tpu.memory_space<hbm>> -> memref<2x125xi32, #tpu.memory_space<hbm>>
      %dma_wait3A_101 = arith.constant 0 : i32
      %dma_wait3A_102 = arith.constant 0 : i32
      %dma_wait3A_103 = tpu.memref_slice %arg4[%arg1, %dma_wait3A_96, %dma_wait3A_101, %dma_wait3A_102] : memref<16x160x2x125xi32, #tpu.memory_space<hbm>> -> memref<1x1x2x125xi32, #tpu.memory_space<hbm>>
      %dma_wait3A_104 = tpu.memref_squeeze %dma_wait3A_103 : memref<1x1x2x125xi32, #tpu.memory_space<hbm>> -> memref<2x125xi32, #tpu.memory_space<hbm>>
      tpu.wait_dma2 semaphore(%arg18 : memref<!tpu.dma_semaphore, #tpu.memory_space<semaphore_mem>>) src(%dma_wait3A_104 : memref<2x125xi32, #tpu.memory_space<hbm>>) dst(%arg8 : memref<2x125xi32, #tpu.memory_space<vmem>>)
      %dma_start3A_105 = arith.constant 0 : i32
      %dma_start3A_106 = arith.constant 0 : i32
      %dma_start3A_107 = tpu.memref_slice %arg8[%dma_start3A_105, %dma_start3A_106] : memref<2x125xi32, #tpu.memory_space<vmem>> -> memref<1x125xi32, #tpu.memory_space<vmem>>
      %dma_start3A_108 = tpu.memref_squeeze %dma_start3A_107 : memref<1x125xi32, #tpu.memory_space<vmem>> -> memref<125xi32, #tpu.memory_space<vmem>>
      %dma_start3A_109 = arith.constant 0 : i32
      %dma_start3A_110 = arith.constant 0 : i32
      %dma_start3A_111 = tpu.memref_slice %arg2[%dma_start3A_109, %dma_start3A_110] : memref<10000x80xf32, #tpu.memory_space<hbm>> -> memref<10000x80xf32, #tpu.memory_space<hbm>>
      tpu.enqueue_indirect_dma source(%dma_start3A_111 : memref<10000x80xf32, #tpu.memory_space<hbm>>) target(%arg13 : memref<125x80xf32, #tpu.memory_space<vmem>>) offsets(%dma_start3A_108 : memref<125xi32, #tpu.memory_space<vmem>>) semaphore(%arg23 : memref<!tpu.dma_semaphore, #tpu.memory_space<semaphore_mem>>)
      %dma_wait3A_112 = arith.constant 3 : i32
      %dma_wait3A_113 = arith.constant 0 : i32
      %dma_wait3A_114 = arith.constant 0 : i32
      %dma_wait3A_115 = tpu.memref_slice %arg4[%arg1, %dma_wait3A_112, %dma_wait3A_113, %dma_wait3A_114] : memref<16x160x2x125xi32, #tpu.memory_space<hbm>> -> memref<1x1x2x125xi32, #tpu.memory_space<hbm>>
      %dma_wait3A_116 = tpu.memref_squeeze %dma_wait3A_115 : memref<1x1x2x125xi32, #tpu.memory_space<hbm>> -> memref<2x125xi32, #tpu.memory_space<hbm>>
      %dma_wait3A_117 = arith.constant 0 : i32
      %dma_wait3A_118 = arith.constant 0 : i32
      %dma_wait3A_119 = tpu.memref_slice %arg4[%arg1, %dma_wait3A_112, %dma_wait3A_117, %dma_wait3A_118] : memref<16x160x2x125xi32, #tpu.memory_space<hbm>> -> memref<1x1x2x125xi32, #tpu.memory_space<hbm>>
      %dma_wait3A_120 = tpu.memref_squeeze %dma_wait3A_119 : memref<1x1x2x125xi32, #tpu.memory_space<hbm>> -> memref<2x125xi32, #tpu.memory_space<hbm>>
      tpu.wait_dma2 semaphore(%arg19 : memref<!tpu.dma_semaphore, #tpu.memory_space<semaphore_mem>>) src(%dma_wait3A_120 : memref<2x125xi32, #tpu.memory_space<hbm>>) dst(%arg9 : memref<2x125xi32, #tpu.memory_space<vmem>>)
      %dma_start3A_121 = arith.constant 0 : i32
      %dma_start3A_122 = arith.constant 0 : i32
      %dma_start3A_123 = tpu.memref_slice %arg9[%dma_start3A_121, %dma_start3A_122] : memref<2x125xi32, #tpu.memory_space<vmem>> -> memref<1x125xi32, #tpu.memory_space<vmem>>
      %dma_start3A_124 = tpu.memref_squeeze %dma_start3A_123 : memref<1x125xi32, #tpu.memory_space<vmem>> -> memref<125xi32, #tpu.memory_space<vmem>>
      %dma_start3A_125 = arith.constant 0 : i32
      %dma_start3A_126 = arith.constant 0 : i32
      %dma_start3A_127 = tpu.memref_slice %arg2[%dma_start3A_125, %dma_start3A_126] : memref<10000x80xf32, #tpu.memory_space<hbm>> -> memref<10000x80xf32, #tpu.memory_space<hbm>>
      tpu.enqueue_indirect_dma source(%dma_start3A_127 : memref<10000x80xf32, #tpu.memory_space<hbm>>) target(%arg14 : memref<125x80xf32, #tpu.memory_space<vmem>>) offsets(%dma_start3A_124 : memref<125xi32, #tpu.memory_space<vmem>>) semaphore(%arg24 : memref<!tpu.dma_semaphore, #tpu.memory_space<semaphore_mem>>)
      %scan3A = arith.constant 0 : i32
      %scan3A_128 = arith.constant 0 : i32
      %scan3A_129 = arith.constant 32 : i32
      %scan3A_130 = arith.addi %scan3A_128, %scan3A_129 : i32
      %scan3A_131 = arith.constant 1 : i32
      scf.for %scan3A_133 = %scan3A_128 to %scan3A_130 step %scan3A_131  : i32 {
        %mul3A_134 = arith.constant 5 : i32
        %mul3A_135 = arith.muli %mul3A_134, %scan3A_133 : i32
        %add3A = arith.constant 0 : i32
        %add3A_136 = arith.addi %mul3A_135, %add3A : i32
        %dma_wait3A_137 = arith.constant 0 : i32
        %dma_wait3A_138 = arith.constant 0 : i32
        %dma_wait3A_139 = tpu.memref_slice %arg6[%dma_wait3A_137, %dma_wait3A_138] : memref<2x125xi32, #tpu.memory_space<vmem>> -> memref<1x125xi32, #tpu.memory_space<vmem>>
        %dma_wait3A_140 = tpu.memref_squeeze %dma_wait3A_139 : memref<1x125xi32, #tpu.memory_space<vmem>> -> memref<125xi32, #tpu.memory_space<vmem>>
        %dma_wait3A_141 = arith.constant 0 : i32
        %dma_wait3A_142 = arith.constant 0 : i32
        %dma_wait3A_143 = tpu.memref_slice %arg2[%dma_wait3A_141, %dma_wait3A_142] : memref<10000x80xf32, #tpu.memory_space<hbm>> -> memref<10000x80xf32, #tpu.memory_space<hbm>>
        tpu.wait_indirect_dma semaphore(%arg21 : memref<!tpu.dma_semaphore, #tpu.memory_space<semaphore_mem>>) src(%dma_wait3A_143 : memref<10000x80xf32, #tpu.memory_space<hbm>>) dst(%arg11 : memref<125x80xf32, #tpu.memory_space<vmem>>)
        %run_scoped3A = arith.constant 1 : i32
        "tpu.region"() ({
          %run_scoped3A_270 = tpu.sem_alloc : memref<!tpu.dma_semaphore, #tpu.memory_space<semaphore_mem>>
          %dma_start3A_271 = arith.constant 0 : i32
          %dma_start3A_272 = tpu.memref_slice %arg6[%run_scoped3A, %dma_start3A_271] : memref<2x125xi32, #tpu.memory_space<vmem>> -> memref<1x125xi32, #tpu.memory_space<vmem>>
          %dma_start3A_273 = tpu.memref_squeeze %dma_start3A_272 : memref<1x125xi32, #tpu.memory_space<vmem>> -> memref<125xi32, #tpu.memory_space<vmem>>
          %dma_start3A_274 = arith.constant 0 : i32
          %dma_start3A_275 = arith.constant 0 : i32
          %dma_start3A_276 = tpu.memref_slice %arg26[%dma_start3A_274, %dma_start3A_275] : memref<10000x80xf32, #tpu.memory_space<vmem_shared>> -> memref<10000x80xf32, #tpu.memory_space<vmem_shared>>
          tpu.enqueue_indirect_dma source(%arg11 : memref<125x80xf32, #tpu.memory_space<vmem>>) target(%dma_start3A_276 : memref<10000x80xf32, #tpu.memory_space<vmem_shared>>) offsets(%dma_start3A_273 : memref<125xi32, #tpu.memory_space<vmem>>) semaphore(%run_scoped3A_270 : memref<!tpu.dma_semaphore, #tpu.memory_space<semaphore_mem>>) {add = true}
          %dma_wait3A_277 = arith.constant 0 : i32
          %dma_wait3A_278 = tpu.memref_slice %arg6[%run_scoped3A, %dma_wait3A_277] : memref<2x125xi32, #tpu.memory_space<vmem>> -> memref<1x125xi32, #tpu.memory_space<vmem>>
          %dma_wait3A_279 = tpu.memref_squeeze %dma_wait3A_278 : memref<1x125xi32, #tpu.memory_space<vmem>> -> memref<125xi32, #tpu.memory_space<vmem>>
          %dma_wait3A_280 = arith.constant 0 : i32
          %dma_wait3A_281 = arith.constant 0 : i32
          %dma_wait3A_282 = tpu.memref_slice %arg26[%dma_wait3A_280, %dma_wait3A_281] : memref<10000x80xf32, #tpu.memory_space<vmem_shared>> -> memref<10000x80xf32, #tpu.memory_space<vmem_shared>>
          tpu.wait_indirect_dma semaphore(%run_scoped3A_270 : memref<!tpu.dma_semaphore, #tpu.memory_space<semaphore_mem>>) src(%arg11 : memref<125x80xf32, #tpu.memory_space<vmem>>) dst(%dma_wait3A_282 : memref<10000x80xf32, #tpu.memory_space<vmem_shared>>)
          tpu.yield
        }) : () -> ()
        %add3A_144 = arith.constant 5 : i32
        %add3A_145 = arith.addi %add3A_136, %add3A_144 : i32
        %lt3A = arith.constant 160 : i32
        %lt3A_146 = arith.cmpi slt, %add3A_145, %lt3A : i32
        %convert_element_type3A_147 = arith.extui %lt3A_146 : i1 to i32
        %cond3A_148 = arith.constant 0 : i32
        %cond3A_149 = arith.cmpi ne, %convert_element_type3A_147, %cond3A_148 : i32
        scf.if %cond3A_149 {
          %add3A_270 = arith.constant 5 : i32
          %add3A_271 = arith.addi %add3A_136, %add3A_270 : i32
          %dma_start3A_272 = arith.constant 0 : i32
          %dma_start3A_273 = arith.constant 0 : i32
          %dma_start3A_274 = tpu.memref_slice %arg4[%arg1, %add3A_271, %dma_start3A_272, %dma_start3A_273] : memref<16x160x2x125xi32, #tpu.memory_space<hbm>> -> memref<1x1x2x125xi32, #tpu.memory_space<hbm>>
          %dma_start3A_275 = tpu.memref_squeeze %dma_start3A_274 : memref<1x1x2x125xi32, #tpu.memory_space<hbm>> -> memref<2x125xi32, #tpu.memory_space<hbm>>
          %dma_start3A_276 = arith.constant 0 : i32
          %dma_start3A_277 = arith.constant 0 : i32
          %dma_start3A_278 = tpu.memref_slice %arg4[%arg1, %add3A_271, %dma_start3A_276, %dma_start3A_277] : memref<16x160x2x125xi32, #tpu.memory_space<hbm>> -> memref<1x1x2x125xi32, #tpu.memory_space<hbm>>
          %dma_start3A_279 = tpu.memref_squeeze %dma_start3A_278 : memref<1x1x2x125xi32, #tpu.memory_space<hbm>> -> memref<2x125xi32, #tpu.memory_space<hbm>>
          tpu.enqueue_dma source(%dma_start3A_279 : memref<2x125xi32, #tpu.memory_space<hbm>>) target(%arg6 : memref<2x125xi32, #tpu.memory_space<vmem>>) target_semaphore(%arg16 : memref<!tpu.dma_semaphore, #tpu.memory_space<semaphore_mem>>)
        } else {
        }
        %add3A_150 = arith.constant 5 : i32
        %add3A_151 = arith.addi %add3A_136, %add3A_150 : i32
        %sub3A = arith.constant 1 : i32
        %sub3A_152 = arith.subi %add3A_151, %sub3A : i32
        %lt3A_153 = arith.constant 160 : i32
        %lt3A_154 = arith.cmpi slt, %sub3A_152, %lt3A_153 : i32
        %convert_element_type3A_155 = arith.extui %lt3A_154 : i1 to i32
        %cond3A_156 = arith.constant 0 : i32
        %cond3A_157 = arith.cmpi ne, %convert_element_type3A_155, %cond3A_156 : i32
        scf.if %cond3A_157 {
          %add3A_270 = arith.constant 5 : i32
          %add3A_271 = arith.addi %add3A_136, %add3A_270 : i32
          %sub3A_272 = arith.constant 1 : i32
          %sub3A_273 = arith.subi %add3A_271, %sub3A_272 : i32
          %dma_wait3A_274 = arith.constant 0 : i32
          %dma_wait3A_275 = arith.constant 0 : i32
          %dma_wait3A_276 = tpu.memref_slice %arg4[%arg1, %sub3A_273, %dma_wait3A_274, %dma_wait3A_275] : memref<16x160x2x125xi32, #tpu.memory_space<hbm>> -> memref<1x1x2x125xi32, #tpu.memory_space<hbm>>
          %dma_wait3A_277 = tpu.memref_squeeze %dma_wait3A_276 : memref<1x1x2x125xi32, #tpu.memory_space<hbm>> -> memref<2x125xi32, #tpu.memory_space<hbm>>
          %dma_wait3A_278 = arith.constant 0 : i32
          %dma_wait3A_279 = arith.constant 0 : i32
          %dma_wait3A_280 = tpu.memref_slice %arg4[%arg1, %sub3A_273, %dma_wait3A_278, %dma_wait3A_279] : memref<16x160x2x125xi32, #tpu.memory_space<hbm>> -> memref<1x1x2x125xi32, #tpu.memory_space<hbm>>
          %dma_wait3A_281 = tpu.memref_squeeze %dma_wait3A_280 : memref<1x1x2x125xi32, #tpu.memory_space<hbm>> -> memref<2x125xi32, #tpu.memory_space<hbm>>
          tpu.wait_dma2 semaphore(%arg20 : memref<!tpu.dma_semaphore, #tpu.memory_space<semaphore_mem>>) src(%dma_wait3A_281 : memref<2x125xi32, #tpu.memory_space<hbm>>) dst(%arg10 : memref<2x125xi32, #tpu.memory_space<vmem>>)
          %dma_start3A_282 = arith.constant 0 : i32
          %dma_start3A_283 = arith.constant 0 : i32
          %dma_start3A_284 = tpu.memref_slice %arg10[%dma_start3A_282, %dma_start3A_283] : memref<2x125xi32, #tpu.memory_space<vmem>> -> memref<1x125xi32, #tpu.memory_space<vmem>>
          %dma_start3A_285 = tpu.memref_squeeze %dma_start3A_284 : memref<1x125xi32, #tpu.memory_space<vmem>> -> memref<125xi32, #tpu.memory_space<vmem>>
          %dma_start3A_286 = arith.constant 0 : i32
          %dma_start3A_287 = arith.constant 0 : i32
          %dma_start3A_288 = tpu.memref_slice %arg2[%dma_start3A_286, %dma_start3A_287] : memref<10000x80xf32, #tpu.memory_space<hbm>> -> memref<10000x80xf32, #tpu.memory_space<hbm>>
          tpu.enqueue_indirect_dma source(%dma_start3A_288 : memref<10000x80xf32, #tpu.memory_space<hbm>>) target(%arg15 : memref<125x80xf32, #tpu.memory_space<vmem>>) offsets(%dma_start3A_285 : memref<125xi32, #tpu.memory_space<vmem>>) semaphore(%arg25 : memref<!tpu.dma_semaphore, #tpu.memory_space<semaphore_mem>>)
        } else {
        }
        %mul3A_158 = arith.constant 5 : i32
        %mul3A_159 = arith.muli %mul3A_158, %scan3A_133 : i32
        %add3A_160 = arith.constant 1 : i32
        %add3A_161 = arith.addi %mul3A_159, %add3A_160 : i32
        %dma_wait3A_162 = arith.constant 0 : i32
        %dma_wait3A_163 = arith.constant 0 : i32
        %dma_wait3A_164 = tpu.memref_slice %arg7[%dma_wait3A_162, %dma_wait3A_163] : memref<2x125xi32, #tpu.memory_space<vmem>> -> memref<1x125xi32, #tpu.memory_space<vmem>>
        %dma_wait3A_165 = tpu.memref_squeeze %dma_wait3A_164 : memref<1x125xi32, #tpu.memory_space<vmem>> -> memref<125xi32, #tpu.memory_space<vmem>>
        %dma_wait3A_166 = arith.constant 0 : i32
        %dma_wait3A_167 = arith.constant 0 : i32
        %dma_wait3A_168 = tpu.memref_slice %arg2[%dma_wait3A_166, %dma_wait3A_167] : memref<10000x80xf32, #tpu.memory_space<hbm>> -> memref<10000x80xf32, #tpu.memory_space<hbm>>
        tpu.wait_indirect_dma semaphore(%arg22 : memref<!tpu.dma_semaphore, #tpu.memory_space<semaphore_mem>>) src(%dma_wait3A_168 : memref<10000x80xf32, #tpu.memory_space<hbm>>) dst(%arg12 : memref<125x80xf32, #tpu.memory_space<vmem>>)
        %run_scoped3A_169 = arith.constant 1 : i32
        "tpu.region"() ({
          %run_scoped3A_270 = tpu.sem_alloc : memref<!tpu.dma_semaphore, #tpu.memory_space<semaphore_mem>>
          %dma_start3A_271 = arith.constant 0 : i32
          %dma_start3A_272 = tpu.memref_slice %arg7[%run_scoped3A_169, %dma_start3A_271] : memref<2x125xi32, #tpu.memory_space<vmem>> -> memref<1x125xi32, #tpu.memory_space<vmem>>
          %dma_start3A_273 = tpu.memref_squeeze %dma_start3A_272 : memref<1x125xi32, #tpu.memory_space<vmem>> -> memref<125xi32, #tpu.memory_space<vmem>>
          %dma_start3A_274 = arith.constant 0 : i32
          %dma_start3A_275 = arith.constant 0 : i32
          %dma_start3A_276 = tpu.memref_slice %arg26[%dma_start3A_274, %dma_start3A_275] : memref<10000x80xf32, #tpu.memory_space<vmem_shared>> -> memref<10000x80xf32, #tpu.memory_space<vmem_shared>>
          tpu.enqueue_indirect_dma source(%arg12 : memref<125x80xf32, #tpu.memory_space<vmem>>) target(%dma_start3A_276 : memref<10000x80xf32, #tpu.memory_space<vmem_shared>>) offsets(%dma_start3A_273 : memref<125xi32, #tpu.memory_space<vmem>>) semaphore(%run_scoped3A_270 : memref<!tpu.dma_semaphore, #tpu.memory_space<semaphore_mem>>) {add = true}
          %dma_wait3A_277 = arith.constant 0 : i32
          %dma_wait3A_278 = tpu.memref_slice %arg7[%run_scoped3A_169, %dma_wait3A_277] : memref<2x125xi32, #tpu.memory_space<vmem>> -> memref<1x125xi32, #tpu.memory_space<vmem>>
          %dma_wait3A_279 = tpu.memref_squeeze %dma_wait3A_278 : memref<1x125xi32, #tpu.memory_space<vmem>> -> memref<125xi32, #tpu.memory_space<vmem>>
          %dma_wait3A_280 = arith.constant 0 : i32
          %dma_wait3A_281 = arith.constant 0 : i32
          %dma_wait3A_282 = tpu.memref_slice %arg26[%dma_wait3A_280, %dma_wait3A_281] : memref<10000x80xf32, #tpu.memory_space<vmem_shared>> -> memref<10000x80xf32, #tpu.memory_space<vmem_shared>>
          tpu.wait_indirect_dma semaphore(%run_scoped3A_270 : memref<!tpu.dma_semaphore, #tpu.memory_space<semaphore_mem>>) src(%arg12 : memref<125x80xf32, #tpu.memory_space<vmem>>) dst(%dma_wait3A_282 : memref<10000x80xf32, #tpu.memory_space<vmem_shared>>)
          tpu.yield
        }) : () -> ()
        %add3A_170 = arith.constant 5 : i32
        %add3A_171 = arith.addi %add3A_161, %add3A_170 : i32
        %lt3A_172 = arith.constant 160 : i32
        %lt3A_173 = arith.cmpi slt, %add3A_171, %lt3A_172 : i32
        %convert_element_type3A_174 = arith.extui %lt3A_173 : i1 to i32
        %cond3A_175 = arith.constant 0 : i32
        %cond3A_176 = arith.cmpi ne, %convert_element_type3A_174, %cond3A_175 : i32
        scf.if %cond3A_176 {
          %add3A_270 = arith.constant 5 : i32
          %add3A_271 = arith.addi %add3A_161, %add3A_270 : i32
          %dma_start3A_272 = arith.constant 0 : i32
          %dma_start3A_273 = arith.constant 0 : i32
          %dma_start3A_274 = tpu.memref_slice %arg4[%arg1, %add3A_271, %dma_start3A_272, %dma_start3A_273] : memref<16x160x2x125xi32, #tpu.memory_space<hbm>> -> memref<1x1x2x125xi32, #tpu.memory_space<hbm>>
          %dma_start3A_275 = tpu.memref_squeeze %dma_start3A_274 : memref<1x1x2x125xi32, #tpu.memory_space<hbm>> -> memref<2x125xi32, #tpu.memory_space<hbm>>
          %dma_start3A_276 = arith.constant 0 : i32
          %dma_start3A_277 = arith.constant 0 : i32
          %dma_start3A_278 = tpu.memref_slice %arg4[%arg1, %add3A_271, %dma_start3A_276, %dma_start3A_277] : memref<16x160x2x125xi32, #tpu.memory_space<hbm>> -> memref<1x1x2x125xi32, #tpu.memory_space<hbm>>
          %dma_start3A_279 = tpu.memref_squeeze %dma_start3A_278 : memref<1x1x2x125xi32, #tpu.memory_space<hbm>> -> memref<2x125xi32, #tpu.memory_space<hbm>>
          tpu.enqueue_dma source(%dma_start3A_279 : memref<2x125xi32, #tpu.memory_space<hbm>>) target(%arg7 : memref<2x125xi32, #tpu.memory_space<vmem>>) target_semaphore(%arg17 : memref<!tpu.dma_semaphore, #tpu.memory_space<semaphore_mem>>)
        } else {
        }
        %add3A_177 = arith.constant 5 : i32
        %add3A_178 = arith.addi %add3A_161, %add3A_177 : i32
        %sub3A_179 = arith.constant 1 : i32
        %sub3A_180 = arith.subi %add3A_178, %sub3A_179 : i32
        %lt3A_181 = arith.constant 160 : i32
        %lt3A_182 = arith.cmpi slt, %sub3A_180, %lt3A_181 : i32
        %convert_element_type3A_183 = arith.extui %lt3A_182 : i1 to i32
        %cond3A_184 = arith.constant 0 : i32
        %cond3A_185 = arith.cmpi ne, %convert_element_type3A_183, %cond3A_184 : i32
        scf.if %cond3A_185 {
          %add3A_270 = arith.constant 5 : i32
          %add3A_271 = arith.addi %add3A_161, %add3A_270 : i32
          %sub3A_272 = arith.constant 1 : i32
          %sub3A_273 = arith.subi %add3A_271, %sub3A_272 : i32
          %dma_wait3A_274 = arith.constant 0 : i32
          %dma_wait3A_275 = arith.constant 0 : i32
          %dma_wait3A_276 = tpu.memref_slice %arg4[%arg1, %sub3A_273, %dma_wait3A_274, %dma_wait3A_275] : memref<16x160x2x125xi32, #tpu.memory_space<hbm>> -> memref<1x1x2x125xi32, #tpu.memory_space<hbm>>
          %dma_wait3A_277 = tpu.memref_squeeze %dma_wait3A_276 : memref<1x1x2x125xi32, #tpu.memory_space<hbm>> -> memref<2x125xi32, #tpu.memory_space<hbm>>
          %dma_wait3A_278 = arith.constant 0 : i32
          %dma_wait3A_279 = arith.constant 0 : i32
          %dma_wait3A_280 = tpu.memref_slice %arg4[%arg1, %sub3A_273, %dma_wait3A_278, %dma_wait3A_279] : memref<16x160x2x125xi32, #tpu.memory_space<hbm>> -> memref<1x1x2x125xi32, #tpu.memory_space<hbm>>
          %dma_wait3A_281 = tpu.memref_squeeze %dma_wait3A_280 : memref<1x1x2x125xi32, #tpu.memory_space<hbm>> -> memref<2x125xi32, #tpu.memory_space<hbm>>
          tpu.wait_dma2 semaphore(%arg16 : memref<!tpu.dma_semaphore, #tpu.memory_space<semaphore_mem>>) src(%dma_wait3A_281 : memref<2x125xi32, #tpu.memory_space<hbm>>) dst(%arg6 : memref<2x125xi32, #tpu.memory_space<vmem>>)
          %dma_start3A_282 = arith.constant 0 : i32
          %dma_start3A_283 = arith.constant 0 : i32
          %dma_start3A_284 = tpu.memref_slice %arg6[%dma_start3A_282, %dma_start3A_283] : memref<2x125xi32, #tpu.memory_space<vmem>> -> memref<1x125xi32, #tpu.memory_space<vmem>>
          %dma_start3A_285 = tpu.memref_squeeze %dma_start3A_284 : memref<1x125xi32, #tpu.memory_space<vmem>> -> memref<125xi32, #tpu.memory_space<vmem>>
          %dma_start3A_286 = arith.constant 0 : i32
          %dma_start3A_287 = arith.constant 0 : i32
          %dma_start3A_288 = tpu.memref_slice %arg2[%dma_start3A_286, %dma_start3A_287] : memref<10000x80xf32, #tpu.memory_space<hbm>> -> memref<10000x80xf32, #tpu.memory_space<hbm>>
          tpu.enqueue_indirect_dma source(%dma_start3A_288 : memref<10000x80xf32, #tpu.memory_space<hbm>>) target(%arg11 : memref<125x80xf32, #tpu.memory_space<vmem>>) offsets(%dma_start3A_285 : memref<125xi32, #tpu.memory_space<vmem>>) semaphore(%arg21 : memref<!tpu.dma_semaphore, #tpu.memory_space<semaphore_mem>>)
        } else {
        }
        %mul3A_186 = arith.constant 5 : i32
        %mul3A_187 = arith.muli %mul3A_186, %scan3A_133 : i32
        %add3A_188 = arith.constant 2 : i32
        %add3A_189 = arith.addi %mul3A_187, %add3A_188 : i32
        %dma_wait3A_190 = arith.constant 0 : i32
        %dma_wait3A_191 = arith.constant 0 : i32
        %dma_wait3A_192 = tpu.memref_slice %arg8[%dma_wait3A_190, %dma_wait3A_191] : memref<2x125xi32, #tpu.memory_space<vmem>> -> memref<1x125xi32, #tpu.memory_space<vmem>>
        %dma_wait3A_193 = tpu.memref_squeeze %dma_wait3A_192 : memref<1x125xi32, #tpu.memory_space<vmem>> -> memref<125xi32, #tpu.memory_space<vmem>>
        %dma_wait3A_194 = arith.constant 0 : i32
        %dma_wait3A_195 = arith.constant 0 : i32
        %dma_wait3A_196 = tpu.memref_slice %arg2[%dma_wait3A_194, %dma_wait3A_195] : memref<10000x80xf32, #tpu.memory_space<hbm>> -> memref<10000x80xf32, #tpu.memory_space<hbm>>
        tpu.wait_indirect_dma semaphore(%arg23 : memref<!tpu.dma_semaphore, #tpu.memory_space<semaphore_mem>>) src(%dma_wait3A_196 : memref<10000x80xf32, #tpu.memory_space<hbm>>) dst(%arg13 : memref<125x80xf32, #tpu.memory_space<vmem>>)
        %run_scoped3A_197 = arith.constant 1 : i32
        "tpu.region"() ({
          %run_scoped3A_270 = tpu.sem_alloc : memref<!tpu.dma_semaphore, #tpu.memory_space<semaphore_mem>>
          %dma_start3A_271 = arith.constant 0 : i32
          %dma_start3A_272 = tpu.memref_slice %arg8[%run_scoped3A_197, %dma_start3A_271] : memref<2x125xi32, #tpu.memory_space<vmem>> -> memref<1x125xi32, #tpu.memory_space<vmem>>
          %dma_start3A_273 = tpu.memref_squeeze %dma_start3A_272 : memref<1x125xi32, #tpu.memory_space<vmem>> -> memref<125xi32, #tpu.memory_space<vmem>>
          %dma_start3A_274 = arith.constant 0 : i32
          %dma_start3A_275 = arith.constant 0 : i32
          %dma_start3A_276 = tpu.memref_slice %arg26[%dma_start3A_274, %dma_start3A_275] : memref<10000x80xf32, #tpu.memory_space<vmem_shared>> -> memref<10000x80xf32, #tpu.memory_space<vmem_shared>>
          tpu.enqueue_indirect_dma source(%arg13 : memref<125x80xf32, #tpu.memory_space<vmem>>) target(%dma_start3A_276 : memref<10000x80xf32, #tpu.memory_space<vmem_shared>>) offsets(%dma_start3A_273 : memref<125xi32, #tpu.memory_space<vmem>>) semaphore(%run_scoped3A_270 : memref<!tpu.dma_semaphore, #tpu.memory_space<semaphore_mem>>) {add = true}
          %dma_wait3A_277 = arith.constant 0 : i32
          %dma_wait3A_278 = tpu.memref_slice %arg8[%run_scoped3A_197, %dma_wait3A_277] : memref<2x125xi32, #tpu.memory_space<vmem>> -> memref<1x125xi32, #tpu.memory_space<vmem>>
          %dma_wait3A_279 = tpu.memref_squeeze %dma_wait3A_278 : memref<1x125xi32, #tpu.memory_space<vmem>> -> memref<125xi32, #tpu.memory_space<vmem>>
          %dma_wait3A_280 = arith.constant 0 : i32
          %dma_wait3A_281 = arith.constant 0 : i32
          %dma_wait3A_282 = tpu.memref_slice %arg26[%dma_wait3A_280, %dma_wait3A_281] : memref<10000x80xf32, #tpu.memory_space<vmem_shared>> -> memref<10000x80xf32, #tpu.memory_space<vmem_shared>>
          tpu.wait_indirect_dma semaphore(%run_scoped3A_270 : memref<!tpu.dma_semaphore, #tpu.memory_space<semaphore_mem>>) src(%arg13 : memref<125x80xf32, #tpu.memory_space<vmem>>) dst(%dma_wait3A_282 : memref<10000x80xf32, #tpu.memory_space<vmem_shared>>)
          tpu.yield
        }) : () -> ()
        %add3A_198 = arith.constant 5 : i32
        %add3A_199 = arith.addi %add3A_189, %add3A_198 : i32
        %lt3A_200 = arith.constant 160 : i32
        %lt3A_201 = arith.cmpi slt, %add3A_199, %lt3A_200 : i32
        %convert_element_type3A_202 = arith.extui %lt3A_201 : i1 to i32
        %cond3A_203 = arith.constant 0 : i32
        %cond3A_204 = arith.cmpi ne, %convert_element_type3A_202, %cond3A_203 : i32
        scf.if %cond3A_204 {
          %add3A_270 = arith.constant 5 : i32
          %add3A_271 = arith.addi %add3A_189, %add3A_270 : i32
          %dma_start3A_272 = arith.constant 0 : i32
          %dma_start3A_273 = arith.constant 0 : i32
          %dma_start3A_274 = tpu.memref_slice %arg4[%arg1, %add3A_271, %dma_start3A_272, %dma_start3A_273] : memref<16x160x2x125xi32, #tpu.memory_space<hbm>> -> memref<1x1x2x125xi32, #tpu.memory_space<hbm>>
          %dma_start3A_275 = tpu.memref_squeeze %dma_start3A_274 : memref<1x1x2x125xi32, #tpu.memory_space<hbm>> -> memref<2x125xi32, #tpu.memory_space<hbm>>
          %dma_start3A_276 = arith.constant 0 : i32
          %dma_start3A_277 = arith.constant 0 : i32
          %dma_start3A_278 = tpu.memref_slice %arg4[%arg1, %add3A_271, %dma_start3A_276, %dma_start3A_277] : memref<16x160x2x125xi32, #tpu.memory_space<hbm>> -> memref<1x1x2x125xi32, #tpu.memory_space<hbm>>
          %dma_start3A_279 = tpu.memref_squeeze %dma_start3A_278 : memref<1x1x2x125xi32, #tpu.memory_space<hbm>> -> memref<2x125xi32, #tpu.memory_space<hbm>>
          tpu.enqueue_dma source(%dma_start3A_279 : memref<2x125xi32, #tpu.memory_space<hbm>>) target(%arg8 : memref<2x125xi32, #tpu.memory_space<vmem>>) target_semaphore(%arg18 : memref<!tpu.dma_semaphore, #tpu.memory_space<semaphore_mem>>)
        } else {
        }
        %add3A_205 = arith.constant 5 : i32
        %add3A_206 = arith.addi %add3A_189, %add3A_205 : i32
        %sub3A_207 = arith.constant 1 : i32
        %sub3A_208 = arith.subi %add3A_206, %sub3A_207 : i32
        %lt3A_209 = arith.constant 160 : i32
        %lt3A_210 = arith.cmpi slt, %sub3A_208, %lt3A_209 : i32
        %convert_element_type3A_211 = arith.extui %lt3A_210 : i1 to i32
        %cond3A_212 = arith.constant 0 : i32
        %cond3A_213 = arith.cmpi ne, %convert_element_type3A_211, %cond3A_212 : i32
        scf.if %cond3A_213 {
          %add3A_270 = arith.constant 5 : i32
          %add3A_271 = arith.addi %add3A_189, %add3A_270 : i32
          %sub3A_272 = arith.constant 1 : i32
          %sub3A_273 = arith.subi %add3A_271, %sub3A_272 : i32
          %dma_wait3A_274 = arith.constant 0 : i32
          %dma_wait3A_275 = arith.constant 0 : i32
          %dma_wait3A_276 = tpu.memref_slice %arg4[%arg1, %sub3A_273, %dma_wait3A_274, %dma_wait3A_275] : memref<16x160x2x125xi32, #tpu.memory_space<hbm>> -> memref<1x1x2x125xi32, #tpu.memory_space<hbm>>
          %dma_wait3A_277 = tpu.memref_squeeze %dma_wait3A_276 : memref<1x1x2x125xi32, #tpu.memory_space<hbm>> -> memref<2x125xi32, #tpu.memory_space<hbm>>
          %dma_wait3A_278 = arith.constant 0 : i32
          %dma_wait3A_279 = arith.constant 0 : i32
          %dma_wait3A_280 = tpu.memref_slice %arg4[%arg1, %sub3A_273, %dma_wait3A_278, %dma_wait3A_279] : memref<16x160x2x125xi32, #tpu.memory_space<hbm>> -> memref<1x1x2x125xi32, #tpu.memory_space<hbm>>
          %dma_wait3A_281 = tpu.memref_squeeze %dma_wait3A_280 : memref<1x1x2x125xi32, #tpu.memory_space<hbm>> -> memref<2x125xi32, #tpu.memory_space<hbm>>
          tpu.wait_dma2 semaphore(%arg17 : memref<!tpu.dma_semaphore, #tpu.memory_space<semaphore_mem>>) src(%dma_wait3A_281 : memref<2x125xi32, #tpu.memory_space<hbm>>) dst(%arg7 : memref<2x125xi32, #tpu.memory_space<vmem>>)
          %dma_start3A_282 = arith.constant 0 : i32
          %dma_start3A_283 = arith.constant 0 : i32
          %dma_start3A_284 = tpu.memref_slice %arg7[%dma_start3A_282, %dma_start3A_283] : memref<2x125xi32, #tpu.memory_space<vmem>> -> memref<1x125xi32, #tpu.memory_space<vmem>>
          %dma_start3A_285 = tpu.memref_squeeze %dma_start3A_284 : memref<1x125xi32, #tpu.memory_space<vmem>> -> memref<125xi32, #tpu.memory_space<vmem>>
          %dma_start3A_286 = arith.constant 0 : i32
          %dma_start3A_287 = arith.constant 0 : i32
          %dma_start3A_288 = tpu.memref_slice %arg2[%dma_start3A_286, %dma_start3A_287] : memref<10000x80xf32, #tpu.memory_space<hbm>> -> memref<10000x80xf32, #tpu.memory_space<hbm>>
          tpu.enqueue_indirect_dma source(%dma_start3A_288 : memref<10000x80xf32, #tpu.memory_space<hbm>>) target(%arg12 : memref<125x80xf32, #tpu.memory_space<vmem>>) offsets(%dma_start3A_285 : memref<125xi32, #tpu.memory_space<vmem>>) semaphore(%arg22 : memref<!tpu.dma_semaphore, #tpu.memory_space<semaphore_mem>>)
        } else {
        }
        %mul3A_214 = arith.constant 5 : i32
        %mul3A_215 = arith.muli %mul3A_214, %scan3A_133 : i32
        %add3A_216 = arith.constant 3 : i32
        %add3A_217 = arith.addi %mul3A_215, %add3A_216 : i32
        %dma_wait3A_218 = arith.constant 0 : i32
        %dma_wait3A_219 = arith.constant 0 : i32
        %dma_wait3A_220 = tpu.memref_slice %arg9[%dma_wait3A_218, %dma_wait3A_219] : memref<2x125xi32, #tpu.memory_space<vmem>> -> memref<1x125xi32, #tpu.memory_space<vmem>>
        %dma_wait3A_221 = tpu.memref_squeeze %dma_wait3A_220 : memref<1x125xi32, #tpu.memory_space<vmem>> -> memref<125xi32, #tpu.memory_space<vmem>>
        %dma_wait3A_222 = arith.constant 0 : i32
        %dma_wait3A_223 = arith.constant 0 : i32
        %dma_wait3A_224 = tpu.memref_slice %arg2[%dma_wait3A_222, %dma_wait3A_223] : memref<10000x80xf32, #tpu.memory_space<hbm>> -> memref<10000x80xf32, #tpu.memory_space<hbm>>
        tpu.wait_indirect_dma semaphore(%arg24 : memref<!tpu.dma_semaphore, #tpu.memory_space<semaphore_mem>>) src(%dma_wait3A_224 : memref<10000x80xf32, #tpu.memory_space<hbm>>) dst(%arg14 : memref<125x80xf32, #tpu.memory_space<vmem>>)
        %run_scoped3A_225 = arith.constant 1 : i32
        "tpu.region"() ({
          %run_scoped3A_270 = tpu.sem_alloc : memref<!tpu.dma_semaphore, #tpu.memory_space<semaphore_mem>>
          %dma_start3A_271 = arith.constant 0 : i32
          %dma_start3A_272 = tpu.memref_slice %arg9[%run_scoped3A_225, %dma_start3A_271] : memref<2x125xi32, #tpu.memory_space<vmem>> -> memref<1x125xi32, #tpu.memory_space<vmem>>
          %dma_start3A_273 = tpu.memref_squeeze %dma_start3A_272 : memref<1x125xi32, #tpu.memory_space<vmem>> -> memref<125xi32, #tpu.memory_space<vmem>>
          %dma_start3A_274 = arith.constant 0 : i32
          %dma_start3A_275 = arith.constant 0 : i32
          %dma_start3A_276 = tpu.memref_slice %arg26[%dma_start3A_274, %dma_start3A_275] : memref<10000x80xf32, #tpu.memory_space<vmem_shared>> -> memref<10000x80xf32, #tpu.memory_space<vmem_shared>>
          tpu.enqueue_indirect_dma source(%arg14 : memref<125x80xf32, #tpu.memory_space<vmem>>) target(%dma_start3A_276 : memref<10000x80xf32, #tpu.memory_space<vmem_shared>>) offsets(%dma_start3A_273 : memref<125xi32, #tpu.memory_space<vmem>>) semaphore(%run_scoped3A_270 : memref<!tpu.dma_semaphore, #tpu.memory_space<semaphore_mem>>) {add = true}
          %dma_wait3A_277 = arith.constant 0 : i32
          %dma_wait3A_278 = tpu.memref_slice %arg9[%run_scoped3A_225, %dma_wait3A_277] : memref<2x125xi32, #tpu.memory_space<vmem>> -> memref<1x125xi32, #tpu.memory_space<vmem>>
          %dma_wait3A_279 = tpu.memref_squeeze %dma_wait3A_278 : memref<1x125xi32, #tpu.memory_space<vmem>> -> memref<125xi32, #tpu.memory_space<vmem>>
          %dma_wait3A_280 = arith.constant 0 : i32
          %dma_wait3A_281 = arith.constant 0 : i32
          %dma_wait3A_282 = tpu.memref_slice %arg26[%dma_wait3A_280, %dma_wait3A_281] : memref<10000x80xf32, #tpu.memory_space<vmem_shared>> -> memref<10000x80xf32, #tpu.memory_space<vmem_shared>>
          tpu.wait_indirect_dma semaphore(%run_scoped3A_270 : memref<!tpu.dma_semaphore, #tpu.memory_space<semaphore_mem>>) src(%arg14 : memref<125x80xf32, #tpu.memory_space<vmem>>) dst(%dma_wait3A_282 : memref<10000x80xf32, #tpu.memory_space<vmem_shared>>)
          tpu.yield
        }) : () -> ()
        %add3A_226 = arith.constant 5 : i32
        %add3A_227 = arith.addi %add3A_217, %add3A_226 : i32
        %lt3A_228 = arith.constant 160 : i32
        %lt3A_229 = arith.cmpi slt, %add3A_227, %lt3A_228 : i32
        %convert_element_type3A_230 = arith.extui %lt3A_229 : i1 to i32
        %cond3A_231 = arith.constant 0 : i32
        %cond3A_232 = arith.cmpi ne, %convert_element_type3A_230, %cond3A_231 : i32
        scf.if %cond3A_232 {
          %add3A_270 = arith.constant 5 : i32
          %add3A_271 = arith.addi %add3A_217, %add3A_270 : i32
          %dma_start3A_272 = arith.constant 0 : i32
          %dma_start3A_273 = arith.constant 0 : i32
          %dma_start3A_274 = tpu.memref_slice %arg4[%arg1, %add3A_271, %dma_start3A_272, %dma_start3A_273] : memref<16x160x2x125xi32, #tpu.memory_space<hbm>> -> memref<1x1x2x125xi32, #tpu.memory_space<hbm>>
          %dma_start3A_275 = tpu.memref_squeeze %dma_start3A_274 : memref<1x1x2x125xi32, #tpu.memory_space<hbm>> -> memref<2x125xi32, #tpu.memory_space<hbm>>
          %dma_start3A_276 = arith.constant 0 : i32
          %dma_start3A_277 = arith.constant 0 : i32
          %dma_start3A_278 = tpu.memref_slice %arg4[%arg1, %add3A_271, %dma_start3A_276, %dma_start3A_277] : memref<16x160x2x125xi32, #tpu.memory_space<hbm>> -> memref<1x1x2x125xi32, #tpu.memory_space<hbm>>
          %dma_start3A_279 = tpu.memref_squeeze %dma_start3A_278 : memref<1x1x2x125xi32, #tpu.memory_space<hbm>> -> memref<2x125xi32, #tpu.memory_space<hbm>>
          tpu.enqueue_dma source(%dma_start3A_279 : memref<2x125xi32, #tpu.memory_space<hbm>>) target(%arg9 : memref<2x125xi32, #tpu.memory_space<vmem>>) target_semaphore(%arg19 : memref<!tpu.dma_semaphore, #tpu.memory_space<semaphore_mem>>)
        } else {
        }
        %add3A_233 = arith.constant 5 : i32
        %add3A_234 = arith.addi %add3A_217, %add3A_233 : i32
        %sub3A_235 = arith.constant 1 : i32
        %sub3A_236 = arith.subi %add3A_234, %sub3A_235 : i32
        %lt3A_237 = arith.constant 160 : i32
        %lt3A_238 = arith.cmpi slt, %sub3A_236, %lt3A_237 : i32
        %convert_element_type3A_239 = arith.extui %lt3A_238 : i1 to i32
        %cond3A_240 = arith.constant 0 : i32
        %cond3A_241 = arith.cmpi ne, %convert_element_type3A_239, %cond3A_240 : i32
        scf.if %cond3A_241 {
          %add3A_270 = arith.constant 5 : i32
          %add3A_271 = arith.addi %add3A_217, %add3A_270 : i32
          %sub3A_272 = arith.constant 1 : i32
          %sub3A_273 = arith.subi %add3A_271, %sub3A_272 : i32
          %dma_wait3A_274 = arith.constant 0 : i32
          %dma_wait3A_275 = arith.constant 0 : i32
          %dma_wait3A_276 = tpu.memref_slice %arg4[%arg1, %sub3A_273, %dma_wait3A_274, %dma_wait3A_275] : memref<16x160x2x125xi32, #tpu.memory_space<hbm>> -> memref<1x1x2x125xi32, #tpu.memory_space<hbm>>
          %dma_wait3A_277 = tpu.memref_squeeze %dma_wait3A_276 : memref<1x1x2x125xi32, #tpu.memory_space<hbm>> -> memref<2x125xi32, #tpu.memory_space<hbm>>
          %dma_wait3A_278 = arith.constant 0 : i32
          %dma_wait3A_279 = arith.constant 0 : i32
          %dma_wait3A_280 = tpu.memref_slice %arg4[%arg1, %sub3A_273, %dma_wait3A_278, %dma_wait3A_279] : memref<16x160x2x125xi32, #tpu.memory_space<hbm>> -> memref<1x1x2x125xi32, #tpu.memory_space<hbm>>
          %dma_wait3A_281 = tpu.memref_squeeze %dma_wait3A_280 : memref<1x1x2x125xi32, #tpu.memory_space<hbm>> -> memref<2x125xi32, #tpu.memory_space<hbm>>
          tpu.wait_dma2 semaphore(%arg18 : memref<!tpu.dma_semaphore, #tpu.memory_space<semaphore_mem>>) src(%dma_wait3A_281 : memref<2x125xi32, #tpu.memory_space<hbm>>) dst(%arg8 : memref<2x125xi32, #tpu.memory_space<vmem>>)
          %dma_start3A_282 = arith.constant 0 : i32
          %dma_start3A_283 = arith.constant 0 : i32
          %dma_start3A_284 = tpu.memref_slice %arg8[%dma_start3A_282, %dma_start3A_283] : memref<2x125xi32, #tpu.memory_space<vmem>> -> memref<1x125xi32, #tpu.memory_space<vmem>>
          %dma_start3A_285 = tpu.memref_squeeze %dma_start3A_284 : memref<1x125xi32, #tpu.memory_space<vmem>> -> memref<125xi32, #tpu.memory_space<vmem>>
          %dma_start3A_286 = arith.constant 0 : i32
          %dma_start3A_287 = arith.constant 0 : i32
          %dma_start3A_288 = tpu.memref_slice %arg2[%dma_start3A_286, %dma_start3A_287] : memref<10000x80xf32, #tpu.memory_space<hbm>> -> memref<10000x80xf32, #tpu.memory_space<hbm>>
          tpu.enqueue_indirect_dma source(%dma_start3A_288 : memref<10000x80xf32, #tpu.memory_space<hbm>>) target(%arg13 : memref<125x80xf32, #tpu.memory_space<vmem>>) offsets(%dma_start3A_285 : memref<125xi32, #tpu.memory_space<vmem>>) semaphore(%arg23 : memref<!tpu.dma_semaphore, #tpu.memory_space<semaphore_mem>>)
        } else {
        }
        %mul3A_242 = arith.constant 5 : i32
        %mul3A_243 = arith.muli %mul3A_242, %scan3A_133 : i32
        %add3A_244 = arith.constant 4 : i32
        %add3A_245 = arith.addi %mul3A_243, %add3A_244 : i32
        %dma_wait3A_246 = arith.constant 0 : i32
        %dma_wait3A_247 = arith.constant 0 : i32
        %dma_wait3A_248 = tpu.memref_slice %arg10[%dma_wait3A_246, %dma_wait3A_247] : memref<2x125xi32, #tpu.memory_space<vmem>> -> memref<1x125xi32, #tpu.memory_space<vmem>>
        %dma_wait3A_249 = tpu.memref_squeeze %dma_wait3A_248 : memref<1x125xi32, #tpu.memory_space<vmem>> -> memref<125xi32, #tpu.memory_space<vmem>>
        %dma_wait3A_250 = arith.constant 0 : i32
        %dma_wait3A_251 = arith.constant 0 : i32
        %dma_wait3A_252 = tpu.memref_slice %arg2[%dma_wait3A_250, %dma_wait3A_251] : memref<10000x80xf32, #tpu.memory_space<hbm>> -> memref<10000x80xf32, #tpu.memory_space<hbm>>
        tpu.wait_indirect_dma semaphore(%arg25 : memref<!tpu.dma_semaphore, #tpu.memory_space<semaphore_mem>>) src(%dma_wait3A_252 : memref<10000x80xf32, #tpu.memory_space<hbm>>) dst(%arg15 : memref<125x80xf32, #tpu.memory_space<vmem>>)
        %run_scoped3A_253 = arith.constant 1 : i32
        "tpu.region"() ({
          %run_scoped3A_270 = tpu.sem_alloc : memref<!tpu.dma_semaphore, #tpu.memory_space<semaphore_mem>>
          %dma_start3A_271 = arith.constant 0 : i32
          %dma_start3A_272 = tpu.memref_slice %arg10[%run_scoped3A_253, %dma_start3A_271] : memref<2x125xi32, #tpu.memory_space<vmem>> -> memref<1x125xi32, #tpu.memory_space<vmem>>
          %dma_start3A_273 = tpu.memref_squeeze %dma_start3A_272 : memref<1x125xi32, #tpu.memory_space<vmem>> -> memref<125xi32, #tpu.memory_space<vmem>>
          %dma_start3A_274 = arith.constant 0 : i32
          %dma_start3A_275 = arith.constant 0 : i32
          %dma_start3A_276 = tpu.memref_slice %arg26[%dma_start3A_274, %dma_start3A_275] : memref<10000x80xf32, #tpu.memory_space<vmem_shared>> -> memref<10000x80xf32, #tpu.memory_space<vmem_shared>>
          tpu.enqueue_indirect_dma source(%arg15 : memref<125x80xf32, #tpu.memory_space<vmem>>) target(%dma_start3A_276 : memref<10000x80xf32, #tpu.memory_space<vmem_shared>>) offsets(%dma_start3A_273 : memref<125xi32, #tpu.memory_space<vmem>>) semaphore(%run_scoped3A_270 : memref<!tpu.dma_semaphore, #tpu.memory_space<semaphore_mem>>) {add = true}
          %dma_wait3A_277 = arith.constant 0 : i32
          %dma_wait3A_278 = tpu.memref_slice %arg10[%run_scoped3A_253, %dma_wait3A_277] : memref<2x125xi32, #tpu.memory_space<vmem>> -> memref<1x125xi32, #tpu.memory_space<vmem>>
          %dma_wait3A_279 = tpu.memref_squeeze %dma_wait3A_278 : memref<1x125xi32, #tpu.memory_space<vmem>> -> memref<125xi32, #tpu.memory_space<vmem>>
          %dma_wait3A_280 = arith.constant 0 : i32
          %dma_wait3A_281 = arith.constant 0 : i32
          %dma_wait3A_282 = tpu.memref_slice %arg26[%dma_wait3A_280, %dma_wait3A_281] : memref<10000x80xf32, #tpu.memory_space<vmem_shared>> -> memref<10000x80xf32, #tpu.memory_space<vmem_shared>>
          tpu.wait_indirect_dma semaphore(%run_scoped3A_270 : memref<!tpu.dma_semaphore, #tpu.memory_space<semaphore_mem>>) src(%arg15 : memref<125x80xf32, #tpu.memory_space<vmem>>) dst(%dma_wait3A_282 : memref<10000x80xf32, #tpu.memory_space<vmem_shared>>)
          tpu.yield
        }) : () -> ()
        %add3A_254 = arith.constant 5 : i32
        %add3A_255 = arith.addi %add3A_245, %add3A_254 : i32
        %lt3A_256 = arith.constant 160 : i32
        %lt3A_257 = arith.cmpi slt, %add3A_255, %lt3A_256 : i32
        %convert_element_type3A_258 = arith.extui %lt3A_257 : i1 to i32
        %cond3A_259 = arith.constant 0 : i32
        %cond3A_260 = arith.cmpi ne, %convert_element_type3A_258, %cond3A_259 : i32
        scf.if %cond3A_260 {
          %add3A_270 = arith.constant 5 : i32
          %add3A_271 = arith.addi %add3A_245, %add3A_270 : i32
          %dma_start3A_272 = arith.constant 0 : i32
          %dma_start3A_273 = arith.constant 0 : i32
          %dma_start3A_274 = tpu.memref_slice %arg4[%arg1, %add3A_271, %dma_start3A_272, %dma_start3A_273] : memref<16x160x2x125xi32, #tpu.memory_space<hbm>> -> memref<1x1x2x125xi32, #tpu.memory_space<hbm>>
          %dma_start3A_275 = tpu.memref_squeeze %dma_start3A_274 : memref<1x1x2x125xi32, #tpu.memory_space<hbm>> -> memref<2x125xi32, #tpu.memory_space<hbm>>
          %dma_start3A_276 = arith.constant 0 : i32
          %dma_start3A_277 = arith.constant 0 : i32
          %dma_start3A_278 = tpu.memref_slice %arg4[%arg1, %add3A_271, %dma_start3A_276, %dma_start3A_277] : memref<16x160x2x125xi32, #tpu.memory_space<hbm>> -> memref<1x1x2x125xi32, #tpu.memory_space<hbm>>
          %dma_start3A_279 = tpu.memref_squeeze %dma_start3A_278 : memref<1x1x2x125xi32, #tpu.memory_space<hbm>> -> memref<2x125xi32, #tpu.memory_space<hbm>>
          tpu.enqueue_dma source(%dma_start3A_279 : memref<2x125xi32, #tpu.memory_space<hbm>>) target(%arg10 : memref<2x125xi32, #tpu.memory_space<vmem>>) target_semaphore(%arg20 : memref<!tpu.dma_semaphore, #tpu.memory_space<semaphore_mem>>)
        } else {
        }
        %add3A_261 = arith.constant 5 : i32
        %add3A_262 = arith.addi %add3A_245, %add3A_261 : i32
        %sub3A_263 = arith.constant 1 : i32
        %sub3A_264 = arith.subi %add3A_262, %sub3A_263 : i32
        %lt3A_265 = arith.constant 160 : i32
        %lt3A_266 = arith.cmpi slt, %sub3A_264, %lt3A_265 : i32
        %convert_element_type3A_267 = arith.extui %lt3A_266 : i1 to i32
        %cond3A_268 = arith.constant 0 : i32
        %cond3A_269 = arith.cmpi ne, %convert_element_type3A_267, %cond3A_268 : i32
        scf.if %cond3A_269 {
          %add3A_270 = arith.constant 5 : i32
          %add3A_271 = arith.addi %add3A_245, %add3A_270 : i32
          %sub3A_272 = arith.constant 1 : i32
          %sub3A_273 = arith.subi %add3A_271, %sub3A_272 : i32
          %dma_wait3A_274 = arith.constant 0 : i32
          %dma_wait3A_275 = arith.constant 0 : i32
          %dma_wait3A_276 = tpu.memref_slice %arg4[%arg1, %sub3A_273, %dma_wait3A_274, %dma_wait3A_275] : memref<16x160x2x125xi32, #tpu.memory_space<hbm>> -> memref<1x1x2x125xi32, #tpu.memory_space<hbm>>
          %dma_wait3A_277 = tpu.memref_squeeze %dma_wait3A_276 : memref<1x1x2x125xi32, #tpu.memory_space<hbm>> -> memref<2x125xi32, #tpu.memory_space<hbm>>
          %dma_wait3A_278 = arith.constant 0 : i32
          %dma_wait3A_279 = arith.constant 0 : i32
          %dma_wait3A_280 = tpu.memref_slice %arg4[%arg1, %sub3A_273, %dma_wait3A_278, %dma_wait3A_279] : memref<16x160x2x125xi32, #tpu.memory_space<hbm>> -> memref<1x1x2x125xi32, #tpu.memory_space<hbm>>
          %dma_wait3A_281 = tpu.memref_squeeze %dma_wait3A_280 : memref<1x1x2x125xi32, #tpu.memory_space<hbm>> -> memref<2x125xi32, #tpu.memory_space<hbm>>
          tpu.wait_dma2 semaphore(%arg19 : memref<!tpu.dma_semaphore, #tpu.memory_space<semaphore_mem>>) src(%dma_wait3A_281 : memref<2x125xi32, #tpu.memory_space<hbm>>) dst(%arg9 : memref<2x125xi32, #tpu.memory_space<vmem>>)
          %dma_start3A_282 = arith.constant 0 : i32
          %dma_start3A_283 = arith.constant 0 : i32
          %dma_start3A_284 = tpu.memref_slice %arg9[%dma_start3A_282, %dma_start3A_283] : memref<2x125xi32, #tpu.memory_space<vmem>> -> memref<1x125xi32, #tpu.memory_space<vmem>>
          %dma_start3A_285 = tpu.memref_squeeze %dma_start3A_284 : memref<1x125xi32, #tpu.memory_space<vmem>> -> memref<125xi32, #tpu.memory_space<vmem>>
          %dma_start3A_286 = arith.constant 0 : i32
          %dma_start3A_287 = arith.constant 0 : i32
          %dma_start3A_288 = tpu.memref_slice %arg2[%dma_start3A_286, %dma_start3A_287] : memref<10000x80xf32, #tpu.memory_space<hbm>> -> memref<10000x80xf32, #tpu.memory_space<hbm>>
          tpu.enqueue_indirect_dma source(%dma_start3A_288 : memref<10000x80xf32, #tpu.memory_space<hbm>>) target(%arg14 : memref<125x80xf32, #tpu.memory_space<vmem>>) offsets(%dma_start3A_285 : memref<125xi32, #tpu.memory_space<vmem>>) semaphore(%arg24 : memref<!tpu.dma_semaphore, #tpu.memory_space<semaphore_mem>>)
        } else {
        }
      }
      %scan3A_132 = arith.constant 32 : i32
    } else {
    }
    %ne3A = arith.constant 0 : i32
    %ne3A_2 = arith.cmpi ne, %arg0, %ne3A : i32
    %convert_element_type3A_3 = arith.extui %ne3A_2 : i1 to i32
    %cond3A_4 = arith.constant 0 : i32
    %cond3A_5 = arith.cmpi ne, %convert_element_type3A_3, %cond3A_4 : i32
    scf.if %cond3A_5 {
      %mul3A_12 = arith.constant 624 : i32
      %mul3A_13 = arith.muli %arg1, %mul3A_12 : i32
      %multiple_of3A_14 = tpu.assume_multiple %mul3A_13, 8 : i32
      "tpu.region"() ({
        %run_scoped3A = tpu.sem_alloc : memref<!tpu.dma_semaphore, #tpu.memory_space<semaphore_mem>>
        %dma_start3A_133 = arith.constant 0 : i32
        %dma_start3A_134 = tpu.memref_slice %arg26[%multiple_of3A_14, %dma_start3A_133] : memref<10000x80xf32, #tpu.memory_space<vmem_shared>> -> memref<624x80xf32, #tpu.memory_space<vmem_shared>>
        %dma_start3A_135 = arith.constant 0 : i32
        %dma_start3A_136 = tpu.memref_slice %arg3[%multiple_of3A_14, %dma_start3A_135] : memref<10000x80xf32, #tpu.memory_space<hbm>> -> memref<624x80xf32, #tpu.memory_space<hbm>>
        tpu.enqueue_dma source(%dma_start3A_136 : memref<624x80xf32, #tpu.memory_space<hbm>>) target(%dma_start3A_134 : memref<624x80xf32, #tpu.memory_space<vmem_shared>>) target_semaphore(%run_scoped3A : memref<!tpu.dma_semaphore, #tpu.memory_space<semaphore_mem>>)
        %dma_wait3A_137 = arith.constant 0 : i32
        %dma_wait3A_138 = tpu.memref_slice %arg26[%multiple_of3A_14, %dma_wait3A_137] : memref<10000x80xf32, #tpu.memory_space<vmem_shared>> -> memref<624x80xf32, #tpu.memory_space<vmem_shared>>
        %dma_wait3A_139 = arith.constant 0 : i32
        %dma_wait3A_140 = tpu.memref_slice %arg3[%multiple_of3A_14, %dma_wait3A_139] : memref<10000x80xf32, #tpu.memory_space<hbm>> -> memref<624x80xf32, #tpu.memory_space<hbm>>
        tpu.wait_dma2 semaphore(%run_scoped3A : memref<!tpu.dma_semaphore, #tpu.memory_space<semaphore_mem>>) src(%dma_wait3A_140 : memref<624x80xf32, #tpu.memory_space<hbm>>) dst(%dma_wait3A_138 : memref<624x80xf32, #tpu.memory_space<vmem_shared>>)
        tpu.yield
      }) : () -> ()
      %eq3A_15 = arith.constant 15 : i32
      %eq3A_16 = arith.cmpi eq, %arg1, %eq3A_15 : i32
      %convert_element_type3A_17 = arith.extui %eq3A_16 : i1 to i32
      %cond3A_18 = arith.constant 0 : i32
      %cond3A_19 = arith.cmpi ne, %convert_element_type3A_17, %cond3A_18 : i32
      scf.if %cond3A_19 {
        "tpu.region"() ({
          %run_scoped3A = tpu.sem_alloc : memref<!tpu.dma_semaphore, #tpu.memory_space<semaphore_mem>>
          %dma_start3A_133 = arith.constant 9984 : i32
          %dma_start3A_134 = arith.constant 0 : i32
          %dma_start3A_135 = tpu.memref_slice %arg26[%dma_start3A_133, %dma_start3A_134] : memref<10000x80xf32, #tpu.memory_space<vmem_shared>> -> memref<16x80xf32, #tpu.memory_space<vmem_shared>>
          %dma_start3A_136 = arith.constant 9984 : i32
          %dma_start3A_137 = arith.constant 0 : i32
          %dma_start3A_138 = tpu.memref_slice %arg3[%dma_start3A_136, %dma_start3A_137] : memref<10000x80xf32, #tpu.memory_space<hbm>> -> memref<16x80xf32, #tpu.memory_space<hbm>>
          tpu.enqueue_dma source(%dma_start3A_138 : memref<16x80xf32, #tpu.memory_space<hbm>>) target(%dma_start3A_135 : memref<16x80xf32, #tpu.memory_space<vmem_shared>>) target_semaphore(%run_scoped3A : memref<!tpu.dma_semaphore, #tpu.memory_space<semaphore_mem>>)
          %dma_wait3A_139 = arith.constant 9984 : i32
          %dma_wait3A_140 = arith.constant 0 : i32
          %dma_wait3A_141 = tpu.memref_slice %arg26[%dma_wait3A_139, %dma_wait3A_140] : memref<10000x80xf32, #tpu.memory_space<vmem_shared>> -> memref<16x80xf32, #tpu.memory_space<vmem_shared>>
          %dma_wait3A_142 = arith.constant 9984 : i32
          %dma_wait3A_143 = arith.constant 0 : i32
          %dma_wait3A_144 = tpu.memref_slice %arg3[%dma_wait3A_142, %dma_wait3A_143] : memref<10000x80xf32, #tpu.memory_space<hbm>> -> memref<16x80xf32, #tpu.memory_space<hbm>>
          tpu.wait_dma2 semaphore(%run_scoped3A : memref<!tpu.dma_semaphore, #tpu.memory_space<semaphore_mem>>) src(%dma_wait3A_144 : memref<16x80xf32, #tpu.memory_space<hbm>>) dst(%dma_wait3A_141 : memref<16x80xf32, #tpu.memory_space<vmem_shared>>)
          tpu.yield
        }) : () -> ()
      } else {
      }
      %dma_start3A = arith.constant 0 : i32
      %dma_start3A_20 = arith.constant 0 : i32
      %dma_start3A_21 = arith.constant 0 : i32
      %dma_start3A_22 = tpu.memref_slice %arg4[%arg1, %dma_start3A, %dma_start3A_20, %dma_start3A_21] : memref<16x160x2x125xi32, #tpu.memory_space<hbm>> -> memref<1x1x2x125xi32, #tpu.memory_space<hbm>>
      %dma_start3A_23 = tpu.memref_squeeze %dma_start3A_22 : memref<1x1x2x125xi32, #tpu.memory_space<hbm>> -> memref<2x125xi32, #tpu.memory_space<hbm>>
      %dma_start3A_24 = arith.constant 0 : i32
      %dma_start3A_25 = arith.constant 0 : i32
      %dma_start3A_26 = tpu.memref_slice %arg4[%arg1, %dma_start3A, %dma_start3A_24, %dma_start3A_25] : memref<16x160x2x125xi32, #tpu.memory_space<hbm>> -> memref<1x1x2x125xi32, #tpu.memory_space<hbm>>
      %dma_start3A_27 = tpu.memref_squeeze %dma_start3A_26 : memref<1x1x2x125xi32, #tpu.memory_space<hbm>> -> memref<2x125xi32, #tpu.memory_space<hbm>>
      tpu.enqueue_dma source(%dma_start3A_27 : memref<2x125xi32, #tpu.memory_space<hbm>>) target(%arg6 : memref<2x125xi32, #tpu.memory_space<vmem>>) target_semaphore(%arg16 : memref<!tpu.dma_semaphore, #tpu.memory_space<semaphore_mem>>)
      %dma_start3A_28 = arith.constant 1 : i32
      %dma_start3A_29 = arith.constant 0 : i32
      %dma_start3A_30 = arith.constant 0 : i32
      %dma_start3A_31 = tpu.memref_slice %arg4[%arg1, %dma_start3A_28, %dma_start3A_29, %dma_start3A_30] : memref<16x160x2x125xi32, #tpu.memory_space<hbm>> -> memref<1x1x2x125xi32, #tpu.memory_space<hbm>>
      %dma_start3A_32 = tpu.memref_squeeze %dma_start3A_31 : memref<1x1x2x125xi32, #tpu.memory_space<hbm>> -> memref<2x125xi32, #tpu.memory_space<hbm>>
      %dma_start3A_33 = arith.constant 0 : i32
      %dma_start3A_34 = arith.constant 0 : i32
      %dma_start3A_35 = tpu.memref_slice %arg4[%arg1, %dma_start3A_28, %dma_start3A_33, %dma_start3A_34] : memref<16x160x2x125xi32, #tpu.memory_space<hbm>> -> memref<1x1x2x125xi32, #tpu.memory_space<hbm>>
      %dma_start3A_36 = tpu.memref_squeeze %dma_start3A_35 : memref<1x1x2x125xi32, #tpu.memory_space<hbm>> -> memref<2x125xi32, #tpu.memory_space<hbm>>
      tpu.enqueue_dma source(%dma_start3A_36 : memref<2x125xi32, #tpu.memory_space<hbm>>) target(%arg7 : memref<2x125xi32, #tpu.memory_space<vmem>>) target_semaphore(%arg17 : memref<!tpu.dma_semaphore, #tpu.memory_space<semaphore_mem>>)
      %dma_start3A_37 = arith.constant 2 : i32
      %dma_start3A_38 = arith.constant 0 : i32
      %dma_start3A_39 = arith.constant 0 : i32
      %dma_start3A_40 = tpu.memref_slice %arg4[%arg1, %dma_start3A_37, %dma_start3A_38, %dma_start3A_39] : memref<16x160x2x125xi32, #tpu.memory_space<hbm>> -> memref<1x1x2x125xi32, #tpu.memory_space<hbm>>
      %dma_start3A_41 = tpu.memref_squeeze %dma_start3A_40 : memref<1x1x2x125xi32, #tpu.memory_space<hbm>> -> memref<2x125xi32, #tpu.memory_space<hbm>>
      %dma_start3A_42 = arith.constant 0 : i32
      %dma_start3A_43 = arith.constant 0 : i32
      %dma_start3A_44 = tpu.memref_slice %arg4[%arg1, %dma_start3A_37, %dma_start3A_42, %dma_start3A_43] : memref<16x160x2x125xi32, #tpu.memory_space<hbm>> -> memref<1x1x2x125xi32, #tpu.memory_space<hbm>>
      %dma_start3A_45 = tpu.memref_squeeze %dma_start3A_44 : memref<1x1x2x125xi32, #tpu.memory_space<hbm>> -> memref<2x125xi32, #tpu.memory_space<hbm>>
      tpu.enqueue_dma source(%dma_start3A_45 : memref<2x125xi32, #tpu.memory_space<hbm>>) target(%arg8 : memref<2x125xi32, #tpu.memory_space<vmem>>) target_semaphore(%arg18 : memref<!tpu.dma_semaphore, #tpu.memory_space<semaphore_mem>>)
      %dma_start3A_46 = arith.constant 3 : i32
      %dma_start3A_47 = arith.constant 0 : i32
      %dma_start3A_48 = arith.constant 0 : i32
      %dma_start3A_49 = tpu.memref_slice %arg4[%arg1, %dma_start3A_46, %dma_start3A_47, %dma_start3A_48] : memref<16x160x2x125xi32, #tpu.memory_space<hbm>> -> memref<1x1x2x125xi32, #tpu.memory_space<hbm>>
      %dma_start3A_50 = tpu.memref_squeeze %dma_start3A_49 : memref<1x1x2x125xi32, #tpu.memory_space<hbm>> -> memref<2x125xi32, #tpu.memory_space<hbm>>
      %dma_start3A_51 = arith.constant 0 : i32
      %dma_start3A_52 = arith.constant 0 : i32
      %dma_start3A_53 = tpu.memref_slice %arg4[%arg1, %dma_start3A_46, %dma_start3A_51, %dma_start3A_52] : memref<16x160x2x125xi32, #tpu.memory_space<hbm>> -> memref<1x1x2x125xi32, #tpu.memory_space<hbm>>
      %dma_start3A_54 = tpu.memref_squeeze %dma_start3A_53 : memref<1x1x2x125xi32, #tpu.memory_space<hbm>> -> memref<2x125xi32, #tpu.memory_space<hbm>>
      tpu.enqueue_dma source(%dma_start3A_54 : memref<2x125xi32, #tpu.memory_space<hbm>>) target(%arg9 : memref<2x125xi32, #tpu.memory_space<vmem>>) target_semaphore(%arg19 : memref<!tpu.dma_semaphore, #tpu.memory_space<semaphore_mem>>)
      %dma_start3A_55 = arith.constant 4 : i32
      %dma_start3A_56 = arith.constant 0 : i32
      %dma_start3A_57 = arith.constant 0 : i32
      %dma_start3A_58 = tpu.memref_slice %arg4[%arg1, %dma_start3A_55, %dma_start3A_56, %dma_start3A_57] : memref<16x160x2x125xi32, #tpu.memory_space<hbm>> -> memref<1x1x2x125xi32, #tpu.memory_space<hbm>>
      %dma_start3A_59 = tpu.memref_squeeze %dma_start3A_58 : memref<1x1x2x125xi32, #tpu.memory_space<hbm>> -> memref<2x125xi32, #tpu.memory_space<hbm>>
      %dma_start3A_60 = arith.constant 0 : i32
      %dma_start3A_61 = arith.constant 0 : i32
      %dma_start3A_62 = tpu.memref_slice %arg4[%arg1, %dma_start3A_55, %dma_start3A_60, %dma_start3A_61] : memref<16x160x2x125xi32, #tpu.memory_space<hbm>> -> memref<1x1x2x125xi32, #tpu.memory_space<hbm>>
      %dma_start3A_63 = tpu.memref_squeeze %dma_start3A_62 : memref<1x1x2x125xi32, #tpu.memory_space<hbm>> -> memref<2x125xi32, #tpu.memory_space<hbm>>
      tpu.enqueue_dma source(%dma_start3A_63 : memref<2x125xi32, #tpu.memory_space<hbm>>) target(%arg10 : memref<2x125xi32, #tpu.memory_space<vmem>>) target_semaphore(%arg20 : memref<!tpu.dma_semaphore, #tpu.memory_space<semaphore_mem>>)
      %barrier3A_64 = arith.constant 0 : index
      tpu.barrier barrier_id(%barrier3A_64)
      %dma_wait3A = arith.constant 0 : i32
      %dma_wait3A_65 = arith.constant 0 : i32
      %dma_wait3A_66 = arith.constant 0 : i32
      %dma_wait3A_67 = tpu.memref_slice %arg4[%arg1, %dma_wait3A, %dma_wait3A_65, %dma_wait3A_66] : memref<16x160x2x125xi32, #tpu.memory_space<hbm>> -> memref<1x1x2x125xi32, #tpu.memory_space<hbm>>
      %dma_wait3A_68 = tpu.memref_squeeze %dma_wait3A_67 : memref<1x1x2x125xi32, #tpu.memory_space<hbm>> -> memref<2x125xi32, #tpu.memory_space<hbm>>
      %dma_wait3A_69 = arith.constant 0 : i32
      %dma_wait3A_70 = arith.constant 0 : i32
      %dma_wait3A_71 = tpu.memref_slice %arg4[%arg1, %dma_wait3A, %dma_wait3A_69, %dma_wait3A_70] : memref<16x160x2x125xi32, #tpu.memory_space<hbm>> -> memref<1x1x2x125xi32, #tpu.memory_space<hbm>>
      %dma_wait3A_72 = tpu.memref_squeeze %dma_wait3A_71 : memref<1x1x2x125xi32, #tpu.memory_space<hbm>> -> memref<2x125xi32, #tpu.memory_space<hbm>>
      tpu.wait_dma2 semaphore(%arg16 : memref<!tpu.dma_semaphore, #tpu.memory_space<semaphore_mem>>) src(%dma_wait3A_72 : memref<2x125xi32, #tpu.memory_space<hbm>>) dst(%arg6 : memref<2x125xi32, #tpu.memory_space<vmem>>)
      %dma_start3A_73 = arith.constant 0 : i32
      %dma_start3A_74 = arith.constant 0 : i32
      %dma_start3A_75 = tpu.memref_slice %arg6[%dma_start3A_73, %dma_start3A_74] : memref<2x125xi32, #tpu.memory_space<vmem>> -> memref<1x125xi32, #tpu.memory_space<vmem>>
      %dma_start3A_76 = tpu.memref_squeeze %dma_start3A_75 : memref<1x125xi32, #tpu.memory_space<vmem>> -> memref<125xi32, #tpu.memory_space<vmem>>
      %dma_start3A_77 = arith.constant 0 : i32
      %dma_start3A_78 = arith.constant 0 : i32
      %dma_start3A_79 = tpu.memref_slice %arg3[%dma_start3A_77, %dma_start3A_78] : memref<10000x80xf32, #tpu.memory_space<hbm>> -> memref<10000x80xf32, #tpu.memory_space<hbm>>
      tpu.enqueue_indirect_dma source(%dma_start3A_79 : memref<10000x80xf32, #tpu.memory_space<hbm>>) target(%arg11 : memref<125x80xf32, #tpu.memory_space<vmem>>) offsets(%dma_start3A_76 : memref<125xi32, #tpu.memory_space<vmem>>) semaphore(%arg21 : memref<!tpu.dma_semaphore, #tpu.memory_space<semaphore_mem>>)
      %dma_wait3A_80 = arith.constant 1 : i32
      %dma_wait3A_81 = arith.constant 0 : i32
      %dma_wait3A_82 = arith.constant 0 : i32
      %dma_wait3A_83 = tpu.memref_slice %arg4[%arg1, %dma_wait3A_80, %dma_wait3A_81, %dma_wait3A_82] : memref<16x160x2x125xi32, #tpu.memory_space<hbm>> -> memref<1x1x2x125xi32, #tpu.memory_space<hbm>>
      %dma_wait3A_84 = tpu.memref_squeeze %dma_wait3A_83 : memref<1x1x2x125xi32, #tpu.memory_space<hbm>> -> memref<2x125xi32, #tpu.memory_space<hbm>>
      %dma_wait3A_85 = arith.constant 0 : i32
      %dma_wait3A_86 = arith.constant 0 : i32
      %dma_wait3A_87 = tpu.memref_slice %arg4[%arg1, %dma_wait3A_80, %dma_wait3A_85, %dma_wait3A_86] : memref<16x160x2x125xi32, #tpu.memory_space<hbm>> -> memref<1x1x2x125xi32, #tpu.memory_space<hbm>>
      %dma_wait3A_88 = tpu.memref_squeeze %dma_wait3A_87 : memref<1x1x2x125xi32, #tpu.memory_space<hbm>> -> memref<2x125xi32, #tpu.memory_space<hbm>>
      tpu.wait_dma2 semaphore(%arg17 : memref<!tpu.dma_semaphore, #tpu.memory_space<semaphore_mem>>) src(%dma_wait3A_88 : memref<2x125xi32, #tpu.memory_space<hbm>>) dst(%arg7 : memref<2x125xi32, #tpu.memory_space<vmem>>)
      %dma_start3A_89 = arith.constant 0 : i32
      %dma_start3A_90 = arith.constant 0 : i32
      %dma_start3A_91 = tpu.memref_slice %arg7[%dma_start3A_89, %dma_start3A_90] : memref<2x125xi32, #tpu.memory_space<vmem>> -> memref<1x125xi32, #tpu.memory_space<vmem>>
      %dma_start3A_92 = tpu.memref_squeeze %dma_start3A_91 : memref<1x125xi32, #tpu.memory_space<vmem>> -> memref<125xi32, #tpu.memory_space<vmem>>
      %dma_start3A_93 = arith.constant 0 : i32
      %dma_start3A_94 = arith.constant 0 : i32
      %dma_start3A_95 = tpu.memref_slice %arg3[%dma_start3A_93, %dma_start3A_94] : memref<10000x80xf32, #tpu.memory_space<hbm>> -> memref<10000x80xf32, #tpu.memory_space<hbm>>
      tpu.enqueue_indirect_dma source(%dma_start3A_95 : memref<10000x80xf32, #tpu.memory_space<hbm>>) target(%arg12 : memref<125x80xf32, #tpu.memory_space<vmem>>) offsets(%dma_start3A_92 : memref<125xi32, #tpu.memory_space<vmem>>) semaphore(%arg22 : memref<!tpu.dma_semaphore, #tpu.memory_space<semaphore_mem>>)
      %dma_wait3A_96 = arith.constant 2 : i32
      %dma_wait3A_97 = arith.constant 0 : i32
      %dma_wait3A_98 = arith.constant 0 : i32
      %dma_wait3A_99 = tpu.memref_slice %arg4[%arg1, %dma_wait3A_96, %dma_wait3A_97, %dma_wait3A_98] : memref<16x160x2x125xi32, #tpu.memory_space<hbm>> -> memref<1x1x2x125xi32, #tpu.memory_space<hbm>>
      %dma_wait3A_100 = tpu.memref_squeeze %dma_wait3A_99 : memref<1x1x2x125xi32, #tpu.memory_space<hbm>> -> memref<2x125xi32, #tpu.memory_space<hbm>>
      %dma_wait3A_101 = arith.constant 0 : i32
      %dma_wait3A_102 = arith.constant 0 : i32
      %dma_wait3A_103 = tpu.memref_slice %arg4[%arg1, %dma_wait3A_96, %dma_wait3A_101, %dma_wait3A_102] : memref<16x160x2x125xi32, #tpu.memory_space<hbm>> -> memref<1x1x2x125xi32, #tpu.memory_space<hbm>>
      %dma_wait3A_104 = tpu.memref_squeeze %dma_wait3A_103 : memref<1x1x2x125xi32, #tpu.memory_space<hbm>> -> memref<2x125xi32, #tpu.memory_space<hbm>>
      tpu.wait_dma2 semaphore(%arg18 : memref<!tpu.dma_semaphore, #tpu.memory_space<semaphore_mem>>) src(%dma_wait3A_104 : memref<2x125xi32, #tpu.memory_space<hbm>>) dst(%arg8 : memref<2x125xi32, #tpu.memory_space<vmem>>)
      %dma_start3A_105 = arith.constant 0 : i32
      %dma_start3A_106 = arith.constant 0 : i32
      %dma_start3A_107 = tpu.memref_slice %arg8[%dma_start3A_105, %dma_start3A_106] : memref<2x125xi32, #tpu.memory_space<vmem>> -> memref<1x125xi32, #tpu.memory_space<vmem>>
      %dma_start3A_108 = tpu.memref_squeeze %dma_start3A_107 : memref<1x125xi32, #tpu.memory_space<vmem>> -> memref<125xi32, #tpu.memory_space<vmem>>
      %dma_start3A_109 = arith.constant 0 : i32
      %dma_start3A_110 = arith.constant 0 : i32
      %dma_start3A_111 = tpu.memref_slice %arg3[%dma_start3A_109, %dma_start3A_110] : memref<10000x80xf32, #tpu.memory_space<hbm>> -> memref<10000x80xf32, #tpu.memory_space<hbm>>
      tpu.enqueue_indirect_dma source(%dma_start3A_111 : memref<10000x80xf32, #tpu.memory_space<hbm>>) target(%arg13 : memref<125x80xf32, #tpu.memory_space<vmem>>) offsets(%dma_start3A_108 : memref<125xi32, #tpu.memory_space<vmem>>) semaphore(%arg23 : memref<!tpu.dma_semaphore, #tpu.memory_space<semaphore_mem>>)
      %dma_wait3A_112 = arith.constant 3 : i32
      %dma_wait3A_113 = arith.constant 0 : i32
      %dma_wait3A_114 = arith.constant 0 : i32
      %dma_wait3A_115 = tpu.memref_slice %arg4[%arg1, %dma_wait3A_112, %dma_wait3A_113, %dma_wait3A_114] : memref<16x160x2x125xi32, #tpu.memory_space<hbm>> -> memref<1x1x2x125xi32, #tpu.memory_space<hbm>>
      %dma_wait3A_116 = tpu.memref_squeeze %dma_wait3A_115 : memref<1x1x2x125xi32, #tpu.memory_space<hbm>> -> memref<2x125xi32, #tpu.memory_space<hbm>>
      %dma_wait3A_117 = arith.constant 0 : i32
      %dma_wait3A_118 = arith.constant 0 : i32
      %dma_wait3A_119 = tpu.memref_slice %arg4[%arg1, %dma_wait3A_112, %dma_wait3A_117, %dma_wait3A_118] : memref<16x160x2x125xi32, #tpu.memory_space<hbm>> -> memref<1x1x2x125xi32, #tpu.memory_space<hbm>>
      %dma_wait3A_120 = tpu.memref_squeeze %dma_wait3A_119 : memref<1x1x2x125xi32, #tpu.memory_space<hbm>> -> memref<2x125xi32, #tpu.memory_space<hbm>>
      tpu.wait_dma2 semaphore(%arg19 : memref<!tpu.dma_semaphore, #tpu.memory_space<semaphore_mem>>) src(%dma_wait3A_120 : memref<2x125xi32, #tpu.memory_space<hbm>>) dst(%arg9 : memref<2x125xi32, #tpu.memory_space<vmem>>)
      %dma_start3A_121 = arith.constant 0 : i32
      %dma_start3A_122 = arith.constant 0 : i32
      %dma_start3A_123 = tpu.memref_slice %arg9[%dma_start3A_121, %dma_start3A_122] : memref<2x125xi32, #tpu.memory_space<vmem>> -> memref<1x125xi32, #tpu.memory_space<vmem>>
      %dma_start3A_124 = tpu.memref_squeeze %dma_start3A_123 : memref<1x125xi32, #tpu.memory_space<vmem>> -> memref<125xi32, #tpu.memory_space<vmem>>
      %dma_start3A_125 = arith.constant 0 : i32
      %dma_start3A_126 = arith.constant 0 : i32
      %dma_start3A_127 = tpu.memref_slice %arg3[%dma_start3A_125, %dma_start3A_126] : memref<10000x80xf32, #tpu.memory_space<hbm>> -> memref<10000x80xf32, #tpu.memory_space<hbm>>
      tpu.enqueue_indirect_dma source(%dma_start3A_127 : memref<10000x80xf32, #tpu.memory_space<hbm>>) target(%arg14 : memref<125x80xf32, #tpu.memory_space<vmem>>) offsets(%dma_start3A_124 : memref<125xi32, #tpu.memory_space<vmem>>) semaphore(%arg24 : memref<!tpu.dma_semaphore, #tpu.memory_space<semaphore_mem>>)
      %scan3A = arith.constant 0 : i32
      %scan3A_128 = arith.constant 0 : i32
      %scan3A_129 = arith.constant 32 : i32
      %scan3A_130 = arith.addi %scan3A_128, %scan3A_129 : i32
      %scan3A_131 = arith.constant 1 : i32
      scf.for %scan3A_133 = %scan3A_128 to %scan3A_130 step %scan3A_131  : i32 {
        %mul3A_134 = arith.constant 5 : i32
        %mul3A_135 = arith.muli %mul3A_134, %scan3A_133 : i32
        %add3A = arith.constant 0 : i32
        %add3A_136 = arith.addi %mul3A_135, %add3A : i32
        %dma_wait3A_137 = arith.constant 0 : i32
        %dma_wait3A_138 = arith.constant 0 : i32
        %dma_wait3A_139 = tpu.memref_slice %arg6[%dma_wait3A_137, %dma_wait3A_138] : memref<2x125xi32, #tpu.memory_space<vmem>> -> memref<1x125xi32, #tpu.memory_space<vmem>>
        %dma_wait3A_140 = tpu.memref_squeeze %dma_wait3A_139 : memref<1x125xi32, #tpu.memory_space<vmem>> -> memref<125xi32, #tpu.memory_space<vmem>>
        %dma_wait3A_141 = arith.constant 0 : i32
        %dma_wait3A_142 = arith.constant 0 : i32
        %dma_wait3A_143 = tpu.memref_slice %arg3[%dma_wait3A_141, %dma_wait3A_142] : memref<10000x80xf32, #tpu.memory_space<hbm>> -> memref<10000x80xf32, #tpu.memory_space<hbm>>
        tpu.wait_indirect_dma semaphore(%arg21 : memref<!tpu.dma_semaphore, #tpu.memory_space<semaphore_mem>>) src(%dma_wait3A_143 : memref<10000x80xf32, #tpu.memory_space<hbm>>) dst(%arg11 : memref<125x80xf32, #tpu.memory_space<vmem>>)
        %run_scoped3A = arith.constant 1 : i32
        "tpu.region"() ({
          %run_scoped3A_270 = tpu.sem_alloc : memref<!tpu.dma_semaphore, #tpu.memory_space<semaphore_mem>>
          %dma_start3A_271 = arith.constant 0 : i32
          %dma_start3A_272 = tpu.memref_slice %arg6[%run_scoped3A, %dma_start3A_271] : memref<2x125xi32, #tpu.memory_space<vmem>> -> memref<1x125xi32, #tpu.memory_space<vmem>>
          %dma_start3A_273 = tpu.memref_squeeze %dma_start3A_272 : memref<1x125xi32, #tpu.memory_space<vmem>> -> memref<125xi32, #tpu.memory_space<vmem>>
          %dma_start3A_274 = arith.constant 0 : i32
          %dma_start3A_275 = arith.constant 0 : i32
          %dma_start3A_276 = tpu.memref_slice %arg26[%dma_start3A_274, %dma_start3A_275] : memref<10000x80xf32, #tpu.memory_space<vmem_shared>> -> memref<10000x80xf32, #tpu.memory_space<vmem_shared>>
          tpu.enqueue_indirect_dma source(%arg11 : memref<125x80xf32, #tpu.memory_space<vmem>>) target(%dma_start3A_276 : memref<10000x80xf32, #tpu.memory_space<vmem_shared>>) offsets(%dma_start3A_273 : memref<125xi32, #tpu.memory_space<vmem>>) semaphore(%run_scoped3A_270 : memref<!tpu.dma_semaphore, #tpu.memory_space<semaphore_mem>>) {add = true}
          %dma_wait3A_277 = arith.constant 0 : i32
          %dma_wait3A_278 = tpu.memref_slice %arg6[%run_scoped3A, %dma_wait3A_277] : memref<2x125xi32, #tpu.memory_space<vmem>> -> memref<1x125xi32, #tpu.memory_space<vmem>>
          %dma_wait3A_279 = tpu.memref_squeeze %dma_wait3A_278 : memref<1x125xi32, #tpu.memory_space<vmem>> -> memref<125xi32, #tpu.memory_space<vmem>>
          %dma_wait3A_280 = arith.constant 0 : i32
          %dma_wait3A_281 = arith.constant 0 : i32
          %dma_wait3A_282 = tpu.memref_slice %arg26[%dma_wait3A_280, %dma_wait3A_281] : memref<10000x80xf32, #tpu.memory_space<vmem_shared>> -> memref<10000x80xf32, #tpu.memory_space<vmem_shared>>
          tpu.wait_indirect_dma semaphore(%run_scoped3A_270 : memref<!tpu.dma_semaphore, #tpu.memory_space<semaphore_mem>>) src(%arg11 : memref<125x80xf32, #tpu.memory_space<vmem>>) dst(%dma_wait3A_282 : memref<10000x80xf32, #tpu.memory_space<vmem_shared>>)
          tpu.yield
        }) : () -> ()
        %add3A_144 = arith.constant 5 : i32
        %add3A_145 = arith.addi %add3A_136, %add3A_144 : i32
        %lt3A = arith.constant 160 : i32
        %lt3A_146 = arith.cmpi slt, %add3A_145, %lt3A : i32
        %convert_element_type3A_147 = arith.extui %lt3A_146 : i1 to i32
        %cond3A_148 = arith.constant 0 : i32
        %cond3A_149 = arith.cmpi ne, %convert_element_type3A_147, %cond3A_148 : i32
        scf.if %cond3A_149 {
          %add3A_270 = arith.constant 5 : i32
          %add3A_271 = arith.addi %add3A_136, %add3A_270 : i32
          %dma_start3A_272 = arith.constant 0 : i32
          %dma_start3A_273 = arith.constant 0 : i32
          %dma_start3A_274 = tpu.memref_slice %arg4[%arg1, %add3A_271, %dma_start3A_272, %dma_start3A_273] : memref<16x160x2x125xi32, #tpu.memory_space<hbm>> -> memref<1x1x2x125xi32, #tpu.memory_space<hbm>>
          %dma_start3A_275 = tpu.memref_squeeze %dma_start3A_274 : memref<1x1x2x125xi32, #tpu.memory_space<hbm>> -> memref<2x125xi32, #tpu.memory_space<hbm>>
          %dma_start3A_276 = arith.constant 0 : i32
          %dma_start3A_277 = arith.constant 0 : i32
          %dma_start3A_278 = tpu.memref_slice %arg4[%arg1, %add3A_271, %dma_start3A_276, %dma_start3A_277] : memref<16x160x2x125xi32, #tpu.memory_space<hbm>> -> memref<1x1x2x125xi32, #tpu.memory_space<hbm>>
          %dma_start3A_279 = tpu.memref_squeeze %dma_start3A_278 : memref<1x1x2x125xi32, #tpu.memory_space<hbm>> -> memref<2x125xi32, #tpu.memory_space<hbm>>
          tpu.enqueue_dma source(%dma_start3A_279 : memref<2x125xi32, #tpu.memory_space<hbm>>) target(%arg6 : memref<2x125xi32, #tpu.memory_space<vmem>>) target_semaphore(%arg16 : memref<!tpu.dma_semaphore, #tpu.memory_space<semaphore_mem>>)
        } else {
        }
        %add3A_150 = arith.constant 5 : i32
        %add3A_151 = arith.addi %add3A_136, %add3A_150 : i32
        %sub3A = arith.constant 1 : i32
        %sub3A_152 = arith.subi %add3A_151, %sub3A : i32
        %lt3A_153 = arith.constant 160 : i32
        %lt3A_154 = arith.cmpi slt, %sub3A_152, %lt3A_153 : i32
        %convert_element_type3A_155 = arith.extui %lt3A_154 : i1 to i32
        %cond3A_156 = arith.constant 0 : i32
        %cond3A_157 = arith.cmpi ne, %convert_element_type3A_155, %cond3A_156 : i32
        scf.if %cond3A_157 {
          %add3A_270 = arith.constant 5 : i32
          %add3A_271 = arith.addi %add3A_136, %add3A_270 : i32
          %sub3A_272 = arith.constant 1 : i32
          %sub3A_273 = arith.subi %add3A_271, %sub3A_272 : i32
          %dma_wait3A_274 = arith.constant 0 : i32
          %dma_wait3A_275 = arith.constant 0 : i32
          %dma_wait3A_276 = tpu.memref_slice %arg4[%arg1, %sub3A_273, %dma_wait3A_274, %dma_wait3A_275] : memref<16x160x2x125xi32, #tpu.memory_space<hbm>> -> memref<1x1x2x125xi32, #tpu.memory_space<hbm>>
          %dma_wait3A_277 = tpu.memref_squeeze %dma_wait3A_276 : memref<1x1x2x125xi32, #tpu.memory_space<hbm>> -> memref<2x125xi32, #tpu.memory_space<hbm>>
          %dma_wait3A_278 = arith.constant 0 : i32
          %dma_wait3A_279 = arith.constant 0 : i32
          %dma_wait3A_280 = tpu.memref_slice %arg4[%arg1, %sub3A_273, %dma_wait3A_278, %dma_wait3A_279] : memref<16x160x2x125xi32, #tpu.memory_space<hbm>> -> memref<1x1x2x125xi32, #tpu.memory_space<hbm>>
          %dma_wait3A_281 = tpu.memref_squeeze %dma_wait3A_280 : memref<1x1x2x125xi32, #tpu.memory_space<hbm>> -> memref<2x125xi32, #tpu.memory_space<hbm>>
          tpu.wait_dma2 semaphore(%arg20 : memref<!tpu.dma_semaphore, #tpu.memory_space<semaphore_mem>>) src(%dma_wait3A_281 : memref<2x125xi32, #tpu.memory_space<hbm>>) dst(%arg10 : memref<2x125xi32, #tpu.memory_space<vmem>>)
          %dma_start3A_282 = arith.constant 0 : i32
          %dma_start3A_283 = arith.constant 0 : i32
          %dma_start3A_284 = tpu.memref_slice %arg10[%dma_start3A_282, %dma_start3A_283] : memref<2x125xi32, #tpu.memory_space<vmem>> -> memref<1x125xi32, #tpu.memory_space<vmem>>
          %dma_start3A_285 = tpu.memref_squeeze %dma_start3A_284 : memref<1x125xi32, #tpu.memory_space<vmem>> -> memref<125xi32, #tpu.memory_space<vmem>>
          %dma_start3A_286 = arith.constant 0 : i32
          %dma_start3A_287 = arith.constant 0 : i32
          %dma_start3A_288 = tpu.memref_slice %arg3[%dma_start3A_286, %dma_start3A_287] : memref<10000x80xf32, #tpu.memory_space<hbm>> -> memref<10000x80xf32, #tpu.memory_space<hbm>>
          tpu.enqueue_indirect_dma source(%dma_start3A_288 : memref<10000x80xf32, #tpu.memory_space<hbm>>) target(%arg15 : memref<125x80xf32, #tpu.memory_space<vmem>>) offsets(%dma_start3A_285 : memref<125xi32, #tpu.memory_space<vmem>>) semaphore(%arg25 : memref<!tpu.dma_semaphore, #tpu.memory_space<semaphore_mem>>)
        } else {
        }
        %mul3A_158 = arith.constant 5 : i32
        %mul3A_159 = arith.muli %mul3A_158, %scan3A_133 : i32
        %add3A_160 = arith.constant 1 : i32
        %add3A_161 = arith.addi %mul3A_159, %add3A_160 : i32
        %dma_wait3A_162 = arith.constant 0 : i32
        %dma_wait3A_163 = arith.constant 0 : i32
        %dma_wait3A_164 = tpu.memref_slice %arg7[%dma_wait3A_162, %dma_wait3A_163] : memref<2x125xi32, #tpu.memory_space<vmem>> -> memref<1x125xi32, #tpu.memory_space<vmem>>
        %dma_wait3A_165 = tpu.memref_squeeze %dma_wait3A_164 : memref<1x125xi32, #tpu.memory_space<vmem>> -> memref<125xi32, #tpu.memory_space<vmem>>
        %dma_wait3A_166 = arith.constant 0 : i32
        %dma_wait3A_167 = arith.constant 0 : i32
        %dma_wait3A_168 = tpu.memref_slice %arg3[%dma_wait3A_166, %dma_wait3A_167] : memref<10000x80xf32, #tpu.memory_space<hbm>> -> memref<10000x80xf32, #tpu.memory_space<hbm>>
        tpu.wait_indirect_dma semaphore(%arg22 : memref<!tpu.dma_semaphore, #tpu.memory_space<semaphore_mem>>) src(%dma_wait3A_168 : memref<10000x80xf32, #tpu.memory_space<hbm>>) dst(%arg12 : memref<125x80xf32, #tpu.memory_space<vmem>>)
        %run_scoped3A_169 = arith.constant 1 : i32
        "tpu.region"() ({
          %run_scoped3A_270 = tpu.sem_alloc : memref<!tpu.dma_semaphore, #tpu.memory_space<semaphore_mem>>
          %dma_start3A_271 = arith.constant 0 : i32
          %dma_start3A_272 = tpu.memref_slice %arg7[%run_scoped3A_169, %dma_start3A_271] : memref<2x125xi32, #tpu.memory_space<vmem>> -> memref<1x125xi32, #tpu.memory_space<vmem>>
          %dma_start3A_273 = tpu.memref_squeeze %dma_start3A_272 : memref<1x125xi32, #tpu.memory_space<vmem>> -> memref<125xi32, #tpu.memory_space<vmem>>
          %dma_start3A_274 = arith.constant 0 : i32
          %dma_start3A_275 = arith.constant 0 : i32
          %dma_start3A_276 = tpu.memref_slice %arg26[%dma_start3A_274, %dma_start3A_275] : memref<10000x80xf32, #tpu.memory_space<vmem_shared>> -> memref<10000x80xf32, #tpu.memory_space<vmem_shared>>
          tpu.enqueue_indirect_dma source(%arg12 : memref<125x80xf32, #tpu.memory_space<vmem>>) target(%dma_start3A_276 : memref<10000x80xf32, #tpu.memory_space<vmem_shared>>) offsets(%dma_start3A_273 : memref<125xi32, #tpu.memory_space<vmem>>) semaphore(%run_scoped3A_270 : memref<!tpu.dma_semaphore, #tpu.memory_space<semaphore_mem>>) {add = true}
          %dma_wait3A_277 = arith.constant 0 : i32
          %dma_wait3A_278 = tpu.memref_slice %arg7[%run_scoped3A_169, %dma_wait3A_277] : memref<2x125xi32, #tpu.memory_space<vmem>> -> memref<1x125xi32, #tpu.memory_space<vmem>>
          %dma_wait3A_279 = tpu.memref_squeeze %dma_wait3A_278 : memref<1x125xi32, #tpu.memory_space<vmem>> -> memref<125xi32, #tpu.memory_space<vmem>>
          %dma_wait3A_280 = arith.constant 0 : i32
          %dma_wait3A_281 = arith.constant 0 : i32
          %dma_wait3A_282 = tpu.memref_slice %arg26[%dma_wait3A_280, %dma_wait3A_281] : memref<10000x80xf32, #tpu.memory_space<vmem_shared>> -> memref<10000x80xf32, #tpu.memory_space<vmem_shared>>
          tpu.wait_indirect_dma semaphore(%run_scoped3A_270 : memref<!tpu.dma_semaphore, #tpu.memory_space<semaphore_mem>>) src(%arg12 : memref<125x80xf32, #tpu.memory_space<vmem>>) dst(%dma_wait3A_282 : memref<10000x80xf32, #tpu.memory_space<vmem_shared>>)
          tpu.yield
        }) : () -> ()
        %add3A_170 = arith.constant 5 : i32
        %add3A_171 = arith.addi %add3A_161, %add3A_170 : i32
        %lt3A_172 = arith.constant 160 : i32
        %lt3A_173 = arith.cmpi slt, %add3A_171, %lt3A_172 : i32
        %convert_element_type3A_174 = arith.extui %lt3A_173 : i1 to i32
        %cond3A_175 = arith.constant 0 : i32
        %cond3A_176 = arith.cmpi ne, %convert_element_type3A_174, %cond3A_175 : i32
        scf.if %cond3A_176 {
          %add3A_270 = arith.constant 5 : i32
          %add3A_271 = arith.addi %add3A_161, %add3A_270 : i32
          %dma_start3A_272 = arith.constant 0 : i32
          %dma_start3A_273 = arith.constant 0 : i32
          %dma_start3A_274 = tpu.memref_slice %arg4[%arg1, %add3A_271, %dma_start3A_272, %dma_start3A_273] : memref<16x160x2x125xi32, #tpu.memory_space<hbm>> -> memref<1x1x2x125xi32, #tpu.memory_space<hbm>>
          %dma_start3A_275 = tpu.memref_squeeze %dma_start3A_274 : memref<1x1x2x125xi32, #tpu.memory_space<hbm>> -> memref<2x125xi32, #tpu.memory_space<hbm>>
          %dma_start3A_276 = arith.constant 0 : i32
          %dma_start3A_277 = arith.constant 0 : i32
          %dma_start3A_278 = tpu.memref_slice %arg4[%arg1, %add3A_271, %dma_start3A_276, %dma_start3A_277] : memref<16x160x2x125xi32, #tpu.memory_space<hbm>> -> memref<1x1x2x125xi32, #tpu.memory_space<hbm>>
          %dma_start3A_279 = tpu.memref_squeeze %dma_start3A_278 : memref<1x1x2x125xi32, #tpu.memory_space<hbm>> -> memref<2x125xi32, #tpu.memory_space<hbm>>
          tpu.enqueue_dma source(%dma_start3A_279 : memref<2x125xi32, #tpu.memory_space<hbm>>) target(%arg7 : memref<2x125xi32, #tpu.memory_space<vmem>>) target_semaphore(%arg17 : memref<!tpu.dma_semaphore, #tpu.memory_space<semaphore_mem>>)
        } else {
        }
        %add3A_177 = arith.constant 5 : i32
        %add3A_178 = arith.addi %add3A_161, %add3A_177 : i32
        %sub3A_179 = arith.constant 1 : i32
        %sub3A_180 = arith.subi %add3A_178, %sub3A_179 : i32
        %lt3A_181 = arith.constant 160 : i32
        %lt3A_182 = arith.cmpi slt, %sub3A_180, %lt3A_181 : i32
        %convert_element_type3A_183 = arith.extui %lt3A_182 : i1 to i32
        %cond3A_184 = arith.constant 0 : i32
        %cond3A_185 = arith.cmpi ne, %convert_element_type3A_183, %cond3A_184 : i32
        scf.if %cond3A_185 {
          %add3A_270 = arith.constant 5 : i32
          %add3A_271 = arith.addi %add3A_161, %add3A_270 : i32
          %sub3A_272 = arith.constant 1 : i32
          %sub3A_273 = arith.subi %add3A_271, %sub3A_272 : i32
          %dma_wait3A_274 = arith.constant 0 : i32
          %dma_wait3A_275 = arith.constant 0 : i32
          %dma_wait3A_276 = tpu.memref_slice %arg4[%arg1, %sub3A_273, %dma_wait3A_274, %dma_wait3A_275] : memref<16x160x2x125xi32, #tpu.memory_space<hbm>> -> memref<1x1x2x125xi32, #tpu.memory_space<hbm>>
          %dma_wait3A_277 = tpu.memref_squeeze %dma_wait3A_276 : memref<1x1x2x125xi32, #tpu.memory_space<hbm>> -> memref<2x125xi32, #tpu.memory_space<hbm>>
          %dma_wait3A_278 = arith.constant 0 : i32
          %dma_wait3A_279 = arith.constant 0 : i32
          %dma_wait3A_280 = tpu.memref_slice %arg4[%arg1, %sub3A_273, %dma_wait3A_278, %dma_wait3A_279] : memref<16x160x2x125xi32, #tpu.memory_space<hbm>> -> memref<1x1x2x125xi32, #tpu.memory_space<hbm>>
          %dma_wait3A_281 = tpu.memref_squeeze %dma_wait3A_280 : memref<1x1x2x125xi32, #tpu.memory_space<hbm>> -> memref<2x125xi32, #tpu.memory_space<hbm>>
          tpu.wait_dma2 semaphore(%arg16 : memref<!tpu.dma_semaphore, #tpu.memory_space<semaphore_mem>>) src(%dma_wait3A_281 : memref<2x125xi32, #tpu.memory_space<hbm>>) dst(%arg6 : memref<2x125xi32, #tpu.memory_space<vmem>>)
          %dma_start3A_282 = arith.constant 0 : i32
          %dma_start3A_283 = arith.constant 0 : i32
          %dma_start3A_284 = tpu.memref_slice %arg6[%dma_start3A_282, %dma_start3A_283] : memref<2x125xi32, #tpu.memory_space<vmem>> -> memref<1x125xi32, #tpu.memory_space<vmem>>
          %dma_start3A_285 = tpu.memref_squeeze %dma_start3A_284 : memref<1x125xi32, #tpu.memory_space<vmem>> -> memref<125xi32, #tpu.memory_space<vmem>>
          %dma_start3A_286 = arith.constant 0 : i32
          %dma_start3A_287 = arith.constant 0 : i32
          %dma_start3A_288 = tpu.memref_slice %arg3[%dma_start3A_286, %dma_start3A_287] : memref<10000x80xf32, #tpu.memory_space<hbm>> -> memref<10000x80xf32, #tpu.memory_space<hbm>>
          tpu.enqueue_indirect_dma source(%dma_start3A_288 : memref<10000x80xf32, #tpu.memory_space<hbm>>) target(%arg11 : memref<125x80xf32, #tpu.memory_space<vmem>>) offsets(%dma_start3A_285 : memref<125xi32, #tpu.memory_space<vmem>>) semaphore(%arg21 : memref<!tpu.dma_semaphore, #tpu.memory_space<semaphore_mem>>)
        } else {
        }
        %mul3A_186 = arith.constant 5 : i32
        %mul3A_187 = arith.muli %mul3A_186, %scan3A_133 : i32
        %add3A_188 = arith.constant 2 : i32
        %add3A_189 = arith.addi %mul3A_187, %add3A_188 : i32
        %dma_wait3A_190 = arith.constant 0 : i32
        %dma_wait3A_191 = arith.constant 0 : i32
        %dma_wait3A_192 = tpu.memref_slice %arg8[%dma_wait3A_190, %dma_wait3A_191] : memref<2x125xi32, #tpu.memory_space<vmem>> -> memref<1x125xi32, #tpu.memory_space<vmem>>
        %dma_wait3A_193 = tpu.memref_squeeze %dma_wait3A_192 : memref<1x125xi32, #tpu.memory_space<vmem>> -> memref<125xi32, #tpu.memory_space<vmem>>
        %dma_wait3A_194 = arith.constant 0 : i32
        %dma_wait3A_195 = arith.constant 0 : i32
        %dma_wait3A_196 = tpu.memref_slice %arg3[%dma_wait3A_194, %dma_wait3A_195] : memref<10000x80xf32, #tpu.memory_space<hbm>> -> memref<10000x80xf32, #tpu.memory_space<hbm>>
        tpu.wait_indirect_dma semaphore(%arg23 : memref<!tpu.dma_semaphore, #tpu.memory_space<semaphore_mem>>) src(%dma_wait3A_196 : memref<10000x80xf32, #tpu.memory_space<hbm>>) dst(%arg13 : memref<125x80xf32, #tpu.memory_space<vmem>>)
        %run_scoped3A_197 = arith.constant 1 : i32
        "tpu.region"() ({
          %run_scoped3A_270 = tpu.sem_alloc : memref<!tpu.dma_semaphore, #tpu.memory_space<semaphore_mem>>
          %dma_start3A_271 = arith.constant 0 : i32
          %dma_start3A_272 = tpu.memref_slice %arg8[%run_scoped3A_197, %dma_start3A_271] : memref<2x125xi32, #tpu.memory_space<vmem>> -> memref<1x125xi32, #tpu.memory_space<vmem>>
          %dma_start3A_273 = tpu.memref_squeeze %dma_start3A_272 : memref<1x125xi32, #tpu.memory_space<vmem>> -> memref<125xi32, #tpu.memory_space<vmem>>
          %dma_start3A_274 = arith.constant 0 : i32
          %dma_start3A_275 = arith.constant 0 : i32
          %dma_start3A_276 = tpu.memref_slice %arg26[%dma_start3A_274, %dma_start3A_275] : memref<10000x80xf32, #tpu.memory_space<vmem_shared>> -> memref<10000x80xf32, #tpu.memory_space<vmem_shared>>
          tpu.enqueue_indirect_dma source(%arg13 : memref<125x80xf32, #tpu.memory_space<vmem>>) target(%dma_start3A_276 : memref<10000x80xf32, #tpu.memory_space<vmem_shared>>) offsets(%dma_start3A_273 : memref<125xi32, #tpu.memory_space<vmem>>) semaphore(%run_scoped3A_270 : memref<!tpu.dma_semaphore, #tpu.memory_space<semaphore_mem>>) {add = true}
          %dma_wait3A_277 = arith.constant 0 : i32
          %dma_wait3A_278 = tpu.memref_slice %arg8[%run_scoped3A_197, %dma_wait3A_277] : memref<2x125xi32, #tpu.memory_space<vmem>> -> memref<1x125xi32, #tpu.memory_space<vmem>>
          %dma_wait3A_279 = tpu.memref_squeeze %dma_wait3A_278 : memref<1x125xi32, #tpu.memory_space<vmem>> -> memref<125xi32, #tpu.memory_space<vmem>>
          %dma_wait3A_280 = arith.constant 0 : i32
          %dma_wait3A_281 = arith.constant 0 : i32
          %dma_wait3A_282 = tpu.memref_slice %arg26[%dma_wait3A_280, %dma_wait3A_281] : memref<10000x80xf32, #tpu.memory_space<vmem_shared>> -> memref<10000x80xf32, #tpu.memory_space<vmem_shared>>
          tpu.wait_indirect_dma semaphore(%run_scoped3A_270 : memref<!tpu.dma_semaphore, #tpu.memory_space<semaphore_mem>>) src(%arg13 : memref<125x80xf32, #tpu.memory_space<vmem>>) dst(%dma_wait3A_282 : memref<10000x80xf32, #tpu.memory_space<vmem_shared>>)
          tpu.yield
        }) : () -> ()
        %add3A_198 = arith.constant 5 : i32
        %add3A_199 = arith.addi %add3A_189, %add3A_198 : i32
        %lt3A_200 = arith.constant 160 : i32
        %lt3A_201 = arith.cmpi slt, %add3A_199, %lt3A_200 : i32
        %convert_element_type3A_202 = arith.extui %lt3A_201 : i1 to i32
        %cond3A_203 = arith.constant 0 : i32
        %cond3A_204 = arith.cmpi ne, %convert_element_type3A_202, %cond3A_203 : i32
        scf.if %cond3A_204 {
          %add3A_270 = arith.constant 5 : i32
          %add3A_271 = arith.addi %add3A_189, %add3A_270 : i32
          %dma_start3A_272 = arith.constant 0 : i32
          %dma_start3A_273 = arith.constant 0 : i32
          %dma_start3A_274 = tpu.memref_slice %arg4[%arg1, %add3A_271, %dma_start3A_272, %dma_start3A_273] : memref<16x160x2x125xi32, #tpu.memory_space<hbm>> -> memref<1x1x2x125xi32, #tpu.memory_space<hbm>>
          %dma_start3A_275 = tpu.memref_squeeze %dma_start3A_274 : memref<1x1x2x125xi32, #tpu.memory_space<hbm>> -> memref<2x125xi32, #tpu.memory_space<hbm>>
          %dma_start3A_276 = arith.constant 0 : i32
          %dma_start3A_277 = arith.constant 0 : i32
          %dma_start3A_278 = tpu.memref_slice %arg4[%arg1, %add3A_271, %dma_start3A_276, %dma_start3A_277] : memref<16x160x2x125xi32, #tpu.memory_space<hbm>> -> memref<1x1x2x125xi32, #tpu.memory_space<hbm>>
          %dma_start3A_279 = tpu.memref_squeeze %dma_start3A_278 : memref<1x1x2x125xi32, #tpu.memory_space<hbm>> -> memref<2x125xi32, #tpu.memory_space<hbm>>
          tpu.enqueue_dma source(%dma_start3A_279 : memref<2x125xi32, #tpu.memory_space<hbm>>) target(%arg8 : memref<2x125xi32, #tpu.memory_space<vmem>>) target_semaphore(%arg18 : memref<!tpu.dma_semaphore, #tpu.memory_space<semaphore_mem>>)
        } else {
        }
        %add3A_205 = arith.constant 5 : i32
        %add3A_206 = arith.addi %add3A_189, %add3A_205 : i32
        %sub3A_207 = arith.constant 1 : i32
        %sub3A_208 = arith.subi %add3A_206, %sub3A_207 : i32
        %lt3A_209 = arith.constant 160 : i32
        %lt3A_210 = arith.cmpi slt, %sub3A_208, %lt3A_209 : i32
        %convert_element_type3A_211 = arith.extui %lt3A_210 : i1 to i32
        %cond3A_212 = arith.constant 0 : i32
        %cond3A_213 = arith.cmpi ne, %convert_element_type3A_211, %cond3A_212 : i32
        scf.if %cond3A_213 {
          %add3A_270 = arith.constant 5 : i32
          %add3A_271 = arith.addi %add3A_189, %add3A_270 : i32
          %sub3A_272 = arith.constant 1 : i32
          %sub3A_273 = arith.subi %add3A_271, %sub3A_272 : i32
          %dma_wait3A_274 = arith.constant 0 : i32
          %dma_wait3A_275 = arith.constant 0 : i32
          %dma_wait3A_276 = tpu.memref_slice %arg4[%arg1, %sub3A_273, %dma_wait3A_274, %dma_wait3A_275] : memref<16x160x2x125xi32, #tpu.memory_space<hbm>> -> memref<1x1x2x125xi32, #tpu.memory_space<hbm>>
          %dma_wait3A_277 = tpu.memref_squeeze %dma_wait3A_276 : memref<1x1x2x125xi32, #tpu.memory_space<hbm>> -> memref<2x125xi32, #tpu.memory_space<hbm>>
          %dma_wait3A_278 = arith.constant 0 : i32
          %dma_wait3A_279 = arith.constant 0 : i32
          %dma_wait3A_280 = tpu.memref_slice %arg4[%arg1, %sub3A_273, %dma_wait3A_278, %dma_wait3A_279] : memref<16x160x2x125xi32, #tpu.memory_space<hbm>> -> memref<1x1x2x125xi32, #tpu.memory_space<hbm>>
          %dma_wait3A_281 = tpu.memref_squeeze %dma_wait3A_280 : memref<1x1x2x125xi32, #tpu.memory_space<hbm>> -> memref<2x125xi32, #tpu.memory_space<hbm>>
          tpu.wait_dma2 semaphore(%arg17 : memref<!tpu.dma_semaphore, #tpu.memory_space<semaphore_mem>>) src(%dma_wait3A_281 : memref<2x125xi32, #tpu.memory_space<hbm>>) dst(%arg7 : memref<2x125xi32, #tpu.memory_space<vmem>>)
          %dma_start3A_282 = arith.constant 0 : i32
          %dma_start3A_283 = arith.constant 0 : i32
          %dma_start3A_284 = tpu.memref_slice %arg7[%dma_start3A_282, %dma_start3A_283] : memref<2x125xi32, #tpu.memory_space<vmem>> -> memref<1x125xi32, #tpu.memory_space<vmem>>
          %dma_start3A_285 = tpu.memref_squeeze %dma_start3A_284 : memref<1x125xi32, #tpu.memory_space<vmem>> -> memref<125xi32, #tpu.memory_space<vmem>>
          %dma_start3A_286 = arith.constant 0 : i32
          %dma_start3A_287 = arith.constant 0 : i32
          %dma_start3A_288 = tpu.memref_slice %arg3[%dma_start3A_286, %dma_start3A_287] : memref<10000x80xf32, #tpu.memory_space<hbm>> -> memref<10000x80xf32, #tpu.memory_space<hbm>>
          tpu.enqueue_indirect_dma source(%dma_start3A_288 : memref<10000x80xf32, #tpu.memory_space<hbm>>) target(%arg12 : memref<125x80xf32, #tpu.memory_space<vmem>>) offsets(%dma_start3A_285 : memref<125xi32, #tpu.memory_space<vmem>>) semaphore(%arg22 : memref<!tpu.dma_semaphore, #tpu.memory_space<semaphore_mem>>)
        } else {
        }
        %mul3A_214 = arith.constant 5 : i32
        %mul3A_215 = arith.muli %mul3A_214, %scan3A_133 : i32
        %add3A_216 = arith.constant 3 : i32
        %add3A_217 = arith.addi %mul3A_215, %add3A_216 : i32
        %dma_wait3A_218 = arith.constant 0 : i32
        %dma_wait3A_219 = arith.constant 0 : i32
        %dma_wait3A_220 = tpu.memref_slice %arg9[%dma_wait3A_218, %dma_wait3A_219] : memref<2x125xi32, #tpu.memory_space<vmem>> -> memref<1x125xi32, #tpu.memory_space<vmem>>
        %dma_wait3A_221 = tpu.memref_squeeze %dma_wait3A_220 : memref<1x125xi32, #tpu.memory_space<vmem>> -> memref<125xi32, #tpu.memory_space<vmem>>
        %dma_wait3A_222 = arith.constant 0 : i32
        %dma_wait3A_223 = arith.constant 0 : i32
        %dma_wait3A_224 = tpu.memref_slice %arg3[%dma_wait3A_222, %dma_wait3A_223] : memref<10000x80xf32, #tpu.memory_space<hbm>> -> memref<10000x80xf32, #tpu.memory_space<hbm>>
        tpu.wait_indirect_dma semaphore(%arg24 : memref<!tpu.dma_semaphore, #tpu.memory_space<semaphore_mem>>) src(%dma_wait3A_224 : memref<10000x80xf32, #tpu.memory_space<hbm>>) dst(%arg14 : memref<125x80xf32, #tpu.memory_space<vmem>>)
        %run_scoped3A_225 = arith.constant 1 : i32
        "tpu.region"() ({
          %run_scoped3A_270 = tpu.sem_alloc : memref<!tpu.dma_semaphore, #tpu.memory_space<semaphore_mem>>
          %dma_start3A_271 = arith.constant 0 : i32
          %dma_start3A_272 = tpu.memref_slice %arg9[%run_scoped3A_225, %dma_start3A_271] : memref<2x125xi32, #tpu.memory_space<vmem>> -> memref<1x125xi32, #tpu.memory_space<vmem>>
          %dma_start3A_273 = tpu.memref_squeeze %dma_start3A_272 : memref<1x125xi32, #tpu.memory_space<vmem>> -> memref<125xi32, #tpu.memory_space<vmem>>
          %dma_start3A_274 = arith.constant 0 : i32
          %dma_start3A_275 = arith.constant 0 : i32
          %dma_start3A_276 = tpu.memref_slice %arg26[%dma_start3A_274, %dma_start3A_275] : memref<10000x80xf32, #tpu.memory_space<vmem_shared>> -> memref<10000x80xf32, #tpu.memory_space<vmem_shared>>
          tpu.enqueue_indirect_dma source(%arg14 : memref<125x80xf32, #tpu.memory_space<vmem>>) target(%dma_start3A_276 : memref<10000x80xf32, #tpu.memory_space<vmem_shared>>) offsets(%dma_start3A_273 : memref<125xi32, #tpu.memory_space<vmem>>) semaphore(%run_scoped3A_270 : memref<!tpu.dma_semaphore, #tpu.memory_space<semaphore_mem>>) {add = true}
          %dma_wait3A_277 = arith.constant 0 : i32
          %dma_wait3A_278 = tpu.memref_slice %arg9[%run_scoped3A_225, %dma_wait3A_277] : memref<2x125xi32, #tpu.memory_space<vmem>> -> memref<1x125xi32, #tpu.memory_space<vmem>>
          %dma_wait3A_279 = tpu.memref_squeeze %dma_wait3A_278 : memref<1x125xi32, #tpu.memory_space<vmem>> -> memref<125xi32, #tpu.memory_space<vmem>>
          %dma_wait3A_280 = arith.constant 0 : i32
          %dma_wait3A_281 = arith.constant 0 : i32
          %dma_wait3A_282 = tpu.memref_slice %arg26[%dma_wait3A_280, %dma_wait3A_281] : memref<10000x80xf32, #tpu.memory_space<vmem_shared>> -> memref<10000x80xf32, #tpu.memory_space<vmem_shared>>
          tpu.wait_indirect_dma semaphore(%run_scoped3A_270 : memref<!tpu.dma_semaphore, #tpu.memory_space<semaphore_mem>>) src(%arg14 : memref<125x80xf32, #tpu.memory_space<vmem>>) dst(%dma_wait3A_282 : memref<10000x80xf32, #tpu.memory_space<vmem_shared>>)
          tpu.yield
        }) : () -> ()
        %add3A_226 = arith.constant 5 : i32
        %add3A_227 = arith.addi %add3A_217, %add3A_226 : i32
        %lt3A_228 = arith.constant 160 : i32
        %lt3A_229 = arith.cmpi slt, %add3A_227, %lt3A_228 : i32
        %convert_element_type3A_230 = arith.extui %lt3A_229 : i1 to i32
        %cond3A_231 = arith.constant 0 : i32
        %cond3A_232 = arith.cmpi ne, %convert_element_type3A_230, %cond3A_231 : i32
        scf.if %cond3A_232 {
          %add3A_270 = arith.constant 5 : i32
          %add3A_271 = arith.addi %add3A_217, %add3A_270 : i32
          %dma_start3A_272 = arith.constant 0 : i32
          %dma_start3A_273 = arith.constant 0 : i32
          %dma_start3A_274 = tpu.memref_slice %arg4[%arg1, %add3A_271, %dma_start3A_272, %dma_start3A_273] : memref<16x160x2x125xi32, #tpu.memory_space<hbm>> -> memref<1x1x2x125xi32, #tpu.memory_space<hbm>>
          %dma_start3A_275 = tpu.memref_squeeze %dma_start3A_274 : memref<1x1x2x125xi32, #tpu.memory_space<hbm>> -> memref<2x125xi32, #tpu.memory_space<hbm>>
          %dma_start3A_276 = arith.constant 0 : i32
          %dma_start3A_277 = arith.constant 0 : i32
          %dma_start3A_278 = tpu.memref_slice %arg4[%arg1, %add3A_271, %dma_start3A_276, %dma_start3A_277] : memref<16x160x2x125xi32, #tpu.memory_space<hbm>> -> memref<1x1x2x125xi32, #tpu.memory_space<hbm>>
          %dma_start3A_279 = tpu.memref_squeeze %dma_start3A_278 : memref<1x1x2x125xi32, #tpu.memory_space<hbm>> -> memref<2x125xi32, #tpu.memory_space<hbm>>
          tpu.enqueue_dma source(%dma_start3A_279 : memref<2x125xi32, #tpu.memory_space<hbm>>) target(%arg9 : memref<2x125xi32, #tpu.memory_space<vmem>>) target_semaphore(%arg19 : memref<!tpu.dma_semaphore, #tpu.memory_space<semaphore_mem>>)
        } else {
        }
        %add3A_233 = arith.constant 5 : i32
        %add3A_234 = arith.addi %add3A_217, %add3A_233 : i32
        %sub3A_235 = arith.constant 1 : i32
        %sub3A_236 = arith.subi %add3A_234, %sub3A_235 : i32
        %lt3A_237 = arith.constant 160 : i32
        %lt3A_238 = arith.cmpi slt, %sub3A_236, %lt3A_237 : i32
        %convert_element_type3A_239 = arith.extui %lt3A_238 : i1 to i32
        %cond3A_240 = arith.constant 0 : i32
        %cond3A_241 = arith.cmpi ne, %convert_element_type3A_239, %cond3A_240 : i32
        scf.if %cond3A_241 {
          %add3A_270 = arith.constant 5 : i32
          %add3A_271 = arith.addi %add3A_217, %add3A_270 : i32
          %sub3A_272 = arith.constant 1 : i32
          %sub3A_273 = arith.subi %add3A_271, %sub3A_272 : i32
          %dma_wait3A_274 = arith.constant 0 : i32
          %dma_wait3A_275 = arith.constant 0 : i32
          %dma_wait3A_276 = tpu.memref_slice %arg4[%arg1, %sub3A_273, %dma_wait3A_274, %dma_wait3A_275] : memref<16x160x2x125xi32, #tpu.memory_space<hbm>> -> memref<1x1x2x125xi32, #tpu.memory_space<hbm>>
          %dma_wait3A_277 = tpu.memref_squeeze %dma_wait3A_276 : memref<1x1x2x125xi32, #tpu.memory_space<hbm>> -> memref<2x125xi32, #tpu.memory_space<hbm>>
          %dma_wait3A_278 = arith.constant 0 : i32
          %dma_wait3A_279 = arith.constant 0 : i32
          %dma_wait3A_280 = tpu.memref_slice %arg4[%arg1, %sub3A_273, %dma_wait3A_278, %dma_wait3A_279] : memref<16x160x2x125xi32, #tpu.memory_space<hbm>> -> memref<1x1x2x125xi32, #tpu.memory_space<hbm>>
          %dma_wait3A_281 = tpu.memref_squeeze %dma_wait3A_280 : memref<1x1x2x125xi32, #tpu.memory_space<hbm>> -> memref<2x125xi32, #tpu.memory_space<hbm>>
          tpu.wait_dma2 semaphore(%arg18 : memref<!tpu.dma_semaphore, #tpu.memory_space<semaphore_mem>>) src(%dma_wait3A_281 : memref<2x125xi32, #tpu.memory_space<hbm>>) dst(%arg8 : memref<2x125xi32, #tpu.memory_space<vmem>>)
          %dma_start3A_282 = arith.constant 0 : i32
          %dma_start3A_283 = arith.constant 0 : i32
          %dma_start3A_284 = tpu.memref_slice %arg8[%dma_start3A_282, %dma_start3A_283] : memref<2x125xi32, #tpu.memory_space<vmem>> -> memref<1x125xi32, #tpu.memory_space<vmem>>
          %dma_start3A_285 = tpu.memref_squeeze %dma_start3A_284 : memref<1x125xi32, #tpu.memory_space<vmem>> -> memref<125xi32, #tpu.memory_space<vmem>>
          %dma_start3A_286 = arith.constant 0 : i32
          %dma_start3A_287 = arith.constant 0 : i32
          %dma_start3A_288 = tpu.memref_slice %arg3[%dma_start3A_286, %dma_start3A_287] : memref<10000x80xf32, #tpu.memory_space<hbm>> -> memref<10000x80xf32, #tpu.memory_space<hbm>>
          tpu.enqueue_indirect_dma source(%dma_start3A_288 : memref<10000x80xf32, #tpu.memory_space<hbm>>) target(%arg13 : memref<125x80xf32, #tpu.memory_space<vmem>>) offsets(%dma_start3A_285 : memref<125xi32, #tpu.memory_space<vmem>>) semaphore(%arg23 : memref<!tpu.dma_semaphore, #tpu.memory_space<semaphore_mem>>)
        } else {
        }
        %mul3A_242 = arith.constant 5 : i32
        %mul3A_243 = arith.muli %mul3A_242, %scan3A_133 : i32
        %add3A_244 = arith.constant 4 : i32
        %add3A_245 = arith.addi %mul3A_243, %add3A_244 : i32
        %dma_wait3A_246 = arith.constant 0 : i32
        %dma_wait3A_247 = arith.constant 0 : i32
        %dma_wait3A_248 = tpu.memref_slice %arg10[%dma_wait3A_246, %dma_wait3A_247] : memref<2x125xi32, #tpu.memory_space<vmem>> -> memref<1x125xi32, #tpu.memory_space<vmem>>
        %dma_wait3A_249 = tpu.memref_squeeze %dma_wait3A_248 : memref<1x125xi32, #tpu.memory_space<vmem>> -> memref<125xi32, #tpu.memory_space<vmem>>
        %dma_wait3A_250 = arith.constant 0 : i32
        %dma_wait3A_251 = arith.constant 0 : i32
        %dma_wait3A_252 = tpu.memref_slice %arg3[%dma_wait3A_250, %dma_wait3A_251] : memref<10000x80xf32, #tpu.memory_space<hbm>> -> memref<10000x80xf32, #tpu.memory_space<hbm>>
        tpu.wait_indirect_dma semaphore(%arg25 : memref<!tpu.dma_semaphore, #tpu.memory_space<semaphore_mem>>) src(%dma_wait3A_252 : memref<10000x80xf32, #tpu.memory_space<hbm>>) dst(%arg15 : memref<125x80xf32, #tpu.memory_space<vmem>>)
        %run_scoped3A_253 = arith.constant 1 : i32
        "tpu.region"() ({
          %run_scoped3A_270 = tpu.sem_alloc : memref<!tpu.dma_semaphore, #tpu.memory_space<semaphore_mem>>
          %dma_start3A_271 = arith.constant 0 : i32
          %dma_start3A_272 = tpu.memref_slice %arg10[%run_scoped3A_253, %dma_start3A_271] : memref<2x125xi32, #tpu.memory_space<vmem>> -> memref<1x125xi32, #tpu.memory_space<vmem>>
          %dma_start3A_273 = tpu.memref_squeeze %dma_start3A_272 : memref<1x125xi32, #tpu.memory_space<vmem>> -> memref<125xi32, #tpu.memory_space<vmem>>
          %dma_start3A_274 = arith.constant 0 : i32
          %dma_start3A_275 = arith.constant 0 : i32
          %dma_start3A_276 = tpu.memref_slice %arg26[%dma_start3A_274, %dma_start3A_275] : memref<10000x80xf32, #tpu.memory_space<vmem_shared>> -> memref<10000x80xf32, #tpu.memory_space<vmem_shared>>
          tpu.enqueue_indirect_dma source(%arg15 : memref<125x80xf32, #tpu.memory_space<vmem>>) target(%dma_start3A_276 : memref<10000x80xf32, #tpu.memory_space<vmem_shared>>) offsets(%dma_start3A_273 : memref<125xi32, #tpu.memory_space<vmem>>) semaphore(%run_scoped3A_270 : memref<!tpu.dma_semaphore, #tpu.memory_space<semaphore_mem>>) {add = true}
          %dma_wait3A_277 = arith.constant 0 : i32
          %dma_wait3A_278 = tpu.memref_slice %arg10[%run_scoped3A_253, %dma_wait3A_277] : memref<2x125xi32, #tpu.memory_space<vmem>> -> memref<1x125xi32, #tpu.memory_space<vmem>>
          %dma_wait3A_279 = tpu.memref_squeeze %dma_wait3A_278 : memref<1x125xi32, #tpu.memory_space<vmem>> -> memref<125xi32, #tpu.memory_space<vmem>>
          %dma_wait3A_280 = arith.constant 0 : i32
          %dma_wait3A_281 = arith.constant 0 : i32
          %dma_wait3A_282 = tpu.memref_slice %arg26[%dma_wait3A_280, %dma_wait3A_281] : memref<10000x80xf32, #tpu.memory_space<vmem_shared>> -> memref<10000x80xf32, #tpu.memory_space<vmem_shared>>
          tpu.wait_indirect_dma semaphore(%run_scoped3A_270 : memref<!tpu.dma_semaphore, #tpu.memory_space<semaphore_mem>>) src(%arg15 : memref<125x80xf32, #tpu.memory_space<vmem>>) dst(%dma_wait3A_282 : memref<10000x80xf32, #tpu.memory_space<vmem_shared>>)
          tpu.yield
        }) : () -> ()
        %add3A_254 = arith.constant 5 : i32
        %add3A_255 = arith.addi %add3A_245, %add3A_254 : i32
        %lt3A_256 = arith.constant 160 : i32
        %lt3A_257 = arith.cmpi slt, %add3A_255, %lt3A_256 : i32
        %convert_element_type3A_258 = arith.extui %lt3A_257 : i1 to i32
        %cond3A_259 = arith.constant 0 : i32
        %cond3A_260 = arith.cmpi ne, %convert_element_type3A_258, %cond3A_259 : i32
        scf.if %cond3A_260 {
          %add3A_270 = arith.constant 5 : i32
          %add3A_271 = arith.addi %add3A_245, %add3A_270 : i32
          %dma_start3A_272 = arith.constant 0 : i32
          %dma_start3A_273 = arith.constant 0 : i32
          %dma_start3A_274 = tpu.memref_slice %arg4[%arg1, %add3A_271, %dma_start3A_272, %dma_start3A_273] : memref<16x160x2x125xi32, #tpu.memory_space<hbm>> -> memref<1x1x2x125xi32, #tpu.memory_space<hbm>>
          %dma_start3A_275 = tpu.memref_squeeze %dma_start3A_274 : memref<1x1x2x125xi32, #tpu.memory_space<hbm>> -> memref<2x125xi32, #tpu.memory_space<hbm>>
          %dma_start3A_276 = arith.constant 0 : i32
          %dma_start3A_277 = arith.constant 0 : i32
          %dma_start3A_278 = tpu.memref_slice %arg4[%arg1, %add3A_271, %dma_start3A_276, %dma_start3A_277] : memref<16x160x2x125xi32, #tpu.memory_space<hbm>> -> memref<1x1x2x125xi32, #tpu.memory_space<hbm>>
          %dma_start3A_279 = tpu.memref_squeeze %dma_start3A_278 : memref<1x1x2x125xi32, #tpu.memory_space<hbm>> -> memref<2x125xi32, #tpu.memory_space<hbm>>
          tpu.enqueue_dma source(%dma_start3A_279 : memref<2x125xi32, #tpu.memory_space<hbm>>) target(%arg10 : memref<2x125xi32, #tpu.memory_space<vmem>>) target_semaphore(%arg20 : memref<!tpu.dma_semaphore, #tpu.memory_space<semaphore_mem>>)
        } else {
        }
        %add3A_261 = arith.constant 5 : i32
        %add3A_262 = arith.addi %add3A_245, %add3A_261 : i32
        %sub3A_263 = arith.constant 1 : i32
        %sub3A_264 = arith.subi %add3A_262, %sub3A_263 : i32
        %lt3A_265 = arith.constant 160 : i32
        %lt3A_266 = arith.cmpi slt, %sub3A_264, %lt3A_265 : i32
        %convert_element_type3A_267 = arith.extui %lt3A_266 : i1 to i32
        %cond3A_268 = arith.constant 0 : i32
        %cond3A_269 = arith.cmpi ne, %convert_element_type3A_267, %cond3A_268 : i32
        scf.if %cond3A_269 {
          %add3A_270 = arith.constant 5 : i32
          %add3A_271 = arith.addi %add3A_245, %add3A_270 : i32
          %sub3A_272 = arith.constant 1 : i32
          %sub3A_273 = arith.subi %add3A_271, %sub3A_272 : i32
          %dma_wait3A_274 = arith.constant 0 : i32
          %dma_wait3A_275 = arith.constant 0 : i32
          %dma_wait3A_276 = tpu.memref_slice %arg4[%arg1, %sub3A_273, %dma_wait3A_274, %dma_wait3A_275] : memref<16x160x2x125xi32, #tpu.memory_space<hbm>> -> memref<1x1x2x125xi32, #tpu.memory_space<hbm>>
          %dma_wait3A_277 = tpu.memref_squeeze %dma_wait3A_276 : memref<1x1x2x125xi32, #tpu.memory_space<hbm>> -> memref<2x125xi32, #tpu.memory_space<hbm>>
          %dma_wait3A_278 = arith.constant 0 : i32
          %dma_wait3A_279 = arith.constant 0 : i32
          %dma_wait3A_280 = tpu.memref_slice %arg4[%arg1, %sub3A_273, %dma_wait3A_278, %dma_wait3A_279] : memref<16x160x2x125xi32, #tpu.memory_space<hbm>> -> memref<1x1x2x125xi32, #tpu.memory_space<hbm>>
          %dma_wait3A_281 = tpu.memref_squeeze %dma_wait3A_280 : memref<1x1x2x125xi32, #tpu.memory_space<hbm>> -> memref<2x125xi32, #tpu.memory_space<hbm>>
          tpu.wait_dma2 semaphore(%arg19 : memref<!tpu.dma_semaphore, #tpu.memory_space<semaphore_mem>>) src(%dma_wait3A_281 : memref<2x125xi32, #tpu.memory_space<hbm>>) dst(%arg9 : memref<2x125xi32, #tpu.memory_space<vmem>>)
          %dma_start3A_282 = arith.constant 0 : i32
          %dma_start3A_283 = arith.constant 0 : i32
          %dma_start3A_284 = tpu.memref_slice %arg9[%dma_start3A_282, %dma_start3A_283] : memref<2x125xi32, #tpu.memory_space<vmem>> -> memref<1x125xi32, #tpu.memory_space<vmem>>
          %dma_start3A_285 = tpu.memref_squeeze %dma_start3A_284 : memref<1x125xi32, #tpu.memory_space<vmem>> -> memref<125xi32, #tpu.memory_space<vmem>>
          %dma_start3A_286 = arith.constant 0 : i32
          %dma_start3A_287 = arith.constant 0 : i32
          %dma_start3A_288 = tpu.memref_slice %arg3[%dma_start3A_286, %dma_start3A_287] : memref<10000x80xf32, #tpu.memory_space<hbm>> -> memref<10000x80xf32, #tpu.memory_space<hbm>>
          tpu.enqueue_indirect_dma source(%dma_start3A_288 : memref<10000x80xf32, #tpu.memory_space<hbm>>) target(%arg14 : memref<125x80xf32, #tpu.memory_space<vmem>>) offsets(%dma_start3A_285 : memref<125xi32, #tpu.memory_space<vmem>>) semaphore(%arg24 : memref<!tpu.dma_semaphore, #tpu.memory_space<semaphore_mem>>)
        } else {
        }
      }
      %scan3A_132 = arith.constant 32 : i32
    } else {
    }
    %barrier3A = arith.constant 0 : index
    tpu.barrier barrier_id(%barrier3A)
    %mul3A = arith.constant 624 : i32
    %mul3A_6 = arith.muli %arg1, %mul3A : i32
    %multiple_of3A = tpu.assume_multiple %mul3A_6, 8 : i32
    "tpu.region"() ({
      %run_scoped3A = tpu.sem_alloc : memref<!tpu.dma_semaphore, #tpu.memory_space<semaphore_mem>>
      %dma_start3A = arith.constant 0 : i32
      %dma_start3A_12 = tpu.memref_slice %arg5[%arg0, %multiple_of3A, %dma_start3A] : memref<2x10000x80xf32, #tpu.memory_space<hbm>> -> memref<1x624x80xf32, #tpu.memory_space<hbm>>
      %dma_start3A_13 = tpu.memref_squeeze %dma_start3A_12 : memref<1x624x80xf32, #tpu.memory_space<hbm>> -> memref<624x80xf32, #tpu.memory_space<hbm>>
      %dma_start3A_14 = arith.constant 0 : i32
      %dma_start3A_15 = tpu.memref_slice %arg26[%multiple_of3A, %dma_start3A_14] : memref<10000x80xf32, #tpu.memory_space<vmem_shared>> -> memref<624x80xf32, #tpu.memory_space<vmem_shared>>
      tpu.enqueue_dma source(%dma_start3A_15 : memref<624x80xf32, #tpu.memory_space<vmem_shared>>) target(%dma_start3A_13 : memref<624x80xf32, #tpu.memory_space<hbm>>) target_semaphore(%run_scoped3A : memref<!tpu.dma_semaphore, #tpu.memory_space<semaphore_mem>>)
      %dma_wait3A = arith.constant 0 : i32
      %dma_wait3A_16 = tpu.memref_slice %arg5[%arg0, %multiple_of3A, %dma_wait3A] : memref<2x10000x80xf32, #tpu.memory_space<hbm>> -> memref<1x624x80xf32, #tpu.memory_space<hbm>>
      %dma_wait3A_17 = tpu.memref_squeeze %dma_wait3A_16 : memref<1x624x80xf32, #tpu.memory_space<hbm>> -> memref<624x80xf32, #tpu.memory_space<hbm>>
      %dma_wait3A_18 = arith.constant 0 : i32
      %dma_wait3A_19 = tpu.memref_slice %arg26[%multiple_of3A, %dma_wait3A_18] : memref<10000x80xf32, #tpu.memory_space<vmem_shared>> -> memref<624x80xf32, #tpu.memory_space<vmem_shared>>
      tpu.wait_dma2 semaphore(%run_scoped3A : memref<!tpu.dma_semaphore, #tpu.memory_space<semaphore_mem>>) src(%dma_wait3A_19 : memref<624x80xf32, #tpu.memory_space<vmem_shared>>) dst(%dma_wait3A_17 : memref<624x80xf32, #tpu.memory_space<hbm>>)
      tpu.yield
    }) : () -> ()
    %eq3A_7 = arith.constant 15 : i32
    %eq3A_8 = arith.cmpi eq, %arg1, %eq3A_7 : i32
    %convert_element_type3A_9 = arith.extui %eq3A_8 : i1 to i32
    %cond3A_10 = arith.constant 0 : i32
    %cond3A_11 = arith.cmpi ne, %convert_element_type3A_9, %cond3A_10 : i32
    scf.if %cond3A_11 {
      "tpu.region"() ({
        %run_scoped3A = tpu.sem_alloc : memref<!tpu.dma_semaphore, #tpu.memory_space<semaphore_mem>>
        %dma_start3A = arith.constant 9984 : i32
        %dma_start3A_12 = arith.constant 0 : i32
        %dma_start3A_13 = tpu.memref_slice %arg5[%arg0, %dma_start3A, %dma_start3A_12] : memref<2x10000x80xf32, #tpu.memory_space<hbm>> -> memref<1x16x80xf32, #tpu.memory_space<hbm>>
        %dma_start3A_14 = tpu.memref_squeeze %dma_start3A_13 : memref<1x16x80xf32, #tpu.memory_space<hbm>> -> memref<16x80xf32, #tpu.memory_space<hbm>>
        %dma_start3A_15 = arith.constant 9984 : i32
        %dma_start3A_16 = arith.constant 0 : i32
        %dma_start3A_17 = tpu.memref_slice %arg26[%dma_start3A_15, %dma_start3A_16] : memref<10000x80xf32, #tpu.memory_space<vmem_shared>> -> memref<16x80xf32, #tpu.memory_space<vmem_shared>>
        tpu.enqueue_dma source(%dma_start3A_17 : memref<16x80xf32, #tpu.memory_space<vmem_shared>>) target(%dma_start3A_14 : memref<16x80xf32, #tpu.memory_space<hbm>>) target_semaphore(%run_scoped3A : memref<!tpu.dma_semaphore, #tpu.memory_space<semaphore_mem>>)
        %dma_wait3A = arith.constant 9984 : i32
        %dma_wait3A_18 = arith.constant 0 : i32
        %dma_wait3A_19 = tpu.memref_slice %arg5[%arg0, %dma_wait3A, %dma_wait3A_18] : memref<2x10000x80xf32, #tpu.memory_space<hbm>> -> memref<1x16x80xf32, #tpu.memory_space<hbm>>
        %dma_wait3A_20 = tpu.memref_squeeze %dma_wait3A_19 : memref<1x16x80xf32, #tpu.memory_space<hbm>> -> memref<16x80xf32, #tpu.memory_space<hbm>>
        %dma_wait3A_21 = arith.constant 9984 : i32
        %dma_wait3A_22 = arith.constant 0 : i32
        %dma_wait3A_23 = tpu.memref_slice %arg26[%dma_wait3A_21, %dma_wait3A_22] : memref<10000x80xf32, #tpu.memory_space<vmem_shared>> -> memref<16x80xf32, #tpu.memory_space<vmem_shared>>
        tpu.wait_dma2 semaphore(%run_scoped3A : memref<!tpu.dma_semaphore, #tpu.memory_space<semaphore_mem>>) src(%dma_wait3A_23 : memref<16x80xf32, #tpu.memory_space<vmem_shared>>) dst(%dma_wait3A_20 : memref<16x80xf32, #tpu.memory_space<hbm>>)
        tpu.yield
      }) : () -> ()
    } else {
    }
    return
  }
}

#map = affine_map<(d0, d1) -> (0, 0, 0)>
#map1 = affine_map<(d0, d1) -> (0, 0)>
module attributes {stable_mosaic.version = 14 : i64} {
  func.func @_deg_kernel(%arg0: i32, %arg1: i32, %arg2: memref<16x160x125xi32, #tpu.memory_space<hbm>>, %arg3: memref<125x16xf32, #tpu.memory_space<hbm>>, %arg4: memref<10000x16xf32, #tpu.memory_space<hbm>>, %arg5: memref<2x10000x16xf32, #tpu.memory_space<hbm>>, %arg6: memref<80x125xi32, #tpu.memory_space<vmem>>, %arg7: memref<125x16xf32, #tpu.memory_space<vmem>>, %arg8: memref<10000x16xf32, #tpu.memory_space<vmem_shared>>) attributes {dimension_semantics = [#tpu.dimension_semantics<core_parallel>, #tpu.dimension_semantics<subcore_parallel>], iteration_bounds = array<i64: 2, 16>, scalar_prefetch = 0 : i64, scratch_operands = 3 : i64, tpu.core_type = #tpu.core_type<sc_vector_subcore>, window_params = [{transform_indices = #map}, {transform_indices = #map1}, {transform_indices = #map1}, {transform_indices = #map}]} {
    %mul3A = arith.constant 624 : i32
    %mul3A_0 = arith.muli %arg1, %mul3A : i32
    %multiple_of3A = tpu.assume_multiple %mul3A_0, 8 : i32
    "tpu.region"() ({
      %run_scoped3A = tpu.sem_alloc : memref<!tpu.dma_semaphore, #tpu.memory_space<semaphore_mem>>
      %dma_start3A = arith.constant 0 : i32
      %dma_start3A_19 = tpu.memref_slice %arg8[%multiple_of3A, %dma_start3A] : memref<10000x16xf32, #tpu.memory_space<vmem_shared>> -> memref<624x16xf32, #tpu.memory_space<vmem_shared>>
      %dma_start3A_20 = arith.constant 0 : i32
      %dma_start3A_21 = tpu.memref_slice %arg4[%multiple_of3A, %dma_start3A_20] : memref<10000x16xf32, #tpu.memory_space<hbm>> -> memref<624x16xf32, #tpu.memory_space<hbm>>
      tpu.enqueue_dma source(%dma_start3A_21 : memref<624x16xf32, #tpu.memory_space<hbm>>) target(%dma_start3A_19 : memref<624x16xf32, #tpu.memory_space<vmem_shared>>) target_semaphore(%run_scoped3A : memref<!tpu.dma_semaphore, #tpu.memory_space<semaphore_mem>>)
      %dma_wait3A = arith.constant 0 : i32
      %dma_wait3A_22 = tpu.memref_slice %arg8[%multiple_of3A, %dma_wait3A] : memref<10000x16xf32, #tpu.memory_space<vmem_shared>> -> memref<624x16xf32, #tpu.memory_space<vmem_shared>>
      %dma_wait3A_23 = arith.constant 0 : i32
      %dma_wait3A_24 = tpu.memref_slice %arg4[%multiple_of3A, %dma_wait3A_23] : memref<10000x16xf32, #tpu.memory_space<hbm>> -> memref<624x16xf32, #tpu.memory_space<hbm>>
      tpu.wait_dma2 semaphore(%run_scoped3A : memref<!tpu.dma_semaphore, #tpu.memory_space<semaphore_mem>>) src(%dma_wait3A_24 : memref<624x16xf32, #tpu.memory_space<hbm>>) dst(%dma_wait3A_22 : memref<624x16xf32, #tpu.memory_space<vmem_shared>>)
      tpu.yield
    }) : () -> ()
    %eq3A = arith.constant 15 : i32
    %eq3A_1 = arith.cmpi eq, %arg1, %eq3A : i32
    %convert_element_type3A = arith.extui %eq3A_1 : i1 to i32
    %cond3A = arith.constant 0 : i32
    %cond3A_2 = arith.cmpi ne, %convert_element_type3A, %cond3A : i32
    scf.if %cond3A_2 {
      "tpu.region"() ({
        %run_scoped3A = tpu.sem_alloc : memref<!tpu.dma_semaphore, #tpu.memory_space<semaphore_mem>>
        %dma_start3A = arith.constant 9984 : i32
        %dma_start3A_19 = arith.constant 0 : i32
        %dma_start3A_20 = tpu.memref_slice %arg8[%dma_start3A, %dma_start3A_19] : memref<10000x16xf32, #tpu.memory_space<vmem_shared>> -> memref<16x16xf32, #tpu.memory_space<vmem_shared>>
        %dma_start3A_21 = arith.constant 9984 : i32
        %dma_start3A_22 = arith.constant 0 : i32
        %dma_start3A_23 = tpu.memref_slice %arg4[%dma_start3A_21, %dma_start3A_22] : memref<10000x16xf32, #tpu.memory_space<hbm>> -> memref<16x16xf32, #tpu.memory_space<hbm>>
        tpu.enqueue_dma source(%dma_start3A_23 : memref<16x16xf32, #tpu.memory_space<hbm>>) target(%dma_start3A_20 : memref<16x16xf32, #tpu.memory_space<vmem_shared>>) target_semaphore(%run_scoped3A : memref<!tpu.dma_semaphore, #tpu.memory_space<semaphore_mem>>)
        %dma_wait3A = arith.constant 9984 : i32
        %dma_wait3A_24 = arith.constant 0 : i32
        %dma_wait3A_25 = tpu.memref_slice %arg8[%dma_wait3A, %dma_wait3A_24] : memref<10000x16xf32, #tpu.memory_space<vmem_shared>> -> memref<16x16xf32, #tpu.memory_space<vmem_shared>>
        %dma_wait3A_26 = arith.constant 9984 : i32
        %dma_wait3A_27 = arith.constant 0 : i32
        %dma_wait3A_28 = tpu.memref_slice %arg4[%dma_wait3A_26, %dma_wait3A_27] : memref<10000x16xf32, #tpu.memory_space<hbm>> -> memref<16x16xf32, #tpu.memory_space<hbm>>
        tpu.wait_dma2 semaphore(%run_scoped3A : memref<!tpu.dma_semaphore, #tpu.memory_space<semaphore_mem>>) src(%dma_wait3A_28 : memref<16x16xf32, #tpu.memory_space<hbm>>) dst(%dma_wait3A_25 : memref<16x16xf32, #tpu.memory_space<vmem_shared>>)
        tpu.yield
      }) : () -> ()
    } else {
    }
    %mul3A_3 = arith.constant 80 : i32
    %mul3A_4 = arith.muli %arg0, %mul3A_3 : i32
    "tpu.region"() ({
      %run_scoped3A = tpu.sem_alloc : memref<!tpu.dma_semaphore, #tpu.memory_space<semaphore_mem>>
      %dma_start3A = arith.constant 0 : i32
      %dma_start3A_19 = tpu.memref_slice %arg2[%arg1, %mul3A_4, %dma_start3A] : memref<16x160x125xi32, #tpu.memory_space<hbm>> -> memref<1x80x125xi32, #tpu.memory_space<hbm>>
      %dma_start3A_20 = tpu.memref_squeeze %dma_start3A_19 : memref<1x80x125xi32, #tpu.memory_space<hbm>> -> memref<80x125xi32, #tpu.memory_space<hbm>>
      %dma_start3A_21 = arith.constant 0 : i32
      %dma_start3A_22 = tpu.memref_slice %arg2[%arg1, %mul3A_4, %dma_start3A_21] : memref<16x160x125xi32, #tpu.memory_space<hbm>> -> memref<1x80x125xi32, #tpu.memory_space<hbm>>
      %dma_start3A_23 = tpu.memref_squeeze %dma_start3A_22 : memref<1x80x125xi32, #tpu.memory_space<hbm>> -> memref<80x125xi32, #tpu.memory_space<hbm>>
      tpu.enqueue_dma source(%dma_start3A_23 : memref<80x125xi32, #tpu.memory_space<hbm>>) target(%arg6 : memref<80x125xi32, #tpu.memory_space<vmem>>) target_semaphore(%run_scoped3A : memref<!tpu.dma_semaphore, #tpu.memory_space<semaphore_mem>>)
      %dma_wait3A = arith.constant 0 : i32
      %dma_wait3A_24 = tpu.memref_slice %arg2[%arg1, %mul3A_4, %dma_wait3A] : memref<16x160x125xi32, #tpu.memory_space<hbm>> -> memref<1x80x125xi32, #tpu.memory_space<hbm>>
      %dma_wait3A_25 = tpu.memref_squeeze %dma_wait3A_24 : memref<1x80x125xi32, #tpu.memory_space<hbm>> -> memref<80x125xi32, #tpu.memory_space<hbm>>
      %dma_wait3A_26 = arith.constant 0 : i32
      %dma_wait3A_27 = tpu.memref_slice %arg2[%arg1, %mul3A_4, %dma_wait3A_26] : memref<16x160x125xi32, #tpu.memory_space<hbm>> -> memref<1x80x125xi32, #tpu.memory_space<hbm>>
      %dma_wait3A_28 = tpu.memref_squeeze %dma_wait3A_27 : memref<1x80x125xi32, #tpu.memory_space<hbm>> -> memref<80x125xi32, #tpu.memory_space<hbm>>
      tpu.wait_dma2 semaphore(%run_scoped3A : memref<!tpu.dma_semaphore, #tpu.memory_space<semaphore_mem>>) src(%dma_wait3A_28 : memref<80x125xi32, #tpu.memory_space<hbm>>) dst(%arg6 : memref<80x125xi32, #tpu.memory_space<vmem>>)
      tpu.yield
    }) : () -> ()
    "tpu.region"() ({
      %run_scoped3A = tpu.sem_alloc : memref<!tpu.dma_semaphore, #tpu.memory_space<semaphore_mem>>
      tpu.enqueue_dma source(%arg3 : memref<125x16xf32, #tpu.memory_space<hbm>>) target(%arg7 : memref<125x16xf32, #tpu.memory_space<vmem>>) target_semaphore(%run_scoped3A : memref<!tpu.dma_semaphore, #tpu.memory_space<semaphore_mem>>)
      tpu.wait_dma2 semaphore(%run_scoped3A : memref<!tpu.dma_semaphore, #tpu.memory_space<semaphore_mem>>) src(%arg3 : memref<125x16xf32, #tpu.memory_space<hbm>>) dst(%arg7 : memref<125x16xf32, #tpu.memory_space<vmem>>)
      tpu.yield
    }) : () -> ()
    %barrier3A = arith.constant 0 : index
    tpu.barrier barrier_id(%barrier3A)
    %scan3A = arith.constant 0 : i32
    %scan3A_5 = arith.constant 0 : i32
    %scan3A_6 = arith.constant 80 : i32
    %scan3A_7 = arith.addi %scan3A_5, %scan3A_6 : i32
    %scan3A_8 = arith.constant 1 : i32
    scf.for %scan3A_19 = %scan3A_5 to %scan3A_7 step %scan3A_8  : i32 {
      "tpu.region"() ({
        %run_scoped3A = tpu.sem_alloc : memref<!tpu.dma_semaphore, #tpu.memory_space<semaphore_mem>>
        %dma_start3A = arith.constant 0 : i32
        %dma_start3A_20 = tpu.memref_slice %arg6[%scan3A_19, %dma_start3A] : memref<80x125xi32, #tpu.memory_space<vmem>> -> memref<1x125xi32, #tpu.memory_space<vmem>>
        %dma_start3A_21 = tpu.memref_squeeze %dma_start3A_20 : memref<1x125xi32, #tpu.memory_space<vmem>> -> memref<125xi32, #tpu.memory_space<vmem>>
        %dma_start3A_22 = arith.constant 0 : i32
        %dma_start3A_23 = arith.constant 0 : i32
        %dma_start3A_24 = tpu.memref_slice %arg8[%dma_start3A_22, %dma_start3A_23] : memref<10000x16xf32, #tpu.memory_space<vmem_shared>> -> memref<10000x16xf32, #tpu.memory_space<vmem_shared>>
        tpu.enqueue_indirect_dma source(%arg7 : memref<125x16xf32, #tpu.memory_space<vmem>>) target(%dma_start3A_24 : memref<10000x16xf32, #tpu.memory_space<vmem_shared>>) offsets(%dma_start3A_21 : memref<125xi32, #tpu.memory_space<vmem>>) semaphore(%run_scoped3A : memref<!tpu.dma_semaphore, #tpu.memory_space<semaphore_mem>>) {add = true}
        %dma_wait3A = arith.constant 0 : i32
        %dma_wait3A_25 = tpu.memref_slice %arg6[%scan3A_19, %dma_wait3A] : memref<80x125xi32, #tpu.memory_space<vmem>> -> memref<1x125xi32, #tpu.memory_space<vmem>>
        %dma_wait3A_26 = tpu.memref_squeeze %dma_wait3A_25 : memref<1x125xi32, #tpu.memory_space<vmem>> -> memref<125xi32, #tpu.memory_space<vmem>>
        %dma_wait3A_27 = arith.constant 0 : i32
        %dma_wait3A_28 = arith.constant 0 : i32
        %dma_wait3A_29 = tpu.memref_slice %arg8[%dma_wait3A_27, %dma_wait3A_28] : memref<10000x16xf32, #tpu.memory_space<vmem_shared>> -> memref<10000x16xf32, #tpu.memory_space<vmem_shared>>
        tpu.wait_indirect_dma semaphore(%run_scoped3A : memref<!tpu.dma_semaphore, #tpu.memory_space<semaphore_mem>>) src(%arg7 : memref<125x16xf32, #tpu.memory_space<vmem>>) dst(%dma_wait3A_29 : memref<10000x16xf32, #tpu.memory_space<vmem_shared>>)
        tpu.yield
      }) : () -> ()
    }
    %scan3A_9 = arith.constant 80 : i32
    %barrier3A_10 = arith.constant 0 : index
    tpu.barrier barrier_id(%barrier3A_10)
    %mul3A_11 = arith.constant 624 : i32
    %mul3A_12 = arith.muli %arg1, %mul3A_11 : i32
    %multiple_of3A_13 = tpu.assume_multiple %mul3A_12, 8 : i32
    "tpu.region"() ({
      %run_scoped3A = tpu.sem_alloc : memref<!tpu.dma_semaphore, #tpu.memory_space<semaphore_mem>>
      %dma_start3A = arith.constant 0 : i32
      %dma_start3A_19 = tpu.memref_slice %arg5[%arg0, %multiple_of3A_13, %dma_start3A] : memref<2x10000x16xf32, #tpu.memory_space<hbm>> -> memref<1x624x16xf32, #tpu.memory_space<hbm>>
      %dma_start3A_20 = tpu.memref_squeeze %dma_start3A_19 : memref<1x624x16xf32, #tpu.memory_space<hbm>> -> memref<624x16xf32, #tpu.memory_space<hbm>>
      %dma_start3A_21 = arith.constant 0 : i32
      %dma_start3A_22 = tpu.memref_slice %arg8[%multiple_of3A_13, %dma_start3A_21] : memref<10000x16xf32, #tpu.memory_space<vmem_shared>> -> memref<624x16xf32, #tpu.memory_space<vmem_shared>>
      tpu.enqueue_dma source(%dma_start3A_22 : memref<624x16xf32, #tpu.memory_space<vmem_shared>>) target(%dma_start3A_20 : memref<624x16xf32, #tpu.memory_space<hbm>>) target_semaphore(%run_scoped3A : memref<!tpu.dma_semaphore, #tpu.memory_space<semaphore_mem>>)
      %dma_wait3A = arith.constant 0 : i32
      %dma_wait3A_23 = tpu.memref_slice %arg5[%arg0, %multiple_of3A_13, %dma_wait3A] : memref<2x10000x16xf32, #tpu.memory_space<hbm>> -> memref<1x624x16xf32, #tpu.memory_space<hbm>>
      %dma_wait3A_24 = tpu.memref_squeeze %dma_wait3A_23 : memref<1x624x16xf32, #tpu.memory_space<hbm>> -> memref<624x16xf32, #tpu.memory_space<hbm>>
      %dma_wait3A_25 = arith.constant 0 : i32
      %dma_wait3A_26 = tpu.memref_slice %arg8[%multiple_of3A_13, %dma_wait3A_25] : memref<10000x16xf32, #tpu.memory_space<vmem_shared>> -> memref<624x16xf32, #tpu.memory_space<vmem_shared>>
      tpu.wait_dma2 semaphore(%run_scoped3A : memref<!tpu.dma_semaphore, #tpu.memory_space<semaphore_mem>>) src(%dma_wait3A_26 : memref<624x16xf32, #tpu.memory_space<vmem_shared>>) dst(%dma_wait3A_24 : memref<624x16xf32, #tpu.memory_space<hbm>>)
      tpu.yield
    }) : () -> ()
    %eq3A_14 = arith.constant 15 : i32
    %eq3A_15 = arith.cmpi eq, %arg1, %eq3A_14 : i32
    %convert_element_type3A_16 = arith.extui %eq3A_15 : i1 to i32
    %cond3A_17 = arith.constant 0 : i32
    %cond3A_18 = arith.cmpi ne, %convert_element_type3A_16, %cond3A_17 : i32
    scf.if %cond3A_18 {
      "tpu.region"() ({
        %run_scoped3A = tpu.sem_alloc : memref<!tpu.dma_semaphore, #tpu.memory_space<semaphore_mem>>
        %dma_start3A = arith.constant 9984 : i32
        %dma_start3A_19 = arith.constant 0 : i32
        %dma_start3A_20 = tpu.memref_slice %arg5[%arg0, %dma_start3A, %dma_start3A_19] : memref<2x10000x16xf32, #tpu.memory_space<hbm>> -> memref<1x16x16xf32, #tpu.memory_space<hbm>>
        %dma_start3A_21 = tpu.memref_squeeze %dma_start3A_20 : memref<1x16x16xf32, #tpu.memory_space<hbm>> -> memref<16x16xf32, #tpu.memory_space<hbm>>
        %dma_start3A_22 = arith.constant 9984 : i32
        %dma_start3A_23 = arith.constant 0 : i32
        %dma_start3A_24 = tpu.memref_slice %arg8[%dma_start3A_22, %dma_start3A_23] : memref<10000x16xf32, #tpu.memory_space<vmem_shared>> -> memref<16x16xf32, #tpu.memory_space<vmem_shared>>
        tpu.enqueue_dma source(%dma_start3A_24 : memref<16x16xf32, #tpu.memory_space<vmem_shared>>) target(%dma_start3A_21 : memref<16x16xf32, #tpu.memory_space<hbm>>) target_semaphore(%run_scoped3A : memref<!tpu.dma_semaphore, #tpu.memory_space<semaphore_mem>>)
        %dma_wait3A = arith.constant 9984 : i32
        %dma_wait3A_25 = arith.constant 0 : i32
        %dma_wait3A_26 = tpu.memref_slice %arg5[%arg0, %dma_wait3A, %dma_wait3A_25] : memref<2x10000x16xf32, #tpu.memory_space<hbm>> -> memref<1x16x16xf32, #tpu.memory_space<hbm>>
        %dma_wait3A_27 = tpu.memref_squeeze %dma_wait3A_26 : memref<1x16x16xf32, #tpu.memory_space<hbm>> -> memref<16x16xf32, #tpu.memory_space<hbm>>
        %dma_wait3A_28 = arith.constant 9984 : i32
        %dma_wait3A_29 = arith.constant 0 : i32
        %dma_wait3A_30 = tpu.memref_slice %arg8[%dma_wait3A_28, %dma_wait3A_29] : memref<10000x16xf32, #tpu.memory_space<vmem_shared>> -> memref<16x16xf32, #tpu.memory_space<vmem_shared>>
        tpu.wait_dma2 semaphore(%run_scoped3A : memref<!tpu.dma_semaphore, #tpu.memory_space<semaphore_mem>>) src(%dma_wait3A_30 : memref<16x16xf32, #tpu.memory_space<vmem_shared>>) dst(%dma_wait3A_27 : memref<16x16xf32, #tpu.memory_space<hbm>>)
        tpu.yield
      }) : () -> ()
    } else {
    }
    return
  }
}

#map = affine_map<(d0, d1) -> (0, 0)>
#map1 = affine_map<(d0, d1) -> (0, 0, 0, 0)>
#map2 = affine_map<(d0, d1) -> (0, 0, 0)>
module attributes {stable_mosaic.version = 14 : i64} {
  func.func @_spmm_kernel(%arg0: i32, %arg1: i32, %arg2: memref<10000x80xf32, #tpu.memory_space<hbm>>, %arg3: memref<10000x80xf32, #tpu.memory_space<hbm>>, %arg4: memref<16x160x2x125xi32, #tpu.memory_space<hbm>>, %arg5: memref<2x10000x80xf32, #tpu.memory_space<hbm>>, %arg6: memref<2x125xi32, #tpu.memory_space<vmem>>, %arg7: memref<2x125xi32, #tpu.memory_space<vmem>>, %arg8: memref<2x125xi32, #tpu.memory_space<vmem>>, %arg9: memref<2x125xi32, #tpu.memory_space<vmem>>, %arg10: memref<2x125xi32, #tpu.memory_space<vmem>>, %arg11: memref<125x80xf32, #tpu.memory_space<vmem>>, %arg12: memref<125x80xf32, #tpu.memory_space<vmem>>, %arg13: memref<125x80xf32, #tpu.memory_space<vmem>>, %arg14: memref<125x80xf32, #tpu.memory_space<vmem>>, %arg15: memref<125x80xf32, #tpu.memory_space<vmem>>, %arg16: memref<!tpu.dma_semaphore, #tpu.memory_space<semaphore_mem>>, %arg17: memref<!tpu.dma_semaphore, #tpu.memory_space<semaphore_mem>>, %arg18: memref<!tpu.dma_semaphore, #tpu.memory_space<semaphore_mem>>, %arg19: memref<!tpu.dma_semaphore, #tpu.memory_space<semaphore_mem>>, %arg20: memref<!tpu.dma_semaphore, #tpu.memory_space<semaphore_mem>>, %arg21: memref<!tpu.dma_semaphore, #tpu.memory_space<semaphore_mem>>, %arg22: memref<!tpu.dma_semaphore, #tpu.memory_space<semaphore_mem>>, %arg23: memref<!tpu.dma_semaphore, #tpu.memory_space<semaphore_mem>>, %arg24: memref<!tpu.dma_semaphore, #tpu.memory_space<semaphore_mem>>, %arg25: memref<!tpu.dma_semaphore, #tpu.memory_space<semaphore_mem>>, %arg26: memref<10000x80xf32, #tpu.memory_space<vmem_shared>>) attributes {dimension_semantics = [#tpu.dimension_semantics<core_parallel>, #tpu.dimension_semantics<subcore_parallel>], iteration_bounds = array<i64: 2, 16>, scalar_prefetch = 0 : i64, scratch_operands = 21 : i64, tpu.core_type = #tpu.core_type<sc_vector_subcore>, window_params = [{transform_indices = #map}, {transform_indices = #map}, {transform_indices = #map1}, {transform_indices = #map2}]} {
    %eq3A = arith.constant 0 : i32
    %eq3A_0 = arith.cmpi eq, %arg0, %eq3A : i32
    %convert_element_type3A = arith.extui %eq3A_0 : i1 to i32
    %cond3A = arith.constant 0 : i32
    %cond3A_1 = arith.cmpi ne, %convert_element_type3A, %cond3A : i32
    scf.if %cond3A_1 {
      %mul3A_12 = arith.constant 624 : i32
      %mul3A_13 = arith.muli %arg1, %mul3A_12 : i32
      %multiple_of3A_14 = tpu.assume_multiple %mul3A_13, 8 : i32
      "tpu.region"() ({
        %run_scoped3A = tpu.sem_alloc : memref<!tpu.dma_semaphore, #tpu.memory_space<semaphore_mem>>
        %dma_start3A_133 = arith.constant 0 : i32
        %dma_start3A_134 = tpu.memref_slice %arg26[%multiple_of3A_14, %dma_start3A_133] : memref<10000x80xf32, #tpu.memory_space<vmem_shared>> -> memref<624x80xf32, #tpu.memory_space<vmem_shared>>
        %dma_start3A_135 = arith.constant 0 : i32
        %dma_start3A_136 = tpu.memref_slice %arg2[%multiple_of3A_14, %dma_start3A_135] : memref<10000x80xf32, #tpu.memory_space<hbm>> -> memref<624x80xf32, #tpu.memory_space<hbm>>
        tpu.enqueue_dma source(%dma_start3A_136 : memref<624x80xf32, #tpu.memory_space<hbm>>) target(%dma_start3A_134 : memref<624x80xf32, #tpu.memory_space<vmem_shared>>) target_semaphore(%run_scoped3A : memref<!tpu.dma_semaphore, #tpu.memory_space<semaphore_mem>>)
        %dma_wait3A_137 = arith.constant 0 : i32
        %dma_wait3A_138 = tpu.memref_slice %arg26[%multiple_of3A_14, %dma_wait3A_137] : memref<10000x80xf32, #tpu.memory_space<vmem_shared>> -> memref<624x80xf32, #tpu.memory_space<vmem_shared>>
        %dma_wait3A_139 = arith.constant 0 : i32
        %dma_wait3A_140 = tpu.memref_slice %arg2[%multiple_of3A_14, %dma_wait3A_139] : memref<10000x80xf32, #tpu.memory_space<hbm>> -> memref<624x80xf32, #tpu.memory_space<hbm>>
        tpu.wait_dma2 semaphore(%run_scoped3A : memref<!tpu.dma_semaphore, #tpu.memory_space<semaphore_mem>>) src(%dma_wait3A_140 : memref<624x80xf32, #tpu.memory_space<hbm>>) dst(%dma_wait3A_138 : memref<624x80xf32, #tpu.memory_space<vmem_shared>>)
        tpu.yield
      }) : () -> ()
      %eq3A_15 = arith.constant 15 : i32
      %eq3A_16 = arith.cmpi eq, %arg1, %eq3A_15 : i32
      %convert_element_type3A_17 = arith.extui %eq3A_16 : i1 to i32
      %cond3A_18 = arith.constant 0 : i32
      %cond3A_19 = arith.cmpi ne, %convert_element_type3A_17, %cond3A_18 : i32
      scf.if %cond3A_19 {
        "tpu.region"() ({
          %run_scoped3A = tpu.sem_alloc : memref<!tpu.dma_semaphore, #tpu.memory_space<semaphore_mem>>
          %dma_start3A_133 = arith.constant 9984 : i32
          %dma_start3A_134 = arith.constant 0 : i32
          %dma_start3A_135 = tpu.memref_slice %arg26[%dma_start3A_133, %dma_start3A_134] : memref<10000x80xf32, #tpu.memory_space<vmem_shared>> -> memref<16x80xf32, #tpu.memory_space<vmem_shared>>
          %dma_start3A_136 = arith.constant 9984 : i32
          %dma_start3A_137 = arith.constant 0 : i32
          %dma_start3A_138 = tpu.memref_slice %arg2[%dma_start3A_136, %dma_start3A_137] : memref<10000x80xf32, #tpu.memory_space<hbm>> -> memref<16x80xf32, #tpu.memory_space<hbm>>
          tpu.enqueue_dma source(%dma_start3A_138 : memref<16x80xf32, #tpu.memory_space<hbm>>) target(%dma_start3A_135 : memref<16x80xf32, #tpu.memory_space<vmem_shared>>) target_semaphore(%run_scoped3A : memref<!tpu.dma_semaphore, #tpu.memory_space<semaphore_mem>>)
          %dma_wait3A_139 = arith.constant 9984 : i32
          %dma_wait3A_140 = arith.constant 0 : i32
          %dma_wait3A_141 = tpu.memref_slice %arg26[%dma_wait3A_139, %dma_wait3A_140] : memref<10000x80xf32, #tpu.memory_space<vmem_shared>> -> memref<16x80xf32, #tpu.memory_space<vmem_shared>>
          %dma_wait3A_142 = arith.constant 9984 : i32
          %dma_wait3A_143 = arith.constant 0 : i32
          %dma_wait3A_144 = tpu.memref_slice %arg2[%dma_wait3A_142, %dma_wait3A_143] : memref<10000x80xf32, #tpu.memory_space<hbm>> -> memref<16x80xf32, #tpu.memory_space<hbm>>
          tpu.wait_dma2 semaphore(%run_scoped3A : memref<!tpu.dma_semaphore, #tpu.memory_space<semaphore_mem>>) src(%dma_wait3A_144 : memref<16x80xf32, #tpu.memory_space<hbm>>) dst(%dma_wait3A_141 : memref<16x80xf32, #tpu.memory_space<vmem_shared>>)
          tpu.yield
        }) : () -> ()
      } else {
      }
      %dma_start3A = arith.constant 0 : i32
      %dma_start3A_20 = arith.constant 0 : i32
      %dma_start3A_21 = arith.constant 0 : i32
      %dma_start3A_22 = tpu.memref_slice %arg4[%arg1, %dma_start3A, %dma_start3A_20, %dma_start3A_21] : memref<16x160x2x125xi32, #tpu.memory_space<hbm>> -> memref<1x1x2x125xi32, #tpu.memory_space<hbm>>
      %dma_start3A_23 = tpu.memref_squeeze %dma_start3A_22 : memref<1x1x2x125xi32, #tpu.memory_space<hbm>> -> memref<2x125xi32, #tpu.memory_space<hbm>>
      %dma_start3A_24 = arith.constant 0 : i32
      %dma_start3A_25 = arith.constant 0 : i32
      %dma_start3A_26 = tpu.memref_slice %arg4[%arg1, %dma_start3A, %dma_start3A_24, %dma_start3A_25] : memref<16x160x2x125xi32, #tpu.memory_space<hbm>> -> memref<1x1x2x125xi32, #tpu.memory_space<hbm>>
      %dma_start3A_27 = tpu.memref_squeeze %dma_start3A_26 : memref<1x1x2x125xi32, #tpu.memory_space<hbm>> -> memref<2x125xi32, #tpu.memory_space<hbm>>
      tpu.enqueue_dma source(%dma_start3A_27 : memref<2x125xi32, #tpu.memory_space<hbm>>) target(%arg6 : memref<2x125xi32, #tpu.memory_space<vmem>>) target_semaphore(%arg16 : memref<!tpu.dma_semaphore, #tpu.memory_space<semaphore_mem>>)
      %dma_start3A_28 = arith.constant 1 : i32
      %dma_start3A_29 = arith.constant 0 : i32
      %dma_start3A_30 = arith.constant 0 : i32
      %dma_start3A_31 = tpu.memref_slice %arg4[%arg1, %dma_start3A_28, %dma_start3A_29, %dma_start3A_30] : memref<16x160x2x125xi32, #tpu.memory_space<hbm>> -> memref<1x1x2x125xi32, #tpu.memory_space<hbm>>
      %dma_start3A_32 = tpu.memref_squeeze %dma_start3A_31 : memref<1x1x2x125xi32, #tpu.memory_space<hbm>> -> memref<2x125xi32, #tpu.memory_space<hbm>>
      %dma_start3A_33 = arith.constant 0 : i32
      %dma_start3A_34 = arith.constant 0 : i32
      %dma_start3A_35 = tpu.memref_slice %arg4[%arg1, %dma_start3A_28, %dma_start3A_33, %dma_start3A_34] : memref<16x160x2x125xi32, #tpu.memory_space<hbm>> -> memref<1x1x2x125xi32, #tpu.memory_space<hbm>>
      %dma_start3A_36 = tpu.memref_squeeze %dma_start3A_35 : memref<1x1x2x125xi32, #tpu.memory_space<hbm>> -> memref<2x125xi32, #tpu.memory_space<hbm>>
      tpu.enqueue_dma source(%dma_start3A_36 : memref<2x125xi32, #tpu.memory_space<hbm>>) target(%arg7 : memref<2x125xi32, #tpu.memory_space<vmem>>) target_semaphore(%arg17 : memref<!tpu.dma_semaphore, #tpu.memory_space<semaphore_mem>>)
      %dma_start3A_37 = arith.constant 2 : i32
      %dma_start3A_38 = arith.constant 0 : i32
      %dma_start3A_39 = arith.constant 0 : i32
      %dma_start3A_40 = tpu.memref_slice %arg4[%arg1, %dma_start3A_37, %dma_start3A_38, %dma_start3A_39] : memref<16x160x2x125xi32, #tpu.memory_space<hbm>> -> memref<1x1x2x125xi32, #tpu.memory_space<hbm>>
      %dma_start3A_41 = tpu.memref_squeeze %dma_start3A_40 : memref<1x1x2x125xi32, #tpu.memory_space<hbm>> -> memref<2x125xi32, #tpu.memory_space<hbm>>
      %dma_start3A_42 = arith.constant 0 : i32
      %dma_start3A_43 = arith.constant 0 : i32
      %dma_start3A_44 = tpu.memref_slice %arg4[%arg1, %dma_start3A_37, %dma_start3A_42, %dma_start3A_43] : memref<16x160x2x125xi32, #tpu.memory_space<hbm>> -> memref<1x1x2x125xi32, #tpu.memory_space<hbm>>
      %dma_start3A_45 = tpu.memref_squeeze %dma_start3A_44 : memref<1x1x2x125xi32, #tpu.memory_space<hbm>> -> memref<2x125xi32, #tpu.memory_space<hbm>>
      tpu.enqueue_dma source(%dma_start3A_45 : memref<2x125xi32, #tpu.memory_space<hbm>>) target(%arg8 : memref<2x125xi32, #tpu.memory_space<vmem>>) target_semaphore(%arg18 : memref<!tpu.dma_semaphore, #tpu.memory_space<semaphore_mem>>)
      %dma_start3A_46 = arith.constant 3 : i32
      %dma_start3A_47 = arith.constant 0 : i32
      %dma_start3A_48 = arith.constant 0 : i32
      %dma_start3A_49 = tpu.memref_slice %arg4[%arg1, %dma_start3A_46, %dma_start3A_47, %dma_start3A_48] : memref<16x160x2x125xi32, #tpu.memory_space<hbm>> -> memref<1x1x2x125xi32, #tpu.memory_space<hbm>>
      %dma_start3A_50 = tpu.memref_squeeze %dma_start3A_49 : memref<1x1x2x125xi32, #tpu.memory_space<hbm>> -> memref<2x125xi32, #tpu.memory_space<hbm>>
      %dma_start3A_51 = arith.constant 0 : i32
      %dma_start3A_52 = arith.constant 0 : i32
      %dma_start3A_53 = tpu.memref_slice %arg4[%arg1, %dma_start3A_46, %dma_start3A_51, %dma_start3A_52] : memref<16x160x2x125xi32, #tpu.memory_space<hbm>> -> memref<1x1x2x125xi32, #tpu.memory_space<hbm>>
      %dma_start3A_54 = tpu.memref_squeeze %dma_start3A_53 : memref<1x1x2x125xi32, #tpu.memory_space<hbm>> -> memref<2x125xi32, #tpu.memory_space<hbm>>
      tpu.enqueue_dma source(%dma_start3A_54 : memref<2x125xi32, #tpu.memory_space<hbm>>) target(%arg9 : memref<2x125xi32, #tpu.memory_space<vmem>>) target_semaphore(%arg19 : memref<!tpu.dma_semaphore, #tpu.memory_space<semaphore_mem>>)
      %dma_start3A_55 = arith.constant 4 : i32
      %dma_start3A_56 = arith.constant 0 : i32
      %dma_start3A_57 = arith.constant 0 : i32
      %dma_start3A_58 = tpu.memref_slice %arg4[%arg1, %dma_start3A_55, %dma_start3A_56, %dma_start3A_57] : memref<16x160x2x125xi32, #tpu.memory_space<hbm>> -> memref<1x1x2x125xi32, #tpu.memory_space<hbm>>
      %dma_start3A_59 = tpu.memref_squeeze %dma_start3A_58 : memref<1x1x2x125xi32, #tpu.memory_space<hbm>> -> memref<2x125xi32, #tpu.memory_space<hbm>>
      %dma_start3A_60 = arith.constant 0 : i32
      %dma_start3A_61 = arith.constant 0 : i32
      %dma_start3A_62 = tpu.memref_slice %arg4[%arg1, %dma_start3A_55, %dma_start3A_60, %dma_start3A_61] : memref<16x160x2x125xi32, #tpu.memory_space<hbm>> -> memref<1x1x2x125xi32, #tpu.memory_space<hbm>>
      %dma_start3A_63 = tpu.memref_squeeze %dma_start3A_62 : memref<1x1x2x125xi32, #tpu.memory_space<hbm>> -> memref<2x125xi32, #tpu.memory_space<hbm>>
      tpu.enqueue_dma source(%dma_start3A_63 : memref<2x125xi32, #tpu.memory_space<hbm>>) target(%arg10 : memref<2x125xi32, #tpu.memory_space<vmem>>) target_semaphore(%arg20 : memref<!tpu.dma_semaphore, #tpu.memory_space<semaphore_mem>>)
      %barrier3A_64 = arith.constant 0 : index
      tpu.barrier barrier_id(%barrier3A_64)
      %dma_wait3A = arith.constant 0 : i32
      %dma_wait3A_65 = arith.constant 0 : i32
      %dma_wait3A_66 = arith.constant 0 : i32
      %dma_wait3A_67 = tpu.memref_slice %arg4[%arg1, %dma_wait3A, %dma_wait3A_65, %dma_wait3A_66] : memref<16x160x2x125xi32, #tpu.memory_space<hbm>> -> memref<1x1x2x125xi32, #tpu.memory_space<hbm>>
      %dma_wait3A_68 = tpu.memref_squeeze %dma_wait3A_67 : memref<1x1x2x125xi32, #tpu.memory_space<hbm>> -> memref<2x125xi32, #tpu.memory_space<hbm>>
      %dma_wait3A_69 = arith.constant 0 : i32
      %dma_wait3A_70 = arith.constant 0 : i32
      %dma_wait3A_71 = tpu.memref_slice %arg4[%arg1, %dma_wait3A, %dma_wait3A_69, %dma_wait3A_70] : memref<16x160x2x125xi32, #tpu.memory_space<hbm>> -> memref<1x1x2x125xi32, #tpu.memory_space<hbm>>
      %dma_wait3A_72 = tpu.memref_squeeze %dma_wait3A_71 : memref<1x1x2x125xi32, #tpu.memory_space<hbm>> -> memref<2x125xi32, #tpu.memory_space<hbm>>
      tpu.wait_dma2 semaphore(%arg16 : memref<!tpu.dma_semaphore, #tpu.memory_space<semaphore_mem>>) src(%dma_wait3A_72 : memref<2x125xi32, #tpu.memory_space<hbm>>) dst(%arg6 : memref<2x125xi32, #tpu.memory_space<vmem>>)
      %dma_start3A_73 = arith.constant 0 : i32
      %dma_start3A_74 = arith.constant 0 : i32
      %dma_start3A_75 = tpu.memref_slice %arg6[%dma_start3A_73, %dma_start3A_74] : memref<2x125xi32, #tpu.memory_space<vmem>> -> memref<1x125xi32, #tpu.memory_space<vmem>>
      %dma_start3A_76 = tpu.memref_squeeze %dma_start3A_75 : memref<1x125xi32, #tpu.memory_space<vmem>> -> memref<125xi32, #tpu.memory_space<vmem>>
      %dma_start3A_77 = arith.constant 0 : i32
      %dma_start3A_78 = arith.constant 0 : i32
      %dma_start3A_79 = tpu.memref_slice %arg2[%dma_start3A_77, %dma_start3A_78] : memref<10000x80xf32, #tpu.memory_space<hbm>> -> memref<10000x80xf32, #tpu.memory_space<hbm>>
      tpu.enqueue_indirect_dma source(%dma_start3A_79 : memref<10000x80xf32, #tpu.memory_space<hbm>>) target(%arg11 : memref<125x80xf32, #tpu.memory_space<vmem>>) offsets(%dma_start3A_76 : memref<125xi32, #tpu.memory_space<vmem>>) semaphore(%arg21 : memref<!tpu.dma_semaphore, #tpu.memory_space<semaphore_mem>>)
      %dma_wait3A_80 = arith.constant 1 : i32
      %dma_wait3A_81 = arith.constant 0 : i32
      %dma_wait3A_82 = arith.constant 0 : i32
      %dma_wait3A_83 = tpu.memref_slice %arg4[%arg1, %dma_wait3A_80, %dma_wait3A_81, %dma_wait3A_82] : memref<16x160x2x125xi32, #tpu.memory_space<hbm>> -> memref<1x1x2x125xi32, #tpu.memory_space<hbm>>
      %dma_wait3A_84 = tpu.memref_squeeze %dma_wait3A_83 : memref<1x1x2x125xi32, #tpu.memory_space<hbm>> -> memref<2x125xi32, #tpu.memory_space<hbm>>
      %dma_wait3A_85 = arith.constant 0 : i32
      %dma_wait3A_86 = arith.constant 0 : i32
      %dma_wait3A_87 = tpu.memref_slice %arg4[%arg1, %dma_wait3A_80, %dma_wait3A_85, %dma_wait3A_86] : memref<16x160x2x125xi32, #tpu.memory_space<hbm>> -> memref<1x1x2x125xi32, #tpu.memory_space<hbm>>
      %dma_wait3A_88 = tpu.memref_squeeze %dma_wait3A_87 : memref<1x1x2x125xi32, #tpu.memory_space<hbm>> -> memref<2x125xi32, #tpu.memory_space<hbm>>
      tpu.wait_dma2 semaphore(%arg17 : memref<!tpu.dma_semaphore, #tpu.memory_space<semaphore_mem>>) src(%dma_wait3A_88 : memref<2x125xi32, #tpu.memory_space<hbm>>) dst(%arg7 : memref<2x125xi32, #tpu.memory_space<vmem>>)
      %dma_start3A_89 = arith.constant 0 : i32
      %dma_start3A_90 = arith.constant 0 : i32
      %dma_start3A_91 = tpu.memref_slice %arg7[%dma_start3A_89, %dma_start3A_90] : memref<2x125xi32, #tpu.memory_space<vmem>> -> memref<1x125xi32, #tpu.memory_space<vmem>>
      %dma_start3A_92 = tpu.memref_squeeze %dma_start3A_91 : memref<1x125xi32, #tpu.memory_space<vmem>> -> memref<125xi32, #tpu.memory_space<vmem>>
      %dma_start3A_93 = arith.constant 0 : i32
      %dma_start3A_94 = arith.constant 0 : i32
      %dma_start3A_95 = tpu.memref_slice %arg2[%dma_start3A_93, %dma_start3A_94] : memref<10000x80xf32, #tpu.memory_space<hbm>> -> memref<10000x80xf32, #tpu.memory_space<hbm>>
      tpu.enqueue_indirect_dma source(%dma_start3A_95 : memref<10000x80xf32, #tpu.memory_space<hbm>>) target(%arg12 : memref<125x80xf32, #tpu.memory_space<vmem>>) offsets(%dma_start3A_92 : memref<125xi32, #tpu.memory_space<vmem>>) semaphore(%arg22 : memref<!tpu.dma_semaphore, #tpu.memory_space<semaphore_mem>>)
      %dma_wait3A_96 = arith.constant 2 : i32
      %dma_wait3A_97 = arith.constant 0 : i32
      %dma_wait3A_98 = arith.constant 0 : i32
      %dma_wait3A_99 = tpu.memref_slice %arg4[%arg1, %dma_wait3A_96, %dma_wait3A_97, %dma_wait3A_98] : memref<16x160x2x125xi32, #tpu.memory_space<hbm>> -> memref<1x1x2x125xi32, #tpu.memory_space<hbm>>
      %dma_wait3A_100 = tpu.memref_squeeze %dma_wait3A_99 : memref<1x1x2x125xi32, #tpu.memory_space<hbm>> -> memref<2x125xi32, #tpu.memory_space<hbm>>
      %dma_wait3A_101 = arith.constant 0 : i32
      %dma_wait3A_102 = arith.constant 0 : i32
      %dma_wait3A_103 = tpu.memref_slice %arg4[%arg1, %dma_wait3A_96, %dma_wait3A_101, %dma_wait3A_102] : memref<16x160x2x125xi32, #tpu.memory_space<hbm>> -> memref<1x1x2x125xi32, #tpu.memory_space<hbm>>
      %dma_wait3A_104 = tpu.memref_squeeze %dma_wait3A_103 : memref<1x1x2x125xi32, #tpu.memory_space<hbm>> -> memref<2x125xi32, #tpu.memory_space<hbm>>
      tpu.wait_dma2 semaphore(%arg18 : memref<!tpu.dma_semaphore, #tpu.memory_space<semaphore_mem>>) src(%dma_wait3A_104 : memref<2x125xi32, #tpu.memory_space<hbm>>) dst(%arg8 : memref<2x125xi32, #tpu.memory_space<vmem>>)
      %dma_start3A_105 = arith.constant 0 : i32
      %dma_start3A_106 = arith.constant 0 : i32
      %dma_start3A_107 = tpu.memref_slice %arg8[%dma_start3A_105, %dma_start3A_106] : memref<2x125xi32, #tpu.memory_space<vmem>> -> memref<1x125xi32, #tpu.memory_space<vmem>>
      %dma_start3A_108 = tpu.memref_squeeze %dma_start3A_107 : memref<1x125xi32, #tpu.memory_space<vmem>> -> memref<125xi32, #tpu.memory_space<vmem>>
      %dma_start3A_109 = arith.constant 0 : i32
      %dma_start3A_110 = arith.constant 0 : i32
      %dma_start3A_111 = tpu.memref_slice %arg2[%dma_start3A_109, %dma_start3A_110] : memref<10000x80xf32, #tpu.memory_space<hbm>> -> memref<10000x80xf32, #tpu.memory_space<hbm>>
      tpu.enqueue_indirect_dma source(%dma_start3A_111 : memref<10000x80xf32, #tpu.memory_space<hbm>>) target(%arg13 : memref<125x80xf32, #tpu.memory_space<vmem>>) offsets(%dma_start3A_108 : memref<125xi32, #tpu.memory_space<vmem>>) semaphore(%arg23 : memref<!tpu.dma_semaphore, #tpu.memory_space<semaphore_mem>>)
      %dma_wait3A_112 = arith.constant 3 : i32
      %dma_wait3A_113 = arith.constant 0 : i32
      %dma_wait3A_114 = arith.constant 0 : i32
      %dma_wait3A_115 = tpu.memref_slice %arg4[%arg1, %dma_wait3A_112, %dma_wait3A_113, %dma_wait3A_114] : memref<16x160x2x125xi32, #tpu.memory_space<hbm>> -> memref<1x1x2x125xi32, #tpu.memory_space<hbm>>
      %dma_wait3A_116 = tpu.memref_squeeze %dma_wait3A_115 : memref<1x1x2x125xi32, #tpu.memory_space<hbm>> -> memref<2x125xi32, #tpu.memory_space<hbm>>
      %dma_wait3A_117 = arith.constant 0 : i32
      %dma_wait3A_118 = arith.constant 0 : i32
      %dma_wait3A_119 = tpu.memref_slice %arg4[%arg1, %dma_wait3A_112, %dma_wait3A_117, %dma_wait3A_118] : memref<16x160x2x125xi32, #tpu.memory_space<hbm>> -> memref<1x1x2x125xi32, #tpu.memory_space<hbm>>
      %dma_wait3A_120 = tpu.memref_squeeze %dma_wait3A_119 : memref<1x1x2x125xi32, #tpu.memory_space<hbm>> -> memref<2x125xi32, #tpu.memory_space<hbm>>
      tpu.wait_dma2 semaphore(%arg19 : memref<!tpu.dma_semaphore, #tpu.memory_space<semaphore_mem>>) src(%dma_wait3A_120 : memref<2x125xi32, #tpu.memory_space<hbm>>) dst(%arg9 : memref<2x125xi32, #tpu.memory_space<vmem>>)
      %dma_start3A_121 = arith.constant 0 : i32
      %dma_start3A_122 = arith.constant 0 : i32
      %dma_start3A_123 = tpu.memref_slice %arg9[%dma_start3A_121, %dma_start3A_122] : memref<2x125xi32, #tpu.memory_space<vmem>> -> memref<1x125xi32, #tpu.memory_space<vmem>>
      %dma_start3A_124 = tpu.memref_squeeze %dma_start3A_123 : memref<1x125xi32, #tpu.memory_space<vmem>> -> memref<125xi32, #tpu.memory_space<vmem>>
      %dma_start3A_125 = arith.constant 0 : i32
      %dma_start3A_126 = arith.constant 0 : i32
      %dma_start3A_127 = tpu.memref_slice %arg2[%dma_start3A_125, %dma_start3A_126] : memref<10000x80xf32, #tpu.memory_space<hbm>> -> memref<10000x80xf32, #tpu.memory_space<hbm>>
      tpu.enqueue_indirect_dma source(%dma_start3A_127 : memref<10000x80xf32, #tpu.memory_space<hbm>>) target(%arg14 : memref<125x80xf32, #tpu.memory_space<vmem>>) offsets(%dma_start3A_124 : memref<125xi32, #tpu.memory_space<vmem>>) semaphore(%arg24 : memref<!tpu.dma_semaphore, #tpu.memory_space<semaphore_mem>>)
      %scan3A = arith.constant 0 : i32
      %scan3A_128 = arith.constant 0 : i32
      %scan3A_129 = arith.constant 32 : i32
      %scan3A_130 = arith.addi %scan3A_128, %scan3A_129 : i32
      %scan3A_131 = arith.constant 1 : i32
      scf.for %scan3A_133 = %scan3A_128 to %scan3A_130 step %scan3A_131  : i32 {
        %mul3A_134 = arith.constant 5 : i32
        %mul3A_135 = arith.muli %mul3A_134, %scan3A_133 : i32
        %add3A = arith.constant 0 : i32
        %add3A_136 = arith.addi %mul3A_135, %add3A : i32
        %dma_wait3A_137 = arith.constant 0 : i32
        %dma_wait3A_138 = arith.constant 0 : i32
        %dma_wait3A_139 = tpu.memref_slice %arg6[%dma_wait3A_137, %dma_wait3A_138] : memref<2x125xi32, #tpu.memory_space<vmem>> -> memref<1x125xi32, #tpu.memory_space<vmem>>
        %dma_wait3A_140 = tpu.memref_squeeze %dma_wait3A_139 : memref<1x125xi32, #tpu.memory_space<vmem>> -> memref<125xi32, #tpu.memory_space<vmem>>
        %dma_wait3A_141 = arith.constant 0 : i32
        %dma_wait3A_142 = arith.constant 0 : i32
        %dma_wait3A_143 = tpu.memref_slice %arg2[%dma_wait3A_141, %dma_wait3A_142] : memref<10000x80xf32, #tpu.memory_space<hbm>> -> memref<10000x80xf32, #tpu.memory_space<hbm>>
        tpu.wait_indirect_dma semaphore(%arg21 : memref<!tpu.dma_semaphore, #tpu.memory_space<semaphore_mem>>) src(%dma_wait3A_143 : memref<10000x80xf32, #tpu.memory_space<hbm>>) dst(%arg11 : memref<125x80xf32, #tpu.memory_space<vmem>>)
        %run_scoped3A = arith.constant 1 : i32
        "tpu.region"() ({
          %run_scoped3A_270 = tpu.sem_alloc : memref<!tpu.dma_semaphore, #tpu.memory_space<semaphore_mem>>
          %dma_start3A_271 = arith.constant 0 : i32
          %dma_start3A_272 = tpu.memref_slice %arg6[%run_scoped3A, %dma_start3A_271] : memref<2x125xi32, #tpu.memory_space<vmem>> -> memref<1x125xi32, #tpu.memory_space<vmem>>
          %dma_start3A_273 = tpu.memref_squeeze %dma_start3A_272 : memref<1x125xi32, #tpu.memory_space<vmem>> -> memref<125xi32, #tpu.memory_space<vmem>>
          %dma_start3A_274 = arith.constant 0 : i32
          %dma_start3A_275 = arith.constant 0 : i32
          %dma_start3A_276 = tpu.memref_slice %arg26[%dma_start3A_274, %dma_start3A_275] : memref<10000x80xf32, #tpu.memory_space<vmem_shared>> -> memref<10000x80xf32, #tpu.memory_space<vmem_shared>>
          tpu.enqueue_indirect_dma source(%arg11 : memref<125x80xf32, #tpu.memory_space<vmem>>) target(%dma_start3A_276 : memref<10000x80xf32, #tpu.memory_space<vmem_shared>>) offsets(%dma_start3A_273 : memref<125xi32, #tpu.memory_space<vmem>>) semaphore(%run_scoped3A_270 : memref<!tpu.dma_semaphore, #tpu.memory_space<semaphore_mem>>) {add = true}
          %dma_wait3A_277 = arith.constant 0 : i32
          %dma_wait3A_278 = tpu.memref_slice %arg6[%run_scoped3A, %dma_wait3A_277] : memref<2x125xi32, #tpu.memory_space<vmem>> -> memref<1x125xi32, #tpu.memory_space<vmem>>
          %dma_wait3A_279 = tpu.memref_squeeze %dma_wait3A_278 : memref<1x125xi32, #tpu.memory_space<vmem>> -> memref<125xi32, #tpu.memory_space<vmem>>
          %dma_wait3A_280 = arith.constant 0 : i32
          %dma_wait3A_281 = arith.constant 0 : i32
          %dma_wait3A_282 = tpu.memref_slice %arg26[%dma_wait3A_280, %dma_wait3A_281] : memref<10000x80xf32, #tpu.memory_space<vmem_shared>> -> memref<10000x80xf32, #tpu.memory_space<vmem_shared>>
          tpu.wait_indirect_dma semaphore(%run_scoped3A_270 : memref<!tpu.dma_semaphore, #tpu.memory_space<semaphore_mem>>) src(%arg11 : memref<125x80xf32, #tpu.memory_space<vmem>>) dst(%dma_wait3A_282 : memref<10000x80xf32, #tpu.memory_space<vmem_shared>>)
          tpu.yield
        }) : () -> ()
        %add3A_144 = arith.constant 5 : i32
        %add3A_145 = arith.addi %add3A_136, %add3A_144 : i32
        %lt3A = arith.constant 160 : i32
        %lt3A_146 = arith.cmpi slt, %add3A_145, %lt3A : i32
        %convert_element_type3A_147 = arith.extui %lt3A_146 : i1 to i32
        %cond3A_148 = arith.constant 0 : i32
        %cond3A_149 = arith.cmpi ne, %convert_element_type3A_147, %cond3A_148 : i32
        scf.if %cond3A_149 {
          %add3A_270 = arith.constant 5 : i32
          %add3A_271 = arith.addi %add3A_136, %add3A_270 : i32
          %dma_start3A_272 = arith.constant 0 : i32
          %dma_start3A_273 = arith.constant 0 : i32
          %dma_start3A_274 = tpu.memref_slice %arg4[%arg1, %add3A_271, %dma_start3A_272, %dma_start3A_273] : memref<16x160x2x125xi32, #tpu.memory_space<hbm>> -> memref<1x1x2x125xi32, #tpu.memory_space<hbm>>
          %dma_start3A_275 = tpu.memref_squeeze %dma_start3A_274 : memref<1x1x2x125xi32, #tpu.memory_space<hbm>> -> memref<2x125xi32, #tpu.memory_space<hbm>>
          %dma_start3A_276 = arith.constant 0 : i32
          %dma_start3A_277 = arith.constant 0 : i32
          %dma_start3A_278 = tpu.memref_slice %arg4[%arg1, %add3A_271, %dma_start3A_276, %dma_start3A_277] : memref<16x160x2x125xi32, #tpu.memory_space<hbm>> -> memref<1x1x2x125xi32, #tpu.memory_space<hbm>>
          %dma_start3A_279 = tpu.memref_squeeze %dma_start3A_278 : memref<1x1x2x125xi32, #tpu.memory_space<hbm>> -> memref<2x125xi32, #tpu.memory_space<hbm>>
          tpu.enqueue_dma source(%dma_start3A_279 : memref<2x125xi32, #tpu.memory_space<hbm>>) target(%arg6 : memref<2x125xi32, #tpu.memory_space<vmem>>) target_semaphore(%arg16 : memref<!tpu.dma_semaphore, #tpu.memory_space<semaphore_mem>>)
        } else {
        }
        %add3A_150 = arith.constant 5 : i32
        %add3A_151 = arith.addi %add3A_136, %add3A_150 : i32
        %sub3A = arith.constant 1 : i32
        %sub3A_152 = arith.subi %add3A_151, %sub3A : i32
        %lt3A_153 = arith.constant 160 : i32
        %lt3A_154 = arith.cmpi slt, %sub3A_152, %lt3A_153 : i32
        %convert_element_type3A_155 = arith.extui %lt3A_154 : i1 to i32
        %cond3A_156 = arith.constant 0 : i32
        %cond3A_157 = arith.cmpi ne, %convert_element_type3A_155, %cond3A_156 : i32
        scf.if %cond3A_157 {
          %add3A_270 = arith.constant 5 : i32
          %add3A_271 = arith.addi %add3A_136, %add3A_270 : i32
          %sub3A_272 = arith.constant 1 : i32
          %sub3A_273 = arith.subi %add3A_271, %sub3A_272 : i32
          %dma_wait3A_274 = arith.constant 0 : i32
          %dma_wait3A_275 = arith.constant 0 : i32
          %dma_wait3A_276 = tpu.memref_slice %arg4[%arg1, %sub3A_273, %dma_wait3A_274, %dma_wait3A_275] : memref<16x160x2x125xi32, #tpu.memory_space<hbm>> -> memref<1x1x2x125xi32, #tpu.memory_space<hbm>>
          %dma_wait3A_277 = tpu.memref_squeeze %dma_wait3A_276 : memref<1x1x2x125xi32, #tpu.memory_space<hbm>> -> memref<2x125xi32, #tpu.memory_space<hbm>>
          %dma_wait3A_278 = arith.constant 0 : i32
          %dma_wait3A_279 = arith.constant 0 : i32
          %dma_wait3A_280 = tpu.memref_slice %arg4[%arg1, %sub3A_273, %dma_wait3A_278, %dma_wait3A_279] : memref<16x160x2x125xi32, #tpu.memory_space<hbm>> -> memref<1x1x2x125xi32, #tpu.memory_space<hbm>>
          %dma_wait3A_281 = tpu.memref_squeeze %dma_wait3A_280 : memref<1x1x2x125xi32, #tpu.memory_space<hbm>> -> memref<2x125xi32, #tpu.memory_space<hbm>>
          tpu.wait_dma2 semaphore(%arg20 : memref<!tpu.dma_semaphore, #tpu.memory_space<semaphore_mem>>) src(%dma_wait3A_281 : memref<2x125xi32, #tpu.memory_space<hbm>>) dst(%arg10 : memref<2x125xi32, #tpu.memory_space<vmem>>)
          %dma_start3A_282 = arith.constant 0 : i32
          %dma_start3A_283 = arith.constant 0 : i32
          %dma_start3A_284 = tpu.memref_slice %arg10[%dma_start3A_282, %dma_start3A_283] : memref<2x125xi32, #tpu.memory_space<vmem>> -> memref<1x125xi32, #tpu.memory_space<vmem>>
          %dma_start3A_285 = tpu.memref_squeeze %dma_start3A_284 : memref<1x125xi32, #tpu.memory_space<vmem>> -> memref<125xi32, #tpu.memory_space<vmem>>
          %dma_start3A_286 = arith.constant 0 : i32
          %dma_start3A_287 = arith.constant 0 : i32
          %dma_start3A_288 = tpu.memref_slice %arg2[%dma_start3A_286, %dma_start3A_287] : memref<10000x80xf32, #tpu.memory_space<hbm>> -> memref<10000x80xf32, #tpu.memory_space<hbm>>
          tpu.enqueue_indirect_dma source(%dma_start3A_288 : memref<10000x80xf32, #tpu.memory_space<hbm>>) target(%arg15 : memref<125x80xf32, #tpu.memory_space<vmem>>) offsets(%dma_start3A_285 : memref<125xi32, #tpu.memory_space<vmem>>) semaphore(%arg25 : memref<!tpu.dma_semaphore, #tpu.memory_space<semaphore_mem>>)
        } else {
        }
        %mul3A_158 = arith.constant 5 : i32
        %mul3A_159 = arith.muli %mul3A_158, %scan3A_133 : i32
        %add3A_160 = arith.constant 1 : i32
        %add3A_161 = arith.addi %mul3A_159, %add3A_160 : i32
        %dma_wait3A_162 = arith.constant 0 : i32
        %dma_wait3A_163 = arith.constant 0 : i32
        %dma_wait3A_164 = tpu.memref_slice %arg7[%dma_wait3A_162, %dma_wait3A_163] : memref<2x125xi32, #tpu.memory_space<vmem>> -> memref<1x125xi32, #tpu.memory_space<vmem>>
        %dma_wait3A_165 = tpu.memref_squeeze %dma_wait3A_164 : memref<1x125xi32, #tpu.memory_space<vmem>> -> memref<125xi32, #tpu.memory_space<vmem>>
        %dma_wait3A_166 = arith.constant 0 : i32
        %dma_wait3A_167 = arith.constant 0 : i32
        %dma_wait3A_168 = tpu.memref_slice %arg2[%dma_wait3A_166, %dma_wait3A_167] : memref<10000x80xf32, #tpu.memory_space<hbm>> -> memref<10000x80xf32, #tpu.memory_space<hbm>>
        tpu.wait_indirect_dma semaphore(%arg22 : memref<!tpu.dma_semaphore, #tpu.memory_space<semaphore_mem>>) src(%dma_wait3A_168 : memref<10000x80xf32, #tpu.memory_space<hbm>>) dst(%arg12 : memref<125x80xf32, #tpu.memory_space<vmem>>)
        %run_scoped3A_169 = arith.constant 1 : i32
        "tpu.region"() ({
          %run_scoped3A_270 = tpu.sem_alloc : memref<!tpu.dma_semaphore, #tpu.memory_space<semaphore_mem>>
          %dma_start3A_271 = arith.constant 0 : i32
          %dma_start3A_272 = tpu.memref_slice %arg7[%run_scoped3A_169, %dma_start3A_271] : memref<2x125xi32, #tpu.memory_space<vmem>> -> memref<1x125xi32, #tpu.memory_space<vmem>>
          %dma_start3A_273 = tpu.memref_squeeze %dma_start3A_272 : memref<1x125xi32, #tpu.memory_space<vmem>> -> memref<125xi32, #tpu.memory_space<vmem>>
          %dma_start3A_274 = arith.constant 0 : i32
          %dma_start3A_275 = arith.constant 0 : i32
          %dma_start3A_276 = tpu.memref_slice %arg26[%dma_start3A_274, %dma_start3A_275] : memref<10000x80xf32, #tpu.memory_space<vmem_shared>> -> memref<10000x80xf32, #tpu.memory_space<vmem_shared>>
          tpu.enqueue_indirect_dma source(%arg12 : memref<125x80xf32, #tpu.memory_space<vmem>>) target(%dma_start3A_276 : memref<10000x80xf32, #tpu.memory_space<vmem_shared>>) offsets(%dma_start3A_273 : memref<125xi32, #tpu.memory_space<vmem>>) semaphore(%run_scoped3A_270 : memref<!tpu.dma_semaphore, #tpu.memory_space<semaphore_mem>>) {add = true}
          %dma_wait3A_277 = arith.constant 0 : i32
          %dma_wait3A_278 = tpu.memref_slice %arg7[%run_scoped3A_169, %dma_wait3A_277] : memref<2x125xi32, #tpu.memory_space<vmem>> -> memref<1x125xi32, #tpu.memory_space<vmem>>
          %dma_wait3A_279 = tpu.memref_squeeze %dma_wait3A_278 : memref<1x125xi32, #tpu.memory_space<vmem>> -> memref<125xi32, #tpu.memory_space<vmem>>
          %dma_wait3A_280 = arith.constant 0 : i32
          %dma_wait3A_281 = arith.constant 0 : i32
          %dma_wait3A_282 = tpu.memref_slice %arg26[%dma_wait3A_280, %dma_wait3A_281] : memref<10000x80xf32, #tpu.memory_space<vmem_shared>> -> memref<10000x80xf32, #tpu.memory_space<vmem_shared>>
          tpu.wait_indirect_dma semaphore(%run_scoped3A_270 : memref<!tpu.dma_semaphore, #tpu.memory_space<semaphore_mem>>) src(%arg12 : memref<125x80xf32, #tpu.memory_space<vmem>>) dst(%dma_wait3A_282 : memref<10000x80xf32, #tpu.memory_space<vmem_shared>>)
          tpu.yield
        }) : () -> ()
        %add3A_170 = arith.constant 5 : i32
        %add3A_171 = arith.addi %add3A_161, %add3A_170 : i32
        %lt3A_172 = arith.constant 160 : i32
        %lt3A_173 = arith.cmpi slt, %add3A_171, %lt3A_172 : i32
        %convert_element_type3A_174 = arith.extui %lt3A_173 : i1 to i32
        %cond3A_175 = arith.constant 0 : i32
        %cond3A_176 = arith.cmpi ne, %convert_element_type3A_174, %cond3A_175 : i32
        scf.if %cond3A_176 {
          %add3A_270 = arith.constant 5 : i32
          %add3A_271 = arith.addi %add3A_161, %add3A_270 : i32
          %dma_start3A_272 = arith.constant 0 : i32
          %dma_start3A_273 = arith.constant 0 : i32
          %dma_start3A_274 = tpu.memref_slice %arg4[%arg1, %add3A_271, %dma_start3A_272, %dma_start3A_273] : memref<16x160x2x125xi32, #tpu.memory_space<hbm>> -> memref<1x1x2x125xi32, #tpu.memory_space<hbm>>
          %dma_start3A_275 = tpu.memref_squeeze %dma_start3A_274 : memref<1x1x2x125xi32, #tpu.memory_space<hbm>> -> memref<2x125xi32, #tpu.memory_space<hbm>>
          %dma_start3A_276 = arith.constant 0 : i32
          %dma_start3A_277 = arith.constant 0 : i32
          %dma_start3A_278 = tpu.memref_slice %arg4[%arg1, %add3A_271, %dma_start3A_276, %dma_start3A_277] : memref<16x160x2x125xi32, #tpu.memory_space<hbm>> -> memref<1x1x2x125xi32, #tpu.memory_space<hbm>>
          %dma_start3A_279 = tpu.memref_squeeze %dma_start3A_278 : memref<1x1x2x125xi32, #tpu.memory_space<hbm>> -> memref<2x125xi32, #tpu.memory_space<hbm>>
          tpu.enqueue_dma source(%dma_start3A_279 : memref<2x125xi32, #tpu.memory_space<hbm>>) target(%arg7 : memref<2x125xi32, #tpu.memory_space<vmem>>) target_semaphore(%arg17 : memref<!tpu.dma_semaphore, #tpu.memory_space<semaphore_mem>>)
        } else {
        }
        %add3A_177 = arith.constant 5 : i32
        %add3A_178 = arith.addi %add3A_161, %add3A_177 : i32
        %sub3A_179 = arith.constant 1 : i32
        %sub3A_180 = arith.subi %add3A_178, %sub3A_179 : i32
        %lt3A_181 = arith.constant 160 : i32
        %lt3A_182 = arith.cmpi slt, %sub3A_180, %lt3A_181 : i32
        %convert_element_type3A_183 = arith.extui %lt3A_182 : i1 to i32
        %cond3A_184 = arith.constant 0 : i32
        %cond3A_185 = arith.cmpi ne, %convert_element_type3A_183, %cond3A_184 : i32
        scf.if %cond3A_185 {
          %add3A_270 = arith.constant 5 : i32
          %add3A_271 = arith.addi %add3A_161, %add3A_270 : i32
          %sub3A_272 = arith.constant 1 : i32
          %sub3A_273 = arith.subi %add3A_271, %sub3A_272 : i32
          %dma_wait3A_274 = arith.constant 0 : i32
          %dma_wait3A_275 = arith.constant 0 : i32
          %dma_wait3A_276 = tpu.memref_slice %arg4[%arg1, %sub3A_273, %dma_wait3A_274, %dma_wait3A_275] : memref<16x160x2x125xi32, #tpu.memory_space<hbm>> -> memref<1x1x2x125xi32, #tpu.memory_space<hbm>>
          %dma_wait3A_277 = tpu.memref_squeeze %dma_wait3A_276 : memref<1x1x2x125xi32, #tpu.memory_space<hbm>> -> memref<2x125xi32, #tpu.memory_space<hbm>>
          %dma_wait3A_278 = arith.constant 0 : i32
          %dma_wait3A_279 = arith.constant 0 : i32
          %dma_wait3A_280 = tpu.memref_slice %arg4[%arg1, %sub3A_273, %dma_wait3A_278, %dma_wait3A_279] : memref<16x160x2x125xi32, #tpu.memory_space<hbm>> -> memref<1x1x2x125xi32, #tpu.memory_space<hbm>>
          %dma_wait3A_281 = tpu.memref_squeeze %dma_wait3A_280 : memref<1x1x2x125xi32, #tpu.memory_space<hbm>> -> memref<2x125xi32, #tpu.memory_space<hbm>>
          tpu.wait_dma2 semaphore(%arg16 : memref<!tpu.dma_semaphore, #tpu.memory_space<semaphore_mem>>) src(%dma_wait3A_281 : memref<2x125xi32, #tpu.memory_space<hbm>>) dst(%arg6 : memref<2x125xi32, #tpu.memory_space<vmem>>)
          %dma_start3A_282 = arith.constant 0 : i32
          %dma_start3A_283 = arith.constant 0 : i32
          %dma_start3A_284 = tpu.memref_slice %arg6[%dma_start3A_282, %dma_start3A_283] : memref<2x125xi32, #tpu.memory_space<vmem>> -> memref<1x125xi32, #tpu.memory_space<vmem>>
          %dma_start3A_285 = tpu.memref_squeeze %dma_start3A_284 : memref<1x125xi32, #tpu.memory_space<vmem>> -> memref<125xi32, #tpu.memory_space<vmem>>
          %dma_start3A_286 = arith.constant 0 : i32
          %dma_start3A_287 = arith.constant 0 : i32
          %dma_start3A_288 = tpu.memref_slice %arg2[%dma_start3A_286, %dma_start3A_287] : memref<10000x80xf32, #tpu.memory_space<hbm>> -> memref<10000x80xf32, #tpu.memory_space<hbm>>
          tpu.enqueue_indirect_dma source(%dma_start3A_288 : memref<10000x80xf32, #tpu.memory_space<hbm>>) target(%arg11 : memref<125x80xf32, #tpu.memory_space<vmem>>) offsets(%dma_start3A_285 : memref<125xi32, #tpu.memory_space<vmem>>) semaphore(%arg21 : memref<!tpu.dma_semaphore, #tpu.memory_space<semaphore_mem>>)
        } else {
        }
        %mul3A_186 = arith.constant 5 : i32
        %mul3A_187 = arith.muli %mul3A_186, %scan3A_133 : i32
        %add3A_188 = arith.constant 2 : i32
        %add3A_189 = arith.addi %mul3A_187, %add3A_188 : i32
        %dma_wait3A_190 = arith.constant 0 : i32
        %dma_wait3A_191 = arith.constant 0 : i32
        %dma_wait3A_192 = tpu.memref_slice %arg8[%dma_wait3A_190, %dma_wait3A_191] : memref<2x125xi32, #tpu.memory_space<vmem>> -> memref<1x125xi32, #tpu.memory_space<vmem>>
        %dma_wait3A_193 = tpu.memref_squeeze %dma_wait3A_192 : memref<1x125xi32, #tpu.memory_space<vmem>> -> memref<125xi32, #tpu.memory_space<vmem>>
        %dma_wait3A_194 = arith.constant 0 : i32
        %dma_wait3A_195 = arith.constant 0 : i32
        %dma_wait3A_196 = tpu.memref_slice %arg2[%dma_wait3A_194, %dma_wait3A_195] : memref<10000x80xf32, #tpu.memory_space<hbm>> -> memref<10000x80xf32, #tpu.memory_space<hbm>>
        tpu.wait_indirect_dma semaphore(%arg23 : memref<!tpu.dma_semaphore, #tpu.memory_space<semaphore_mem>>) src(%dma_wait3A_196 : memref<10000x80xf32, #tpu.memory_space<hbm>>) dst(%arg13 : memref<125x80xf32, #tpu.memory_space<vmem>>)
        %run_scoped3A_197 = arith.constant 1 : i32
        "tpu.region"() ({
          %run_scoped3A_270 = tpu.sem_alloc : memref<!tpu.dma_semaphore, #tpu.memory_space<semaphore_mem>>
          %dma_start3A_271 = arith.constant 0 : i32
          %dma_start3A_272 = tpu.memref_slice %arg8[%run_scoped3A_197, %dma_start3A_271] : memref<2x125xi32, #tpu.memory_space<vmem>> -> memref<1x125xi32, #tpu.memory_space<vmem>>
          %dma_start3A_273 = tpu.memref_squeeze %dma_start3A_272 : memref<1x125xi32, #tpu.memory_space<vmem>> -> memref<125xi32, #tpu.memory_space<vmem>>
          %dma_start3A_274 = arith.constant 0 : i32
          %dma_start3A_275 = arith.constant 0 : i32
          %dma_start3A_276 = tpu.memref_slice %arg26[%dma_start3A_274, %dma_start3A_275] : memref<10000x80xf32, #tpu.memory_space<vmem_shared>> -> memref<10000x80xf32, #tpu.memory_space<vmem_shared>>
          tpu.enqueue_indirect_dma source(%arg13 : memref<125x80xf32, #tpu.memory_space<vmem>>) target(%dma_start3A_276 : memref<10000x80xf32, #tpu.memory_space<vmem_shared>>) offsets(%dma_start3A_273 : memref<125xi32, #tpu.memory_space<vmem>>) semaphore(%run_scoped3A_270 : memref<!tpu.dma_semaphore, #tpu.memory_space<semaphore_mem>>) {add = true}
          %dma_wait3A_277 = arith.constant 0 : i32
          %dma_wait3A_278 = tpu.memref_slice %arg8[%run_scoped3A_197, %dma_wait3A_277] : memref<2x125xi32, #tpu.memory_space<vmem>> -> memref<1x125xi32, #tpu.memory_space<vmem>>
          %dma_wait3A_279 = tpu.memref_squeeze %dma_wait3A_278 : memref<1x125xi32, #tpu.memory_space<vmem>> -> memref<125xi32, #tpu.memory_space<vmem>>
          %dma_wait3A_280 = arith.constant 0 : i32
          %dma_wait3A_281 = arith.constant 0 : i32
          %dma_wait3A_282 = tpu.memref_slice %arg26[%dma_wait3A_280, %dma_wait3A_281] : memref<10000x80xf32, #tpu.memory_space<vmem_shared>> -> memref<10000x80xf32, #tpu.memory_space<vmem_shared>>
          tpu.wait_indirect_dma semaphore(%run_scoped3A_270 : memref<!tpu.dma_semaphore, #tpu.memory_space<semaphore_mem>>) src(%arg13 : memref<125x80xf32, #tpu.memory_space<vmem>>) dst(%dma_wait3A_282 : memref<10000x80xf32, #tpu.memory_space<vmem_shared>>)
          tpu.yield
        }) : () -> ()
        %add3A_198 = arith.constant 5 : i32
        %add3A_199 = arith.addi %add3A_189, %add3A_198 : i32
        %lt3A_200 = arith.constant 160 : i32
        %lt3A_201 = arith.cmpi slt, %add3A_199, %lt3A_200 : i32
        %convert_element_type3A_202 = arith.extui %lt3A_201 : i1 to i32
        %cond3A_203 = arith.constant 0 : i32
        %cond3A_204 = arith.cmpi ne, %convert_element_type3A_202, %cond3A_203 : i32
        scf.if %cond3A_204 {
          %add3A_270 = arith.constant 5 : i32
          %add3A_271 = arith.addi %add3A_189, %add3A_270 : i32
          %dma_start3A_272 = arith.constant 0 : i32
          %dma_start3A_273 = arith.constant 0 : i32
          %dma_start3A_274 = tpu.memref_slice %arg4[%arg1, %add3A_271, %dma_start3A_272, %dma_start3A_273] : memref<16x160x2x125xi32, #tpu.memory_space<hbm>> -> memref<1x1x2x125xi32, #tpu.memory_space<hbm>>
          %dma_start3A_275 = tpu.memref_squeeze %dma_start3A_274 : memref<1x1x2x125xi32, #tpu.memory_space<hbm>> -> memref<2x125xi32, #tpu.memory_space<hbm>>
          %dma_start3A_276 = arith.constant 0 : i32
          %dma_start3A_277 = arith.constant 0 : i32
          %dma_start3A_278 = tpu.memref_slice %arg4[%arg1, %add3A_271, %dma_start3A_276, %dma_start3A_277] : memref<16x160x2x125xi32, #tpu.memory_space<hbm>> -> memref<1x1x2x125xi32, #tpu.memory_space<hbm>>
          %dma_start3A_279 = tpu.memref_squeeze %dma_start3A_278 : memref<1x1x2x125xi32, #tpu.memory_space<hbm>> -> memref<2x125xi32, #tpu.memory_space<hbm>>
          tpu.enqueue_dma source(%dma_start3A_279 : memref<2x125xi32, #tpu.memory_space<hbm>>) target(%arg8 : memref<2x125xi32, #tpu.memory_space<vmem>>) target_semaphore(%arg18 : memref<!tpu.dma_semaphore, #tpu.memory_space<semaphore_mem>>)
        } else {
        }
        %add3A_205 = arith.constant 5 : i32
        %add3A_206 = arith.addi %add3A_189, %add3A_205 : i32
        %sub3A_207 = arith.constant 1 : i32
        %sub3A_208 = arith.subi %add3A_206, %sub3A_207 : i32
        %lt3A_209 = arith.constant 160 : i32
        %lt3A_210 = arith.cmpi slt, %sub3A_208, %lt3A_209 : i32
        %convert_element_type3A_211 = arith.extui %lt3A_210 : i1 to i32
        %cond3A_212 = arith.constant 0 : i32
        %cond3A_213 = arith.cmpi ne, %convert_element_type3A_211, %cond3A_212 : i32
        scf.if %cond3A_213 {
          %add3A_270 = arith.constant 5 : i32
          %add3A_271 = arith.addi %add3A_189, %add3A_270 : i32
          %sub3A_272 = arith.constant 1 : i32
          %sub3A_273 = arith.subi %add3A_271, %sub3A_272 : i32
          %dma_wait3A_274 = arith.constant 0 : i32
          %dma_wait3A_275 = arith.constant 0 : i32
          %dma_wait3A_276 = tpu.memref_slice %arg4[%arg1, %sub3A_273, %dma_wait3A_274, %dma_wait3A_275] : memref<16x160x2x125xi32, #tpu.memory_space<hbm>> -> memref<1x1x2x125xi32, #tpu.memory_space<hbm>>
          %dma_wait3A_277 = tpu.memref_squeeze %dma_wait3A_276 : memref<1x1x2x125xi32, #tpu.memory_space<hbm>> -> memref<2x125xi32, #tpu.memory_space<hbm>>
          %dma_wait3A_278 = arith.constant 0 : i32
          %dma_wait3A_279 = arith.constant 0 : i32
          %dma_wait3A_280 = tpu.memref_slice %arg4[%arg1, %sub3A_273, %dma_wait3A_278, %dma_wait3A_279] : memref<16x160x2x125xi32, #tpu.memory_space<hbm>> -> memref<1x1x2x125xi32, #tpu.memory_space<hbm>>
          %dma_wait3A_281 = tpu.memref_squeeze %dma_wait3A_280 : memref<1x1x2x125xi32, #tpu.memory_space<hbm>> -> memref<2x125xi32, #tpu.memory_space<hbm>>
          tpu.wait_dma2 semaphore(%arg17 : memref<!tpu.dma_semaphore, #tpu.memory_space<semaphore_mem>>) src(%dma_wait3A_281 : memref<2x125xi32, #tpu.memory_space<hbm>>) dst(%arg7 : memref<2x125xi32, #tpu.memory_space<vmem>>)
          %dma_start3A_282 = arith.constant 0 : i32
          %dma_start3A_283 = arith.constant 0 : i32
          %dma_start3A_284 = tpu.memref_slice %arg7[%dma_start3A_282, %dma_start3A_283] : memref<2x125xi32, #tpu.memory_space<vmem>> -> memref<1x125xi32, #tpu.memory_space<vmem>>
          %dma_start3A_285 = tpu.memref_squeeze %dma_start3A_284 : memref<1x125xi32, #tpu.memory_space<vmem>> -> memref<125xi32, #tpu.memory_space<vmem>>
          %dma_start3A_286 = arith.constant 0 : i32
          %dma_start3A_287 = arith.constant 0 : i32
          %dma_start3A_288 = tpu.memref_slice %arg2[%dma_start3A_286, %dma_start3A_287] : memref<10000x80xf32, #tpu.memory_space<hbm>> -> memref<10000x80xf32, #tpu.memory_space<hbm>>
          tpu.enqueue_indirect_dma source(%dma_start3A_288 : memref<10000x80xf32, #tpu.memory_space<hbm>>) target(%arg12 : memref<125x80xf32, #tpu.memory_space<vmem>>) offsets(%dma_start3A_285 : memref<125xi32, #tpu.memory_space<vmem>>) semaphore(%arg22 : memref<!tpu.dma_semaphore, #tpu.memory_space<semaphore_mem>>)
        } else {
        }
        %mul3A_214 = arith.constant 5 : i32
        %mul3A_215 = arith.muli %mul3A_214, %scan3A_133 : i32
        %add3A_216 = arith.constant 3 : i32
        %add3A_217 = arith.addi %mul3A_215, %add3A_216 : i32
        %dma_wait3A_218 = arith.constant 0 : i32
        %dma_wait3A_219 = arith.constant 0 : i32
        %dma_wait3A_220 = tpu.memref_slice %arg9[%dma_wait3A_218, %dma_wait3A_219] : memref<2x125xi32, #tpu.memory_space<vmem>> -> memref<1x125xi32, #tpu.memory_space<vmem>>
        %dma_wait3A_221 = tpu.memref_squeeze %dma_wait3A_220 : memref<1x125xi32, #tpu.memory_space<vmem>> -> memref<125xi32, #tpu.memory_space<vmem>>
        %dma_wait3A_222 = arith.constant 0 : i32
        %dma_wait3A_223 = arith.constant 0 : i32
        %dma_wait3A_224 = tpu.memref_slice %arg2[%dma_wait3A_222, %dma_wait3A_223] : memref<10000x80xf32, #tpu.memory_space<hbm>> -> memref<10000x80xf32, #tpu.memory_space<hbm>>
        tpu.wait_indirect_dma semaphore(%arg24 : memref<!tpu.dma_semaphore, #tpu.memory_space<semaphore_mem>>) src(%dma_wait3A_224 : memref<10000x80xf32, #tpu.memory_space<hbm>>) dst(%arg14 : memref<125x80xf32, #tpu.memory_space<vmem>>)
        %run_scoped3A_225 = arith.constant 1 : i32
        "tpu.region"() ({
          %run_scoped3A_270 = tpu.sem_alloc : memref<!tpu.dma_semaphore, #tpu.memory_space<semaphore_mem>>
          %dma_start3A_271 = arith.constant 0 : i32
          %dma_start3A_272 = tpu.memref_slice %arg9[%run_scoped3A_225, %dma_start3A_271] : memref<2x125xi32, #tpu.memory_space<vmem>> -> memref<1x125xi32, #tpu.memory_space<vmem>>
          %dma_start3A_273 = tpu.memref_squeeze %dma_start3A_272 : memref<1x125xi32, #tpu.memory_space<vmem>> -> memref<125xi32, #tpu.memory_space<vmem>>
          %dma_start3A_274 = arith.constant 0 : i32
          %dma_start3A_275 = arith.constant 0 : i32
          %dma_start3A_276 = tpu.memref_slice %arg26[%dma_start3A_274, %dma_start3A_275] : memref<10000x80xf32, #tpu.memory_space<vmem_shared>> -> memref<10000x80xf32, #tpu.memory_space<vmem_shared>>
          tpu.enqueue_indirect_dma source(%arg14 : memref<125x80xf32, #tpu.memory_space<vmem>>) target(%dma_start3A_276 : memref<10000x80xf32, #tpu.memory_space<vmem_shared>>) offsets(%dma_start3A_273 : memref<125xi32, #tpu.memory_space<vmem>>) semaphore(%run_scoped3A_270 : memref<!tpu.dma_semaphore, #tpu.memory_space<semaphore_mem>>) {add = true}
          %dma_wait3A_277 = arith.constant 0 : i32
          %dma_wait3A_278 = tpu.memref_slice %arg9[%run_scoped3A_225, %dma_wait3A_277] : memref<2x125xi32, #tpu.memory_space<vmem>> -> memref<1x125xi32, #tpu.memory_space<vmem>>
          %dma_wait3A_279 = tpu.memref_squeeze %dma_wait3A_278 : memref<1x125xi32, #tpu.memory_space<vmem>> -> memref<125xi32, #tpu.memory_space<vmem>>
          %dma_wait3A_280 = arith.constant 0 : i32
          %dma_wait3A_281 = arith.constant 0 : i32
          %dma_wait3A_282 = tpu.memref_slice %arg26[%dma_wait3A_280, %dma_wait3A_281] : memref<10000x80xf32, #tpu.memory_space<vmem_shared>> -> memref<10000x80xf32, #tpu.memory_space<vmem_shared>>
          tpu.wait_indirect_dma semaphore(%run_scoped3A_270 : memref<!tpu.dma_semaphore, #tpu.memory_space<semaphore_mem>>) src(%arg14 : memref<125x80xf32, #tpu.memory_space<vmem>>) dst(%dma_wait3A_282 : memref<10000x80xf32, #tpu.memory_space<vmem_shared>>)
          tpu.yield
        }) : () -> ()
        %add3A_226 = arith.constant 5 : i32
        %add3A_227 = arith.addi %add3A_217, %add3A_226 : i32
        %lt3A_228 = arith.constant 160 : i32
        %lt3A_229 = arith.cmpi slt, %add3A_227, %lt3A_228 : i32
        %convert_element_type3A_230 = arith.extui %lt3A_229 : i1 to i32
        %cond3A_231 = arith.constant 0 : i32
        %cond3A_232 = arith.cmpi ne, %convert_element_type3A_230, %cond3A_231 : i32
        scf.if %cond3A_232 {
          %add3A_270 = arith.constant 5 : i32
          %add3A_271 = arith.addi %add3A_217, %add3A_270 : i32
          %dma_start3A_272 = arith.constant 0 : i32
          %dma_start3A_273 = arith.constant 0 : i32
          %dma_start3A_274 = tpu.memref_slice %arg4[%arg1, %add3A_271, %dma_start3A_272, %dma_start3A_273] : memref<16x160x2x125xi32, #tpu.memory_space<hbm>> -> memref<1x1x2x125xi32, #tpu.memory_space<hbm>>
          %dma_start3A_275 = tpu.memref_squeeze %dma_start3A_274 : memref<1x1x2x125xi32, #tpu.memory_space<hbm>> -> memref<2x125xi32, #tpu.memory_space<hbm>>
          %dma_start3A_276 = arith.constant 0 : i32
          %dma_start3A_277 = arith.constant 0 : i32
          %dma_start3A_278 = tpu.memref_slice %arg4[%arg1, %add3A_271, %dma_start3A_276, %dma_start3A_277] : memref<16x160x2x125xi32, #tpu.memory_space<hbm>> -> memref<1x1x2x125xi32, #tpu.memory_space<hbm>>
          %dma_start3A_279 = tpu.memref_squeeze %dma_start3A_278 : memref<1x1x2x125xi32, #tpu.memory_space<hbm>> -> memref<2x125xi32, #tpu.memory_space<hbm>>
          tpu.enqueue_dma source(%dma_start3A_279 : memref<2x125xi32, #tpu.memory_space<hbm>>) target(%arg9 : memref<2x125xi32, #tpu.memory_space<vmem>>) target_semaphore(%arg19 : memref<!tpu.dma_semaphore, #tpu.memory_space<semaphore_mem>>)
        } else {
        }
        %add3A_233 = arith.constant 5 : i32
        %add3A_234 = arith.addi %add3A_217, %add3A_233 : i32
        %sub3A_235 = arith.constant 1 : i32
        %sub3A_236 = arith.subi %add3A_234, %sub3A_235 : i32
        %lt3A_237 = arith.constant 160 : i32
        %lt3A_238 = arith.cmpi slt, %sub3A_236, %lt3A_237 : i32
        %convert_element_type3A_239 = arith.extui %lt3A_238 : i1 to i32
        %cond3A_240 = arith.constant 0 : i32
        %cond3A_241 = arith.cmpi ne, %convert_element_type3A_239, %cond3A_240 : i32
        scf.if %cond3A_241 {
          %add3A_270 = arith.constant 5 : i32
          %add3A_271 = arith.addi %add3A_217, %add3A_270 : i32
          %sub3A_272 = arith.constant 1 : i32
          %sub3A_273 = arith.subi %add3A_271, %sub3A_272 : i32
          %dma_wait3A_274 = arith.constant 0 : i32
          %dma_wait3A_275 = arith.constant 0 : i32
          %dma_wait3A_276 = tpu.memref_slice %arg4[%arg1, %sub3A_273, %dma_wait3A_274, %dma_wait3A_275] : memref<16x160x2x125xi32, #tpu.memory_space<hbm>> -> memref<1x1x2x125xi32, #tpu.memory_space<hbm>>
          %dma_wait3A_277 = tpu.memref_squeeze %dma_wait3A_276 : memref<1x1x2x125xi32, #tpu.memory_space<hbm>> -> memref<2x125xi32, #tpu.memory_space<hbm>>
          %dma_wait3A_278 = arith.constant 0 : i32
          %dma_wait3A_279 = arith.constant 0 : i32
          %dma_wait3A_280 = tpu.memref_slice %arg4[%arg1, %sub3A_273, %dma_wait3A_278, %dma_wait3A_279] : memref<16x160x2x125xi32, #tpu.memory_space<hbm>> -> memref<1x1x2x125xi32, #tpu.memory_space<hbm>>
          %dma_wait3A_281 = tpu.memref_squeeze %dma_wait3A_280 : memref<1x1x2x125xi32, #tpu.memory_space<hbm>> -> memref<2x125xi32, #tpu.memory_space<hbm>>
          tpu.wait_dma2 semaphore(%arg18 : memref<!tpu.dma_semaphore, #tpu.memory_space<semaphore_mem>>) src(%dma_wait3A_281 : memref<2x125xi32, #tpu.memory_space<hbm>>) dst(%arg8 : memref<2x125xi32, #tpu.memory_space<vmem>>)
          %dma_start3A_282 = arith.constant 0 : i32
          %dma_start3A_283 = arith.constant 0 : i32
          %dma_start3A_284 = tpu.memref_slice %arg8[%dma_start3A_282, %dma_start3A_283] : memref<2x125xi32, #tpu.memory_space<vmem>> -> memref<1x125xi32, #tpu.memory_space<vmem>>
          %dma_start3A_285 = tpu.memref_squeeze %dma_start3A_284 : memref<1x125xi32, #tpu.memory_space<vmem>> -> memref<125xi32, #tpu.memory_space<vmem>>
          %dma_start3A_286 = arith.constant 0 : i32
          %dma_start3A_287 = arith.constant 0 : i32
          %dma_start3A_288 = tpu.memref_slice %arg2[%dma_start3A_286, %dma_start3A_287] : memref<10000x80xf32, #tpu.memory_space<hbm>> -> memref<10000x80xf32, #tpu.memory_space<hbm>>
          tpu.enqueue_indirect_dma source(%dma_start3A_288 : memref<10000x80xf32, #tpu.memory_space<hbm>>) target(%arg13 : memref<125x80xf32, #tpu.memory_space<vmem>>) offsets(%dma_start3A_285 : memref<125xi32, #tpu.memory_space<vmem>>) semaphore(%arg23 : memref<!tpu.dma_semaphore, #tpu.memory_space<semaphore_mem>>)
        } else {
        }
        %mul3A_242 = arith.constant 5 : i32
        %mul3A_243 = arith.muli %mul3A_242, %scan3A_133 : i32
        %add3A_244 = arith.constant 4 : i32
        %add3A_245 = arith.addi %mul3A_243, %add3A_244 : i32
        %dma_wait3A_246 = arith.constant 0 : i32
        %dma_wait3A_247 = arith.constant 0 : i32
        %dma_wait3A_248 = tpu.memref_slice %arg10[%dma_wait3A_246, %dma_wait3A_247] : memref<2x125xi32, #tpu.memory_space<vmem>> -> memref<1x125xi32, #tpu.memory_space<vmem>>
        %dma_wait3A_249 = tpu.memref_squeeze %dma_wait3A_248 : memref<1x125xi32, #tpu.memory_space<vmem>> -> memref<125xi32, #tpu.memory_space<vmem>>
        %dma_wait3A_250 = arith.constant 0 : i32
        %dma_wait3A_251 = arith.constant 0 : i32
        %dma_wait3A_252 = tpu.memref_slice %arg2[%dma_wait3A_250, %dma_wait3A_251] : memref<10000x80xf32, #tpu.memory_space<hbm>> -> memref<10000x80xf32, #tpu.memory_space<hbm>>
        tpu.wait_indirect_dma semaphore(%arg25 : memref<!tpu.dma_semaphore, #tpu.memory_space<semaphore_mem>>) src(%dma_wait3A_252 : memref<10000x80xf32, #tpu.memory_space<hbm>>) dst(%arg15 : memref<125x80xf32, #tpu.memory_space<vmem>>)
        %run_scoped3A_253 = arith.constant 1 : i32
        "tpu.region"() ({
          %run_scoped3A_270 = tpu.sem_alloc : memref<!tpu.dma_semaphore, #tpu.memory_space<semaphore_mem>>
          %dma_start3A_271 = arith.constant 0 : i32
          %dma_start3A_272 = tpu.memref_slice %arg10[%run_scoped3A_253, %dma_start3A_271] : memref<2x125xi32, #tpu.memory_space<vmem>> -> memref<1x125xi32, #tpu.memory_space<vmem>>
          %dma_start3A_273 = tpu.memref_squeeze %dma_start3A_272 : memref<1x125xi32, #tpu.memory_space<vmem>> -> memref<125xi32, #tpu.memory_space<vmem>>
          %dma_start3A_274 = arith.constant 0 : i32
          %dma_start3A_275 = arith.constant 0 : i32
          %dma_start3A_276 = tpu.memref_slice %arg26[%dma_start3A_274, %dma_start3A_275] : memref<10000x80xf32, #tpu.memory_space<vmem_shared>> -> memref<10000x80xf32, #tpu.memory_space<vmem_shared>>
          tpu.enqueue_indirect_dma source(%arg15 : memref<125x80xf32, #tpu.memory_space<vmem>>) target(%dma_start3A_276 : memref<10000x80xf32, #tpu.memory_space<vmem_shared>>) offsets(%dma_start3A_273 : memref<125xi32, #tpu.memory_space<vmem>>) semaphore(%run_scoped3A_270 : memref<!tpu.dma_semaphore, #tpu.memory_space<semaphore_mem>>) {add = true}
          %dma_wait3A_277 = arith.constant 0 : i32
          %dma_wait3A_278 = tpu.memref_slice %arg10[%run_scoped3A_253, %dma_wait3A_277] : memref<2x125xi32, #tpu.memory_space<vmem>> -> memref<1x125xi32, #tpu.memory_space<vmem>>
          %dma_wait3A_279 = tpu.memref_squeeze %dma_wait3A_278 : memref<1x125xi32, #tpu.memory_space<vmem>> -> memref<125xi32, #tpu.memory_space<vmem>>
          %dma_wait3A_280 = arith.constant 0 : i32
          %dma_wait3A_281 = arith.constant 0 : i32
          %dma_wait3A_282 = tpu.memref_slice %arg26[%dma_wait3A_280, %dma_wait3A_281] : memref<10000x80xf32, #tpu.memory_space<vmem_shared>> -> memref<10000x80xf32, #tpu.memory_space<vmem_shared>>
          tpu.wait_indirect_dma semaphore(%run_scoped3A_270 : memref<!tpu.dma_semaphore, #tpu.memory_space<semaphore_mem>>) src(%arg15 : memref<125x80xf32, #tpu.memory_space<vmem>>) dst(%dma_wait3A_282 : memref<10000x80xf32, #tpu.memory_space<vmem_shared>>)
          tpu.yield
        }) : () -> ()
        %add3A_254 = arith.constant 5 : i32
        %add3A_255 = arith.addi %add3A_245, %add3A_254 : i32
        %lt3A_256 = arith.constant 160 : i32
        %lt3A_257 = arith.cmpi slt, %add3A_255, %lt3A_256 : i32
        %convert_element_type3A_258 = arith.extui %lt3A_257 : i1 to i32
        %cond3A_259 = arith.constant 0 : i32
        %cond3A_260 = arith.cmpi ne, %convert_element_type3A_258, %cond3A_259 : i32
        scf.if %cond3A_260 {
          %add3A_270 = arith.constant 5 : i32
          %add3A_271 = arith.addi %add3A_245, %add3A_270 : i32
          %dma_start3A_272 = arith.constant 0 : i32
          %dma_start3A_273 = arith.constant 0 : i32
          %dma_start3A_274 = tpu.memref_slice %arg4[%arg1, %add3A_271, %dma_start3A_272, %dma_start3A_273] : memref<16x160x2x125xi32, #tpu.memory_space<hbm>> -> memref<1x1x2x125xi32, #tpu.memory_space<hbm>>
          %dma_start3A_275 = tpu.memref_squeeze %dma_start3A_274 : memref<1x1x2x125xi32, #tpu.memory_space<hbm>> -> memref<2x125xi32, #tpu.memory_space<hbm>>
          %dma_start3A_276 = arith.constant 0 : i32
          %dma_start3A_277 = arith.constant 0 : i32
          %dma_start3A_278 = tpu.memref_slice %arg4[%arg1, %add3A_271, %dma_start3A_276, %dma_start3A_277] : memref<16x160x2x125xi32, #tpu.memory_space<hbm>> -> memref<1x1x2x125xi32, #tpu.memory_space<hbm>>
          %dma_start3A_279 = tpu.memref_squeeze %dma_start3A_278 : memref<1x1x2x125xi32, #tpu.memory_space<hbm>> -> memref<2x125xi32, #tpu.memory_space<hbm>>
          tpu.enqueue_dma source(%dma_start3A_279 : memref<2x125xi32, #tpu.memory_space<hbm>>) target(%arg10 : memref<2x125xi32, #tpu.memory_space<vmem>>) target_semaphore(%arg20 : memref<!tpu.dma_semaphore, #tpu.memory_space<semaphore_mem>>)
        } else {
        }
        %add3A_261 = arith.constant 5 : i32
        %add3A_262 = arith.addi %add3A_245, %add3A_261 : i32
        %sub3A_263 = arith.constant 1 : i32
        %sub3A_264 = arith.subi %add3A_262, %sub3A_263 : i32
        %lt3A_265 = arith.constant 160 : i32
        %lt3A_266 = arith.cmpi slt, %sub3A_264, %lt3A_265 : i32
        %convert_element_type3A_267 = arith.extui %lt3A_266 : i1 to i32
        %cond3A_268 = arith.constant 0 : i32
        %cond3A_269 = arith.cmpi ne, %convert_element_type3A_267, %cond3A_268 : i32
        scf.if %cond3A_269 {
          %add3A_270 = arith.constant 5 : i32
          %add3A_271 = arith.addi %add3A_245, %add3A_270 : i32
          %sub3A_272 = arith.constant 1 : i32
          %sub3A_273 = arith.subi %add3A_271, %sub3A_272 : i32
          %dma_wait3A_274 = arith.constant 0 : i32
          %dma_wait3A_275 = arith.constant 0 : i32
          %dma_wait3A_276 = tpu.memref_slice %arg4[%arg1, %sub3A_273, %dma_wait3A_274, %dma_wait3A_275] : memref<16x160x2x125xi32, #tpu.memory_space<hbm>> -> memref<1x1x2x125xi32, #tpu.memory_space<hbm>>
          %dma_wait3A_277 = tpu.memref_squeeze %dma_wait3A_276 : memref<1x1x2x125xi32, #tpu.memory_space<hbm>> -> memref<2x125xi32, #tpu.memory_space<hbm>>
          %dma_wait3A_278 = arith.constant 0 : i32
          %dma_wait3A_279 = arith.constant 0 : i32
          %dma_wait3A_280 = tpu.memref_slice %arg4[%arg1, %sub3A_273, %dma_wait3A_278, %dma_wait3A_279] : memref<16x160x2x125xi32, #tpu.memory_space<hbm>> -> memref<1x1x2x125xi32, #tpu.memory_space<hbm>>
          %dma_wait3A_281 = tpu.memref_squeeze %dma_wait3A_280 : memref<1x1x2x125xi32, #tpu.memory_space<hbm>> -> memref<2x125xi32, #tpu.memory_space<hbm>>
          tpu.wait_dma2 semaphore(%arg19 : memref<!tpu.dma_semaphore, #tpu.memory_space<semaphore_mem>>) src(%dma_wait3A_281 : memref<2x125xi32, #tpu.memory_space<hbm>>) dst(%arg9 : memref<2x125xi32, #tpu.memory_space<vmem>>)
          %dma_start3A_282 = arith.constant 0 : i32
          %dma_start3A_283 = arith.constant 0 : i32
          %dma_start3A_284 = tpu.memref_slice %arg9[%dma_start3A_282, %dma_start3A_283] : memref<2x125xi32, #tpu.memory_space<vmem>> -> memref<1x125xi32, #tpu.memory_space<vmem>>
          %dma_start3A_285 = tpu.memref_squeeze %dma_start3A_284 : memref<1x125xi32, #tpu.memory_space<vmem>> -> memref<125xi32, #tpu.memory_space<vmem>>
          %dma_start3A_286 = arith.constant 0 : i32
          %dma_start3A_287 = arith.constant 0 : i32
          %dma_start3A_288 = tpu.memref_slice %arg2[%dma_start3A_286, %dma_start3A_287] : memref<10000x80xf32, #tpu.memory_space<hbm>> -> memref<10000x80xf32, #tpu.memory_space<hbm>>
          tpu.enqueue_indirect_dma source(%dma_start3A_288 : memref<10000x80xf32, #tpu.memory_space<hbm>>) target(%arg14 : memref<125x80xf32, #tpu.memory_space<vmem>>) offsets(%dma_start3A_285 : memref<125xi32, #tpu.memory_space<vmem>>) semaphore(%arg24 : memref<!tpu.dma_semaphore, #tpu.memory_space<semaphore_mem>>)
        } else {
        }
      }
      %scan3A_132 = arith.constant 32 : i32
    } else {
    }
    %ne3A = arith.constant 0 : i32
    %ne3A_2 = arith.cmpi ne, %arg0, %ne3A : i32
    %convert_element_type3A_3 = arith.extui %ne3A_2 : i1 to i32
    %cond3A_4 = arith.constant 0 : i32
    %cond3A_5 = arith.cmpi ne, %convert_element_type3A_3, %cond3A_4 : i32
    scf.if %cond3A_5 {
      %mul3A_12 = arith.constant 624 : i32
      %mul3A_13 = arith.muli %arg1, %mul3A_12 : i32
      %multiple_of3A_14 = tpu.assume_multiple %mul3A_13, 8 : i32
      "tpu.region"() ({
        %run_scoped3A = tpu.sem_alloc : memref<!tpu.dma_semaphore, #tpu.memory_space<semaphore_mem>>
        %dma_start3A_133 = arith.constant 0 : i32
        %dma_start3A_134 = tpu.memref_slice %arg26[%multiple_of3A_14, %dma_start3A_133] : memref<10000x80xf32, #tpu.memory_space<vmem_shared>> -> memref<624x80xf32, #tpu.memory_space<vmem_shared>>
        %dma_start3A_135 = arith.constant 0 : i32
        %dma_start3A_136 = tpu.memref_slice %arg3[%multiple_of3A_14, %dma_start3A_135] : memref<10000x80xf32, #tpu.memory_space<hbm>> -> memref<624x80xf32, #tpu.memory_space<hbm>>
        tpu.enqueue_dma source(%dma_start3A_136 : memref<624x80xf32, #tpu.memory_space<hbm>>) target(%dma_start3A_134 : memref<624x80xf32, #tpu.memory_space<vmem_shared>>) target_semaphore(%run_scoped3A : memref<!tpu.dma_semaphore, #tpu.memory_space<semaphore_mem>>)
        %dma_wait3A_137 = arith.constant 0 : i32
        %dma_wait3A_138 = tpu.memref_slice %arg26[%multiple_of3A_14, %dma_wait3A_137] : memref<10000x80xf32, #tpu.memory_space<vmem_shared>> -> memref<624x80xf32, #tpu.memory_space<vmem_shared>>
        %dma_wait3A_139 = arith.constant 0 : i32
        %dma_wait3A_140 = tpu.memref_slice %arg3[%multiple_of3A_14, %dma_wait3A_139] : memref<10000x80xf32, #tpu.memory_space<hbm>> -> memref<624x80xf32, #tpu.memory_space<hbm>>
        tpu.wait_dma2 semaphore(%run_scoped3A : memref<!tpu.dma_semaphore, #tpu.memory_space<semaphore_mem>>) src(%dma_wait3A_140 : memref<624x80xf32, #tpu.memory_space<hbm>>) dst(%dma_wait3A_138 : memref<624x80xf32, #tpu.memory_space<vmem_shared>>)
        tpu.yield
      }) : () -> ()
      %eq3A_15 = arith.constant 15 : i32
      %eq3A_16 = arith.cmpi eq, %arg1, %eq3A_15 : i32
      %convert_element_type3A_17 = arith.extui %eq3A_16 : i1 to i32
      %cond3A_18 = arith.constant 0 : i32
      %cond3A_19 = arith.cmpi ne, %convert_element_type3A_17, %cond3A_18 : i32
      scf.if %cond3A_19 {
        "tpu.region"() ({
          %run_scoped3A = tpu.sem_alloc : memref<!tpu.dma_semaphore, #tpu.memory_space<semaphore_mem>>
          %dma_start3A_133 = arith.constant 9984 : i32
          %dma_start3A_134 = arith.constant 0 : i32
          %dma_start3A_135 = tpu.memref_slice %arg26[%dma_start3A_133, %dma_start3A_134] : memref<10000x80xf32, #tpu.memory_space<vmem_shared>> -> memref<16x80xf32, #tpu.memory_space<vmem_shared>>
          %dma_start3A_136 = arith.constant 9984 : i32
          %dma_start3A_137 = arith.constant 0 : i32
          %dma_start3A_138 = tpu.memref_slice %arg3[%dma_start3A_136, %dma_start3A_137] : memref<10000x80xf32, #tpu.memory_space<hbm>> -> memref<16x80xf32, #tpu.memory_space<hbm>>
          tpu.enqueue_dma source(%dma_start3A_138 : memref<16x80xf32, #tpu.memory_space<hbm>>) target(%dma_start3A_135 : memref<16x80xf32, #tpu.memory_space<vmem_shared>>) target_semaphore(%run_scoped3A : memref<!tpu.dma_semaphore, #tpu.memory_space<semaphore_mem>>)
          %dma_wait3A_139 = arith.constant 9984 : i32
          %dma_wait3A_140 = arith.constant 0 : i32
          %dma_wait3A_141 = tpu.memref_slice %arg26[%dma_wait3A_139, %dma_wait3A_140] : memref<10000x80xf32, #tpu.memory_space<vmem_shared>> -> memref<16x80xf32, #tpu.memory_space<vmem_shared>>
          %dma_wait3A_142 = arith.constant 9984 : i32
          %dma_wait3A_143 = arith.constant 0 : i32
          %dma_wait3A_144 = tpu.memref_slice %arg3[%dma_wait3A_142, %dma_wait3A_143] : memref<10000x80xf32, #tpu.memory_space<hbm>> -> memref<16x80xf32, #tpu.memory_space<hbm>>
          tpu.wait_dma2 semaphore(%run_scoped3A : memref<!tpu.dma_semaphore, #tpu.memory_space<semaphore_mem>>) src(%dma_wait3A_144 : memref<16x80xf32, #tpu.memory_space<hbm>>) dst(%dma_wait3A_141 : memref<16x80xf32, #tpu.memory_space<vmem_shared>>)
          tpu.yield
        }) : () -> ()
      } else {
      }
      %dma_start3A = arith.constant 0 : i32
      %dma_start3A_20 = arith.constant 0 : i32
      %dma_start3A_21 = arith.constant 0 : i32
      %dma_start3A_22 = tpu.memref_slice %arg4[%arg1, %dma_start3A, %dma_start3A_20, %dma_start3A_21] : memref<16x160x2x125xi32, #tpu.memory_space<hbm>> -> memref<1x1x2x125xi32, #tpu.memory_space<hbm>>
      %dma_start3A_23 = tpu.memref_squeeze %dma_start3A_22 : memref<1x1x2x125xi32, #tpu.memory_space<hbm>> -> memref<2x125xi32, #tpu.memory_space<hbm>>
      %dma_start3A_24 = arith.constant 0 : i32
      %dma_start3A_25 = arith.constant 0 : i32
      %dma_start3A_26 = tpu.memref_slice %arg4[%arg1, %dma_start3A, %dma_start3A_24, %dma_start3A_25] : memref<16x160x2x125xi32, #tpu.memory_space<hbm>> -> memref<1x1x2x125xi32, #tpu.memory_space<hbm>>
      %dma_start3A_27 = tpu.memref_squeeze %dma_start3A_26 : memref<1x1x2x125xi32, #tpu.memory_space<hbm>> -> memref<2x125xi32, #tpu.memory_space<hbm>>
      tpu.enqueue_dma source(%dma_start3A_27 : memref<2x125xi32, #tpu.memory_space<hbm>>) target(%arg6 : memref<2x125xi32, #tpu.memory_space<vmem>>) target_semaphore(%arg16 : memref<!tpu.dma_semaphore, #tpu.memory_space<semaphore_mem>>)
      %dma_start3A_28 = arith.constant 1 : i32
      %dma_start3A_29 = arith.constant 0 : i32
      %dma_start3A_30 = arith.constant 0 : i32
      %dma_start3A_31 = tpu.memref_slice %arg4[%arg1, %dma_start3A_28, %dma_start3A_29, %dma_start3A_30] : memref<16x160x2x125xi32, #tpu.memory_space<hbm>> -> memref<1x1x2x125xi32, #tpu.memory_space<hbm>>
      %dma_start3A_32 = tpu.memref_squeeze %dma_start3A_31 : memref<1x1x2x125xi32, #tpu.memory_space<hbm>> -> memref<2x125xi32, #tpu.memory_space<hbm>>
      %dma_start3A_33 = arith.constant 0 : i32
      %dma_start3A_34 = arith.constant 0 : i32
      %dma_start3A_35 = tpu.memref_slice %arg4[%arg1, %dma_start3A_28, %dma_start3A_33, %dma_start3A_34] : memref<16x160x2x125xi32, #tpu.memory_space<hbm>> -> memref<1x1x2x125xi32, #tpu.memory_space<hbm>>
      %dma_start3A_36 = tpu.memref_squeeze %dma_start3A_35 : memref<1x1x2x125xi32, #tpu.memory_space<hbm>> -> memref<2x125xi32, #tpu.memory_space<hbm>>
      tpu.enqueue_dma source(%dma_start3A_36 : memref<2x125xi32, #tpu.memory_space<hbm>>) target(%arg7 : memref<2x125xi32, #tpu.memory_space<vmem>>) target_semaphore(%arg17 : memref<!tpu.dma_semaphore, #tpu.memory_space<semaphore_mem>>)
      %dma_start3A_37 = arith.constant 2 : i32
      %dma_start3A_38 = arith.constant 0 : i32
      %dma_start3A_39 = arith.constant 0 : i32
      %dma_start3A_40 = tpu.memref_slice %arg4[%arg1, %dma_start3A_37, %dma_start3A_38, %dma_start3A_39] : memref<16x160x2x125xi32, #tpu.memory_space<hbm>> -> memref<1x1x2x125xi32, #tpu.memory_space<hbm>>
      %dma_start3A_41 = tpu.memref_squeeze %dma_start3A_40 : memref<1x1x2x125xi32, #tpu.memory_space<hbm>> -> memref<2x125xi32, #tpu.memory_space<hbm>>
      %dma_start3A_42 = arith.constant 0 : i32
      %dma_start3A_43 = arith.constant 0 : i32
      %dma_start3A_44 = tpu.memref_slice %arg4[%arg1, %dma_start3A_37, %dma_start3A_42, %dma_start3A_43] : memref<16x160x2x125xi32, #tpu.memory_space<hbm>> -> memref<1x1x2x125xi32, #tpu.memory_space<hbm>>
      %dma_start3A_45 = tpu.memref_squeeze %dma_start3A_44 : memref<1x1x2x125xi32, #tpu.memory_space<hbm>> -> memref<2x125xi32, #tpu.memory_space<hbm>>
      tpu.enqueue_dma source(%dma_start3A_45 : memref<2x125xi32, #tpu.memory_space<hbm>>) target(%arg8 : memref<2x125xi32, #tpu.memory_space<vmem>>) target_semaphore(%arg18 : memref<!tpu.dma_semaphore, #tpu.memory_space<semaphore_mem>>)
      %dma_start3A_46 = arith.constant 3 : i32
      %dma_start3A_47 = arith.constant 0 : i32
      %dma_start3A_48 = arith.constant 0 : i32
      %dma_start3A_49 = tpu.memref_slice %arg4[%arg1, %dma_start3A_46, %dma_start3A_47, %dma_start3A_48] : memref<16x160x2x125xi32, #tpu.memory_space<hbm>> -> memref<1x1x2x125xi32, #tpu.memory_space<hbm>>
      %dma_start3A_50 = tpu.memref_squeeze %dma_start3A_49 : memref<1x1x2x125xi32, #tpu.memory_space<hbm>> -> memref<2x125xi32, #tpu.memory_space<hbm>>
      %dma_start3A_51 = arith.constant 0 : i32
      %dma_start3A_52 = arith.constant 0 : i32
      %dma_start3A_53 = tpu.memref_slice %arg4[%arg1, %dma_start3A_46, %dma_start3A_51, %dma_start3A_52] : memref<16x160x2x125xi32, #tpu.memory_space<hbm>> -> memref<1x1x2x125xi32, #tpu.memory_space<hbm>>
      %dma_start3A_54 = tpu.memref_squeeze %dma_start3A_53 : memref<1x1x2x125xi32, #tpu.memory_space<hbm>> -> memref<2x125xi32, #tpu.memory_space<hbm>>
      tpu.enqueue_dma source(%dma_start3A_54 : memref<2x125xi32, #tpu.memory_space<hbm>>) target(%arg9 : memref<2x125xi32, #tpu.memory_space<vmem>>) target_semaphore(%arg19 : memref<!tpu.dma_semaphore, #tpu.memory_space<semaphore_mem>>)
      %dma_start3A_55 = arith.constant 4 : i32
      %dma_start3A_56 = arith.constant 0 : i32
      %dma_start3A_57 = arith.constant 0 : i32
      %dma_start3A_58 = tpu.memref_slice %arg4[%arg1, %dma_start3A_55, %dma_start3A_56, %dma_start3A_57] : memref<16x160x2x125xi32, #tpu.memory_space<hbm>> -> memref<1x1x2x125xi32, #tpu.memory_space<hbm>>
      %dma_start3A_59 = tpu.memref_squeeze %dma_start3A_58 : memref<1x1x2x125xi32, #tpu.memory_space<hbm>> -> memref<2x125xi32, #tpu.memory_space<hbm>>
      %dma_start3A_60 = arith.constant 0 : i32
      %dma_start3A_61 = arith.constant 0 : i32
      %dma_start3A_62 = tpu.memref_slice %arg4[%arg1, %dma_start3A_55, %dma_start3A_60, %dma_start3A_61] : memref<16x160x2x125xi32, #tpu.memory_space<hbm>> -> memref<1x1x2x125xi32, #tpu.memory_space<hbm>>
      %dma_start3A_63 = tpu.memref_squeeze %dma_start3A_62 : memref<1x1x2x125xi32, #tpu.memory_space<hbm>> -> memref<2x125xi32, #tpu.memory_space<hbm>>
      tpu.enqueue_dma source(%dma_start3A_63 : memref<2x125xi32, #tpu.memory_space<hbm>>) target(%arg10 : memref<2x125xi32, #tpu.memory_space<vmem>>) target_semaphore(%arg20 : memref<!tpu.dma_semaphore, #tpu.memory_space<semaphore_mem>>)
      %barrier3A_64 = arith.constant 0 : index
      tpu.barrier barrier_id(%barrier3A_64)
      %dma_wait3A = arith.constant 0 : i32
      %dma_wait3A_65 = arith.constant 0 : i32
      %dma_wait3A_66 = arith.constant 0 : i32
      %dma_wait3A_67 = tpu.memref_slice %arg4[%arg1, %dma_wait3A, %dma_wait3A_65, %dma_wait3A_66] : memref<16x160x2x125xi32, #tpu.memory_space<hbm>> -> memref<1x1x2x125xi32, #tpu.memory_space<hbm>>
      %dma_wait3A_68 = tpu.memref_squeeze %dma_wait3A_67 : memref<1x1x2x125xi32, #tpu.memory_space<hbm>> -> memref<2x125xi32, #tpu.memory_space<hbm>>
      %dma_wait3A_69 = arith.constant 0 : i32
      %dma_wait3A_70 = arith.constant 0 : i32
      %dma_wait3A_71 = tpu.memref_slice %arg4[%arg1, %dma_wait3A, %dma_wait3A_69, %dma_wait3A_70] : memref<16x160x2x125xi32, #tpu.memory_space<hbm>> -> memref<1x1x2x125xi32, #tpu.memory_space<hbm>>
      %dma_wait3A_72 = tpu.memref_squeeze %dma_wait3A_71 : memref<1x1x2x125xi32, #tpu.memory_space<hbm>> -> memref<2x125xi32, #tpu.memory_space<hbm>>
      tpu.wait_dma2 semaphore(%arg16 : memref<!tpu.dma_semaphore, #tpu.memory_space<semaphore_mem>>) src(%dma_wait3A_72 : memref<2x125xi32, #tpu.memory_space<hbm>>) dst(%arg6 : memref<2x125xi32, #tpu.memory_space<vmem>>)
      %dma_start3A_73 = arith.constant 0 : i32
      %dma_start3A_74 = arith.constant 0 : i32
      %dma_start3A_75 = tpu.memref_slice %arg6[%dma_start3A_73, %dma_start3A_74] : memref<2x125xi32, #tpu.memory_space<vmem>> -> memref<1x125xi32, #tpu.memory_space<vmem>>
      %dma_start3A_76 = tpu.memref_squeeze %dma_start3A_75 : memref<1x125xi32, #tpu.memory_space<vmem>> -> memref<125xi32, #tpu.memory_space<vmem>>
      %dma_start3A_77 = arith.constant 0 : i32
      %dma_start3A_78 = arith.constant 0 : i32
      %dma_start3A_79 = tpu.memref_slice %arg3[%dma_start3A_77, %dma_start3A_78] : memref<10000x80xf32, #tpu.memory_space<hbm>> -> memref<10000x80xf32, #tpu.memory_space<hbm>>
      tpu.enqueue_indirect_dma source(%dma_start3A_79 : memref<10000x80xf32, #tpu.memory_space<hbm>>) target(%arg11 : memref<125x80xf32, #tpu.memory_space<vmem>>) offsets(%dma_start3A_76 : memref<125xi32, #tpu.memory_space<vmem>>) semaphore(%arg21 : memref<!tpu.dma_semaphore, #tpu.memory_space<semaphore_mem>>)
      %dma_wait3A_80 = arith.constant 1 : i32
      %dma_wait3A_81 = arith.constant 0 : i32
      %dma_wait3A_82 = arith.constant 0 : i32
      %dma_wait3A_83 = tpu.memref_slice %arg4[%arg1, %dma_wait3A_80, %dma_wait3A_81, %dma_wait3A_82] : memref<16x160x2x125xi32, #tpu.memory_space<hbm>> -> memref<1x1x2x125xi32, #tpu.memory_space<hbm>>
      %dma_wait3A_84 = tpu.memref_squeeze %dma_wait3A_83 : memref<1x1x2x125xi32, #tpu.memory_space<hbm>> -> memref<2x125xi32, #tpu.memory_space<hbm>>
      %dma_wait3A_85 = arith.constant 0 : i32
      %dma_wait3A_86 = arith.constant 0 : i32
      %dma_wait3A_87 = tpu.memref_slice %arg4[%arg1, %dma_wait3A_80, %dma_wait3A_85, %dma_wait3A_86] : memref<16x160x2x125xi32, #tpu.memory_space<hbm>> -> memref<1x1x2x125xi32, #tpu.memory_space<hbm>>
      %dma_wait3A_88 = tpu.memref_squeeze %dma_wait3A_87 : memref<1x1x2x125xi32, #tpu.memory_space<hbm>> -> memref<2x125xi32, #tpu.memory_space<hbm>>
      tpu.wait_dma2 semaphore(%arg17 : memref<!tpu.dma_semaphore, #tpu.memory_space<semaphore_mem>>) src(%dma_wait3A_88 : memref<2x125xi32, #tpu.memory_space<hbm>>) dst(%arg7 : memref<2x125xi32, #tpu.memory_space<vmem>>)
      %dma_start3A_89 = arith.constant 0 : i32
      %dma_start3A_90 = arith.constant 0 : i32
      %dma_start3A_91 = tpu.memref_slice %arg7[%dma_start3A_89, %dma_start3A_90] : memref<2x125xi32, #tpu.memory_space<vmem>> -> memref<1x125xi32, #tpu.memory_space<vmem>>
      %dma_start3A_92 = tpu.memref_squeeze %dma_start3A_91 : memref<1x125xi32, #tpu.memory_space<vmem>> -> memref<125xi32, #tpu.memory_space<vmem>>
      %dma_start3A_93 = arith.constant 0 : i32
      %dma_start3A_94 = arith.constant 0 : i32
      %dma_start3A_95 = tpu.memref_slice %arg3[%dma_start3A_93, %dma_start3A_94] : memref<10000x80xf32, #tpu.memory_space<hbm>> -> memref<10000x80xf32, #tpu.memory_space<hbm>>
      tpu.enqueue_indirect_dma source(%dma_start3A_95 : memref<10000x80xf32, #tpu.memory_space<hbm>>) target(%arg12 : memref<125x80xf32, #tpu.memory_space<vmem>>) offsets(%dma_start3A_92 : memref<125xi32, #tpu.memory_space<vmem>>) semaphore(%arg22 : memref<!tpu.dma_semaphore, #tpu.memory_space<semaphore_mem>>)
      %dma_wait3A_96 = arith.constant 2 : i32
      %dma_wait3A_97 = arith.constant 0 : i32
      %dma_wait3A_98 = arith.constant 0 : i32
      %dma_wait3A_99 = tpu.memref_slice %arg4[%arg1, %dma_wait3A_96, %dma_wait3A_97, %dma_wait3A_98] : memref<16x160x2x125xi32, #tpu.memory_space<hbm>> -> memref<1x1x2x125xi32, #tpu.memory_space<hbm>>
      %dma_wait3A_100 = tpu.memref_squeeze %dma_wait3A_99 : memref<1x1x2x125xi32, #tpu.memory_space<hbm>> -> memref<2x125xi32, #tpu.memory_space<hbm>>
      %dma_wait3A_101 = arith.constant 0 : i32
      %dma_wait3A_102 = arith.constant 0 : i32
      %dma_wait3A_103 = tpu.memref_slice %arg4[%arg1, %dma_wait3A_96, %dma_wait3A_101, %dma_wait3A_102] : memref<16x160x2x125xi32, #tpu.memory_space<hbm>> -> memref<1x1x2x125xi32, #tpu.memory_space<hbm>>
      %dma_wait3A_104 = tpu.memref_squeeze %dma_wait3A_103 : memref<1x1x2x125xi32, #tpu.memory_space<hbm>> -> memref<2x125xi32, #tpu.memory_space<hbm>>
      tpu.wait_dma2 semaphore(%arg18 : memref<!tpu.dma_semaphore, #tpu.memory_space<semaphore_mem>>) src(%dma_wait3A_104 : memref<2x125xi32, #tpu.memory_space<hbm>>) dst(%arg8 : memref<2x125xi32, #tpu.memory_space<vmem>>)
      %dma_start3A_105 = arith.constant 0 : i32
      %dma_start3A_106 = arith.constant 0 : i32
      %dma_start3A_107 = tpu.memref_slice %arg8[%dma_start3A_105, %dma_start3A_106] : memref<2x125xi32, #tpu.memory_space<vmem>> -> memref<1x125xi32, #tpu.memory_space<vmem>>
      %dma_start3A_108 = tpu.memref_squeeze %dma_start3A_107 : memref<1x125xi32, #tpu.memory_space<vmem>> -> memref<125xi32, #tpu.memory_space<vmem>>
      %dma_start3A_109 = arith.constant 0 : i32
      %dma_start3A_110 = arith.constant 0 : i32
      %dma_start3A_111 = tpu.memref_slice %arg3[%dma_start3A_109, %dma_start3A_110] : memref<10000x80xf32, #tpu.memory_space<hbm>> -> memref<10000x80xf32, #tpu.memory_space<hbm>>
      tpu.enqueue_indirect_dma source(%dma_start3A_111 : memref<10000x80xf32, #tpu.memory_space<hbm>>) target(%arg13 : memref<125x80xf32, #tpu.memory_space<vmem>>) offsets(%dma_start3A_108 : memref<125xi32, #tpu.memory_space<vmem>>) semaphore(%arg23 : memref<!tpu.dma_semaphore, #tpu.memory_space<semaphore_mem>>)
      %dma_wait3A_112 = arith.constant 3 : i32
      %dma_wait3A_113 = arith.constant 0 : i32
      %dma_wait3A_114 = arith.constant 0 : i32
      %dma_wait3A_115 = tpu.memref_slice %arg4[%arg1, %dma_wait3A_112, %dma_wait3A_113, %dma_wait3A_114] : memref<16x160x2x125xi32, #tpu.memory_space<hbm>> -> memref<1x1x2x125xi32, #tpu.memory_space<hbm>>
      %dma_wait3A_116 = tpu.memref_squeeze %dma_wait3A_115 : memref<1x1x2x125xi32, #tpu.memory_space<hbm>> -> memref<2x125xi32, #tpu.memory_space<hbm>>
      %dma_wait3A_117 = arith.constant 0 : i32
      %dma_wait3A_118 = arith.constant 0 : i32
      %dma_wait3A_119 = tpu.memref_slice %arg4[%arg1, %dma_wait3A_112, %dma_wait3A_117, %dma_wait3A_118] : memref<16x160x2x125xi32, #tpu.memory_space<hbm>> -> memref<1x1x2x125xi32, #tpu.memory_space<hbm>>
      %dma_wait3A_120 = tpu.memref_squeeze %dma_wait3A_119 : memref<1x1x2x125xi32, #tpu.memory_space<hbm>> -> memref<2x125xi32, #tpu.memory_space<hbm>>
      tpu.wait_dma2 semaphore(%arg19 : memref<!tpu.dma_semaphore, #tpu.memory_space<semaphore_mem>>) src(%dma_wait3A_120 : memref<2x125xi32, #tpu.memory_space<hbm>>) dst(%arg9 : memref<2x125xi32, #tpu.memory_space<vmem>>)
      %dma_start3A_121 = arith.constant 0 : i32
      %dma_start3A_122 = arith.constant 0 : i32
      %dma_start3A_123 = tpu.memref_slice %arg9[%dma_start3A_121, %dma_start3A_122] : memref<2x125xi32, #tpu.memory_space<vmem>> -> memref<1x125xi32, #tpu.memory_space<vmem>>
      %dma_start3A_124 = tpu.memref_squeeze %dma_start3A_123 : memref<1x125xi32, #tpu.memory_space<vmem>> -> memref<125xi32, #tpu.memory_space<vmem>>
      %dma_start3A_125 = arith.constant 0 : i32
      %dma_start3A_126 = arith.constant 0 : i32
      %dma_start3A_127 = tpu.memref_slice %arg3[%dma_start3A_125, %dma_start3A_126] : memref<10000x80xf32, #tpu.memory_space<hbm>> -> memref<10000x80xf32, #tpu.memory_space<hbm>>
      tpu.enqueue_indirect_dma source(%dma_start3A_127 : memref<10000x80xf32, #tpu.memory_space<hbm>>) target(%arg14 : memref<125x80xf32, #tpu.memory_space<vmem>>) offsets(%dma_start3A_124 : memref<125xi32, #tpu.memory_space<vmem>>) semaphore(%arg24 : memref<!tpu.dma_semaphore, #tpu.memory_space<semaphore_mem>>)
      %scan3A = arith.constant 0 : i32
      %scan3A_128 = arith.constant 0 : i32
      %scan3A_129 = arith.constant 32 : i32
      %scan3A_130 = arith.addi %scan3A_128, %scan3A_129 : i32
      %scan3A_131 = arith.constant 1 : i32
      scf.for %scan3A_133 = %scan3A_128 to %scan3A_130 step %scan3A_131  : i32 {
        %mul3A_134 = arith.constant 5 : i32
        %mul3A_135 = arith.muli %mul3A_134, %scan3A_133 : i32
        %add3A = arith.constant 0 : i32
        %add3A_136 = arith.addi %mul3A_135, %add3A : i32
        %dma_wait3A_137 = arith.constant 0 : i32
        %dma_wait3A_138 = arith.constant 0 : i32
        %dma_wait3A_139 = tpu.memref_slice %arg6[%dma_wait3A_137, %dma_wait3A_138] : memref<2x125xi32, #tpu.memory_space<vmem>> -> memref<1x125xi32, #tpu.memory_space<vmem>>
        %dma_wait3A_140 = tpu.memref_squeeze %dma_wait3A_139 : memref<1x125xi32, #tpu.memory_space<vmem>> -> memref<125xi32, #tpu.memory_space<vmem>>
        %dma_wait3A_141 = arith.constant 0 : i32
        %dma_wait3A_142 = arith.constant 0 : i32
        %dma_wait3A_143 = tpu.memref_slice %arg3[%dma_wait3A_141, %dma_wait3A_142] : memref<10000x80xf32, #tpu.memory_space<hbm>> -> memref<10000x80xf32, #tpu.memory_space<hbm>>
        tpu.wait_indirect_dma semaphore(%arg21 : memref<!tpu.dma_semaphore, #tpu.memory_space<semaphore_mem>>) src(%dma_wait3A_143 : memref<10000x80xf32, #tpu.memory_space<hbm>>) dst(%arg11 : memref<125x80xf32, #tpu.memory_space<vmem>>)
        %run_scoped3A = arith.constant 1 : i32
        "tpu.region"() ({
          %run_scoped3A_270 = tpu.sem_alloc : memref<!tpu.dma_semaphore, #tpu.memory_space<semaphore_mem>>
          %dma_start3A_271 = arith.constant 0 : i32
          %dma_start3A_272 = tpu.memref_slice %arg6[%run_scoped3A, %dma_start3A_271] : memref<2x125xi32, #tpu.memory_space<vmem>> -> memref<1x125xi32, #tpu.memory_space<vmem>>
          %dma_start3A_273 = tpu.memref_squeeze %dma_start3A_272 : memref<1x125xi32, #tpu.memory_space<vmem>> -> memref<125xi32, #tpu.memory_space<vmem>>
          %dma_start3A_274 = arith.constant 0 : i32
          %dma_start3A_275 = arith.constant 0 : i32
          %dma_start3A_276 = tpu.memref_slice %arg26[%dma_start3A_274, %dma_start3A_275] : memref<10000x80xf32, #tpu.memory_space<vmem_shared>> -> memref<10000x80xf32, #tpu.memory_space<vmem_shared>>
          tpu.enqueue_indirect_dma source(%arg11 : memref<125x80xf32, #tpu.memory_space<vmem>>) target(%dma_start3A_276 : memref<10000x80xf32, #tpu.memory_space<vmem_shared>>) offsets(%dma_start3A_273 : memref<125xi32, #tpu.memory_space<vmem>>) semaphore(%run_scoped3A_270 : memref<!tpu.dma_semaphore, #tpu.memory_space<semaphore_mem>>) {add = true}
          %dma_wait3A_277 = arith.constant 0 : i32
          %dma_wait3A_278 = tpu.memref_slice %arg6[%run_scoped3A, %dma_wait3A_277] : memref<2x125xi32, #tpu.memory_space<vmem>> -> memref<1x125xi32, #tpu.memory_space<vmem>>
          %dma_wait3A_279 = tpu.memref_squeeze %dma_wait3A_278 : memref<1x125xi32, #tpu.memory_space<vmem>> -> memref<125xi32, #tpu.memory_space<vmem>>
          %dma_wait3A_280 = arith.constant 0 : i32
          %dma_wait3A_281 = arith.constant 0 : i32
          %dma_wait3A_282 = tpu.memref_slice %arg26[%dma_wait3A_280, %dma_wait3A_281] : memref<10000x80xf32, #tpu.memory_space<vmem_shared>> -> memref<10000x80xf32, #tpu.memory_space<vmem_shared>>
          tpu.wait_indirect_dma semaphore(%run_scoped3A_270 : memref<!tpu.dma_semaphore, #tpu.memory_space<semaphore_mem>>) src(%arg11 : memref<125x80xf32, #tpu.memory_space<vmem>>) dst(%dma_wait3A_282 : memref<10000x80xf32, #tpu.memory_space<vmem_shared>>)
          tpu.yield
        }) : () -> ()
        %add3A_144 = arith.constant 5 : i32
        %add3A_145 = arith.addi %add3A_136, %add3A_144 : i32
        %lt3A = arith.constant 160 : i32
        %lt3A_146 = arith.cmpi slt, %add3A_145, %lt3A : i32
        %convert_element_type3A_147 = arith.extui %lt3A_146 : i1 to i32
        %cond3A_148 = arith.constant 0 : i32
        %cond3A_149 = arith.cmpi ne, %convert_element_type3A_147, %cond3A_148 : i32
        scf.if %cond3A_149 {
          %add3A_270 = arith.constant 5 : i32
          %add3A_271 = arith.addi %add3A_136, %add3A_270 : i32
          %dma_start3A_272 = arith.constant 0 : i32
          %dma_start3A_273 = arith.constant 0 : i32
          %dma_start3A_274 = tpu.memref_slice %arg4[%arg1, %add3A_271, %dma_start3A_272, %dma_start3A_273] : memref<16x160x2x125xi32, #tpu.memory_space<hbm>> -> memref<1x1x2x125xi32, #tpu.memory_space<hbm>>
          %dma_start3A_275 = tpu.memref_squeeze %dma_start3A_274 : memref<1x1x2x125xi32, #tpu.memory_space<hbm>> -> memref<2x125xi32, #tpu.memory_space<hbm>>
          %dma_start3A_276 = arith.constant 0 : i32
          %dma_start3A_277 = arith.constant 0 : i32
          %dma_start3A_278 = tpu.memref_slice %arg4[%arg1, %add3A_271, %dma_start3A_276, %dma_start3A_277] : memref<16x160x2x125xi32, #tpu.memory_space<hbm>> -> memref<1x1x2x125xi32, #tpu.memory_space<hbm>>
          %dma_start3A_279 = tpu.memref_squeeze %dma_start3A_278 : memref<1x1x2x125xi32, #tpu.memory_space<hbm>> -> memref<2x125xi32, #tpu.memory_space<hbm>>
          tpu.enqueue_dma source(%dma_start3A_279 : memref<2x125xi32, #tpu.memory_space<hbm>>) target(%arg6 : memref<2x125xi32, #tpu.memory_space<vmem>>) target_semaphore(%arg16 : memref<!tpu.dma_semaphore, #tpu.memory_space<semaphore_mem>>)
        } else {
        }
        %add3A_150 = arith.constant 5 : i32
        %add3A_151 = arith.addi %add3A_136, %add3A_150 : i32
        %sub3A = arith.constant 1 : i32
        %sub3A_152 = arith.subi %add3A_151, %sub3A : i32
        %lt3A_153 = arith.constant 160 : i32
        %lt3A_154 = arith.cmpi slt, %sub3A_152, %lt3A_153 : i32
        %convert_element_type3A_155 = arith.extui %lt3A_154 : i1 to i32
        %cond3A_156 = arith.constant 0 : i32
        %cond3A_157 = arith.cmpi ne, %convert_element_type3A_155, %cond3A_156 : i32
        scf.if %cond3A_157 {
          %add3A_270 = arith.constant 5 : i32
          %add3A_271 = arith.addi %add3A_136, %add3A_270 : i32
          %sub3A_272 = arith.constant 1 : i32
          %sub3A_273 = arith.subi %add3A_271, %sub3A_272 : i32
          %dma_wait3A_274 = arith.constant 0 : i32
          %dma_wait3A_275 = arith.constant 0 : i32
          %dma_wait3A_276 = tpu.memref_slice %arg4[%arg1, %sub3A_273, %dma_wait3A_274, %dma_wait3A_275] : memref<16x160x2x125xi32, #tpu.memory_space<hbm>> -> memref<1x1x2x125xi32, #tpu.memory_space<hbm>>
          %dma_wait3A_277 = tpu.memref_squeeze %dma_wait3A_276 : memref<1x1x2x125xi32, #tpu.memory_space<hbm>> -> memref<2x125xi32, #tpu.memory_space<hbm>>
          %dma_wait3A_278 = arith.constant 0 : i32
          %dma_wait3A_279 = arith.constant 0 : i32
          %dma_wait3A_280 = tpu.memref_slice %arg4[%arg1, %sub3A_273, %dma_wait3A_278, %dma_wait3A_279] : memref<16x160x2x125xi32, #tpu.memory_space<hbm>> -> memref<1x1x2x125xi32, #tpu.memory_space<hbm>>
          %dma_wait3A_281 = tpu.memref_squeeze %dma_wait3A_280 : memref<1x1x2x125xi32, #tpu.memory_space<hbm>> -> memref<2x125xi32, #tpu.memory_space<hbm>>
          tpu.wait_dma2 semaphore(%arg20 : memref<!tpu.dma_semaphore, #tpu.memory_space<semaphore_mem>>) src(%dma_wait3A_281 : memref<2x125xi32, #tpu.memory_space<hbm>>) dst(%arg10 : memref<2x125xi32, #tpu.memory_space<vmem>>)
          %dma_start3A_282 = arith.constant 0 : i32
          %dma_start3A_283 = arith.constant 0 : i32
          %dma_start3A_284 = tpu.memref_slice %arg10[%dma_start3A_282, %dma_start3A_283] : memref<2x125xi32, #tpu.memory_space<vmem>> -> memref<1x125xi32, #tpu.memory_space<vmem>>
          %dma_start3A_285 = tpu.memref_squeeze %dma_start3A_284 : memref<1x125xi32, #tpu.memory_space<vmem>> -> memref<125xi32, #tpu.memory_space<vmem>>
          %dma_start3A_286 = arith.constant 0 : i32
          %dma_start3A_287 = arith.constant 0 : i32
          %dma_start3A_288 = tpu.memref_slice %arg3[%dma_start3A_286, %dma_start3A_287] : memref<10000x80xf32, #tpu.memory_space<hbm>> -> memref<10000x80xf32, #tpu.memory_space<hbm>>
          tpu.enqueue_indirect_dma source(%dma_start3A_288 : memref<10000x80xf32, #tpu.memory_space<hbm>>) target(%arg15 : memref<125x80xf32, #tpu.memory_space<vmem>>) offsets(%dma_start3A_285 : memref<125xi32, #tpu.memory_space<vmem>>) semaphore(%arg25 : memref<!tpu.dma_semaphore, #tpu.memory_space<semaphore_mem>>)
        } else {
        }
        %mul3A_158 = arith.constant 5 : i32
        %mul3A_159 = arith.muli %mul3A_158, %scan3A_133 : i32
        %add3A_160 = arith.constant 1 : i32
        %add3A_161 = arith.addi %mul3A_159, %add3A_160 : i32
        %dma_wait3A_162 = arith.constant 0 : i32
        %dma_wait3A_163 = arith.constant 0 : i32
        %dma_wait3A_164 = tpu.memref_slice %arg7[%dma_wait3A_162, %dma_wait3A_163] : memref<2x125xi32, #tpu.memory_space<vmem>> -> memref<1x125xi32, #tpu.memory_space<vmem>>
        %dma_wait3A_165 = tpu.memref_squeeze %dma_wait3A_164 : memref<1x125xi32, #tpu.memory_space<vmem>> -> memref<125xi32, #tpu.memory_space<vmem>>
        %dma_wait3A_166 = arith.constant 0 : i32
        %dma_wait3A_167 = arith.constant 0 : i32
        %dma_wait3A_168 = tpu.memref_slice %arg3[%dma_wait3A_166, %dma_wait3A_167] : memref<10000x80xf32, #tpu.memory_space<hbm>> -> memref<10000x80xf32, #tpu.memory_space<hbm>>
        tpu.wait_indirect_dma semaphore(%arg22 : memref<!tpu.dma_semaphore, #tpu.memory_space<semaphore_mem>>) src(%dma_wait3A_168 : memref<10000x80xf32, #tpu.memory_space<hbm>>) dst(%arg12 : memref<125x80xf32, #tpu.memory_space<vmem>>)
        %run_scoped3A_169 = arith.constant 1 : i32
        "tpu.region"() ({
          %run_scoped3A_270 = tpu.sem_alloc : memref<!tpu.dma_semaphore, #tpu.memory_space<semaphore_mem>>
          %dma_start3A_271 = arith.constant 0 : i32
          %dma_start3A_272 = tpu.memref_slice %arg7[%run_scoped3A_169, %dma_start3A_271] : memref<2x125xi32, #tpu.memory_space<vmem>> -> memref<1x125xi32, #tpu.memory_space<vmem>>
          %dma_start3A_273 = tpu.memref_squeeze %dma_start3A_272 : memref<1x125xi32, #tpu.memory_space<vmem>> -> memref<125xi32, #tpu.memory_space<vmem>>
          %dma_start3A_274 = arith.constant 0 : i32
          %dma_start3A_275 = arith.constant 0 : i32
          %dma_start3A_276 = tpu.memref_slice %arg26[%dma_start3A_274, %dma_start3A_275] : memref<10000x80xf32, #tpu.memory_space<vmem_shared>> -> memref<10000x80xf32, #tpu.memory_space<vmem_shared>>
          tpu.enqueue_indirect_dma source(%arg12 : memref<125x80xf32, #tpu.memory_space<vmem>>) target(%dma_start3A_276 : memref<10000x80xf32, #tpu.memory_space<vmem_shared>>) offsets(%dma_start3A_273 : memref<125xi32, #tpu.memory_space<vmem>>) semaphore(%run_scoped3A_270 : memref<!tpu.dma_semaphore, #tpu.memory_space<semaphore_mem>>) {add = true}
          %dma_wait3A_277 = arith.constant 0 : i32
          %dma_wait3A_278 = tpu.memref_slice %arg7[%run_scoped3A_169, %dma_wait3A_277] : memref<2x125xi32, #tpu.memory_space<vmem>> -> memref<1x125xi32, #tpu.memory_space<vmem>>
          %dma_wait3A_279 = tpu.memref_squeeze %dma_wait3A_278 : memref<1x125xi32, #tpu.memory_space<vmem>> -> memref<125xi32, #tpu.memory_space<vmem>>
          %dma_wait3A_280 = arith.constant 0 : i32
          %dma_wait3A_281 = arith.constant 0 : i32
          %dma_wait3A_282 = tpu.memref_slice %arg26[%dma_wait3A_280, %dma_wait3A_281] : memref<10000x80xf32, #tpu.memory_space<vmem_shared>> -> memref<10000x80xf32, #tpu.memory_space<vmem_shared>>
          tpu.wait_indirect_dma semaphore(%run_scoped3A_270 : memref<!tpu.dma_semaphore, #tpu.memory_space<semaphore_mem>>) src(%arg12 : memref<125x80xf32, #tpu.memory_space<vmem>>) dst(%dma_wait3A_282 : memref<10000x80xf32, #tpu.memory_space<vmem_shared>>)
          tpu.yield
        }) : () -> ()
        %add3A_170 = arith.constant 5 : i32
        %add3A_171 = arith.addi %add3A_161, %add3A_170 : i32
        %lt3A_172 = arith.constant 160 : i32
        %lt3A_173 = arith.cmpi slt, %add3A_171, %lt3A_172 : i32
        %convert_element_type3A_174 = arith.extui %lt3A_173 : i1 to i32
        %cond3A_175 = arith.constant 0 : i32
        %cond3A_176 = arith.cmpi ne, %convert_element_type3A_174, %cond3A_175 : i32
        scf.if %cond3A_176 {
          %add3A_270 = arith.constant 5 : i32
          %add3A_271 = arith.addi %add3A_161, %add3A_270 : i32
          %dma_start3A_272 = arith.constant 0 : i32
          %dma_start3A_273 = arith.constant 0 : i32
          %dma_start3A_274 = tpu.memref_slice %arg4[%arg1, %add3A_271, %dma_start3A_272, %dma_start3A_273] : memref<16x160x2x125xi32, #tpu.memory_space<hbm>> -> memref<1x1x2x125xi32, #tpu.memory_space<hbm>>
          %dma_start3A_275 = tpu.memref_squeeze %dma_start3A_274 : memref<1x1x2x125xi32, #tpu.memory_space<hbm>> -> memref<2x125xi32, #tpu.memory_space<hbm>>
          %dma_start3A_276 = arith.constant 0 : i32
          %dma_start3A_277 = arith.constant 0 : i32
          %dma_start3A_278 = tpu.memref_slice %arg4[%arg1, %add3A_271, %dma_start3A_276, %dma_start3A_277] : memref<16x160x2x125xi32, #tpu.memory_space<hbm>> -> memref<1x1x2x125xi32, #tpu.memory_space<hbm>>
          %dma_start3A_279 = tpu.memref_squeeze %dma_start3A_278 : memref<1x1x2x125xi32, #tpu.memory_space<hbm>> -> memref<2x125xi32, #tpu.memory_space<hbm>>
          tpu.enqueue_dma source(%dma_start3A_279 : memref<2x125xi32, #tpu.memory_space<hbm>>) target(%arg7 : memref<2x125xi32, #tpu.memory_space<vmem>>) target_semaphore(%arg17 : memref<!tpu.dma_semaphore, #tpu.memory_space<semaphore_mem>>)
        } else {
        }
        %add3A_177 = arith.constant 5 : i32
        %add3A_178 = arith.addi %add3A_161, %add3A_177 : i32
        %sub3A_179 = arith.constant 1 : i32
        %sub3A_180 = arith.subi %add3A_178, %sub3A_179 : i32
        %lt3A_181 = arith.constant 160 : i32
        %lt3A_182 = arith.cmpi slt, %sub3A_180, %lt3A_181 : i32
        %convert_element_type3A_183 = arith.extui %lt3A_182 : i1 to i32
        %cond3A_184 = arith.constant 0 : i32
        %cond3A_185 = arith.cmpi ne, %convert_element_type3A_183, %cond3A_184 : i32
        scf.if %cond3A_185 {
          %add3A_270 = arith.constant 5 : i32
          %add3A_271 = arith.addi %add3A_161, %add3A_270 : i32
          %sub3A_272 = arith.constant 1 : i32
          %sub3A_273 = arith.subi %add3A_271, %sub3A_272 : i32
          %dma_wait3A_274 = arith.constant 0 : i32
          %dma_wait3A_275 = arith.constant 0 : i32
          %dma_wait3A_276 = tpu.memref_slice %arg4[%arg1, %sub3A_273, %dma_wait3A_274, %dma_wait3A_275] : memref<16x160x2x125xi32, #tpu.memory_space<hbm>> -> memref<1x1x2x125xi32, #tpu.memory_space<hbm>>
          %dma_wait3A_277 = tpu.memref_squeeze %dma_wait3A_276 : memref<1x1x2x125xi32, #tpu.memory_space<hbm>> -> memref<2x125xi32, #tpu.memory_space<hbm>>
          %dma_wait3A_278 = arith.constant 0 : i32
          %dma_wait3A_279 = arith.constant 0 : i32
          %dma_wait3A_280 = tpu.memref_slice %arg4[%arg1, %sub3A_273, %dma_wait3A_278, %dma_wait3A_279] : memref<16x160x2x125xi32, #tpu.memory_space<hbm>> -> memref<1x1x2x125xi32, #tpu.memory_space<hbm>>
          %dma_wait3A_281 = tpu.memref_squeeze %dma_wait3A_280 : memref<1x1x2x125xi32, #tpu.memory_space<hbm>> -> memref<2x125xi32, #tpu.memory_space<hbm>>
          tpu.wait_dma2 semaphore(%arg16 : memref<!tpu.dma_semaphore, #tpu.memory_space<semaphore_mem>>) src(%dma_wait3A_281 : memref<2x125xi32, #tpu.memory_space<hbm>>) dst(%arg6 : memref<2x125xi32, #tpu.memory_space<vmem>>)
          %dma_start3A_282 = arith.constant 0 : i32
          %dma_start3A_283 = arith.constant 0 : i32
          %dma_start3A_284 = tpu.memref_slice %arg6[%dma_start3A_282, %dma_start3A_283] : memref<2x125xi32, #tpu.memory_space<vmem>> -> memref<1x125xi32, #tpu.memory_space<vmem>>
          %dma_start3A_285 = tpu.memref_squeeze %dma_start3A_284 : memref<1x125xi32, #tpu.memory_space<vmem>> -> memref<125xi32, #tpu.memory_space<vmem>>
          %dma_start3A_286 = arith.constant 0 : i32
          %dma_start3A_287 = arith.constant 0 : i32
          %dma_start3A_288 = tpu.memref_slice %arg3[%dma_start3A_286, %dma_start3A_287] : memref<10000x80xf32, #tpu.memory_space<hbm>> -> memref<10000x80xf32, #tpu.memory_space<hbm>>
          tpu.enqueue_indirect_dma source(%dma_start3A_288 : memref<10000x80xf32, #tpu.memory_space<hbm>>) target(%arg11 : memref<125x80xf32, #tpu.memory_space<vmem>>) offsets(%dma_start3A_285 : memref<125xi32, #tpu.memory_space<vmem>>) semaphore(%arg21 : memref<!tpu.dma_semaphore, #tpu.memory_space<semaphore_mem>>)
        } else {
        }
        %mul3A_186 = arith.constant 5 : i32
        %mul3A_187 = arith.muli %mul3A_186, %scan3A_133 : i32
        %add3A_188 = arith.constant 2 : i32
        %add3A_189 = arith.addi %mul3A_187, %add3A_188 : i32
        %dma_wait3A_190 = arith.constant 0 : i32
        %dma_wait3A_191 = arith.constant 0 : i32
        %dma_wait3A_192 = tpu.memref_slice %arg8[%dma_wait3A_190, %dma_wait3A_191] : memref<2x125xi32, #tpu.memory_space<vmem>> -> memref<1x125xi32, #tpu.memory_space<vmem>>
        %dma_wait3A_193 = tpu.memref_squeeze %dma_wait3A_192 : memref<1x125xi32, #tpu.memory_space<vmem>> -> memref<125xi32, #tpu.memory_space<vmem>>
        %dma_wait3A_194 = arith.constant 0 : i32
        %dma_wait3A_195 = arith.constant 0 : i32
        %dma_wait3A_196 = tpu.memref_slice %arg3[%dma_wait3A_194, %dma_wait3A_195] : memref<10000x80xf32, #tpu.memory_space<hbm>> -> memref<10000x80xf32, #tpu.memory_space<hbm>>
        tpu.wait_indirect_dma semaphore(%arg23 : memref<!tpu.dma_semaphore, #tpu.memory_space<semaphore_mem>>) src(%dma_wait3A_196 : memref<10000x80xf32, #tpu.memory_space<hbm>>) dst(%arg13 : memref<125x80xf32, #tpu.memory_space<vmem>>)
        %run_scoped3A_197 = arith.constant 1 : i32
        "tpu.region"() ({
          %run_scoped3A_270 = tpu.sem_alloc : memref<!tpu.dma_semaphore, #tpu.memory_space<semaphore_mem>>
          %dma_start3A_271 = arith.constant 0 : i32
          %dma_start3A_272 = tpu.memref_slice %arg8[%run_scoped3A_197, %dma_start3A_271] : memref<2x125xi32, #tpu.memory_space<vmem>> -> memref<1x125xi32, #tpu.memory_space<vmem>>
          %dma_start3A_273 = tpu.memref_squeeze %dma_start3A_272 : memref<1x125xi32, #tpu.memory_space<vmem>> -> memref<125xi32, #tpu.memory_space<vmem>>
          %dma_start3A_274 = arith.constant 0 : i32
          %dma_start3A_275 = arith.constant 0 : i32
          %dma_start3A_276 = tpu.memref_slice %arg26[%dma_start3A_274, %dma_start3A_275] : memref<10000x80xf32, #tpu.memory_space<vmem_shared>> -> memref<10000x80xf32, #tpu.memory_space<vmem_shared>>
          tpu.enqueue_indirect_dma source(%arg13 : memref<125x80xf32, #tpu.memory_space<vmem>>) target(%dma_start3A_276 : memref<10000x80xf32, #tpu.memory_space<vmem_shared>>) offsets(%dma_start3A_273 : memref<125xi32, #tpu.memory_space<vmem>>) semaphore(%run_scoped3A_270 : memref<!tpu.dma_semaphore, #tpu.memory_space<semaphore_mem>>) {add = true}
          %dma_wait3A_277 = arith.constant 0 : i32
          %dma_wait3A_278 = tpu.memref_slice %arg8[%run_scoped3A_197, %dma_wait3A_277] : memref<2x125xi32, #tpu.memory_space<vmem>> -> memref<1x125xi32, #tpu.memory_space<vmem>>
          %dma_wait3A_279 = tpu.memref_squeeze %dma_wait3A_278 : memref<1x125xi32, #tpu.memory_space<vmem>> -> memref<125xi32, #tpu.memory_space<vmem>>
          %dma_wait3A_280 = arith.constant 0 : i32
          %dma_wait3A_281 = arith.constant 0 : i32
          %dma_wait3A_282 = tpu.memref_slice %arg26[%dma_wait3A_280, %dma_wait3A_281] : memref<10000x80xf32, #tpu.memory_space<vmem_shared>> -> memref<10000x80xf32, #tpu.memory_space<vmem_shared>>
          tpu.wait_indirect_dma semaphore(%run_scoped3A_270 : memref<!tpu.dma_semaphore, #tpu.memory_space<semaphore_mem>>) src(%arg13 : memref<125x80xf32, #tpu.memory_space<vmem>>) dst(%dma_wait3A_282 : memref<10000x80xf32, #tpu.memory_space<vmem_shared>>)
          tpu.yield
        }) : () -> ()
        %add3A_198 = arith.constant 5 : i32
        %add3A_199 = arith.addi %add3A_189, %add3A_198 : i32
        %lt3A_200 = arith.constant 160 : i32
        %lt3A_201 = arith.cmpi slt, %add3A_199, %lt3A_200 : i32
        %convert_element_type3A_202 = arith.extui %lt3A_201 : i1 to i32
        %cond3A_203 = arith.constant 0 : i32
        %cond3A_204 = arith.cmpi ne, %convert_element_type3A_202, %cond3A_203 : i32
        scf.if %cond3A_204 {
          %add3A_270 = arith.constant 5 : i32
          %add3A_271 = arith.addi %add3A_189, %add3A_270 : i32
          %dma_start3A_272 = arith.constant 0 : i32
          %dma_start3A_273 = arith.constant 0 : i32
          %dma_start3A_274 = tpu.memref_slice %arg4[%arg1, %add3A_271, %dma_start3A_272, %dma_start3A_273] : memref<16x160x2x125xi32, #tpu.memory_space<hbm>> -> memref<1x1x2x125xi32, #tpu.memory_space<hbm>>
          %dma_start3A_275 = tpu.memref_squeeze %dma_start3A_274 : memref<1x1x2x125xi32, #tpu.memory_space<hbm>> -> memref<2x125xi32, #tpu.memory_space<hbm>>
          %dma_start3A_276 = arith.constant 0 : i32
          %dma_start3A_277 = arith.constant 0 : i32
          %dma_start3A_278 = tpu.memref_slice %arg4[%arg1, %add3A_271, %dma_start3A_276, %dma_start3A_277] : memref<16x160x2x125xi32, #tpu.memory_space<hbm>> -> memref<1x1x2x125xi32, #tpu.memory_space<hbm>>
          %dma_start3A_279 = tpu.memref_squeeze %dma_start3A_278 : memref<1x1x2x125xi32, #tpu.memory_space<hbm>> -> memref<2x125xi32, #tpu.memory_space<hbm>>
          tpu.enqueue_dma source(%dma_start3A_279 : memref<2x125xi32, #tpu.memory_space<hbm>>) target(%arg8 : memref<2x125xi32, #tpu.memory_space<vmem>>) target_semaphore(%arg18 : memref<!tpu.dma_semaphore, #tpu.memory_space<semaphore_mem>>)
        } else {
        }
        %add3A_205 = arith.constant 5 : i32
        %add3A_206 = arith.addi %add3A_189, %add3A_205 : i32
        %sub3A_207 = arith.constant 1 : i32
        %sub3A_208 = arith.subi %add3A_206, %sub3A_207 : i32
        %lt3A_209 = arith.constant 160 : i32
        %lt3A_210 = arith.cmpi slt, %sub3A_208, %lt3A_209 : i32
        %convert_element_type3A_211 = arith.extui %lt3A_210 : i1 to i32
        %cond3A_212 = arith.constant 0 : i32
        %cond3A_213 = arith.cmpi ne, %convert_element_type3A_211, %cond3A_212 : i32
        scf.if %cond3A_213 {
          %add3A_270 = arith.constant 5 : i32
          %add3A_271 = arith.addi %add3A_189, %add3A_270 : i32
          %sub3A_272 = arith.constant 1 : i32
          %sub3A_273 = arith.subi %add3A_271, %sub3A_272 : i32
          %dma_wait3A_274 = arith.constant 0 : i32
          %dma_wait3A_275 = arith.constant 0 : i32
          %dma_wait3A_276 = tpu.memref_slice %arg4[%arg1, %sub3A_273, %dma_wait3A_274, %dma_wait3A_275] : memref<16x160x2x125xi32, #tpu.memory_space<hbm>> -> memref<1x1x2x125xi32, #tpu.memory_space<hbm>>
          %dma_wait3A_277 = tpu.memref_squeeze %dma_wait3A_276 : memref<1x1x2x125xi32, #tpu.memory_space<hbm>> -> memref<2x125xi32, #tpu.memory_space<hbm>>
          %dma_wait3A_278 = arith.constant 0 : i32
          %dma_wait3A_279 = arith.constant 0 : i32
          %dma_wait3A_280 = tpu.memref_slice %arg4[%arg1, %sub3A_273, %dma_wait3A_278, %dma_wait3A_279] : memref<16x160x2x125xi32, #tpu.memory_space<hbm>> -> memref<1x1x2x125xi32, #tpu.memory_space<hbm>>
          %dma_wait3A_281 = tpu.memref_squeeze %dma_wait3A_280 : memref<1x1x2x125xi32, #tpu.memory_space<hbm>> -> memref<2x125xi32, #tpu.memory_space<hbm>>
          tpu.wait_dma2 semaphore(%arg17 : memref<!tpu.dma_semaphore, #tpu.memory_space<semaphore_mem>>) src(%dma_wait3A_281 : memref<2x125xi32, #tpu.memory_space<hbm>>) dst(%arg7 : memref<2x125xi32, #tpu.memory_space<vmem>>)
          %dma_start3A_282 = arith.constant 0 : i32
          %dma_start3A_283 = arith.constant 0 : i32
          %dma_start3A_284 = tpu.memref_slice %arg7[%dma_start3A_282, %dma_start3A_283] : memref<2x125xi32, #tpu.memory_space<vmem>> -> memref<1x125xi32, #tpu.memory_space<vmem>>
          %dma_start3A_285 = tpu.memref_squeeze %dma_start3A_284 : memref<1x125xi32, #tpu.memory_space<vmem>> -> memref<125xi32, #tpu.memory_space<vmem>>
          %dma_start3A_286 = arith.constant 0 : i32
          %dma_start3A_287 = arith.constant 0 : i32
          %dma_start3A_288 = tpu.memref_slice %arg3[%dma_start3A_286, %dma_start3A_287] : memref<10000x80xf32, #tpu.memory_space<hbm>> -> memref<10000x80xf32, #tpu.memory_space<hbm>>
          tpu.enqueue_indirect_dma source(%dma_start3A_288 : memref<10000x80xf32, #tpu.memory_space<hbm>>) target(%arg12 : memref<125x80xf32, #tpu.memory_space<vmem>>) offsets(%dma_start3A_285 : memref<125xi32, #tpu.memory_space<vmem>>) semaphore(%arg22 : memref<!tpu.dma_semaphore, #tpu.memory_space<semaphore_mem>>)
        } else {
        }
        %mul3A_214 = arith.constant 5 : i32
        %mul3A_215 = arith.muli %mul3A_214, %scan3A_133 : i32
        %add3A_216 = arith.constant 3 : i32
        %add3A_217 = arith.addi %mul3A_215, %add3A_216 : i32
        %dma_wait3A_218 = arith.constant 0 : i32
        %dma_wait3A_219 = arith.constant 0 : i32
        %dma_wait3A_220 = tpu.memref_slice %arg9[%dma_wait3A_218, %dma_wait3A_219] : memref<2x125xi32, #tpu.memory_space<vmem>> -> memref<1x125xi32, #tpu.memory_space<vmem>>
        %dma_wait3A_221 = tpu.memref_squeeze %dma_wait3A_220 : memref<1x125xi32, #tpu.memory_space<vmem>> -> memref<125xi32, #tpu.memory_space<vmem>>
        %dma_wait3A_222 = arith.constant 0 : i32
        %dma_wait3A_223 = arith.constant 0 : i32
        %dma_wait3A_224 = tpu.memref_slice %arg3[%dma_wait3A_222, %dma_wait3A_223] : memref<10000x80xf32, #tpu.memory_space<hbm>> -> memref<10000x80xf32, #tpu.memory_space<hbm>>
        tpu.wait_indirect_dma semaphore(%arg24 : memref<!tpu.dma_semaphore, #tpu.memory_space<semaphore_mem>>) src(%dma_wait3A_224 : memref<10000x80xf32, #tpu.memory_space<hbm>>) dst(%arg14 : memref<125x80xf32, #tpu.memory_space<vmem>>)
        %run_scoped3A_225 = arith.constant 1 : i32
        "tpu.region"() ({
          %run_scoped3A_270 = tpu.sem_alloc : memref<!tpu.dma_semaphore, #tpu.memory_space<semaphore_mem>>
          %dma_start3A_271 = arith.constant 0 : i32
          %dma_start3A_272 = tpu.memref_slice %arg9[%run_scoped3A_225, %dma_start3A_271] : memref<2x125xi32, #tpu.memory_space<vmem>> -> memref<1x125xi32, #tpu.memory_space<vmem>>
          %dma_start3A_273 = tpu.memref_squeeze %dma_start3A_272 : memref<1x125xi32, #tpu.memory_space<vmem>> -> memref<125xi32, #tpu.memory_space<vmem>>
          %dma_start3A_274 = arith.constant 0 : i32
          %dma_start3A_275 = arith.constant 0 : i32
          %dma_start3A_276 = tpu.memref_slice %arg26[%dma_start3A_274, %dma_start3A_275] : memref<10000x80xf32, #tpu.memory_space<vmem_shared>> -> memref<10000x80xf32, #tpu.memory_space<vmem_shared>>
          tpu.enqueue_indirect_dma source(%arg14 : memref<125x80xf32, #tpu.memory_space<vmem>>) target(%dma_start3A_276 : memref<10000x80xf32, #tpu.memory_space<vmem_shared>>) offsets(%dma_start3A_273 : memref<125xi32, #tpu.memory_space<vmem>>) semaphore(%run_scoped3A_270 : memref<!tpu.dma_semaphore, #tpu.memory_space<semaphore_mem>>) {add = true}
          %dma_wait3A_277 = arith.constant 0 : i32
          %dma_wait3A_278 = tpu.memref_slice %arg9[%run_scoped3A_225, %dma_wait3A_277] : memref<2x125xi32, #tpu.memory_space<vmem>> -> memref<1x125xi32, #tpu.memory_space<vmem>>
          %dma_wait3A_279 = tpu.memref_squeeze %dma_wait3A_278 : memref<1x125xi32, #tpu.memory_space<vmem>> -> memref<125xi32, #tpu.memory_space<vmem>>
          %dma_wait3A_280 = arith.constant 0 : i32
          %dma_wait3A_281 = arith.constant 0 : i32
          %dma_wait3A_282 = tpu.memref_slice %arg26[%dma_wait3A_280, %dma_wait3A_281] : memref<10000x80xf32, #tpu.memory_space<vmem_shared>> -> memref<10000x80xf32, #tpu.memory_space<vmem_shared>>
          tpu.wait_indirect_dma semaphore(%run_scoped3A_270 : memref<!tpu.dma_semaphore, #tpu.memory_space<semaphore_mem>>) src(%arg14 : memref<125x80xf32, #tpu.memory_space<vmem>>) dst(%dma_wait3A_282 : memref<10000x80xf32, #tpu.memory_space<vmem_shared>>)
          tpu.yield
        }) : () -> ()
        %add3A_226 = arith.constant 5 : i32
        %add3A_227 = arith.addi %add3A_217, %add3A_226 : i32
        %lt3A_228 = arith.constant 160 : i32
        %lt3A_229 = arith.cmpi slt, %add3A_227, %lt3A_228 : i32
        %convert_element_type3A_230 = arith.extui %lt3A_229 : i1 to i32
        %cond3A_231 = arith.constant 0 : i32
        %cond3A_232 = arith.cmpi ne, %convert_element_type3A_230, %cond3A_231 : i32
        scf.if %cond3A_232 {
          %add3A_270 = arith.constant 5 : i32
          %add3A_271 = arith.addi %add3A_217, %add3A_270 : i32
          %dma_start3A_272 = arith.constant 0 : i32
          %dma_start3A_273 = arith.constant 0 : i32
          %dma_start3A_274 = tpu.memref_slice %arg4[%arg1, %add3A_271, %dma_start3A_272, %dma_start3A_273] : memref<16x160x2x125xi32, #tpu.memory_space<hbm>> -> memref<1x1x2x125xi32, #tpu.memory_space<hbm>>
          %dma_start3A_275 = tpu.memref_squeeze %dma_start3A_274 : memref<1x1x2x125xi32, #tpu.memory_space<hbm>> -> memref<2x125xi32, #tpu.memory_space<hbm>>
          %dma_start3A_276 = arith.constant 0 : i32
          %dma_start3A_277 = arith.constant 0 : i32
          %dma_start3A_278 = tpu.memref_slice %arg4[%arg1, %add3A_271, %dma_start3A_276, %dma_start3A_277] : memref<16x160x2x125xi32, #tpu.memory_space<hbm>> -> memref<1x1x2x125xi32, #tpu.memory_space<hbm>>
          %dma_start3A_279 = tpu.memref_squeeze %dma_start3A_278 : memref<1x1x2x125xi32, #tpu.memory_space<hbm>> -> memref<2x125xi32, #tpu.memory_space<hbm>>
          tpu.enqueue_dma source(%dma_start3A_279 : memref<2x125xi32, #tpu.memory_space<hbm>>) target(%arg9 : memref<2x125xi32, #tpu.memory_space<vmem>>) target_semaphore(%arg19 : memref<!tpu.dma_semaphore, #tpu.memory_space<semaphore_mem>>)
        } else {
        }
        %add3A_233 = arith.constant 5 : i32
        %add3A_234 = arith.addi %add3A_217, %add3A_233 : i32
        %sub3A_235 = arith.constant 1 : i32
        %sub3A_236 = arith.subi %add3A_234, %sub3A_235 : i32
        %lt3A_237 = arith.constant 160 : i32
        %lt3A_238 = arith.cmpi slt, %sub3A_236, %lt3A_237 : i32
        %convert_element_type3A_239 = arith.extui %lt3A_238 : i1 to i32
        %cond3A_240 = arith.constant 0 : i32
        %cond3A_241 = arith.cmpi ne, %convert_element_type3A_239, %cond3A_240 : i32
        scf.if %cond3A_241 {
          %add3A_270 = arith.constant 5 : i32
          %add3A_271 = arith.addi %add3A_217, %add3A_270 : i32
          %sub3A_272 = arith.constant 1 : i32
          %sub3A_273 = arith.subi %add3A_271, %sub3A_272 : i32
          %dma_wait3A_274 = arith.constant 0 : i32
          %dma_wait3A_275 = arith.constant 0 : i32
          %dma_wait3A_276 = tpu.memref_slice %arg4[%arg1, %sub3A_273, %dma_wait3A_274, %dma_wait3A_275] : memref<16x160x2x125xi32, #tpu.memory_space<hbm>> -> memref<1x1x2x125xi32, #tpu.memory_space<hbm>>
          %dma_wait3A_277 = tpu.memref_squeeze %dma_wait3A_276 : memref<1x1x2x125xi32, #tpu.memory_space<hbm>> -> memref<2x125xi32, #tpu.memory_space<hbm>>
          %dma_wait3A_278 = arith.constant 0 : i32
          %dma_wait3A_279 = arith.constant 0 : i32
          %dma_wait3A_280 = tpu.memref_slice %arg4[%arg1, %sub3A_273, %dma_wait3A_278, %dma_wait3A_279] : memref<16x160x2x125xi32, #tpu.memory_space<hbm>> -> memref<1x1x2x125xi32, #tpu.memory_space<hbm>>
          %dma_wait3A_281 = tpu.memref_squeeze %dma_wait3A_280 : memref<1x1x2x125xi32, #tpu.memory_space<hbm>> -> memref<2x125xi32, #tpu.memory_space<hbm>>
          tpu.wait_dma2 semaphore(%arg18 : memref<!tpu.dma_semaphore, #tpu.memory_space<semaphore_mem>>) src(%dma_wait3A_281 : memref<2x125xi32, #tpu.memory_space<hbm>>) dst(%arg8 : memref<2x125xi32, #tpu.memory_space<vmem>>)
          %dma_start3A_282 = arith.constant 0 : i32
          %dma_start3A_283 = arith.constant 0 : i32
          %dma_start3A_284 = tpu.memref_slice %arg8[%dma_start3A_282, %dma_start3A_283] : memref<2x125xi32, #tpu.memory_space<vmem>> -> memref<1x125xi32, #tpu.memory_space<vmem>>
          %dma_start3A_285 = tpu.memref_squeeze %dma_start3A_284 : memref<1x125xi32, #tpu.memory_space<vmem>> -> memref<125xi32, #tpu.memory_space<vmem>>
          %dma_start3A_286 = arith.constant 0 : i32
          %dma_start3A_287 = arith.constant 0 : i32
          %dma_start3A_288 = tpu.memref_slice %arg3[%dma_start3A_286, %dma_start3A_287] : memref<10000x80xf32, #tpu.memory_space<hbm>> -> memref<10000x80xf32, #tpu.memory_space<hbm>>
          tpu.enqueue_indirect_dma source(%dma_start3A_288 : memref<10000x80xf32, #tpu.memory_space<hbm>>) target(%arg13 : memref<125x80xf32, #tpu.memory_space<vmem>>) offsets(%dma_start3A_285 : memref<125xi32, #tpu.memory_space<vmem>>) semaphore(%arg23 : memref<!tpu.dma_semaphore, #tpu.memory_space<semaphore_mem>>)
        } else {
        }
        %mul3A_242 = arith.constant 5 : i32
        %mul3A_243 = arith.muli %mul3A_242, %scan3A_133 : i32
        %add3A_244 = arith.constant 4 : i32
        %add3A_245 = arith.addi %mul3A_243, %add3A_244 : i32
        %dma_wait3A_246 = arith.constant 0 : i32
        %dma_wait3A_247 = arith.constant 0 : i32
        %dma_wait3A_248 = tpu.memref_slice %arg10[%dma_wait3A_246, %dma_wait3A_247] : memref<2x125xi32, #tpu.memory_space<vmem>> -> memref<1x125xi32, #tpu.memory_space<vmem>>
        %dma_wait3A_249 = tpu.memref_squeeze %dma_wait3A_248 : memref<1x125xi32, #tpu.memory_space<vmem>> -> memref<125xi32, #tpu.memory_space<vmem>>
        %dma_wait3A_250 = arith.constant 0 : i32
        %dma_wait3A_251 = arith.constant 0 : i32
        %dma_wait3A_252 = tpu.memref_slice %arg3[%dma_wait3A_250, %dma_wait3A_251] : memref<10000x80xf32, #tpu.memory_space<hbm>> -> memref<10000x80xf32, #tpu.memory_space<hbm>>
        tpu.wait_indirect_dma semaphore(%arg25 : memref<!tpu.dma_semaphore, #tpu.memory_space<semaphore_mem>>) src(%dma_wait3A_252 : memref<10000x80xf32, #tpu.memory_space<hbm>>) dst(%arg15 : memref<125x80xf32, #tpu.memory_space<vmem>>)
        %run_scoped3A_253 = arith.constant 1 : i32
        "tpu.region"() ({
          %run_scoped3A_270 = tpu.sem_alloc : memref<!tpu.dma_semaphore, #tpu.memory_space<semaphore_mem>>
          %dma_start3A_271 = arith.constant 0 : i32
          %dma_start3A_272 = tpu.memref_slice %arg10[%run_scoped3A_253, %dma_start3A_271] : memref<2x125xi32, #tpu.memory_space<vmem>> -> memref<1x125xi32, #tpu.memory_space<vmem>>
          %dma_start3A_273 = tpu.memref_squeeze %dma_start3A_272 : memref<1x125xi32, #tpu.memory_space<vmem>> -> memref<125xi32, #tpu.memory_space<vmem>>
          %dma_start3A_274 = arith.constant 0 : i32
          %dma_start3A_275 = arith.constant 0 : i32
          %dma_start3A_276 = tpu.memref_slice %arg26[%dma_start3A_274, %dma_start3A_275] : memref<10000x80xf32, #tpu.memory_space<vmem_shared>> -> memref<10000x80xf32, #tpu.memory_space<vmem_shared>>
          tpu.enqueue_indirect_dma source(%arg15 : memref<125x80xf32, #tpu.memory_space<vmem>>) target(%dma_start3A_276 : memref<10000x80xf32, #tpu.memory_space<vmem_shared>>) offsets(%dma_start3A_273 : memref<125xi32, #tpu.memory_space<vmem>>) semaphore(%run_scoped3A_270 : memref<!tpu.dma_semaphore, #tpu.memory_space<semaphore_mem>>) {add = true}
          %dma_wait3A_277 = arith.constant 0 : i32
          %dma_wait3A_278 = tpu.memref_slice %arg10[%run_scoped3A_253, %dma_wait3A_277] : memref<2x125xi32, #tpu.memory_space<vmem>> -> memref<1x125xi32, #tpu.memory_space<vmem>>
          %dma_wait3A_279 = tpu.memref_squeeze %dma_wait3A_278 : memref<1x125xi32, #tpu.memory_space<vmem>> -> memref<125xi32, #tpu.memory_space<vmem>>
          %dma_wait3A_280 = arith.constant 0 : i32
          %dma_wait3A_281 = arith.constant 0 : i32
          %dma_wait3A_282 = tpu.memref_slice %arg26[%dma_wait3A_280, %dma_wait3A_281] : memref<10000x80xf32, #tpu.memory_space<vmem_shared>> -> memref<10000x80xf32, #tpu.memory_space<vmem_shared>>
          tpu.wait_indirect_dma semaphore(%run_scoped3A_270 : memref<!tpu.dma_semaphore, #tpu.memory_space<semaphore_mem>>) src(%arg15 : memref<125x80xf32, #tpu.memory_space<vmem>>) dst(%dma_wait3A_282 : memref<10000x80xf32, #tpu.memory_space<vmem_shared>>)
          tpu.yield
        }) : () -> ()
        %add3A_254 = arith.constant 5 : i32
        %add3A_255 = arith.addi %add3A_245, %add3A_254 : i32
        %lt3A_256 = arith.constant 160 : i32
        %lt3A_257 = arith.cmpi slt, %add3A_255, %lt3A_256 : i32
        %convert_element_type3A_258 = arith.extui %lt3A_257 : i1 to i32
        %cond3A_259 = arith.constant 0 : i32
        %cond3A_260 = arith.cmpi ne, %convert_element_type3A_258, %cond3A_259 : i32
        scf.if %cond3A_260 {
          %add3A_270 = arith.constant 5 : i32
          %add3A_271 = arith.addi %add3A_245, %add3A_270 : i32
          %dma_start3A_272 = arith.constant 0 : i32
          %dma_start3A_273 = arith.constant 0 : i32
          %dma_start3A_274 = tpu.memref_slice %arg4[%arg1, %add3A_271, %dma_start3A_272, %dma_start3A_273] : memref<16x160x2x125xi32, #tpu.memory_space<hbm>> -> memref<1x1x2x125xi32, #tpu.memory_space<hbm>>
          %dma_start3A_275 = tpu.memref_squeeze %dma_start3A_274 : memref<1x1x2x125xi32, #tpu.memory_space<hbm>> -> memref<2x125xi32, #tpu.memory_space<hbm>>
          %dma_start3A_276 = arith.constant 0 : i32
          %dma_start3A_277 = arith.constant 0 : i32
          %dma_start3A_278 = tpu.memref_slice %arg4[%arg1, %add3A_271, %dma_start3A_276, %dma_start3A_277] : memref<16x160x2x125xi32, #tpu.memory_space<hbm>> -> memref<1x1x2x125xi32, #tpu.memory_space<hbm>>
          %dma_start3A_279 = tpu.memref_squeeze %dma_start3A_278 : memref<1x1x2x125xi32, #tpu.memory_space<hbm>> -> memref<2x125xi32, #tpu.memory_space<hbm>>
          tpu.enqueue_dma source(%dma_start3A_279 : memref<2x125xi32, #tpu.memory_space<hbm>>) target(%arg10 : memref<2x125xi32, #tpu.memory_space<vmem>>) target_semaphore(%arg20 : memref<!tpu.dma_semaphore, #tpu.memory_space<semaphore_mem>>)
        } else {
        }
        %add3A_261 = arith.constant 5 : i32
        %add3A_262 = arith.addi %add3A_245, %add3A_261 : i32
        %sub3A_263 = arith.constant 1 : i32
        %sub3A_264 = arith.subi %add3A_262, %sub3A_263 : i32
        %lt3A_265 = arith.constant 160 : i32
        %lt3A_266 = arith.cmpi slt, %sub3A_264, %lt3A_265 : i32
        %convert_element_type3A_267 = arith.extui %lt3A_266 : i1 to i32
        %cond3A_268 = arith.constant 0 : i32
        %cond3A_269 = arith.cmpi ne, %convert_element_type3A_267, %cond3A_268 : i32
        scf.if %cond3A_269 {
          %add3A_270 = arith.constant 5 : i32
          %add3A_271 = arith.addi %add3A_245, %add3A_270 : i32
          %sub3A_272 = arith.constant 1 : i32
          %sub3A_273 = arith.subi %add3A_271, %sub3A_272 : i32
          %dma_wait3A_274 = arith.constant 0 : i32
          %dma_wait3A_275 = arith.constant 0 : i32
          %dma_wait3A_276 = tpu.memref_slice %arg4[%arg1, %sub3A_273, %dma_wait3A_274, %dma_wait3A_275] : memref<16x160x2x125xi32, #tpu.memory_space<hbm>> -> memref<1x1x2x125xi32, #tpu.memory_space<hbm>>
          %dma_wait3A_277 = tpu.memref_squeeze %dma_wait3A_276 : memref<1x1x2x125xi32, #tpu.memory_space<hbm>> -> memref<2x125xi32, #tpu.memory_space<hbm>>
          %dma_wait3A_278 = arith.constant 0 : i32
          %dma_wait3A_279 = arith.constant 0 : i32
          %dma_wait3A_280 = tpu.memref_slice %arg4[%arg1, %sub3A_273, %dma_wait3A_278, %dma_wait3A_279] : memref<16x160x2x125xi32, #tpu.memory_space<hbm>> -> memref<1x1x2x125xi32, #tpu.memory_space<hbm>>
          %dma_wait3A_281 = tpu.memref_squeeze %dma_wait3A_280 : memref<1x1x2x125xi32, #tpu.memory_space<hbm>> -> memref<2x125xi32, #tpu.memory_space<hbm>>
          tpu.wait_dma2 semaphore(%arg19 : memref<!tpu.dma_semaphore, #tpu.memory_space<semaphore_mem>>) src(%dma_wait3A_281 : memref<2x125xi32, #tpu.memory_space<hbm>>) dst(%arg9 : memref<2x125xi32, #tpu.memory_space<vmem>>)
          %dma_start3A_282 = arith.constant 0 : i32
          %dma_start3A_283 = arith.constant 0 : i32
          %dma_start3A_284 = tpu.memref_slice %arg9[%dma_start3A_282, %dma_start3A_283] : memref<2x125xi32, #tpu.memory_space<vmem>> -> memref<1x125xi32, #tpu.memory_space<vmem>>
          %dma_start3A_285 = tpu.memref_squeeze %dma_start3A_284 : memref<1x125xi32, #tpu.memory_space<vmem>> -> memref<125xi32, #tpu.memory_space<vmem>>
          %dma_start3A_286 = arith.constant 0 : i32
          %dma_start3A_287 = arith.constant 0 : i32
          %dma_start3A_288 = tpu.memref_slice %arg3[%dma_start3A_286, %dma_start3A_287] : memref<10000x80xf32, #tpu.memory_space<hbm>> -> memref<10000x80xf32, #tpu.memory_space<hbm>>
          tpu.enqueue_indirect_dma source(%dma_start3A_288 : memref<10000x80xf32, #tpu.memory_space<hbm>>) target(%arg14 : memref<125x80xf32, #tpu.memory_space<vmem>>) offsets(%dma_start3A_285 : memref<125xi32, #tpu.memory_space<vmem>>) semaphore(%arg24 : memref<!tpu.dma_semaphore, #tpu.memory_space<semaphore_mem>>)
        } else {
        }
      }
      %scan3A_132 = arith.constant 32 : i32
    } else {
    }
    %barrier3A = arith.constant 0 : index
    tpu.barrier barrier_id(%barrier3A)
    %mul3A = arith.constant 624 : i32
    %mul3A_6 = arith.muli %arg1, %mul3A : i32
    %multiple_of3A = tpu.assume_multiple %mul3A_6, 8 : i32
    "tpu.region"() ({
      %run_scoped3A = tpu.sem_alloc : memref<!tpu.dma_semaphore, #tpu.memory_space<semaphore_mem>>
      %dma_start3A = arith.constant 0 : i32
      %dma_start3A_12 = tpu.memref_slice %arg5[%arg0, %multiple_of3A, %dma_start3A] : memref<2x10000x80xf32, #tpu.memory_space<hbm>> -> memref<1x624x80xf32, #tpu.memory_space<hbm>>
      %dma_start3A_13 = tpu.memref_squeeze %dma_start3A_12 : memref<1x624x80xf32, #tpu.memory_space<hbm>> -> memref<624x80xf32, #tpu.memory_space<hbm>>
      %dma_start3A_14 = arith.constant 0 : i32
      %dma_start3A_15 = tpu.memref_slice %arg26[%multiple_of3A, %dma_start3A_14] : memref<10000x80xf32, #tpu.memory_space<vmem_shared>> -> memref<624x80xf32, #tpu.memory_space<vmem_shared>>
      tpu.enqueue_dma source(%dma_start3A_15 : memref<624x80xf32, #tpu.memory_space<vmem_shared>>) target(%dma_start3A_13 : memref<624x80xf32, #tpu.memory_space<hbm>>) target_semaphore(%run_scoped3A : memref<!tpu.dma_semaphore, #tpu.memory_space<semaphore_mem>>)
      %dma_wait3A = arith.constant 0 : i32
      %dma_wait3A_16 = tpu.memref_slice %arg5[%arg0, %multiple_of3A, %dma_wait3A] : memref<2x10000x80xf32, #tpu.memory_space<hbm>> -> memref<1x624x80xf32, #tpu.memory_space<hbm>>
      %dma_wait3A_17 = tpu.memref_squeeze %dma_wait3A_16 : memref<1x624x80xf32, #tpu.memory_space<hbm>> -> memref<624x80xf32, #tpu.memory_space<hbm>>
      %dma_wait3A_18 = arith.constant 0 : i32
      %dma_wait3A_19 = tpu.memref_slice %arg26[%multiple_of3A, %dma_wait3A_18] : memref<10000x80xf32, #tpu.memory_space<vmem_shared>> -> memref<624x80xf32, #tpu.memory_space<vmem_shared>>
      tpu.wait_dma2 semaphore(%run_scoped3A : memref<!tpu.dma_semaphore, #tpu.memory_space<semaphore_mem>>) src(%dma_wait3A_19 : memref<624x80xf32, #tpu.memory_space<vmem_shared>>) dst(%dma_wait3A_17 : memref<624x80xf32, #tpu.memory_space<hbm>>)
      tpu.yield
    }) : () -> ()
    %eq3A_7 = arith.constant 15 : i32
    %eq3A_8 = arith.cmpi eq, %arg1, %eq3A_7 : i32
    %convert_element_type3A_9 = arith.extui %eq3A_8 : i1 to i32
    %cond3A_10 = arith.constant 0 : i32
    %cond3A_11 = arith.cmpi ne, %convert_element_type3A_9, %cond3A_10 : i32
    scf.if %cond3A_11 {
      "tpu.region"() ({
        %run_scoped3A = tpu.sem_alloc : memref<!tpu.dma_semaphore, #tpu.memory_space<semaphore_mem>>
        %dma_start3A = arith.constant 9984 : i32
        %dma_start3A_12 = arith.constant 0 : i32
        %dma_start3A_13 = tpu.memref_slice %arg5[%arg0, %dma_start3A, %dma_start3A_12] : memref<2x10000x80xf32, #tpu.memory_space<hbm>> -> memref<1x16x80xf32, #tpu.memory_space<hbm>>
        %dma_start3A_14 = tpu.memref_squeeze %dma_start3A_13 : memref<1x16x80xf32, #tpu.memory_space<hbm>> -> memref<16x80xf32, #tpu.memory_space<hbm>>
        %dma_start3A_15 = arith.constant 9984 : i32
        %dma_start3A_16 = arith.constant 0 : i32
        %dma_start3A_17 = tpu.memref_slice %arg26[%dma_start3A_15, %dma_start3A_16] : memref<10000x80xf32, #tpu.memory_space<vmem_shared>> -> memref<16x80xf32, #tpu.memory_space<vmem_shared>>
        tpu.enqueue_dma source(%dma_start3A_17 : memref<16x80xf32, #tpu.memory_space<vmem_shared>>) target(%dma_start3A_14 : memref<16x80xf32, #tpu.memory_space<hbm>>) target_semaphore(%run_scoped3A : memref<!tpu.dma_semaphore, #tpu.memory_space<semaphore_mem>>)
        %dma_wait3A = arith.constant 9984 : i32
        %dma_wait3A_18 = arith.constant 0 : i32
        %dma_wait3A_19 = tpu.memref_slice %arg5[%arg0, %dma_wait3A, %dma_wait3A_18] : memref<2x10000x80xf32, #tpu.memory_space<hbm>> -> memref<1x16x80xf32, #tpu.memory_space<hbm>>
        %dma_wait3A_20 = tpu.memref_squeeze %dma_wait3A_19 : memref<1x16x80xf32, #tpu.memory_space<hbm>> -> memref<16x80xf32, #tpu.memory_space<hbm>>
        %dma_wait3A_21 = arith.constant 9984 : i32
        %dma_wait3A_22 = arith.constant 0 : i32
        %dma_wait3A_23 = tpu.memref_slice %arg26[%dma_wait3A_21, %dma_wait3A_22] : memref<10000x80xf32, #tpu.memory_space<vmem_shared>> -> memref<16x80xf32, #tpu.memory_space<vmem_shared>>
        tpu.wait_dma2 semaphore(%run_scoped3A : memref<!tpu.dma_semaphore, #tpu.memory_space<semaphore_mem>>) src(%dma_wait3A_23 : memref<16x80xf32, #tpu.memory_space<vmem_shared>>) dst(%dma_wait3A_20 : memref<16x80xf32, #tpu.memory_space<hbm>>)
        tpu.yield
      }) : () -> ()
    } else {
    }
    return
  }
}

#map = affine_map<(d0, d1) -> (0, 0)>
#map1 = affine_map<(d0, d1) -> (0, 0, 0, 0)>
#map2 = affine_map<(d0, d1) -> (0, 0, 0)>
module attributes {stable_mosaic.version = 14 : i64} {
  func.func @_spmm_kernel(%arg0: i32, %arg1: i32, %arg2: memref<10000x80xf32, #tpu.memory_space<hbm>>, %arg3: memref<10000x80xf32, #tpu.memory_space<hbm>>, %arg4: memref<16x160x2x125xi32, #tpu.memory_space<hbm>>, %arg5: memref<2x10000x80xf32, #tpu.memory_space<hbm>>, %arg6: memref<2x125xi32, #tpu.memory_space<vmem>>, %arg7: memref<2x125xi32, #tpu.memory_space<vmem>>, %arg8: memref<2x125xi32, #tpu.memory_space<vmem>>, %arg9: memref<2x125xi32, #tpu.memory_space<vmem>>, %arg10: memref<2x125xi32, #tpu.memory_space<vmem>>, %arg11: memref<125x80xf32, #tpu.memory_space<vmem>>, %arg12: memref<125x80xf32, #tpu.memory_space<vmem>>, %arg13: memref<125x80xf32, #tpu.memory_space<vmem>>, %arg14: memref<125x80xf32, #tpu.memory_space<vmem>>, %arg15: memref<125x80xf32, #tpu.memory_space<vmem>>, %arg16: memref<!tpu.dma_semaphore, #tpu.memory_space<semaphore_mem>>, %arg17: memref<!tpu.dma_semaphore, #tpu.memory_space<semaphore_mem>>, %arg18: memref<!tpu.dma_semaphore, #tpu.memory_space<semaphore_mem>>, %arg19: memref<!tpu.dma_semaphore, #tpu.memory_space<semaphore_mem>>, %arg20: memref<!tpu.dma_semaphore, #tpu.memory_space<semaphore_mem>>, %arg21: memref<!tpu.dma_semaphore, #tpu.memory_space<semaphore_mem>>, %arg22: memref<!tpu.dma_semaphore, #tpu.memory_space<semaphore_mem>>, %arg23: memref<!tpu.dma_semaphore, #tpu.memory_space<semaphore_mem>>, %arg24: memref<!tpu.dma_semaphore, #tpu.memory_space<semaphore_mem>>, %arg25: memref<!tpu.dma_semaphore, #tpu.memory_space<semaphore_mem>>, %arg26: memref<10000x80xf32, #tpu.memory_space<vmem_shared>>) attributes {dimension_semantics = [#tpu.dimension_semantics<core_parallel>, #tpu.dimension_semantics<subcore_parallel>], iteration_bounds = array<i64: 2, 16>, scalar_prefetch = 0 : i64, scratch_operands = 21 : i64, tpu.core_type = #tpu.core_type<sc_vector_subcore>, window_params = [{transform_indices = #map}, {transform_indices = #map}, {transform_indices = #map1}, {transform_indices = #map2}]} {
    %eq3A = arith.constant 0 : i32
    %eq3A_0 = arith.cmpi eq, %arg0, %eq3A : i32
    %convert_element_type3A = arith.extui %eq3A_0 : i1 to i32
    %cond3A = arith.constant 0 : i32
    %cond3A_1 = arith.cmpi ne, %convert_element_type3A, %cond3A : i32
    scf.if %cond3A_1 {
      %mul3A_12 = arith.constant 624 : i32
      %mul3A_13 = arith.muli %arg1, %mul3A_12 : i32
      %multiple_of3A_14 = tpu.assume_multiple %mul3A_13, 8 : i32
      "tpu.region"() ({
        %run_scoped3A = tpu.sem_alloc : memref<!tpu.dma_semaphore, #tpu.memory_space<semaphore_mem>>
        %dma_start3A_133 = arith.constant 0 : i32
        %dma_start3A_134 = tpu.memref_slice %arg26[%multiple_of3A_14, %dma_start3A_133] : memref<10000x80xf32, #tpu.memory_space<vmem_shared>> -> memref<624x80xf32, #tpu.memory_space<vmem_shared>>
        %dma_start3A_135 = arith.constant 0 : i32
        %dma_start3A_136 = tpu.memref_slice %arg2[%multiple_of3A_14, %dma_start3A_135] : memref<10000x80xf32, #tpu.memory_space<hbm>> -> memref<624x80xf32, #tpu.memory_space<hbm>>
        tpu.enqueue_dma source(%dma_start3A_136 : memref<624x80xf32, #tpu.memory_space<hbm>>) target(%dma_start3A_134 : memref<624x80xf32, #tpu.memory_space<vmem_shared>>) target_semaphore(%run_scoped3A : memref<!tpu.dma_semaphore, #tpu.memory_space<semaphore_mem>>)
        %dma_wait3A_137 = arith.constant 0 : i32
        %dma_wait3A_138 = tpu.memref_slice %arg26[%multiple_of3A_14, %dma_wait3A_137] : memref<10000x80xf32, #tpu.memory_space<vmem_shared>> -> memref<624x80xf32, #tpu.memory_space<vmem_shared>>
        %dma_wait3A_139 = arith.constant 0 : i32
        %dma_wait3A_140 = tpu.memref_slice %arg2[%multiple_of3A_14, %dma_wait3A_139] : memref<10000x80xf32, #tpu.memory_space<hbm>> -> memref<624x80xf32, #tpu.memory_space<hbm>>
        tpu.wait_dma2 semaphore(%run_scoped3A : memref<!tpu.dma_semaphore, #tpu.memory_space<semaphore_mem>>) src(%dma_wait3A_140 : memref<624x80xf32, #tpu.memory_space<hbm>>) dst(%dma_wait3A_138 : memref<624x80xf32, #tpu.memory_space<vmem_shared>>)
        tpu.yield
      }) : () -> ()
      %eq3A_15 = arith.constant 15 : i32
      %eq3A_16 = arith.cmpi eq, %arg1, %eq3A_15 : i32
      %convert_element_type3A_17 = arith.extui %eq3A_16 : i1 to i32
      %cond3A_18 = arith.constant 0 : i32
      %cond3A_19 = arith.cmpi ne, %convert_element_type3A_17, %cond3A_18 : i32
      scf.if %cond3A_19 {
        "tpu.region"() ({
          %run_scoped3A = tpu.sem_alloc : memref<!tpu.dma_semaphore, #tpu.memory_space<semaphore_mem>>
          %dma_start3A_133 = arith.constant 9984 : i32
          %dma_start3A_134 = arith.constant 0 : i32
          %dma_start3A_135 = tpu.memref_slice %arg26[%dma_start3A_133, %dma_start3A_134] : memref<10000x80xf32, #tpu.memory_space<vmem_shared>> -> memref<16x80xf32, #tpu.memory_space<vmem_shared>>
          %dma_start3A_136 = arith.constant 9984 : i32
          %dma_start3A_137 = arith.constant 0 : i32
          %dma_start3A_138 = tpu.memref_slice %arg2[%dma_start3A_136, %dma_start3A_137] : memref<10000x80xf32, #tpu.memory_space<hbm>> -> memref<16x80xf32, #tpu.memory_space<hbm>>
          tpu.enqueue_dma source(%dma_start3A_138 : memref<16x80xf32, #tpu.memory_space<hbm>>) target(%dma_start3A_135 : memref<16x80xf32, #tpu.memory_space<vmem_shared>>) target_semaphore(%run_scoped3A : memref<!tpu.dma_semaphore, #tpu.memory_space<semaphore_mem>>)
          %dma_wait3A_139 = arith.constant 9984 : i32
          %dma_wait3A_140 = arith.constant 0 : i32
          %dma_wait3A_141 = tpu.memref_slice %arg26[%dma_wait3A_139, %dma_wait3A_140] : memref<10000x80xf32, #tpu.memory_space<vmem_shared>> -> memref<16x80xf32, #tpu.memory_space<vmem_shared>>
          %dma_wait3A_142 = arith.constant 9984 : i32
          %dma_wait3A_143 = arith.constant 0 : i32
          %dma_wait3A_144 = tpu.memref_slice %arg2[%dma_wait3A_142, %dma_wait3A_143] : memref<10000x80xf32, #tpu.memory_space<hbm>> -> memref<16x80xf32, #tpu.memory_space<hbm>>
          tpu.wait_dma2 semaphore(%run_scoped3A : memref<!tpu.dma_semaphore, #tpu.memory_space<semaphore_mem>>) src(%dma_wait3A_144 : memref<16x80xf32, #tpu.memory_space<hbm>>) dst(%dma_wait3A_141 : memref<16x80xf32, #tpu.memory_space<vmem_shared>>)
          tpu.yield
        }) : () -> ()
      } else {
      }
      %dma_start3A = arith.constant 0 : i32
      %dma_start3A_20 = arith.constant 0 : i32
      %dma_start3A_21 = arith.constant 0 : i32
      %dma_start3A_22 = tpu.memref_slice %arg4[%arg1, %dma_start3A, %dma_start3A_20, %dma_start3A_21] : memref<16x160x2x125xi32, #tpu.memory_space<hbm>> -> memref<1x1x2x125xi32, #tpu.memory_space<hbm>>
      %dma_start3A_23 = tpu.memref_squeeze %dma_start3A_22 : memref<1x1x2x125xi32, #tpu.memory_space<hbm>> -> memref<2x125xi32, #tpu.memory_space<hbm>>
      %dma_start3A_24 = arith.constant 0 : i32
      %dma_start3A_25 = arith.constant 0 : i32
      %dma_start3A_26 = tpu.memref_slice %arg4[%arg1, %dma_start3A, %dma_start3A_24, %dma_start3A_25] : memref<16x160x2x125xi32, #tpu.memory_space<hbm>> -> memref<1x1x2x125xi32, #tpu.memory_space<hbm>>
      %dma_start3A_27 = tpu.memref_squeeze %dma_start3A_26 : memref<1x1x2x125xi32, #tpu.memory_space<hbm>> -> memref<2x125xi32, #tpu.memory_space<hbm>>
      tpu.enqueue_dma source(%dma_start3A_27 : memref<2x125xi32, #tpu.memory_space<hbm>>) target(%arg6 : memref<2x125xi32, #tpu.memory_space<vmem>>) target_semaphore(%arg16 : memref<!tpu.dma_semaphore, #tpu.memory_space<semaphore_mem>>)
      %dma_start3A_28 = arith.constant 1 : i32
      %dma_start3A_29 = arith.constant 0 : i32
      %dma_start3A_30 = arith.constant 0 : i32
      %dma_start3A_31 = tpu.memref_slice %arg4[%arg1, %dma_start3A_28, %dma_start3A_29, %dma_start3A_30] : memref<16x160x2x125xi32, #tpu.memory_space<hbm>> -> memref<1x1x2x125xi32, #tpu.memory_space<hbm>>
      %dma_start3A_32 = tpu.memref_squeeze %dma_start3A_31 : memref<1x1x2x125xi32, #tpu.memory_space<hbm>> -> memref<2x125xi32, #tpu.memory_space<hbm>>
      %dma_start3A_33 = arith.constant 0 : i32
      %dma_start3A_34 = arith.constant 0 : i32
      %dma_start3A_35 = tpu.memref_slice %arg4[%arg1, %dma_start3A_28, %dma_start3A_33, %dma_start3A_34] : memref<16x160x2x125xi32, #tpu.memory_space<hbm>> -> memref<1x1x2x125xi32, #tpu.memory_space<hbm>>
      %dma_start3A_36 = tpu.memref_squeeze %dma_start3A_35 : memref<1x1x2x125xi32, #tpu.memory_space<hbm>> -> memref<2x125xi32, #tpu.memory_space<hbm>>
      tpu.enqueue_dma source(%dma_start3A_36 : memref<2x125xi32, #tpu.memory_space<hbm>>) target(%arg7 : memref<2x125xi32, #tpu.memory_space<vmem>>) target_semaphore(%arg17 : memref<!tpu.dma_semaphore, #tpu.memory_space<semaphore_mem>>)
      %dma_start3A_37 = arith.constant 2 : i32
      %dma_start3A_38 = arith.constant 0 : i32
      %dma_start3A_39 = arith.constant 0 : i32
      %dma_start3A_40 = tpu.memref_slice %arg4[%arg1, %dma_start3A_37, %dma_start3A_38, %dma_start3A_39] : memref<16x160x2x125xi32, #tpu.memory_space<hbm>> -> memref<1x1x2x125xi32, #tpu.memory_space<hbm>>
      %dma_start3A_41 = tpu.memref_squeeze %dma_start3A_40 : memref<1x1x2x125xi32, #tpu.memory_space<hbm>> -> memref<2x125xi32, #tpu.memory_space<hbm>>
      %dma_start3A_42 = arith.constant 0 : i32
      %dma_start3A_43 = arith.constant 0 : i32
      %dma_start3A_44 = tpu.memref_slice %arg4[%arg1, %dma_start3A_37, %dma_start3A_42, %dma_start3A_43] : memref<16x160x2x125xi32, #tpu.memory_space<hbm>> -> memref<1x1x2x125xi32, #tpu.memory_space<hbm>>
      %dma_start3A_45 = tpu.memref_squeeze %dma_start3A_44 : memref<1x1x2x125xi32, #tpu.memory_space<hbm>> -> memref<2x125xi32, #tpu.memory_space<hbm>>
      tpu.enqueue_dma source(%dma_start3A_45 : memref<2x125xi32, #tpu.memory_space<hbm>>) target(%arg8 : memref<2x125xi32, #tpu.memory_space<vmem>>) target_semaphore(%arg18 : memref<!tpu.dma_semaphore, #tpu.memory_space<semaphore_mem>>)
      %dma_start3A_46 = arith.constant 3 : i32
      %dma_start3A_47 = arith.constant 0 : i32
      %dma_start3A_48 = arith.constant 0 : i32
      %dma_start3A_49 = tpu.memref_slice %arg4[%arg1, %dma_start3A_46, %dma_start3A_47, %dma_start3A_48] : memref<16x160x2x125xi32, #tpu.memory_space<hbm>> -> memref<1x1x2x125xi32, #tpu.memory_space<hbm>>
      %dma_start3A_50 = tpu.memref_squeeze %dma_start3A_49 : memref<1x1x2x125xi32, #tpu.memory_space<hbm>> -> memref<2x125xi32, #tpu.memory_space<hbm>>
      %dma_start3A_51 = arith.constant 0 : i32
      %dma_start3A_52 = arith.constant 0 : i32
      %dma_start3A_53 = tpu.memref_slice %arg4[%arg1, %dma_start3A_46, %dma_start3A_51, %dma_start3A_52] : memref<16x160x2x125xi32, #tpu.memory_space<hbm>> -> memref<1x1x2x125xi32, #tpu.memory_space<hbm>>
      %dma_start3A_54 = tpu.memref_squeeze %dma_start3A_53 : memref<1x1x2x125xi32, #tpu.memory_space<hbm>> -> memref<2x125xi32, #tpu.memory_space<hbm>>
      tpu.enqueue_dma source(%dma_start3A_54 : memref<2x125xi32, #tpu.memory_space<hbm>>) target(%arg9 : memref<2x125xi32, #tpu.memory_space<vmem>>) target_semaphore(%arg19 : memref<!tpu.dma_semaphore, #tpu.memory_space<semaphore_mem>>)
      %dma_start3A_55 = arith.constant 4 : i32
      %dma_start3A_56 = arith.constant 0 : i32
      %dma_start3A_57 = arith.constant 0 : i32
      %dma_start3A_58 = tpu.memref_slice %arg4[%arg1, %dma_start3A_55, %dma_start3A_56, %dma_start3A_57] : memref<16x160x2x125xi32, #tpu.memory_space<hbm>> -> memref<1x1x2x125xi32, #tpu.memory_space<hbm>>
      %dma_start3A_59 = tpu.memref_squeeze %dma_start3A_58 : memref<1x1x2x125xi32, #tpu.memory_space<hbm>> -> memref<2x125xi32, #tpu.memory_space<hbm>>
      %dma_start3A_60 = arith.constant 0 : i32
      %dma_start3A_61 = arith.constant 0 : i32
      %dma_start3A_62 = tpu.memref_slice %arg4[%arg1, %dma_start3A_55, %dma_start3A_60, %dma_start3A_61] : memref<16x160x2x125xi32, #tpu.memory_space<hbm>> -> memref<1x1x2x125xi32, #tpu.memory_space<hbm>>
      %dma_start3A_63 = tpu.memref_squeeze %dma_start3A_62 : memref<1x1x2x125xi32, #tpu.memory_space<hbm>> -> memref<2x125xi32, #tpu.memory_space<hbm>>
      tpu.enqueue_dma source(%dma_start3A_63 : memref<2x125xi32, #tpu.memory_space<hbm>>) target(%arg10 : memref<2x125xi32, #tpu.memory_space<vmem>>) target_semaphore(%arg20 : memref<!tpu.dma_semaphore, #tpu.memory_space<semaphore_mem>>)
      %barrier3A_64 = arith.constant 0 : index
      tpu.barrier barrier_id(%barrier3A_64)
      %dma_wait3A = arith.constant 0 : i32
      %dma_wait3A_65 = arith.constant 0 : i32
      %dma_wait3A_66 = arith.constant 0 : i32
      %dma_wait3A_67 = tpu.memref_slice %arg4[%arg1, %dma_wait3A, %dma_wait3A_65, %dma_wait3A_66] : memref<16x160x2x125xi32, #tpu.memory_space<hbm>> -> memref<1x1x2x125xi32, #tpu.memory_space<hbm>>
      %dma_wait3A_68 = tpu.memref_squeeze %dma_wait3A_67 : memref<1x1x2x125xi32, #tpu.memory_space<hbm>> -> memref<2x125xi32, #tpu.memory_space<hbm>>
      %dma_wait3A_69 = arith.constant 0 : i32
      %dma_wait3A_70 = arith.constant 0 : i32
      %dma_wait3A_71 = tpu.memref_slice %arg4[%arg1, %dma_wait3A, %dma_wait3A_69, %dma_wait3A_70] : memref<16x160x2x125xi32, #tpu.memory_space<hbm>> -> memref<1x1x2x125xi32, #tpu.memory_space<hbm>>
      %dma_wait3A_72 = tpu.memref_squeeze %dma_wait3A_71 : memref<1x1x2x125xi32, #tpu.memory_space<hbm>> -> memref<2x125xi32, #tpu.memory_space<hbm>>
      tpu.wait_dma2 semaphore(%arg16 : memref<!tpu.dma_semaphore, #tpu.memory_space<semaphore_mem>>) src(%dma_wait3A_72 : memref<2x125xi32, #tpu.memory_space<hbm>>) dst(%arg6 : memref<2x125xi32, #tpu.memory_space<vmem>>)
      %dma_start3A_73 = arith.constant 0 : i32
      %dma_start3A_74 = arith.constant 0 : i32
      %dma_start3A_75 = tpu.memref_slice %arg6[%dma_start3A_73, %dma_start3A_74] : memref<2x125xi32, #tpu.memory_space<vmem>> -> memref<1x125xi32, #tpu.memory_space<vmem>>
      %dma_start3A_76 = tpu.memref_squeeze %dma_start3A_75 : memref<1x125xi32, #tpu.memory_space<vmem>> -> memref<125xi32, #tpu.memory_space<vmem>>
      %dma_start3A_77 = arith.constant 0 : i32
      %dma_start3A_78 = arith.constant 0 : i32
      %dma_start3A_79 = tpu.memref_slice %arg2[%dma_start3A_77, %dma_start3A_78] : memref<10000x80xf32, #tpu.memory_space<hbm>> -> memref<10000x80xf32, #tpu.memory_space<hbm>>
      tpu.enqueue_indirect_dma source(%dma_start3A_79 : memref<10000x80xf32, #tpu.memory_space<hbm>>) target(%arg11 : memref<125x80xf32, #tpu.memory_space<vmem>>) offsets(%dma_start3A_76 : memref<125xi32, #tpu.memory_space<vmem>>) semaphore(%arg21 : memref<!tpu.dma_semaphore, #tpu.memory_space<semaphore_mem>>)
      %dma_wait3A_80 = arith.constant 1 : i32
      %dma_wait3A_81 = arith.constant 0 : i32
      %dma_wait3A_82 = arith.constant 0 : i32
      %dma_wait3A_83 = tpu.memref_slice %arg4[%arg1, %dma_wait3A_80, %dma_wait3A_81, %dma_wait3A_82] : memref<16x160x2x125xi32, #tpu.memory_space<hbm>> -> memref<1x1x2x125xi32, #tpu.memory_space<hbm>>
      %dma_wait3A_84 = tpu.memref_squeeze %dma_wait3A_83 : memref<1x1x2x125xi32, #tpu.memory_space<hbm>> -> memref<2x125xi32, #tpu.memory_space<hbm>>
      %dma_wait3A_85 = arith.constant 0 : i32
      %dma_wait3A_86 = arith.constant 0 : i32
      %dma_wait3A_87 = tpu.memref_slice %arg4[%arg1, %dma_wait3A_80, %dma_wait3A_85, %dma_wait3A_86] : memref<16x160x2x125xi32, #tpu.memory_space<hbm>> -> memref<1x1x2x125xi32, #tpu.memory_space<hbm>>
      %dma_wait3A_88 = tpu.memref_squeeze %dma_wait3A_87 : memref<1x1x2x125xi32, #tpu.memory_space<hbm>> -> memref<2x125xi32, #tpu.memory_space<hbm>>
      tpu.wait_dma2 semaphore(%arg17 : memref<!tpu.dma_semaphore, #tpu.memory_space<semaphore_mem>>) src(%dma_wait3A_88 : memref<2x125xi32, #tpu.memory_space<hbm>>) dst(%arg7 : memref<2x125xi32, #tpu.memory_space<vmem>>)
      %dma_start3A_89 = arith.constant 0 : i32
      %dma_start3A_90 = arith.constant 0 : i32
      %dma_start3A_91 = tpu.memref_slice %arg7[%dma_start3A_89, %dma_start3A_90] : memref<2x125xi32, #tpu.memory_space<vmem>> -> memref<1x125xi32, #tpu.memory_space<vmem>>
      %dma_start3A_92 = tpu.memref_squeeze %dma_start3A_91 : memref<1x125xi32, #tpu.memory_space<vmem>> -> memref<125xi32, #tpu.memory_space<vmem>>
      %dma_start3A_93 = arith.constant 0 : i32
      %dma_start3A_94 = arith.constant 0 : i32
      %dma_start3A_95 = tpu.memref_slice %arg2[%dma_start3A_93, %dma_start3A_94] : memref<10000x80xf32, #tpu.memory_space<hbm>> -> memref<10000x80xf32, #tpu.memory_space<hbm>>
      tpu.enqueue_indirect_dma source(%dma_start3A_95 : memref<10000x80xf32, #tpu.memory_space<hbm>>) target(%arg12 : memref<125x80xf32, #tpu.memory_space<vmem>>) offsets(%dma_start3A_92 : memref<125xi32, #tpu.memory_space<vmem>>) semaphore(%arg22 : memref<!tpu.dma_semaphore, #tpu.memory_space<semaphore_mem>>)
      %dma_wait3A_96 = arith.constant 2 : i32
      %dma_wait3A_97 = arith.constant 0 : i32
      %dma_wait3A_98 = arith.constant 0 : i32
      %dma_wait3A_99 = tpu.memref_slice %arg4[%arg1, %dma_wait3A_96, %dma_wait3A_97, %dma_wait3A_98] : memref<16x160x2x125xi32, #tpu.memory_space<hbm>> -> memref<1x1x2x125xi32, #tpu.memory_space<hbm>>
      %dma_wait3A_100 = tpu.memref_squeeze %dma_wait3A_99 : memref<1x1x2x125xi32, #tpu.memory_space<hbm>> -> memref<2x125xi32, #tpu.memory_space<hbm>>
      %dma_wait3A_101 = arith.constant 0 : i32
      %dma_wait3A_102 = arith.constant 0 : i32
      %dma_wait3A_103 = tpu.memref_slice %arg4[%arg1, %dma_wait3A_96, %dma_wait3A_101, %dma_wait3A_102] : memref<16x160x2x125xi32, #tpu.memory_space<hbm>> -> memref<1x1x2x125xi32, #tpu.memory_space<hbm>>
      %dma_wait3A_104 = tpu.memref_squeeze %dma_wait3A_103 : memref<1x1x2x125xi32, #tpu.memory_space<hbm>> -> memref<2x125xi32, #tpu.memory_space<hbm>>
      tpu.wait_dma2 semaphore(%arg18 : memref<!tpu.dma_semaphore, #tpu.memory_space<semaphore_mem>>) src(%dma_wait3A_104 : memref<2x125xi32, #tpu.memory_space<hbm>>) dst(%arg8 : memref<2x125xi32, #tpu.memory_space<vmem>>)
      %dma_start3A_105 = arith.constant 0 : i32
      %dma_start3A_106 = arith.constant 0 : i32
      %dma_start3A_107 = tpu.memref_slice %arg8[%dma_start3A_105, %dma_start3A_106] : memref<2x125xi32, #tpu.memory_space<vmem>> -> memref<1x125xi32, #tpu.memory_space<vmem>>
      %dma_start3A_108 = tpu.memref_squeeze %dma_start3A_107 : memref<1x125xi32, #tpu.memory_space<vmem>> -> memref<125xi32, #tpu.memory_space<vmem>>
      %dma_start3A_109 = arith.constant 0 : i32
      %dma_start3A_110 = arith.constant 0 : i32
      %dma_start3A_111 = tpu.memref_slice %arg2[%dma_start3A_109, %dma_start3A_110] : memref<10000x80xf32, #tpu.memory_space<hbm>> -> memref<10000x80xf32, #tpu.memory_space<hbm>>
      tpu.enqueue_indirect_dma source(%dma_start3A_111 : memref<10000x80xf32, #tpu.memory_space<hbm>>) target(%arg13 : memref<125x80xf32, #tpu.memory_space<vmem>>) offsets(%dma_start3A_108 : memref<125xi32, #tpu.memory_space<vmem>>) semaphore(%arg23 : memref<!tpu.dma_semaphore, #tpu.memory_space<semaphore_mem>>)
      %dma_wait3A_112 = arith.constant 3 : i32
      %dma_wait3A_113 = arith.constant 0 : i32
      %dma_wait3A_114 = arith.constant 0 : i32
      %dma_wait3A_115 = tpu.memref_slice %arg4[%arg1, %dma_wait3A_112, %dma_wait3A_113, %dma_wait3A_114] : memref<16x160x2x125xi32, #tpu.memory_space<hbm>> -> memref<1x1x2x125xi32, #tpu.memory_space<hbm>>
      %dma_wait3A_116 = tpu.memref_squeeze %dma_wait3A_115 : memref<1x1x2x125xi32, #tpu.memory_space<hbm>> -> memref<2x125xi32, #tpu.memory_space<hbm>>
      %dma_wait3A_117 = arith.constant 0 : i32
      %dma_wait3A_118 = arith.constant 0 : i32
      %dma_wait3A_119 = tpu.memref_slice %arg4[%arg1, %dma_wait3A_112, %dma_wait3A_117, %dma_wait3A_118] : memref<16x160x2x125xi32, #tpu.memory_space<hbm>> -> memref<1x1x2x125xi32, #tpu.memory_space<hbm>>
      %dma_wait3A_120 = tpu.memref_squeeze %dma_wait3A_119 : memref<1x1x2x125xi32, #tpu.memory_space<hbm>> -> memref<2x125xi32, #tpu.memory_space<hbm>>
      tpu.wait_dma2 semaphore(%arg19 : memref<!tpu.dma_semaphore, #tpu.memory_space<semaphore_mem>>) src(%dma_wait3A_120 : memref<2x125xi32, #tpu.memory_space<hbm>>) dst(%arg9 : memref<2x125xi32, #tpu.memory_space<vmem>>)
      %dma_start3A_121 = arith.constant 0 : i32
      %dma_start3A_122 = arith.constant 0 : i32
      %dma_start3A_123 = tpu.memref_slice %arg9[%dma_start3A_121, %dma_start3A_122] : memref<2x125xi32, #tpu.memory_space<vmem>> -> memref<1x125xi32, #tpu.memory_space<vmem>>
      %dma_start3A_124 = tpu.memref_squeeze %dma_start3A_123 : memref<1x125xi32, #tpu.memory_space<vmem>> -> memref<125xi32, #tpu.memory_space<vmem>>
      %dma_start3A_125 = arith.constant 0 : i32
      %dma_start3A_126 = arith.constant 0 : i32
      %dma_start3A_127 = tpu.memref_slice %arg2[%dma_start3A_125, %dma_start3A_126] : memref<10000x80xf32, #tpu.memory_space<hbm>> -> memref<10000x80xf32, #tpu.memory_space<hbm>>
      tpu.enqueue_indirect_dma source(%dma_start3A_127 : memref<10000x80xf32, #tpu.memory_space<hbm>>) target(%arg14 : memref<125x80xf32, #tpu.memory_space<vmem>>) offsets(%dma_start3A_124 : memref<125xi32, #tpu.memory_space<vmem>>) semaphore(%arg24 : memref<!tpu.dma_semaphore, #tpu.memory_space<semaphore_mem>>)
      %scan3A = arith.constant 0 : i32
      %scan3A_128 = arith.constant 0 : i32
      %scan3A_129 = arith.constant 32 : i32
      %scan3A_130 = arith.addi %scan3A_128, %scan3A_129 : i32
      %scan3A_131 = arith.constant 1 : i32
      scf.for %scan3A_133 = %scan3A_128 to %scan3A_130 step %scan3A_131  : i32 {
        %mul3A_134 = arith.constant 5 : i32
        %mul3A_135 = arith.muli %mul3A_134, %scan3A_133 : i32
        %add3A = arith.constant 0 : i32
        %add3A_136 = arith.addi %mul3A_135, %add3A : i32
        %dma_wait3A_137 = arith.constant 0 : i32
        %dma_wait3A_138 = arith.constant 0 : i32
        %dma_wait3A_139 = tpu.memref_slice %arg6[%dma_wait3A_137, %dma_wait3A_138] : memref<2x125xi32, #tpu.memory_space<vmem>> -> memref<1x125xi32, #tpu.memory_space<vmem>>
        %dma_wait3A_140 = tpu.memref_squeeze %dma_wait3A_139 : memref<1x125xi32, #tpu.memory_space<vmem>> -> memref<125xi32, #tpu.memory_space<vmem>>
        %dma_wait3A_141 = arith.constant 0 : i32
        %dma_wait3A_142 = arith.constant 0 : i32
        %dma_wait3A_143 = tpu.memref_slice %arg2[%dma_wait3A_141, %dma_wait3A_142] : memref<10000x80xf32, #tpu.memory_space<hbm>> -> memref<10000x80xf32, #tpu.memory_space<hbm>>
        tpu.wait_indirect_dma semaphore(%arg21 : memref<!tpu.dma_semaphore, #tpu.memory_space<semaphore_mem>>) src(%dma_wait3A_143 : memref<10000x80xf32, #tpu.memory_space<hbm>>) dst(%arg11 : memref<125x80xf32, #tpu.memory_space<vmem>>)
        %run_scoped3A = arith.constant 1 : i32
        "tpu.region"() ({
          %run_scoped3A_270 = tpu.sem_alloc : memref<!tpu.dma_semaphore, #tpu.memory_space<semaphore_mem>>
          %dma_start3A_271 = arith.constant 0 : i32
          %dma_start3A_272 = tpu.memref_slice %arg6[%run_scoped3A, %dma_start3A_271] : memref<2x125xi32, #tpu.memory_space<vmem>> -> memref<1x125xi32, #tpu.memory_space<vmem>>
          %dma_start3A_273 = tpu.memref_squeeze %dma_start3A_272 : memref<1x125xi32, #tpu.memory_space<vmem>> -> memref<125xi32, #tpu.memory_space<vmem>>
          %dma_start3A_274 = arith.constant 0 : i32
          %dma_start3A_275 = arith.constant 0 : i32
          %dma_start3A_276 = tpu.memref_slice %arg26[%dma_start3A_274, %dma_start3A_275] : memref<10000x80xf32, #tpu.memory_space<vmem_shared>> -> memref<10000x80xf32, #tpu.memory_space<vmem_shared>>
          tpu.enqueue_indirect_dma source(%arg11 : memref<125x80xf32, #tpu.memory_space<vmem>>) target(%dma_start3A_276 : memref<10000x80xf32, #tpu.memory_space<vmem_shared>>) offsets(%dma_start3A_273 : memref<125xi32, #tpu.memory_space<vmem>>) semaphore(%run_scoped3A_270 : memref<!tpu.dma_semaphore, #tpu.memory_space<semaphore_mem>>) {add = true}
          %dma_wait3A_277 = arith.constant 0 : i32
          %dma_wait3A_278 = tpu.memref_slice %arg6[%run_scoped3A, %dma_wait3A_277] : memref<2x125xi32, #tpu.memory_space<vmem>> -> memref<1x125xi32, #tpu.memory_space<vmem>>
          %dma_wait3A_279 = tpu.memref_squeeze %dma_wait3A_278 : memref<1x125xi32, #tpu.memory_space<vmem>> -> memref<125xi32, #tpu.memory_space<vmem>>
          %dma_wait3A_280 = arith.constant 0 : i32
          %dma_wait3A_281 = arith.constant 0 : i32
          %dma_wait3A_282 = tpu.memref_slice %arg26[%dma_wait3A_280, %dma_wait3A_281] : memref<10000x80xf32, #tpu.memory_space<vmem_shared>> -> memref<10000x80xf32, #tpu.memory_space<vmem_shared>>
          tpu.wait_indirect_dma semaphore(%run_scoped3A_270 : memref<!tpu.dma_semaphore, #tpu.memory_space<semaphore_mem>>) src(%arg11 : memref<125x80xf32, #tpu.memory_space<vmem>>) dst(%dma_wait3A_282 : memref<10000x80xf32, #tpu.memory_space<vmem_shared>>)
          tpu.yield
        }) : () -> ()
        %add3A_144 = arith.constant 5 : i32
        %add3A_145 = arith.addi %add3A_136, %add3A_144 : i32
        %lt3A = arith.constant 160 : i32
        %lt3A_146 = arith.cmpi slt, %add3A_145, %lt3A : i32
        %convert_element_type3A_147 = arith.extui %lt3A_146 : i1 to i32
        %cond3A_148 = arith.constant 0 : i32
        %cond3A_149 = arith.cmpi ne, %convert_element_type3A_147, %cond3A_148 : i32
        scf.if %cond3A_149 {
          %add3A_270 = arith.constant 5 : i32
          %add3A_271 = arith.addi %add3A_136, %add3A_270 : i32
          %dma_start3A_272 = arith.constant 0 : i32
          %dma_start3A_273 = arith.constant 0 : i32
          %dma_start3A_274 = tpu.memref_slice %arg4[%arg1, %add3A_271, %dma_start3A_272, %dma_start3A_273] : memref<16x160x2x125xi32, #tpu.memory_space<hbm>> -> memref<1x1x2x125xi32, #tpu.memory_space<hbm>>
          %dma_start3A_275 = tpu.memref_squeeze %dma_start3A_274 : memref<1x1x2x125xi32, #tpu.memory_space<hbm>> -> memref<2x125xi32, #tpu.memory_space<hbm>>
          %dma_start3A_276 = arith.constant 0 : i32
          %dma_start3A_277 = arith.constant 0 : i32
          %dma_start3A_278 = tpu.memref_slice %arg4[%arg1, %add3A_271, %dma_start3A_276, %dma_start3A_277] : memref<16x160x2x125xi32, #tpu.memory_space<hbm>> -> memref<1x1x2x125xi32, #tpu.memory_space<hbm>>
          %dma_start3A_279 = tpu.memref_squeeze %dma_start3A_278 : memref<1x1x2x125xi32, #tpu.memory_space<hbm>> -> memref<2x125xi32, #tpu.memory_space<hbm>>
          tpu.enqueue_dma source(%dma_start3A_279 : memref<2x125xi32, #tpu.memory_space<hbm>>) target(%arg6 : memref<2x125xi32, #tpu.memory_space<vmem>>) target_semaphore(%arg16 : memref<!tpu.dma_semaphore, #tpu.memory_space<semaphore_mem>>)
        } else {
        }
        %add3A_150 = arith.constant 5 : i32
        %add3A_151 = arith.addi %add3A_136, %add3A_150 : i32
        %sub3A = arith.constant 1 : i32
        %sub3A_152 = arith.subi %add3A_151, %sub3A : i32
        %lt3A_153 = arith.constant 160 : i32
        %lt3A_154 = arith.cmpi slt, %sub3A_152, %lt3A_153 : i32
        %convert_element_type3A_155 = arith.extui %lt3A_154 : i1 to i32
        %cond3A_156 = arith.constant 0 : i32
        %cond3A_157 = arith.cmpi ne, %convert_element_type3A_155, %cond3A_156 : i32
        scf.if %cond3A_157 {
          %add3A_270 = arith.constant 5 : i32
          %add3A_271 = arith.addi %add3A_136, %add3A_270 : i32
          %sub3A_272 = arith.constant 1 : i32
          %sub3A_273 = arith.subi %add3A_271, %sub3A_272 : i32
          %dma_wait3A_274 = arith.constant 0 : i32
          %dma_wait3A_275 = arith.constant 0 : i32
          %dma_wait3A_276 = tpu.memref_slice %arg4[%arg1, %sub3A_273, %dma_wait3A_274, %dma_wait3A_275] : memref<16x160x2x125xi32, #tpu.memory_space<hbm>> -> memref<1x1x2x125xi32, #tpu.memory_space<hbm>>
          %dma_wait3A_277 = tpu.memref_squeeze %dma_wait3A_276 : memref<1x1x2x125xi32, #tpu.memory_space<hbm>> -> memref<2x125xi32, #tpu.memory_space<hbm>>
          %dma_wait3A_278 = arith.constant 0 : i32
          %dma_wait3A_279 = arith.constant 0 : i32
          %dma_wait3A_280 = tpu.memref_slice %arg4[%arg1, %sub3A_273, %dma_wait3A_278, %dma_wait3A_279] : memref<16x160x2x125xi32, #tpu.memory_space<hbm>> -> memref<1x1x2x125xi32, #tpu.memory_space<hbm>>
          %dma_wait3A_281 = tpu.memref_squeeze %dma_wait3A_280 : memref<1x1x2x125xi32, #tpu.memory_space<hbm>> -> memref<2x125xi32, #tpu.memory_space<hbm>>
          tpu.wait_dma2 semaphore(%arg20 : memref<!tpu.dma_semaphore, #tpu.memory_space<semaphore_mem>>) src(%dma_wait3A_281 : memref<2x125xi32, #tpu.memory_space<hbm>>) dst(%arg10 : memref<2x125xi32, #tpu.memory_space<vmem>>)
          %dma_start3A_282 = arith.constant 0 : i32
          %dma_start3A_283 = arith.constant 0 : i32
          %dma_start3A_284 = tpu.memref_slice %arg10[%dma_start3A_282, %dma_start3A_283] : memref<2x125xi32, #tpu.memory_space<vmem>> -> memref<1x125xi32, #tpu.memory_space<vmem>>
          %dma_start3A_285 = tpu.memref_squeeze %dma_start3A_284 : memref<1x125xi32, #tpu.memory_space<vmem>> -> memref<125xi32, #tpu.memory_space<vmem>>
          %dma_start3A_286 = arith.constant 0 : i32
          %dma_start3A_287 = arith.constant 0 : i32
          %dma_start3A_288 = tpu.memref_slice %arg2[%dma_start3A_286, %dma_start3A_287] : memref<10000x80xf32, #tpu.memory_space<hbm>> -> memref<10000x80xf32, #tpu.memory_space<hbm>>
          tpu.enqueue_indirect_dma source(%dma_start3A_288 : memref<10000x80xf32, #tpu.memory_space<hbm>>) target(%arg15 : memref<125x80xf32, #tpu.memory_space<vmem>>) offsets(%dma_start3A_285 : memref<125xi32, #tpu.memory_space<vmem>>) semaphore(%arg25 : memref<!tpu.dma_semaphore, #tpu.memory_space<semaphore_mem>>)
        } else {
        }
        %mul3A_158 = arith.constant 5 : i32
        %mul3A_159 = arith.muli %mul3A_158, %scan3A_133 : i32
        %add3A_160 = arith.constant 1 : i32
        %add3A_161 = arith.addi %mul3A_159, %add3A_160 : i32
        %dma_wait3A_162 = arith.constant 0 : i32
        %dma_wait3A_163 = arith.constant 0 : i32
        %dma_wait3A_164 = tpu.memref_slice %arg7[%dma_wait3A_162, %dma_wait3A_163] : memref<2x125xi32, #tpu.memory_space<vmem>> -> memref<1x125xi32, #tpu.memory_space<vmem>>
        %dma_wait3A_165 = tpu.memref_squeeze %dma_wait3A_164 : memref<1x125xi32, #tpu.memory_space<vmem>> -> memref<125xi32, #tpu.memory_space<vmem>>
        %dma_wait3A_166 = arith.constant 0 : i32
        %dma_wait3A_167 = arith.constant 0 : i32
        %dma_wait3A_168 = tpu.memref_slice %arg2[%dma_wait3A_166, %dma_wait3A_167] : memref<10000x80xf32, #tpu.memory_space<hbm>> -> memref<10000x80xf32, #tpu.memory_space<hbm>>
        tpu.wait_indirect_dma semaphore(%arg22 : memref<!tpu.dma_semaphore, #tpu.memory_space<semaphore_mem>>) src(%dma_wait3A_168 : memref<10000x80xf32, #tpu.memory_space<hbm>>) dst(%arg12 : memref<125x80xf32, #tpu.memory_space<vmem>>)
        %run_scoped3A_169 = arith.constant 1 : i32
        "tpu.region"() ({
          %run_scoped3A_270 = tpu.sem_alloc : memref<!tpu.dma_semaphore, #tpu.memory_space<semaphore_mem>>
          %dma_start3A_271 = arith.constant 0 : i32
          %dma_start3A_272 = tpu.memref_slice %arg7[%run_scoped3A_169, %dma_start3A_271] : memref<2x125xi32, #tpu.memory_space<vmem>> -> memref<1x125xi32, #tpu.memory_space<vmem>>
          %dma_start3A_273 = tpu.memref_squeeze %dma_start3A_272 : memref<1x125xi32, #tpu.memory_space<vmem>> -> memref<125xi32, #tpu.memory_space<vmem>>
          %dma_start3A_274 = arith.constant 0 : i32
          %dma_start3A_275 = arith.constant 0 : i32
          %dma_start3A_276 = tpu.memref_slice %arg26[%dma_start3A_274, %dma_start3A_275] : memref<10000x80xf32, #tpu.memory_space<vmem_shared>> -> memref<10000x80xf32, #tpu.memory_space<vmem_shared>>
          tpu.enqueue_indirect_dma source(%arg12 : memref<125x80xf32, #tpu.memory_space<vmem>>) target(%dma_start3A_276 : memref<10000x80xf32, #tpu.memory_space<vmem_shared>>) offsets(%dma_start3A_273 : memref<125xi32, #tpu.memory_space<vmem>>) semaphore(%run_scoped3A_270 : memref<!tpu.dma_semaphore, #tpu.memory_space<semaphore_mem>>) {add = true}
          %dma_wait3A_277 = arith.constant 0 : i32
          %dma_wait3A_278 = tpu.memref_slice %arg7[%run_scoped3A_169, %dma_wait3A_277] : memref<2x125xi32, #tpu.memory_space<vmem>> -> memref<1x125xi32, #tpu.memory_space<vmem>>
          %dma_wait3A_279 = tpu.memref_squeeze %dma_wait3A_278 : memref<1x125xi32, #tpu.memory_space<vmem>> -> memref<125xi32, #tpu.memory_space<vmem>>
          %dma_wait3A_280 = arith.constant 0 : i32
          %dma_wait3A_281 = arith.constant 0 : i32
          %dma_wait3A_282 = tpu.memref_slice %arg26[%dma_wait3A_280, %dma_wait3A_281] : memref<10000x80xf32, #tpu.memory_space<vmem_shared>> -> memref<10000x80xf32, #tpu.memory_space<vmem_shared>>
          tpu.wait_indirect_dma semaphore(%run_scoped3A_270 : memref<!tpu.dma_semaphore, #tpu.memory_space<semaphore_mem>>) src(%arg12 : memref<125x80xf32, #tpu.memory_space<vmem>>) dst(%dma_wait3A_282 : memref<10000x80xf32, #tpu.memory_space<vmem_shared>>)
          tpu.yield
        }) : () -> ()
        %add3A_170 = arith.constant 5 : i32
        %add3A_171 = arith.addi %add3A_161, %add3A_170 : i32
        %lt3A_172 = arith.constant 160 : i32
        %lt3A_173 = arith.cmpi slt, %add3A_171, %lt3A_172 : i32
        %convert_element_type3A_174 = arith.extui %lt3A_173 : i1 to i32
        %cond3A_175 = arith.constant 0 : i32
        %cond3A_176 = arith.cmpi ne, %convert_element_type3A_174, %cond3A_175 : i32
        scf.if %cond3A_176 {
          %add3A_270 = arith.constant 5 : i32
          %add3A_271 = arith.addi %add3A_161, %add3A_270 : i32
          %dma_start3A_272 = arith.constant 0 : i32
          %dma_start3A_273 = arith.constant 0 : i32
          %dma_start3A_274 = tpu.memref_slice %arg4[%arg1, %add3A_271, %dma_start3A_272, %dma_start3A_273] : memref<16x160x2x125xi32, #tpu.memory_space<hbm>> -> memref<1x1x2x125xi32, #tpu.memory_space<hbm>>
          %dma_start3A_275 = tpu.memref_squeeze %dma_start3A_274 : memref<1x1x2x125xi32, #tpu.memory_space<hbm>> -> memref<2x125xi32, #tpu.memory_space<hbm>>
          %dma_start3A_276 = arith.constant 0 : i32
          %dma_start3A_277 = arith.constant 0 : i32
          %dma_start3A_278 = tpu.memref_slice %arg4[%arg1, %add3A_271, %dma_start3A_276, %dma_start3A_277] : memref<16x160x2x125xi32, #tpu.memory_space<hbm>> -> memref<1x1x2x125xi32, #tpu.memory_space<hbm>>
          %dma_start3A_279 = tpu.memref_squeeze %dma_start3A_278 : memref<1x1x2x125xi32, #tpu.memory_space<hbm>> -> memref<2x125xi32, #tpu.memory_space<hbm>>
          tpu.enqueue_dma source(%dma_start3A_279 : memref<2x125xi32, #tpu.memory_space<hbm>>) target(%arg7 : memref<2x125xi32, #tpu.memory_space<vmem>>) target_semaphore(%arg17 : memref<!tpu.dma_semaphore, #tpu.memory_space<semaphore_mem>>)
        } else {
        }
        %add3A_177 = arith.constant 5 : i32
        %add3A_178 = arith.addi %add3A_161, %add3A_177 : i32
        %sub3A_179 = arith.constant 1 : i32
        %sub3A_180 = arith.subi %add3A_178, %sub3A_179 : i32
        %lt3A_181 = arith.constant 160 : i32
        %lt3A_182 = arith.cmpi slt, %sub3A_180, %lt3A_181 : i32
        %convert_element_type3A_183 = arith.extui %lt3A_182 : i1 to i32
        %cond3A_184 = arith.constant 0 : i32
        %cond3A_185 = arith.cmpi ne, %convert_element_type3A_183, %cond3A_184 : i32
        scf.if %cond3A_185 {
          %add3A_270 = arith.constant 5 : i32
          %add3A_271 = arith.addi %add3A_161, %add3A_270 : i32
          %sub3A_272 = arith.constant 1 : i32
          %sub3A_273 = arith.subi %add3A_271, %sub3A_272 : i32
          %dma_wait3A_274 = arith.constant 0 : i32
          %dma_wait3A_275 = arith.constant 0 : i32
          %dma_wait3A_276 = tpu.memref_slice %arg4[%arg1, %sub3A_273, %dma_wait3A_274, %dma_wait3A_275] : memref<16x160x2x125xi32, #tpu.memory_space<hbm>> -> memref<1x1x2x125xi32, #tpu.memory_space<hbm>>
          %dma_wait3A_277 = tpu.memref_squeeze %dma_wait3A_276 : memref<1x1x2x125xi32, #tpu.memory_space<hbm>> -> memref<2x125xi32, #tpu.memory_space<hbm>>
          %dma_wait3A_278 = arith.constant 0 : i32
          %dma_wait3A_279 = arith.constant 0 : i32
          %dma_wait3A_280 = tpu.memref_slice %arg4[%arg1, %sub3A_273, %dma_wait3A_278, %dma_wait3A_279] : memref<16x160x2x125xi32, #tpu.memory_space<hbm>> -> memref<1x1x2x125xi32, #tpu.memory_space<hbm>>
          %dma_wait3A_281 = tpu.memref_squeeze %dma_wait3A_280 : memref<1x1x2x125xi32, #tpu.memory_space<hbm>> -> memref<2x125xi32, #tpu.memory_space<hbm>>
          tpu.wait_dma2 semaphore(%arg16 : memref<!tpu.dma_semaphore, #tpu.memory_space<semaphore_mem>>) src(%dma_wait3A_281 : memref<2x125xi32, #tpu.memory_space<hbm>>) dst(%arg6 : memref<2x125xi32, #tpu.memory_space<vmem>>)
          %dma_start3A_282 = arith.constant 0 : i32
          %dma_start3A_283 = arith.constant 0 : i32
          %dma_start3A_284 = tpu.memref_slice %arg6[%dma_start3A_282, %dma_start3A_283] : memref<2x125xi32, #tpu.memory_space<vmem>> -> memref<1x125xi32, #tpu.memory_space<vmem>>
          %dma_start3A_285 = tpu.memref_squeeze %dma_start3A_284 : memref<1x125xi32, #tpu.memory_space<vmem>> -> memref<125xi32, #tpu.memory_space<vmem>>
          %dma_start3A_286 = arith.constant 0 : i32
          %dma_start3A_287 = arith.constant 0 : i32
          %dma_start3A_288 = tpu.memref_slice %arg2[%dma_start3A_286, %dma_start3A_287] : memref<10000x80xf32, #tpu.memory_space<hbm>> -> memref<10000x80xf32, #tpu.memory_space<hbm>>
          tpu.enqueue_indirect_dma source(%dma_start3A_288 : memref<10000x80xf32, #tpu.memory_space<hbm>>) target(%arg11 : memref<125x80xf32, #tpu.memory_space<vmem>>) offsets(%dma_start3A_285 : memref<125xi32, #tpu.memory_space<vmem>>) semaphore(%arg21 : memref<!tpu.dma_semaphore, #tpu.memory_space<semaphore_mem>>)
        } else {
        }
        %mul3A_186 = arith.constant 5 : i32
        %mul3A_187 = arith.muli %mul3A_186, %scan3A_133 : i32
        %add3A_188 = arith.constant 2 : i32
        %add3A_189 = arith.addi %mul3A_187, %add3A_188 : i32
        %dma_wait3A_190 = arith.constant 0 : i32
        %dma_wait3A_191 = arith.constant 0 : i32
        %dma_wait3A_192 = tpu.memref_slice %arg8[%dma_wait3A_190, %dma_wait3A_191] : memref<2x125xi32, #tpu.memory_space<vmem>> -> memref<1x125xi32, #tpu.memory_space<vmem>>
        %dma_wait3A_193 = tpu.memref_squeeze %dma_wait3A_192 : memref<1x125xi32, #tpu.memory_space<vmem>> -> memref<125xi32, #tpu.memory_space<vmem>>
        %dma_wait3A_194 = arith.constant 0 : i32
        %dma_wait3A_195 = arith.constant 0 : i32
        %dma_wait3A_196 = tpu.memref_slice %arg2[%dma_wait3A_194, %dma_wait3A_195] : memref<10000x80xf32, #tpu.memory_space<hbm>> -> memref<10000x80xf32, #tpu.memory_space<hbm>>
        tpu.wait_indirect_dma semaphore(%arg23 : memref<!tpu.dma_semaphore, #tpu.memory_space<semaphore_mem>>) src(%dma_wait3A_196 : memref<10000x80xf32, #tpu.memory_space<hbm>>) dst(%arg13 : memref<125x80xf32, #tpu.memory_space<vmem>>)
        %run_scoped3A_197 = arith.constant 1 : i32
        "tpu.region"() ({
          %run_scoped3A_270 = tpu.sem_alloc : memref<!tpu.dma_semaphore, #tpu.memory_space<semaphore_mem>>
          %dma_start3A_271 = arith.constant 0 : i32
          %dma_start3A_272 = tpu.memref_slice %arg8[%run_scoped3A_197, %dma_start3A_271] : memref<2x125xi32, #tpu.memory_space<vmem>> -> memref<1x125xi32, #tpu.memory_space<vmem>>
          %dma_start3A_273 = tpu.memref_squeeze %dma_start3A_272 : memref<1x125xi32, #tpu.memory_space<vmem>> -> memref<125xi32, #tpu.memory_space<vmem>>
          %dma_start3A_274 = arith.constant 0 : i32
          %dma_start3A_275 = arith.constant 0 : i32
          %dma_start3A_276 = tpu.memref_slice %arg26[%dma_start3A_274, %dma_start3A_275] : memref<10000x80xf32, #tpu.memory_space<vmem_shared>> -> memref<10000x80xf32, #tpu.memory_space<vmem_shared>>
          tpu.enqueue_indirect_dma source(%arg13 : memref<125x80xf32, #tpu.memory_space<vmem>>) target(%dma_start3A_276 : memref<10000x80xf32, #tpu.memory_space<vmem_shared>>) offsets(%dma_start3A_273 : memref<125xi32, #tpu.memory_space<vmem>>) semaphore(%run_scoped3A_270 : memref<!tpu.dma_semaphore, #tpu.memory_space<semaphore_mem>>) {add = true}
          %dma_wait3A_277 = arith.constant 0 : i32
          %dma_wait3A_278 = tpu.memref_slice %arg8[%run_scoped3A_197, %dma_wait3A_277] : memref<2x125xi32, #tpu.memory_space<vmem>> -> memref<1x125xi32, #tpu.memory_space<vmem>>
          %dma_wait3A_279 = tpu.memref_squeeze %dma_wait3A_278 : memref<1x125xi32, #tpu.memory_space<vmem>> -> memref<125xi32, #tpu.memory_space<vmem>>
          %dma_wait3A_280 = arith.constant 0 : i32
          %dma_wait3A_281 = arith.constant 0 : i32
          %dma_wait3A_282 = tpu.memref_slice %arg26[%dma_wait3A_280, %dma_wait3A_281] : memref<10000x80xf32, #tpu.memory_space<vmem_shared>> -> memref<10000x80xf32, #tpu.memory_space<vmem_shared>>
          tpu.wait_indirect_dma semaphore(%run_scoped3A_270 : memref<!tpu.dma_semaphore, #tpu.memory_space<semaphore_mem>>) src(%arg13 : memref<125x80xf32, #tpu.memory_space<vmem>>) dst(%dma_wait3A_282 : memref<10000x80xf32, #tpu.memory_space<vmem_shared>>)
          tpu.yield
        }) : () -> ()
        %add3A_198 = arith.constant 5 : i32
        %add3A_199 = arith.addi %add3A_189, %add3A_198 : i32
        %lt3A_200 = arith.constant 160 : i32
        %lt3A_201 = arith.cmpi slt, %add3A_199, %lt3A_200 : i32
        %convert_element_type3A_202 = arith.extui %lt3A_201 : i1 to i32
        %cond3A_203 = arith.constant 0 : i32
        %cond3A_204 = arith.cmpi ne, %convert_element_type3A_202, %cond3A_203 : i32
        scf.if %cond3A_204 {
          %add3A_270 = arith.constant 5 : i32
          %add3A_271 = arith.addi %add3A_189, %add3A_270 : i32
          %dma_start3A_272 = arith.constant 0 : i32
          %dma_start3A_273 = arith.constant 0 : i32
          %dma_start3A_274 = tpu.memref_slice %arg4[%arg1, %add3A_271, %dma_start3A_272, %dma_start3A_273] : memref<16x160x2x125xi32, #tpu.memory_space<hbm>> -> memref<1x1x2x125xi32, #tpu.memory_space<hbm>>
          %dma_start3A_275 = tpu.memref_squeeze %dma_start3A_274 : memref<1x1x2x125xi32, #tpu.memory_space<hbm>> -> memref<2x125xi32, #tpu.memory_space<hbm>>
          %dma_start3A_276 = arith.constant 0 : i32
          %dma_start3A_277 = arith.constant 0 : i32
          %dma_start3A_278 = tpu.memref_slice %arg4[%arg1, %add3A_271, %dma_start3A_276, %dma_start3A_277] : memref<16x160x2x125xi32, #tpu.memory_space<hbm>> -> memref<1x1x2x125xi32, #tpu.memory_space<hbm>>
          %dma_start3A_279 = tpu.memref_squeeze %dma_start3A_278 : memref<1x1x2x125xi32, #tpu.memory_space<hbm>> -> memref<2x125xi32, #tpu.memory_space<hbm>>
          tpu.enqueue_dma source(%dma_start3A_279 : memref<2x125xi32, #tpu.memory_space<hbm>>) target(%arg8 : memref<2x125xi32, #tpu.memory_space<vmem>>) target_semaphore(%arg18 : memref<!tpu.dma_semaphore, #tpu.memory_space<semaphore_mem>>)
        } else {
        }
        %add3A_205 = arith.constant 5 : i32
        %add3A_206 = arith.addi %add3A_189, %add3A_205 : i32
        %sub3A_207 = arith.constant 1 : i32
        %sub3A_208 = arith.subi %add3A_206, %sub3A_207 : i32
        %lt3A_209 = arith.constant 160 : i32
        %lt3A_210 = arith.cmpi slt, %sub3A_208, %lt3A_209 : i32
        %convert_element_type3A_211 = arith.extui %lt3A_210 : i1 to i32
        %cond3A_212 = arith.constant 0 : i32
        %cond3A_213 = arith.cmpi ne, %convert_element_type3A_211, %cond3A_212 : i32
        scf.if %cond3A_213 {
          %add3A_270 = arith.constant 5 : i32
          %add3A_271 = arith.addi %add3A_189, %add3A_270 : i32
          %sub3A_272 = arith.constant 1 : i32
          %sub3A_273 = arith.subi %add3A_271, %sub3A_272 : i32
          %dma_wait3A_274 = arith.constant 0 : i32
          %dma_wait3A_275 = arith.constant 0 : i32
          %dma_wait3A_276 = tpu.memref_slice %arg4[%arg1, %sub3A_273, %dma_wait3A_274, %dma_wait3A_275] : memref<16x160x2x125xi32, #tpu.memory_space<hbm>> -> memref<1x1x2x125xi32, #tpu.memory_space<hbm>>
          %dma_wait3A_277 = tpu.memref_squeeze %dma_wait3A_276 : memref<1x1x2x125xi32, #tpu.memory_space<hbm>> -> memref<2x125xi32, #tpu.memory_space<hbm>>
          %dma_wait3A_278 = arith.constant 0 : i32
          %dma_wait3A_279 = arith.constant 0 : i32
          %dma_wait3A_280 = tpu.memref_slice %arg4[%arg1, %sub3A_273, %dma_wait3A_278, %dma_wait3A_279] : memref<16x160x2x125xi32, #tpu.memory_space<hbm>> -> memref<1x1x2x125xi32, #tpu.memory_space<hbm>>
          %dma_wait3A_281 = tpu.memref_squeeze %dma_wait3A_280 : memref<1x1x2x125xi32, #tpu.memory_space<hbm>> -> memref<2x125xi32, #tpu.memory_space<hbm>>
          tpu.wait_dma2 semaphore(%arg17 : memref<!tpu.dma_semaphore, #tpu.memory_space<semaphore_mem>>) src(%dma_wait3A_281 : memref<2x125xi32, #tpu.memory_space<hbm>>) dst(%arg7 : memref<2x125xi32, #tpu.memory_space<vmem>>)
          %dma_start3A_282 = arith.constant 0 : i32
          %dma_start3A_283 = arith.constant 0 : i32
          %dma_start3A_284 = tpu.memref_slice %arg7[%dma_start3A_282, %dma_start3A_283] : memref<2x125xi32, #tpu.memory_space<vmem>> -> memref<1x125xi32, #tpu.memory_space<vmem>>
          %dma_start3A_285 = tpu.memref_squeeze %dma_start3A_284 : memref<1x125xi32, #tpu.memory_space<vmem>> -> memref<125xi32, #tpu.memory_space<vmem>>
          %dma_start3A_286 = arith.constant 0 : i32
          %dma_start3A_287 = arith.constant 0 : i32
          %dma_start3A_288 = tpu.memref_slice %arg2[%dma_start3A_286, %dma_start3A_287] : memref<10000x80xf32, #tpu.memory_space<hbm>> -> memref<10000x80xf32, #tpu.memory_space<hbm>>
          tpu.enqueue_indirect_dma source(%dma_start3A_288 : memref<10000x80xf32, #tpu.memory_space<hbm>>) target(%arg12 : memref<125x80xf32, #tpu.memory_space<vmem>>) offsets(%dma_start3A_285 : memref<125xi32, #tpu.memory_space<vmem>>) semaphore(%arg22 : memref<!tpu.dma_semaphore, #tpu.memory_space<semaphore_mem>>)
        } else {
        }
        %mul3A_214 = arith.constant 5 : i32
        %mul3A_215 = arith.muli %mul3A_214, %scan3A_133 : i32
        %add3A_216 = arith.constant 3 : i32
        %add3A_217 = arith.addi %mul3A_215, %add3A_216 : i32
        %dma_wait3A_218 = arith.constant 0 : i32
        %dma_wait3A_219 = arith.constant 0 : i32
        %dma_wait3A_220 = tpu.memref_slice %arg9[%dma_wait3A_218, %dma_wait3A_219] : memref<2x125xi32, #tpu.memory_space<vmem>> -> memref<1x125xi32, #tpu.memory_space<vmem>>
        %dma_wait3A_221 = tpu.memref_squeeze %dma_wait3A_220 : memref<1x125xi32, #tpu.memory_space<vmem>> -> memref<125xi32, #tpu.memory_space<vmem>>
        %dma_wait3A_222 = arith.constant 0 : i32
        %dma_wait3A_223 = arith.constant 0 : i32
        %dma_wait3A_224 = tpu.memref_slice %arg2[%dma_wait3A_222, %dma_wait3A_223] : memref<10000x80xf32, #tpu.memory_space<hbm>> -> memref<10000x80xf32, #tpu.memory_space<hbm>>
        tpu.wait_indirect_dma semaphore(%arg24 : memref<!tpu.dma_semaphore, #tpu.memory_space<semaphore_mem>>) src(%dma_wait3A_224 : memref<10000x80xf32, #tpu.memory_space<hbm>>) dst(%arg14 : memref<125x80xf32, #tpu.memory_space<vmem>>)
        %run_scoped3A_225 = arith.constant 1 : i32
        "tpu.region"() ({
          %run_scoped3A_270 = tpu.sem_alloc : memref<!tpu.dma_semaphore, #tpu.memory_space<semaphore_mem>>
          %dma_start3A_271 = arith.constant 0 : i32
          %dma_start3A_272 = tpu.memref_slice %arg9[%run_scoped3A_225, %dma_start3A_271] : memref<2x125xi32, #tpu.memory_space<vmem>> -> memref<1x125xi32, #tpu.memory_space<vmem>>
          %dma_start3A_273 = tpu.memref_squeeze %dma_start3A_272 : memref<1x125xi32, #tpu.memory_space<vmem>> -> memref<125xi32, #tpu.memory_space<vmem>>
          %dma_start3A_274 = arith.constant 0 : i32
          %dma_start3A_275 = arith.constant 0 : i32
          %dma_start3A_276 = tpu.memref_slice %arg26[%dma_start3A_274, %dma_start3A_275] : memref<10000x80xf32, #tpu.memory_space<vmem_shared>> -> memref<10000x80xf32, #tpu.memory_space<vmem_shared>>
          tpu.enqueue_indirect_dma source(%arg14 : memref<125x80xf32, #tpu.memory_space<vmem>>) target(%dma_start3A_276 : memref<10000x80xf32, #tpu.memory_space<vmem_shared>>) offsets(%dma_start3A_273 : memref<125xi32, #tpu.memory_space<vmem>>) semaphore(%run_scoped3A_270 : memref<!tpu.dma_semaphore, #tpu.memory_space<semaphore_mem>>) {add = true}
          %dma_wait3A_277 = arith.constant 0 : i32
          %dma_wait3A_278 = tpu.memref_slice %arg9[%run_scoped3A_225, %dma_wait3A_277] : memref<2x125xi32, #tpu.memory_space<vmem>> -> memref<1x125xi32, #tpu.memory_space<vmem>>
          %dma_wait3A_279 = tpu.memref_squeeze %dma_wait3A_278 : memref<1x125xi32, #tpu.memory_space<vmem>> -> memref<125xi32, #tpu.memory_space<vmem>>
          %dma_wait3A_280 = arith.constant 0 : i32
          %dma_wait3A_281 = arith.constant 0 : i32
          %dma_wait3A_282 = tpu.memref_slice %arg26[%dma_wait3A_280, %dma_wait3A_281] : memref<10000x80xf32, #tpu.memory_space<vmem_shared>> -> memref<10000x80xf32, #tpu.memory_space<vmem_shared>>
          tpu.wait_indirect_dma semaphore(%run_scoped3A_270 : memref<!tpu.dma_semaphore, #tpu.memory_space<semaphore_mem>>) src(%arg14 : memref<125x80xf32, #tpu.memory_space<vmem>>) dst(%dma_wait3A_282 : memref<10000x80xf32, #tpu.memory_space<vmem_shared>>)
          tpu.yield
        }) : () -> ()
        %add3A_226 = arith.constant 5 : i32
        %add3A_227 = arith.addi %add3A_217, %add3A_226 : i32
        %lt3A_228 = arith.constant 160 : i32
        %lt3A_229 = arith.cmpi slt, %add3A_227, %lt3A_228 : i32
        %convert_element_type3A_230 = arith.extui %lt3A_229 : i1 to i32
        %cond3A_231 = arith.constant 0 : i32
        %cond3A_232 = arith.cmpi ne, %convert_element_type3A_230, %cond3A_231 : i32
        scf.if %cond3A_232 {
          %add3A_270 = arith.constant 5 : i32
          %add3A_271 = arith.addi %add3A_217, %add3A_270 : i32
          %dma_start3A_272 = arith.constant 0 : i32
          %dma_start3A_273 = arith.constant 0 : i32
          %dma_start3A_274 = tpu.memref_slice %arg4[%arg1, %add3A_271, %dma_start3A_272, %dma_start3A_273] : memref<16x160x2x125xi32, #tpu.memory_space<hbm>> -> memref<1x1x2x125xi32, #tpu.memory_space<hbm>>
          %dma_start3A_275 = tpu.memref_squeeze %dma_start3A_274 : memref<1x1x2x125xi32, #tpu.memory_space<hbm>> -> memref<2x125xi32, #tpu.memory_space<hbm>>
          %dma_start3A_276 = arith.constant 0 : i32
          %dma_start3A_277 = arith.constant 0 : i32
          %dma_start3A_278 = tpu.memref_slice %arg4[%arg1, %add3A_271, %dma_start3A_276, %dma_start3A_277] : memref<16x160x2x125xi32, #tpu.memory_space<hbm>> -> memref<1x1x2x125xi32, #tpu.memory_space<hbm>>
          %dma_start3A_279 = tpu.memref_squeeze %dma_start3A_278 : memref<1x1x2x125xi32, #tpu.memory_space<hbm>> -> memref<2x125xi32, #tpu.memory_space<hbm>>
          tpu.enqueue_dma source(%dma_start3A_279 : memref<2x125xi32, #tpu.memory_space<hbm>>) target(%arg9 : memref<2x125xi32, #tpu.memory_space<vmem>>) target_semaphore(%arg19 : memref<!tpu.dma_semaphore, #tpu.memory_space<semaphore_mem>>)
        } else {
        }
        %add3A_233 = arith.constant 5 : i32
        %add3A_234 = arith.addi %add3A_217, %add3A_233 : i32
        %sub3A_235 = arith.constant 1 : i32
        %sub3A_236 = arith.subi %add3A_234, %sub3A_235 : i32
        %lt3A_237 = arith.constant 160 : i32
        %lt3A_238 = arith.cmpi slt, %sub3A_236, %lt3A_237 : i32
        %convert_element_type3A_239 = arith.extui %lt3A_238 : i1 to i32
        %cond3A_240 = arith.constant 0 : i32
        %cond3A_241 = arith.cmpi ne, %convert_element_type3A_239, %cond3A_240 : i32
        scf.if %cond3A_241 {
          %add3A_270 = arith.constant 5 : i32
          %add3A_271 = arith.addi %add3A_217, %add3A_270 : i32
          %sub3A_272 = arith.constant 1 : i32
          %sub3A_273 = arith.subi %add3A_271, %sub3A_272 : i32
          %dma_wait3A_274 = arith.constant 0 : i32
          %dma_wait3A_275 = arith.constant 0 : i32
          %dma_wait3A_276 = tpu.memref_slice %arg4[%arg1, %sub3A_273, %dma_wait3A_274, %dma_wait3A_275] : memref<16x160x2x125xi32, #tpu.memory_space<hbm>> -> memref<1x1x2x125xi32, #tpu.memory_space<hbm>>
          %dma_wait3A_277 = tpu.memref_squeeze %dma_wait3A_276 : memref<1x1x2x125xi32, #tpu.memory_space<hbm>> -> memref<2x125xi32, #tpu.memory_space<hbm>>
          %dma_wait3A_278 = arith.constant 0 : i32
          %dma_wait3A_279 = arith.constant 0 : i32
          %dma_wait3A_280 = tpu.memref_slice %arg4[%arg1, %sub3A_273, %dma_wait3A_278, %dma_wait3A_279] : memref<16x160x2x125xi32, #tpu.memory_space<hbm>> -> memref<1x1x2x125xi32, #tpu.memory_space<hbm>>
          %dma_wait3A_281 = tpu.memref_squeeze %dma_wait3A_280 : memref<1x1x2x125xi32, #tpu.memory_space<hbm>> -> memref<2x125xi32, #tpu.memory_space<hbm>>
          tpu.wait_dma2 semaphore(%arg18 : memref<!tpu.dma_semaphore, #tpu.memory_space<semaphore_mem>>) src(%dma_wait3A_281 : memref<2x125xi32, #tpu.memory_space<hbm>>) dst(%arg8 : memref<2x125xi32, #tpu.memory_space<vmem>>)
          %dma_start3A_282 = arith.constant 0 : i32
          %dma_start3A_283 = arith.constant 0 : i32
          %dma_start3A_284 = tpu.memref_slice %arg8[%dma_start3A_282, %dma_start3A_283] : memref<2x125xi32, #tpu.memory_space<vmem>> -> memref<1x125xi32, #tpu.memory_space<vmem>>
          %dma_start3A_285 = tpu.memref_squeeze %dma_start3A_284 : memref<1x125xi32, #tpu.memory_space<vmem>> -> memref<125xi32, #tpu.memory_space<vmem>>
          %dma_start3A_286 = arith.constant 0 : i32
          %dma_start3A_287 = arith.constant 0 : i32
          %dma_start3A_288 = tpu.memref_slice %arg2[%dma_start3A_286, %dma_start3A_287] : memref<10000x80xf32, #tpu.memory_space<hbm>> -> memref<10000x80xf32, #tpu.memory_space<hbm>>
          tpu.enqueue_indirect_dma source(%dma_start3A_288 : memref<10000x80xf32, #tpu.memory_space<hbm>>) target(%arg13 : memref<125x80xf32, #tpu.memory_space<vmem>>) offsets(%dma_start3A_285 : memref<125xi32, #tpu.memory_space<vmem>>) semaphore(%arg23 : memref<!tpu.dma_semaphore, #tpu.memory_space<semaphore_mem>>)
        } else {
        }
        %mul3A_242 = arith.constant 5 : i32
        %mul3A_243 = arith.muli %mul3A_242, %scan3A_133 : i32
        %add3A_244 = arith.constant 4 : i32
        %add3A_245 = arith.addi %mul3A_243, %add3A_244 : i32
        %dma_wait3A_246 = arith.constant 0 : i32
        %dma_wait3A_247 = arith.constant 0 : i32
        %dma_wait3A_248 = tpu.memref_slice %arg10[%dma_wait3A_246, %dma_wait3A_247] : memref<2x125xi32, #tpu.memory_space<vmem>> -> memref<1x125xi32, #tpu.memory_space<vmem>>
        %dma_wait3A_249 = tpu.memref_squeeze %dma_wait3A_248 : memref<1x125xi32, #tpu.memory_space<vmem>> -> memref<125xi32, #tpu.memory_space<vmem>>
        %dma_wait3A_250 = arith.constant 0 : i32
        %dma_wait3A_251 = arith.constant 0 : i32
        %dma_wait3A_252 = tpu.memref_slice %arg2[%dma_wait3A_250, %dma_wait3A_251] : memref<10000x80xf32, #tpu.memory_space<hbm>> -> memref<10000x80xf32, #tpu.memory_space<hbm>>
        tpu.wait_indirect_dma semaphore(%arg25 : memref<!tpu.dma_semaphore, #tpu.memory_space<semaphore_mem>>) src(%dma_wait3A_252 : memref<10000x80xf32, #tpu.memory_space<hbm>>) dst(%arg15 : memref<125x80xf32, #tpu.memory_space<vmem>>)
        %run_scoped3A_253 = arith.constant 1 : i32
        "tpu.region"() ({
          %run_scoped3A_270 = tpu.sem_alloc : memref<!tpu.dma_semaphore, #tpu.memory_space<semaphore_mem>>
          %dma_start3A_271 = arith.constant 0 : i32
          %dma_start3A_272 = tpu.memref_slice %arg10[%run_scoped3A_253, %dma_start3A_271] : memref<2x125xi32, #tpu.memory_space<vmem>> -> memref<1x125xi32, #tpu.memory_space<vmem>>
          %dma_start3A_273 = tpu.memref_squeeze %dma_start3A_272 : memref<1x125xi32, #tpu.memory_space<vmem>> -> memref<125xi32, #tpu.memory_space<vmem>>
          %dma_start3A_274 = arith.constant 0 : i32
          %dma_start3A_275 = arith.constant 0 : i32
          %dma_start3A_276 = tpu.memref_slice %arg26[%dma_start3A_274, %dma_start3A_275] : memref<10000x80xf32, #tpu.memory_space<vmem_shared>> -> memref<10000x80xf32, #tpu.memory_space<vmem_shared>>
          tpu.enqueue_indirect_dma source(%arg15 : memref<125x80xf32, #tpu.memory_space<vmem>>) target(%dma_start3A_276 : memref<10000x80xf32, #tpu.memory_space<vmem_shared>>) offsets(%dma_start3A_273 : memref<125xi32, #tpu.memory_space<vmem>>) semaphore(%run_scoped3A_270 : memref<!tpu.dma_semaphore, #tpu.memory_space<semaphore_mem>>) {add = true}
          %dma_wait3A_277 = arith.constant 0 : i32
          %dma_wait3A_278 = tpu.memref_slice %arg10[%run_scoped3A_253, %dma_wait3A_277] : memref<2x125xi32, #tpu.memory_space<vmem>> -> memref<1x125xi32, #tpu.memory_space<vmem>>
          %dma_wait3A_279 = tpu.memref_squeeze %dma_wait3A_278 : memref<1x125xi32, #tpu.memory_space<vmem>> -> memref<125xi32, #tpu.memory_space<vmem>>
          %dma_wait3A_280 = arith.constant 0 : i32
          %dma_wait3A_281 = arith.constant 0 : i32
          %dma_wait3A_282 = tpu.memref_slice %arg26[%dma_wait3A_280, %dma_wait3A_281] : memref<10000x80xf32, #tpu.memory_space<vmem_shared>> -> memref<10000x80xf32, #tpu.memory_space<vmem_shared>>
          tpu.wait_indirect_dma semaphore(%run_scoped3A_270 : memref<!tpu.dma_semaphore, #tpu.memory_space<semaphore_mem>>) src(%arg15 : memref<125x80xf32, #tpu.memory_space<vmem>>) dst(%dma_wait3A_282 : memref<10000x80xf32, #tpu.memory_space<vmem_shared>>)
          tpu.yield
        }) : () -> ()
        %add3A_254 = arith.constant 5 : i32
        %add3A_255 = arith.addi %add3A_245, %add3A_254 : i32
        %lt3A_256 = arith.constant 160 : i32
        %lt3A_257 = arith.cmpi slt, %add3A_255, %lt3A_256 : i32
        %convert_element_type3A_258 = arith.extui %lt3A_257 : i1 to i32
        %cond3A_259 = arith.constant 0 : i32
        %cond3A_260 = arith.cmpi ne, %convert_element_type3A_258, %cond3A_259 : i32
        scf.if %cond3A_260 {
          %add3A_270 = arith.constant 5 : i32
          %add3A_271 = arith.addi %add3A_245, %add3A_270 : i32
          %dma_start3A_272 = arith.constant 0 : i32
          %dma_start3A_273 = arith.constant 0 : i32
          %dma_start3A_274 = tpu.memref_slice %arg4[%arg1, %add3A_271, %dma_start3A_272, %dma_start3A_273] : memref<16x160x2x125xi32, #tpu.memory_space<hbm>> -> memref<1x1x2x125xi32, #tpu.memory_space<hbm>>
          %dma_start3A_275 = tpu.memref_squeeze %dma_start3A_274 : memref<1x1x2x125xi32, #tpu.memory_space<hbm>> -> memref<2x125xi32, #tpu.memory_space<hbm>>
          %dma_start3A_276 = arith.constant 0 : i32
          %dma_start3A_277 = arith.constant 0 : i32
          %dma_start3A_278 = tpu.memref_slice %arg4[%arg1, %add3A_271, %dma_start3A_276, %dma_start3A_277] : memref<16x160x2x125xi32, #tpu.memory_space<hbm>> -> memref<1x1x2x125xi32, #tpu.memory_space<hbm>>
          %dma_start3A_279 = tpu.memref_squeeze %dma_start3A_278 : memref<1x1x2x125xi32, #tpu.memory_space<hbm>> -> memref<2x125xi32, #tpu.memory_space<hbm>>
          tpu.enqueue_dma source(%dma_start3A_279 : memref<2x125xi32, #tpu.memory_space<hbm>>) target(%arg10 : memref<2x125xi32, #tpu.memory_space<vmem>>) target_semaphore(%arg20 : memref<!tpu.dma_semaphore, #tpu.memory_space<semaphore_mem>>)
        } else {
        }
        %add3A_261 = arith.constant 5 : i32
        %add3A_262 = arith.addi %add3A_245, %add3A_261 : i32
        %sub3A_263 = arith.constant 1 : i32
        %sub3A_264 = arith.subi %add3A_262, %sub3A_263 : i32
        %lt3A_265 = arith.constant 160 : i32
        %lt3A_266 = arith.cmpi slt, %sub3A_264, %lt3A_265 : i32
        %convert_element_type3A_267 = arith.extui %lt3A_266 : i1 to i32
        %cond3A_268 = arith.constant 0 : i32
        %cond3A_269 = arith.cmpi ne, %convert_element_type3A_267, %cond3A_268 : i32
        scf.if %cond3A_269 {
          %add3A_270 = arith.constant 5 : i32
          %add3A_271 = arith.addi %add3A_245, %add3A_270 : i32
          %sub3A_272 = arith.constant 1 : i32
          %sub3A_273 = arith.subi %add3A_271, %sub3A_272 : i32
          %dma_wait3A_274 = arith.constant 0 : i32
          %dma_wait3A_275 = arith.constant 0 : i32
          %dma_wait3A_276 = tpu.memref_slice %arg4[%arg1, %sub3A_273, %dma_wait3A_274, %dma_wait3A_275] : memref<16x160x2x125xi32, #tpu.memory_space<hbm>> -> memref<1x1x2x125xi32, #tpu.memory_space<hbm>>
          %dma_wait3A_277 = tpu.memref_squeeze %dma_wait3A_276 : memref<1x1x2x125xi32, #tpu.memory_space<hbm>> -> memref<2x125xi32, #tpu.memory_space<hbm>>
          %dma_wait3A_278 = arith.constant 0 : i32
          %dma_wait3A_279 = arith.constant 0 : i32
          %dma_wait3A_280 = tpu.memref_slice %arg4[%arg1, %sub3A_273, %dma_wait3A_278, %dma_wait3A_279] : memref<16x160x2x125xi32, #tpu.memory_space<hbm>> -> memref<1x1x2x125xi32, #tpu.memory_space<hbm>>
          %dma_wait3A_281 = tpu.memref_squeeze %dma_wait3A_280 : memref<1x1x2x125xi32, #tpu.memory_space<hbm>> -> memref<2x125xi32, #tpu.memory_space<hbm>>
          tpu.wait_dma2 semaphore(%arg19 : memref<!tpu.dma_semaphore, #tpu.memory_space<semaphore_mem>>) src(%dma_wait3A_281 : memref<2x125xi32, #tpu.memory_space<hbm>>) dst(%arg9 : memref<2x125xi32, #tpu.memory_space<vmem>>)
          %dma_start3A_282 = arith.constant 0 : i32
          %dma_start3A_283 = arith.constant 0 : i32
          %dma_start3A_284 = tpu.memref_slice %arg9[%dma_start3A_282, %dma_start3A_283] : memref<2x125xi32, #tpu.memory_space<vmem>> -> memref<1x125xi32, #tpu.memory_space<vmem>>
          %dma_start3A_285 = tpu.memref_squeeze %dma_start3A_284 : memref<1x125xi32, #tpu.memory_space<vmem>> -> memref<125xi32, #tpu.memory_space<vmem>>
          %dma_start3A_286 = arith.constant 0 : i32
          %dma_start3A_287 = arith.constant 0 : i32
          %dma_start3A_288 = tpu.memref_slice %arg2[%dma_start3A_286, %dma_start3A_287] : memref<10000x80xf32, #tpu.memory_space<hbm>> -> memref<10000x80xf32, #tpu.memory_space<hbm>>
          tpu.enqueue_indirect_dma source(%dma_start3A_288 : memref<10000x80xf32, #tpu.memory_space<hbm>>) target(%arg14 : memref<125x80xf32, #tpu.memory_space<vmem>>) offsets(%dma_start3A_285 : memref<125xi32, #tpu.memory_space<vmem>>) semaphore(%arg24 : memref<!tpu.dma_semaphore, #tpu.memory_space<semaphore_mem>>)
        } else {
        }
      }
      %scan3A_132 = arith.constant 32 : i32
    } else {
    }
    %ne3A = arith.constant 0 : i32
    %ne3A_2 = arith.cmpi ne, %arg0, %ne3A : i32
    %convert_element_type3A_3 = arith.extui %ne3A_2 : i1 to i32
    %cond3A_4 = arith.constant 0 : i32
    %cond3A_5 = arith.cmpi ne, %convert_element_type3A_3, %cond3A_4 : i32
    scf.if %cond3A_5 {
      %mul3A_12 = arith.constant 624 : i32
      %mul3A_13 = arith.muli %arg1, %mul3A_12 : i32
      %multiple_of3A_14 = tpu.assume_multiple %mul3A_13, 8 : i32
      "tpu.region"() ({
        %run_scoped3A = tpu.sem_alloc : memref<!tpu.dma_semaphore, #tpu.memory_space<semaphore_mem>>
        %dma_start3A_133 = arith.constant 0 : i32
        %dma_start3A_134 = tpu.memref_slice %arg26[%multiple_of3A_14, %dma_start3A_133] : memref<10000x80xf32, #tpu.memory_space<vmem_shared>> -> memref<624x80xf32, #tpu.memory_space<vmem_shared>>
        %dma_start3A_135 = arith.constant 0 : i32
        %dma_start3A_136 = tpu.memref_slice %arg3[%multiple_of3A_14, %dma_start3A_135] : memref<10000x80xf32, #tpu.memory_space<hbm>> -> memref<624x80xf32, #tpu.memory_space<hbm>>
        tpu.enqueue_dma source(%dma_start3A_136 : memref<624x80xf32, #tpu.memory_space<hbm>>) target(%dma_start3A_134 : memref<624x80xf32, #tpu.memory_space<vmem_shared>>) target_semaphore(%run_scoped3A : memref<!tpu.dma_semaphore, #tpu.memory_space<semaphore_mem>>)
        %dma_wait3A_137 = arith.constant 0 : i32
        %dma_wait3A_138 = tpu.memref_slice %arg26[%multiple_of3A_14, %dma_wait3A_137] : memref<10000x80xf32, #tpu.memory_space<vmem_shared>> -> memref<624x80xf32, #tpu.memory_space<vmem_shared>>
        %dma_wait3A_139 = arith.constant 0 : i32
        %dma_wait3A_140 = tpu.memref_slice %arg3[%multiple_of3A_14, %dma_wait3A_139] : memref<10000x80xf32, #tpu.memory_space<hbm>> -> memref<624x80xf32, #tpu.memory_space<hbm>>
        tpu.wait_dma2 semaphore(%run_scoped3A : memref<!tpu.dma_semaphore, #tpu.memory_space<semaphore_mem>>) src(%dma_wait3A_140 : memref<624x80xf32, #tpu.memory_space<hbm>>) dst(%dma_wait3A_138 : memref<624x80xf32, #tpu.memory_space<vmem_shared>>)
        tpu.yield
      }) : () -> ()
      %eq3A_15 = arith.constant 15 : i32
      %eq3A_16 = arith.cmpi eq, %arg1, %eq3A_15 : i32
      %convert_element_type3A_17 = arith.extui %eq3A_16 : i1 to i32
      %cond3A_18 = arith.constant 0 : i32
      %cond3A_19 = arith.cmpi ne, %convert_element_type3A_17, %cond3A_18 : i32
      scf.if %cond3A_19 {
        "tpu.region"() ({
          %run_scoped3A = tpu.sem_alloc : memref<!tpu.dma_semaphore, #tpu.memory_space<semaphore_mem>>
          %dma_start3A_133 = arith.constant 9984 : i32
          %dma_start3A_134 = arith.constant 0 : i32
          %dma_start3A_135 = tpu.memref_slice %arg26[%dma_start3A_133, %dma_start3A_134] : memref<10000x80xf32, #tpu.memory_space<vmem_shared>> -> memref<16x80xf32, #tpu.memory_space<vmem_shared>>
          %dma_start3A_136 = arith.constant 9984 : i32
          %dma_start3A_137 = arith.constant 0 : i32
          %dma_start3A_138 = tpu.memref_slice %arg3[%dma_start3A_136, %dma_start3A_137] : memref<10000x80xf32, #tpu.memory_space<hbm>> -> memref<16x80xf32, #tpu.memory_space<hbm>>
          tpu.enqueue_dma source(%dma_start3A_138 : memref<16x80xf32, #tpu.memory_space<hbm>>) target(%dma_start3A_135 : memref<16x80xf32, #tpu.memory_space<vmem_shared>>) target_semaphore(%run_scoped3A : memref<!tpu.dma_semaphore, #tpu.memory_space<semaphore_mem>>)
          %dma_wait3A_139 = arith.constant 9984 : i32
          %dma_wait3A_140 = arith.constant 0 : i32
          %dma_wait3A_141 = tpu.memref_slice %arg26[%dma_wait3A_139, %dma_wait3A_140] : memref<10000x80xf32, #tpu.memory_space<vmem_shared>> -> memref<16x80xf32, #tpu.memory_space<vmem_shared>>
          %dma_wait3A_142 = arith.constant 9984 : i32
          %dma_wait3A_143 = arith.constant 0 : i32
          %dma_wait3A_144 = tpu.memref_slice %arg3[%dma_wait3A_142, %dma_wait3A_143] : memref<10000x80xf32, #tpu.memory_space<hbm>> -> memref<16x80xf32, #tpu.memory_space<hbm>>
          tpu.wait_dma2 semaphore(%run_scoped3A : memref<!tpu.dma_semaphore, #tpu.memory_space<semaphore_mem>>) src(%dma_wait3A_144 : memref<16x80xf32, #tpu.memory_space<hbm>>) dst(%dma_wait3A_141 : memref<16x80xf32, #tpu.memory_space<vmem_shared>>)
          tpu.yield
        }) : () -> ()
      } else {
      }
      %dma_start3A = arith.constant 0 : i32
      %dma_start3A_20 = arith.constant 0 : i32
      %dma_start3A_21 = arith.constant 0 : i32
      %dma_start3A_22 = tpu.memref_slice %arg4[%arg1, %dma_start3A, %dma_start3A_20, %dma_start3A_21] : memref<16x160x2x125xi32, #tpu.memory_space<hbm>> -> memref<1x1x2x125xi32, #tpu.memory_space<hbm>>
      %dma_start3A_23 = tpu.memref_squeeze %dma_start3A_22 : memref<1x1x2x125xi32, #tpu.memory_space<hbm>> -> memref<2x125xi32, #tpu.memory_space<hbm>>
      %dma_start3A_24 = arith.constant 0 : i32
      %dma_start3A_25 = arith.constant 0 : i32
      %dma_start3A_26 = tpu.memref_slice %arg4[%arg1, %dma_start3A, %dma_start3A_24, %dma_start3A_25] : memref<16x160x2x125xi32, #tpu.memory_space<hbm>> -> memref<1x1x2x125xi32, #tpu.memory_space<hbm>>
      %dma_start3A_27 = tpu.memref_squeeze %dma_start3A_26 : memref<1x1x2x125xi32, #tpu.memory_space<hbm>> -> memref<2x125xi32, #tpu.memory_space<hbm>>
      tpu.enqueue_dma source(%dma_start3A_27 : memref<2x125xi32, #tpu.memory_space<hbm>>) target(%arg6 : memref<2x125xi32, #tpu.memory_space<vmem>>) target_semaphore(%arg16 : memref<!tpu.dma_semaphore, #tpu.memory_space<semaphore_mem>>)
      %dma_start3A_28 = arith.constant 1 : i32
      %dma_start3A_29 = arith.constant 0 : i32
      %dma_start3A_30 = arith.constant 0 : i32
      %dma_start3A_31 = tpu.memref_slice %arg4[%arg1, %dma_start3A_28, %dma_start3A_29, %dma_start3A_30] : memref<16x160x2x125xi32, #tpu.memory_space<hbm>> -> memref<1x1x2x125xi32, #tpu.memory_space<hbm>>
      %dma_start3A_32 = tpu.memref_squeeze %dma_start3A_31 : memref<1x1x2x125xi32, #tpu.memory_space<hbm>> -> memref<2x125xi32, #tpu.memory_space<hbm>>
      %dma_start3A_33 = arith.constant 0 : i32
      %dma_start3A_34 = arith.constant 0 : i32
      %dma_start3A_35 = tpu.memref_slice %arg4[%arg1, %dma_start3A_28, %dma_start3A_33, %dma_start3A_34] : memref<16x160x2x125xi32, #tpu.memory_space<hbm>> -> memref<1x1x2x125xi32, #tpu.memory_space<hbm>>
      %dma_start3A_36 = tpu.memref_squeeze %dma_start3A_35 : memref<1x1x2x125xi32, #tpu.memory_space<hbm>> -> memref<2x125xi32, #tpu.memory_space<hbm>>
      tpu.enqueue_dma source(%dma_start3A_36 : memref<2x125xi32, #tpu.memory_space<hbm>>) target(%arg7 : memref<2x125xi32, #tpu.memory_space<vmem>>) target_semaphore(%arg17 : memref<!tpu.dma_semaphore, #tpu.memory_space<semaphore_mem>>)
      %dma_start3A_37 = arith.constant 2 : i32
      %dma_start3A_38 = arith.constant 0 : i32
      %dma_start3A_39 = arith.constant 0 : i32
      %dma_start3A_40 = tpu.memref_slice %arg4[%arg1, %dma_start3A_37, %dma_start3A_38, %dma_start3A_39] : memref<16x160x2x125xi32, #tpu.memory_space<hbm>> -> memref<1x1x2x125xi32, #tpu.memory_space<hbm>>
      %dma_start3A_41 = tpu.memref_squeeze %dma_start3A_40 : memref<1x1x2x125xi32, #tpu.memory_space<hbm>> -> memref<2x125xi32, #tpu.memory_space<hbm>>
      %dma_start3A_42 = arith.constant 0 : i32
      %dma_start3A_43 = arith.constant 0 : i32
      %dma_start3A_44 = tpu.memref_slice %arg4[%arg1, %dma_start3A_37, %dma_start3A_42, %dma_start3A_43] : memref<16x160x2x125xi32, #tpu.memory_space<hbm>> -> memref<1x1x2x125xi32, #tpu.memory_space<hbm>>
      %dma_start3A_45 = tpu.memref_squeeze %dma_start3A_44 : memref<1x1x2x125xi32, #tpu.memory_space<hbm>> -> memref<2x125xi32, #tpu.memory_space<hbm>>
      tpu.enqueue_dma source(%dma_start3A_45 : memref<2x125xi32, #tpu.memory_space<hbm>>) target(%arg8 : memref<2x125xi32, #tpu.memory_space<vmem>>) target_semaphore(%arg18 : memref<!tpu.dma_semaphore, #tpu.memory_space<semaphore_mem>>)
      %dma_start3A_46 = arith.constant 3 : i32
      %dma_start3A_47 = arith.constant 0 : i32
      %dma_start3A_48 = arith.constant 0 : i32
      %dma_start3A_49 = tpu.memref_slice %arg4[%arg1, %dma_start3A_46, %dma_start3A_47, %dma_start3A_48] : memref<16x160x2x125xi32, #tpu.memory_space<hbm>> -> memref<1x1x2x125xi32, #tpu.memory_space<hbm>>
      %dma_start3A_50 = tpu.memref_squeeze %dma_start3A_49 : memref<1x1x2x125xi32, #tpu.memory_space<hbm>> -> memref<2x125xi32, #tpu.memory_space<hbm>>
      %dma_start3A_51 = arith.constant 0 : i32
      %dma_start3A_52 = arith.constant 0 : i32
      %dma_start3A_53 = tpu.memref_slice %arg4[%arg1, %dma_start3A_46, %dma_start3A_51, %dma_start3A_52] : memref<16x160x2x125xi32, #tpu.memory_space<hbm>> -> memref<1x1x2x125xi32, #tpu.memory_space<hbm>>
      %dma_start3A_54 = tpu.memref_squeeze %dma_start3A_53 : memref<1x1x2x125xi32, #tpu.memory_space<hbm>> -> memref<2x125xi32, #tpu.memory_space<hbm>>
      tpu.enqueue_dma source(%dma_start3A_54 : memref<2x125xi32, #tpu.memory_space<hbm>>) target(%arg9 : memref<2x125xi32, #tpu.memory_space<vmem>>) target_semaphore(%arg19 : memref<!tpu.dma_semaphore, #tpu.memory_space<semaphore_mem>>)
      %dma_start3A_55 = arith.constant 4 : i32
      %dma_start3A_56 = arith.constant 0 : i32
      %dma_start3A_57 = arith.constant 0 : i32
      %dma_start3A_58 = tpu.memref_slice %arg4[%arg1, %dma_start3A_55, %dma_start3A_56, %dma_start3A_57] : memref<16x160x2x125xi32, #tpu.memory_space<hbm>> -> memref<1x1x2x125xi32, #tpu.memory_space<hbm>>
      %dma_start3A_59 = tpu.memref_squeeze %dma_start3A_58 : memref<1x1x2x125xi32, #tpu.memory_space<hbm>> -> memref<2x125xi32, #tpu.memory_space<hbm>>
      %dma_start3A_60 = arith.constant 0 : i32
      %dma_start3A_61 = arith.constant 0 : i32
      %dma_start3A_62 = tpu.memref_slice %arg4[%arg1, %dma_start3A_55, %dma_start3A_60, %dma_start3A_61] : memref<16x160x2x125xi32, #tpu.memory_space<hbm>> -> memref<1x1x2x125xi32, #tpu.memory_space<hbm>>
      %dma_start3A_63 = tpu.memref_squeeze %dma_start3A_62 : memref<1x1x2x125xi32, #tpu.memory_space<hbm>> -> memref<2x125xi32, #tpu.memory_space<hbm>>
      tpu.enqueue_dma source(%dma_start3A_63 : memref<2x125xi32, #tpu.memory_space<hbm>>) target(%arg10 : memref<2x125xi32, #tpu.memory_space<vmem>>) target_semaphore(%arg20 : memref<!tpu.dma_semaphore, #tpu.memory_space<semaphore_mem>>)
      %barrier3A_64 = arith.constant 0 : index
      tpu.barrier barrier_id(%barrier3A_64)
      %dma_wait3A = arith.constant 0 : i32
      %dma_wait3A_65 = arith.constant 0 : i32
      %dma_wait3A_66 = arith.constant 0 : i32
      %dma_wait3A_67 = tpu.memref_slice %arg4[%arg1, %dma_wait3A, %dma_wait3A_65, %dma_wait3A_66] : memref<16x160x2x125xi32, #tpu.memory_space<hbm>> -> memref<1x1x2x125xi32, #tpu.memory_space<hbm>>
      %dma_wait3A_68 = tpu.memref_squeeze %dma_wait3A_67 : memref<1x1x2x125xi32, #tpu.memory_space<hbm>> -> memref<2x125xi32, #tpu.memory_space<hbm>>
      %dma_wait3A_69 = arith.constant 0 : i32
      %dma_wait3A_70 = arith.constant 0 : i32
      %dma_wait3A_71 = tpu.memref_slice %arg4[%arg1, %dma_wait3A, %dma_wait3A_69, %dma_wait3A_70] : memref<16x160x2x125xi32, #tpu.memory_space<hbm>> -> memref<1x1x2x125xi32, #tpu.memory_space<hbm>>
      %dma_wait3A_72 = tpu.memref_squeeze %dma_wait3A_71 : memref<1x1x2x125xi32, #tpu.memory_space<hbm>> -> memref<2x125xi32, #tpu.memory_space<hbm>>
      tpu.wait_dma2 semaphore(%arg16 : memref<!tpu.dma_semaphore, #tpu.memory_space<semaphore_mem>>) src(%dma_wait3A_72 : memref<2x125xi32, #tpu.memory_space<hbm>>) dst(%arg6 : memref<2x125xi32, #tpu.memory_space<vmem>>)
      %dma_start3A_73 = arith.constant 0 : i32
      %dma_start3A_74 = arith.constant 0 : i32
      %dma_start3A_75 = tpu.memref_slice %arg6[%dma_start3A_73, %dma_start3A_74] : memref<2x125xi32, #tpu.memory_space<vmem>> -> memref<1x125xi32, #tpu.memory_space<vmem>>
      %dma_start3A_76 = tpu.memref_squeeze %dma_start3A_75 : memref<1x125xi32, #tpu.memory_space<vmem>> -> memref<125xi32, #tpu.memory_space<vmem>>
      %dma_start3A_77 = arith.constant 0 : i32
      %dma_start3A_78 = arith.constant 0 : i32
      %dma_start3A_79 = tpu.memref_slice %arg3[%dma_start3A_77, %dma_start3A_78] : memref<10000x80xf32, #tpu.memory_space<hbm>> -> memref<10000x80xf32, #tpu.memory_space<hbm>>
      tpu.enqueue_indirect_dma source(%dma_start3A_79 : memref<10000x80xf32, #tpu.memory_space<hbm>>) target(%arg11 : memref<125x80xf32, #tpu.memory_space<vmem>>) offsets(%dma_start3A_76 : memref<125xi32, #tpu.memory_space<vmem>>) semaphore(%arg21 : memref<!tpu.dma_semaphore, #tpu.memory_space<semaphore_mem>>)
      %dma_wait3A_80 = arith.constant 1 : i32
      %dma_wait3A_81 = arith.constant 0 : i32
      %dma_wait3A_82 = arith.constant 0 : i32
      %dma_wait3A_83 = tpu.memref_slice %arg4[%arg1, %dma_wait3A_80, %dma_wait3A_81, %dma_wait3A_82] : memref<16x160x2x125xi32, #tpu.memory_space<hbm>> -> memref<1x1x2x125xi32, #tpu.memory_space<hbm>>
      %dma_wait3A_84 = tpu.memref_squeeze %dma_wait3A_83 : memref<1x1x2x125xi32, #tpu.memory_space<hbm>> -> memref<2x125xi32, #tpu.memory_space<hbm>>
      %dma_wait3A_85 = arith.constant 0 : i32
      %dma_wait3A_86 = arith.constant 0 : i32
      %dma_wait3A_87 = tpu.memref_slice %arg4[%arg1, %dma_wait3A_80, %dma_wait3A_85, %dma_wait3A_86] : memref<16x160x2x125xi32, #tpu.memory_space<hbm>> -> memref<1x1x2x125xi32, #tpu.memory_space<hbm>>
      %dma_wait3A_88 = tpu.memref_squeeze %dma_wait3A_87 : memref<1x1x2x125xi32, #tpu.memory_space<hbm>> -> memref<2x125xi32, #tpu.memory_space<hbm>>
      tpu.wait_dma2 semaphore(%arg17 : memref<!tpu.dma_semaphore, #tpu.memory_space<semaphore_mem>>) src(%dma_wait3A_88 : memref<2x125xi32, #tpu.memory_space<hbm>>) dst(%arg7 : memref<2x125xi32, #tpu.memory_space<vmem>>)
      %dma_start3A_89 = arith.constant 0 : i32
      %dma_start3A_90 = arith.constant 0 : i32
      %dma_start3A_91 = tpu.memref_slice %arg7[%dma_start3A_89, %dma_start3A_90] : memref<2x125xi32, #tpu.memory_space<vmem>> -> memref<1x125xi32, #tpu.memory_space<vmem>>
      %dma_start3A_92 = tpu.memref_squeeze %dma_start3A_91 : memref<1x125xi32, #tpu.memory_space<vmem>> -> memref<125xi32, #tpu.memory_space<vmem>>
      %dma_start3A_93 = arith.constant 0 : i32
      %dma_start3A_94 = arith.constant 0 : i32
      %dma_start3A_95 = tpu.memref_slice %arg3[%dma_start3A_93, %dma_start3A_94] : memref<10000x80xf32, #tpu.memory_space<hbm>> -> memref<10000x80xf32, #tpu.memory_space<hbm>>
      tpu.enqueue_indirect_dma source(%dma_start3A_95 : memref<10000x80xf32, #tpu.memory_space<hbm>>) target(%arg12 : memref<125x80xf32, #tpu.memory_space<vmem>>) offsets(%dma_start3A_92 : memref<125xi32, #tpu.memory_space<vmem>>) semaphore(%arg22 : memref<!tpu.dma_semaphore, #tpu.memory_space<semaphore_mem>>)
      %dma_wait3A_96 = arith.constant 2 : i32
      %dma_wait3A_97 = arith.constant 0 : i32
      %dma_wait3A_98 = arith.constant 0 : i32
      %dma_wait3A_99 = tpu.memref_slice %arg4[%arg1, %dma_wait3A_96, %dma_wait3A_97, %dma_wait3A_98] : memref<16x160x2x125xi32, #tpu.memory_space<hbm>> -> memref<1x1x2x125xi32, #tpu.memory_space<hbm>>
      %dma_wait3A_100 = tpu.memref_squeeze %dma_wait3A_99 : memref<1x1x2x125xi32, #tpu.memory_space<hbm>> -> memref<2x125xi32, #tpu.memory_space<hbm>>
      %dma_wait3A_101 = arith.constant 0 : i32
      %dma_wait3A_102 = arith.constant 0 : i32
      %dma_wait3A_103 = tpu.memref_slice %arg4[%arg1, %dma_wait3A_96, %dma_wait3A_101, %dma_wait3A_102] : memref<16x160x2x125xi32, #tpu.memory_space<hbm>> -> memref<1x1x2x125xi32, #tpu.memory_space<hbm>>
      %dma_wait3A_104 = tpu.memref_squeeze %dma_wait3A_103 : memref<1x1x2x125xi32, #tpu.memory_space<hbm>> -> memref<2x125xi32, #tpu.memory_space<hbm>>
      tpu.wait_dma2 semaphore(%arg18 : memref<!tpu.dma_semaphore, #tpu.memory_space<semaphore_mem>>) src(%dma_wait3A_104 : memref<2x125xi32, #tpu.memory_space<hbm>>) dst(%arg8 : memref<2x125xi32, #tpu.memory_space<vmem>>)
      %dma_start3A_105 = arith.constant 0 : i32
      %dma_start3A_106 = arith.constant 0 : i32
      %dma_start3A_107 = tpu.memref_slice %arg8[%dma_start3A_105, %dma_start3A_106] : memref<2x125xi32, #tpu.memory_space<vmem>> -> memref<1x125xi32, #tpu.memory_space<vmem>>
      %dma_start3A_108 = tpu.memref_squeeze %dma_start3A_107 : memref<1x125xi32, #tpu.memory_space<vmem>> -> memref<125xi32, #tpu.memory_space<vmem>>
      %dma_start3A_109 = arith.constant 0 : i32
      %dma_start3A_110 = arith.constant 0 : i32
      %dma_start3A_111 = tpu.memref_slice %arg3[%dma_start3A_109, %dma_start3A_110] : memref<10000x80xf32, #tpu.memory_space<hbm>> -> memref<10000x80xf32, #tpu.memory_space<hbm>>
      tpu.enqueue_indirect_dma source(%dma_start3A_111 : memref<10000x80xf32, #tpu.memory_space<hbm>>) target(%arg13 : memref<125x80xf32, #tpu.memory_space<vmem>>) offsets(%dma_start3A_108 : memref<125xi32, #tpu.memory_space<vmem>>) semaphore(%arg23 : memref<!tpu.dma_semaphore, #tpu.memory_space<semaphore_mem>>)
      %dma_wait3A_112 = arith.constant 3 : i32
      %dma_wait3A_113 = arith.constant 0 : i32
      %dma_wait3A_114 = arith.constant 0 : i32
      %dma_wait3A_115 = tpu.memref_slice %arg4[%arg1, %dma_wait3A_112, %dma_wait3A_113, %dma_wait3A_114] : memref<16x160x2x125xi32, #tpu.memory_space<hbm>> -> memref<1x1x2x125xi32, #tpu.memory_space<hbm>>
      %dma_wait3A_116 = tpu.memref_squeeze %dma_wait3A_115 : memref<1x1x2x125xi32, #tpu.memory_space<hbm>> -> memref<2x125xi32, #tpu.memory_space<hbm>>
      %dma_wait3A_117 = arith.constant 0 : i32
      %dma_wait3A_118 = arith.constant 0 : i32
      %dma_wait3A_119 = tpu.memref_slice %arg4[%arg1, %dma_wait3A_112, %dma_wait3A_117, %dma_wait3A_118] : memref<16x160x2x125xi32, #tpu.memory_space<hbm>> -> memref<1x1x2x125xi32, #tpu.memory_space<hbm>>
      %dma_wait3A_120 = tpu.memref_squeeze %dma_wait3A_119 : memref<1x1x2x125xi32, #tpu.memory_space<hbm>> -> memref<2x125xi32, #tpu.memory_space<hbm>>
      tpu.wait_dma2 semaphore(%arg19 : memref<!tpu.dma_semaphore, #tpu.memory_space<semaphore_mem>>) src(%dma_wait3A_120 : memref<2x125xi32, #tpu.memory_space<hbm>>) dst(%arg9 : memref<2x125xi32, #tpu.memory_space<vmem>>)
      %dma_start3A_121 = arith.constant 0 : i32
      %dma_start3A_122 = arith.constant 0 : i32
      %dma_start3A_123 = tpu.memref_slice %arg9[%dma_start3A_121, %dma_start3A_122] : memref<2x125xi32, #tpu.memory_space<vmem>> -> memref<1x125xi32, #tpu.memory_space<vmem>>
      %dma_start3A_124 = tpu.memref_squeeze %dma_start3A_123 : memref<1x125xi32, #tpu.memory_space<vmem>> -> memref<125xi32, #tpu.memory_space<vmem>>
      %dma_start3A_125 = arith.constant 0 : i32
      %dma_start3A_126 = arith.constant 0 : i32
      %dma_start3A_127 = tpu.memref_slice %arg3[%dma_start3A_125, %dma_start3A_126] : memref<10000x80xf32, #tpu.memory_space<hbm>> -> memref<10000x80xf32, #tpu.memory_space<hbm>>
      tpu.enqueue_indirect_dma source(%dma_start3A_127 : memref<10000x80xf32, #tpu.memory_space<hbm>>) target(%arg14 : memref<125x80xf32, #tpu.memory_space<vmem>>) offsets(%dma_start3A_124 : memref<125xi32, #tpu.memory_space<vmem>>) semaphore(%arg24 : memref<!tpu.dma_semaphore, #tpu.memory_space<semaphore_mem>>)
      %scan3A = arith.constant 0 : i32
      %scan3A_128 = arith.constant 0 : i32
      %scan3A_129 = arith.constant 32 : i32
      %scan3A_130 = arith.addi %scan3A_128, %scan3A_129 : i32
      %scan3A_131 = arith.constant 1 : i32
      scf.for %scan3A_133 = %scan3A_128 to %scan3A_130 step %scan3A_131  : i32 {
        %mul3A_134 = arith.constant 5 : i32
        %mul3A_135 = arith.muli %mul3A_134, %scan3A_133 : i32
        %add3A = arith.constant 0 : i32
        %add3A_136 = arith.addi %mul3A_135, %add3A : i32
        %dma_wait3A_137 = arith.constant 0 : i32
        %dma_wait3A_138 = arith.constant 0 : i32
        %dma_wait3A_139 = tpu.memref_slice %arg6[%dma_wait3A_137, %dma_wait3A_138] : memref<2x125xi32, #tpu.memory_space<vmem>> -> memref<1x125xi32, #tpu.memory_space<vmem>>
        %dma_wait3A_140 = tpu.memref_squeeze %dma_wait3A_139 : memref<1x125xi32, #tpu.memory_space<vmem>> -> memref<125xi32, #tpu.memory_space<vmem>>
        %dma_wait3A_141 = arith.constant 0 : i32
        %dma_wait3A_142 = arith.constant 0 : i32
        %dma_wait3A_143 = tpu.memref_slice %arg3[%dma_wait3A_141, %dma_wait3A_142] : memref<10000x80xf32, #tpu.memory_space<hbm>> -> memref<10000x80xf32, #tpu.memory_space<hbm>>
        tpu.wait_indirect_dma semaphore(%arg21 : memref<!tpu.dma_semaphore, #tpu.memory_space<semaphore_mem>>) src(%dma_wait3A_143 : memref<10000x80xf32, #tpu.memory_space<hbm>>) dst(%arg11 : memref<125x80xf32, #tpu.memory_space<vmem>>)
        %run_scoped3A = arith.constant 1 : i32
        "tpu.region"() ({
          %run_scoped3A_270 = tpu.sem_alloc : memref<!tpu.dma_semaphore, #tpu.memory_space<semaphore_mem>>
          %dma_start3A_271 = arith.constant 0 : i32
          %dma_start3A_272 = tpu.memref_slice %arg6[%run_scoped3A, %dma_start3A_271] : memref<2x125xi32, #tpu.memory_space<vmem>> -> memref<1x125xi32, #tpu.memory_space<vmem>>
          %dma_start3A_273 = tpu.memref_squeeze %dma_start3A_272 : memref<1x125xi32, #tpu.memory_space<vmem>> -> memref<125xi32, #tpu.memory_space<vmem>>
          %dma_start3A_274 = arith.constant 0 : i32
          %dma_start3A_275 = arith.constant 0 : i32
          %dma_start3A_276 = tpu.memref_slice %arg26[%dma_start3A_274, %dma_start3A_275] : memref<10000x80xf32, #tpu.memory_space<vmem_shared>> -> memref<10000x80xf32, #tpu.memory_space<vmem_shared>>
          tpu.enqueue_indirect_dma source(%arg11 : memref<125x80xf32, #tpu.memory_space<vmem>>) target(%dma_start3A_276 : memref<10000x80xf32, #tpu.memory_space<vmem_shared>>) offsets(%dma_start3A_273 : memref<125xi32, #tpu.memory_space<vmem>>) semaphore(%run_scoped3A_270 : memref<!tpu.dma_semaphore, #tpu.memory_space<semaphore_mem>>) {add = true}
          %dma_wait3A_277 = arith.constant 0 : i32
          %dma_wait3A_278 = tpu.memref_slice %arg6[%run_scoped3A, %dma_wait3A_277] : memref<2x125xi32, #tpu.memory_space<vmem>> -> memref<1x125xi32, #tpu.memory_space<vmem>>
          %dma_wait3A_279 = tpu.memref_squeeze %dma_wait3A_278 : memref<1x125xi32, #tpu.memory_space<vmem>> -> memref<125xi32, #tpu.memory_space<vmem>>
          %dma_wait3A_280 = arith.constant 0 : i32
          %dma_wait3A_281 = arith.constant 0 : i32
          %dma_wait3A_282 = tpu.memref_slice %arg26[%dma_wait3A_280, %dma_wait3A_281] : memref<10000x80xf32, #tpu.memory_space<vmem_shared>> -> memref<10000x80xf32, #tpu.memory_space<vmem_shared>>
          tpu.wait_indirect_dma semaphore(%run_scoped3A_270 : memref<!tpu.dma_semaphore, #tpu.memory_space<semaphore_mem>>) src(%arg11 : memref<125x80xf32, #tpu.memory_space<vmem>>) dst(%dma_wait3A_282 : memref<10000x80xf32, #tpu.memory_space<vmem_shared>>)
          tpu.yield
        }) : () -> ()
        %add3A_144 = arith.constant 5 : i32
        %add3A_145 = arith.addi %add3A_136, %add3A_144 : i32
        %lt3A = arith.constant 160 : i32
        %lt3A_146 = arith.cmpi slt, %add3A_145, %lt3A : i32
        %convert_element_type3A_147 = arith.extui %lt3A_146 : i1 to i32
        %cond3A_148 = arith.constant 0 : i32
        %cond3A_149 = arith.cmpi ne, %convert_element_type3A_147, %cond3A_148 : i32
        scf.if %cond3A_149 {
          %add3A_270 = arith.constant 5 : i32
          %add3A_271 = arith.addi %add3A_136, %add3A_270 : i32
          %dma_start3A_272 = arith.constant 0 : i32
          %dma_start3A_273 = arith.constant 0 : i32
          %dma_start3A_274 = tpu.memref_slice %arg4[%arg1, %add3A_271, %dma_start3A_272, %dma_start3A_273] : memref<16x160x2x125xi32, #tpu.memory_space<hbm>> -> memref<1x1x2x125xi32, #tpu.memory_space<hbm>>
          %dma_start3A_275 = tpu.memref_squeeze %dma_start3A_274 : memref<1x1x2x125xi32, #tpu.memory_space<hbm>> -> memref<2x125xi32, #tpu.memory_space<hbm>>
          %dma_start3A_276 = arith.constant 0 : i32
          %dma_start3A_277 = arith.constant 0 : i32
          %dma_start3A_278 = tpu.memref_slice %arg4[%arg1, %add3A_271, %dma_start3A_276, %dma_start3A_277] : memref<16x160x2x125xi32, #tpu.memory_space<hbm>> -> memref<1x1x2x125xi32, #tpu.memory_space<hbm>>
          %dma_start3A_279 = tpu.memref_squeeze %dma_start3A_278 : memref<1x1x2x125xi32, #tpu.memory_space<hbm>> -> memref<2x125xi32, #tpu.memory_space<hbm>>
          tpu.enqueue_dma source(%dma_start3A_279 : memref<2x125xi32, #tpu.memory_space<hbm>>) target(%arg6 : memref<2x125xi32, #tpu.memory_space<vmem>>) target_semaphore(%arg16 : memref<!tpu.dma_semaphore, #tpu.memory_space<semaphore_mem>>)
        } else {
        }
        %add3A_150 = arith.constant 5 : i32
        %add3A_151 = arith.addi %add3A_136, %add3A_150 : i32
        %sub3A = arith.constant 1 : i32
        %sub3A_152 = arith.subi %add3A_151, %sub3A : i32
        %lt3A_153 = arith.constant 160 : i32
        %lt3A_154 = arith.cmpi slt, %sub3A_152, %lt3A_153 : i32
        %convert_element_type3A_155 = arith.extui %lt3A_154 : i1 to i32
        %cond3A_156 = arith.constant 0 : i32
        %cond3A_157 = arith.cmpi ne, %convert_element_type3A_155, %cond3A_156 : i32
        scf.if %cond3A_157 {
          %add3A_270 = arith.constant 5 : i32
          %add3A_271 = arith.addi %add3A_136, %add3A_270 : i32
          %sub3A_272 = arith.constant 1 : i32
          %sub3A_273 = arith.subi %add3A_271, %sub3A_272 : i32
          %dma_wait3A_274 = arith.constant 0 : i32
          %dma_wait3A_275 = arith.constant 0 : i32
          %dma_wait3A_276 = tpu.memref_slice %arg4[%arg1, %sub3A_273, %dma_wait3A_274, %dma_wait3A_275] : memref<16x160x2x125xi32, #tpu.memory_space<hbm>> -> memref<1x1x2x125xi32, #tpu.memory_space<hbm>>
          %dma_wait3A_277 = tpu.memref_squeeze %dma_wait3A_276 : memref<1x1x2x125xi32, #tpu.memory_space<hbm>> -> memref<2x125xi32, #tpu.memory_space<hbm>>
          %dma_wait3A_278 = arith.constant 0 : i32
          %dma_wait3A_279 = arith.constant 0 : i32
          %dma_wait3A_280 = tpu.memref_slice %arg4[%arg1, %sub3A_273, %dma_wait3A_278, %dma_wait3A_279] : memref<16x160x2x125xi32, #tpu.memory_space<hbm>> -> memref<1x1x2x125xi32, #tpu.memory_space<hbm>>
          %dma_wait3A_281 = tpu.memref_squeeze %dma_wait3A_280 : memref<1x1x2x125xi32, #tpu.memory_space<hbm>> -> memref<2x125xi32, #tpu.memory_space<hbm>>
          tpu.wait_dma2 semaphore(%arg20 : memref<!tpu.dma_semaphore, #tpu.memory_space<semaphore_mem>>) src(%dma_wait3A_281 : memref<2x125xi32, #tpu.memory_space<hbm>>) dst(%arg10 : memref<2x125xi32, #tpu.memory_space<vmem>>)
          %dma_start3A_282 = arith.constant 0 : i32
          %dma_start3A_283 = arith.constant 0 : i32
          %dma_start3A_284 = tpu.memref_slice %arg10[%dma_start3A_282, %dma_start3A_283] : memref<2x125xi32, #tpu.memory_space<vmem>> -> memref<1x125xi32, #tpu.memory_space<vmem>>
          %dma_start3A_285 = tpu.memref_squeeze %dma_start3A_284 : memref<1x125xi32, #tpu.memory_space<vmem>> -> memref<125xi32, #tpu.memory_space<vmem>>
          %dma_start3A_286 = arith.constant 0 : i32
          %dma_start3A_287 = arith.constant 0 : i32
          %dma_start3A_288 = tpu.memref_slice %arg3[%dma_start3A_286, %dma_start3A_287] : memref<10000x80xf32, #tpu.memory_space<hbm>> -> memref<10000x80xf32, #tpu.memory_space<hbm>>
          tpu.enqueue_indirect_dma source(%dma_start3A_288 : memref<10000x80xf32, #tpu.memory_space<hbm>>) target(%arg15 : memref<125x80xf32, #tpu.memory_space<vmem>>) offsets(%dma_start3A_285 : memref<125xi32, #tpu.memory_space<vmem>>) semaphore(%arg25 : memref<!tpu.dma_semaphore, #tpu.memory_space<semaphore_mem>>)
        } else {
        }
        %mul3A_158 = arith.constant 5 : i32
        %mul3A_159 = arith.muli %mul3A_158, %scan3A_133 : i32
        %add3A_160 = arith.constant 1 : i32
        %add3A_161 = arith.addi %mul3A_159, %add3A_160 : i32
        %dma_wait3A_162 = arith.constant 0 : i32
        %dma_wait3A_163 = arith.constant 0 : i32
        %dma_wait3A_164 = tpu.memref_slice %arg7[%dma_wait3A_162, %dma_wait3A_163] : memref<2x125xi32, #tpu.memory_space<vmem>> -> memref<1x125xi32, #tpu.memory_space<vmem>>
        %dma_wait3A_165 = tpu.memref_squeeze %dma_wait3A_164 : memref<1x125xi32, #tpu.memory_space<vmem>> -> memref<125xi32, #tpu.memory_space<vmem>>
        %dma_wait3A_166 = arith.constant 0 : i32
        %dma_wait3A_167 = arith.constant 0 : i32
        %dma_wait3A_168 = tpu.memref_slice %arg3[%dma_wait3A_166, %dma_wait3A_167] : memref<10000x80xf32, #tpu.memory_space<hbm>> -> memref<10000x80xf32, #tpu.memory_space<hbm>>
        tpu.wait_indirect_dma semaphore(%arg22 : memref<!tpu.dma_semaphore, #tpu.memory_space<semaphore_mem>>) src(%dma_wait3A_168 : memref<10000x80xf32, #tpu.memory_space<hbm>>) dst(%arg12 : memref<125x80xf32, #tpu.memory_space<vmem>>)
        %run_scoped3A_169 = arith.constant 1 : i32
        "tpu.region"() ({
          %run_scoped3A_270 = tpu.sem_alloc : memref<!tpu.dma_semaphore, #tpu.memory_space<semaphore_mem>>
          %dma_start3A_271 = arith.constant 0 : i32
          %dma_start3A_272 = tpu.memref_slice %arg7[%run_scoped3A_169, %dma_start3A_271] : memref<2x125xi32, #tpu.memory_space<vmem>> -> memref<1x125xi32, #tpu.memory_space<vmem>>
          %dma_start3A_273 = tpu.memref_squeeze %dma_start3A_272 : memref<1x125xi32, #tpu.memory_space<vmem>> -> memref<125xi32, #tpu.memory_space<vmem>>
          %dma_start3A_274 = arith.constant 0 : i32
          %dma_start3A_275 = arith.constant 0 : i32
          %dma_start3A_276 = tpu.memref_slice %arg26[%dma_start3A_274, %dma_start3A_275] : memref<10000x80xf32, #tpu.memory_space<vmem_shared>> -> memref<10000x80xf32, #tpu.memory_space<vmem_shared>>
          tpu.enqueue_indirect_dma source(%arg12 : memref<125x80xf32, #tpu.memory_space<vmem>>) target(%dma_start3A_276 : memref<10000x80xf32, #tpu.memory_space<vmem_shared>>) offsets(%dma_start3A_273 : memref<125xi32, #tpu.memory_space<vmem>>) semaphore(%run_scoped3A_270 : memref<!tpu.dma_semaphore, #tpu.memory_space<semaphore_mem>>) {add = true}
          %dma_wait3A_277 = arith.constant 0 : i32
          %dma_wait3A_278 = tpu.memref_slice %arg7[%run_scoped3A_169, %dma_wait3A_277] : memref<2x125xi32, #tpu.memory_space<vmem>> -> memref<1x125xi32, #tpu.memory_space<vmem>>
          %dma_wait3A_279 = tpu.memref_squeeze %dma_wait3A_278 : memref<1x125xi32, #tpu.memory_space<vmem>> -> memref<125xi32, #tpu.memory_space<vmem>>
          %dma_wait3A_280 = arith.constant 0 : i32
          %dma_wait3A_281 = arith.constant 0 : i32
          %dma_wait3A_282 = tpu.memref_slice %arg26[%dma_wait3A_280, %dma_wait3A_281] : memref<10000x80xf32, #tpu.memory_space<vmem_shared>> -> memref<10000x80xf32, #tpu.memory_space<vmem_shared>>
          tpu.wait_indirect_dma semaphore(%run_scoped3A_270 : memref<!tpu.dma_semaphore, #tpu.memory_space<semaphore_mem>>) src(%arg12 : memref<125x80xf32, #tpu.memory_space<vmem>>) dst(%dma_wait3A_282 : memref<10000x80xf32, #tpu.memory_space<vmem_shared>>)
          tpu.yield
        }) : () -> ()
        %add3A_170 = arith.constant 5 : i32
        %add3A_171 = arith.addi %add3A_161, %add3A_170 : i32
        %lt3A_172 = arith.constant 160 : i32
        %lt3A_173 = arith.cmpi slt, %add3A_171, %lt3A_172 : i32
        %convert_element_type3A_174 = arith.extui %lt3A_173 : i1 to i32
        %cond3A_175 = arith.constant 0 : i32
        %cond3A_176 = arith.cmpi ne, %convert_element_type3A_174, %cond3A_175 : i32
        scf.if %cond3A_176 {
          %add3A_270 = arith.constant 5 : i32
          %add3A_271 = arith.addi %add3A_161, %add3A_270 : i32
          %dma_start3A_272 = arith.constant 0 : i32
          %dma_start3A_273 = arith.constant 0 : i32
          %dma_start3A_274 = tpu.memref_slice %arg4[%arg1, %add3A_271, %dma_start3A_272, %dma_start3A_273] : memref<16x160x2x125xi32, #tpu.memory_space<hbm>> -> memref<1x1x2x125xi32, #tpu.memory_space<hbm>>
          %dma_start3A_275 = tpu.memref_squeeze %dma_start3A_274 : memref<1x1x2x125xi32, #tpu.memory_space<hbm>> -> memref<2x125xi32, #tpu.memory_space<hbm>>
          %dma_start3A_276 = arith.constant 0 : i32
          %dma_start3A_277 = arith.constant 0 : i32
          %dma_start3A_278 = tpu.memref_slice %arg4[%arg1, %add3A_271, %dma_start3A_276, %dma_start3A_277] : memref<16x160x2x125xi32, #tpu.memory_space<hbm>> -> memref<1x1x2x125xi32, #tpu.memory_space<hbm>>
          %dma_start3A_279 = tpu.memref_squeeze %dma_start3A_278 : memref<1x1x2x125xi32, #tpu.memory_space<hbm>> -> memref<2x125xi32, #tpu.memory_space<hbm>>
          tpu.enqueue_dma source(%dma_start3A_279 : memref<2x125xi32, #tpu.memory_space<hbm>>) target(%arg7 : memref<2x125xi32, #tpu.memory_space<vmem>>) target_semaphore(%arg17 : memref<!tpu.dma_semaphore, #tpu.memory_space<semaphore_mem>>)
        } else {
        }
        %add3A_177 = arith.constant 5 : i32
        %add3A_178 = arith.addi %add3A_161, %add3A_177 : i32
        %sub3A_179 = arith.constant 1 : i32
        %sub3A_180 = arith.subi %add3A_178, %sub3A_179 : i32
        %lt3A_181 = arith.constant 160 : i32
        %lt3A_182 = arith.cmpi slt, %sub3A_180, %lt3A_181 : i32
        %convert_element_type3A_183 = arith.extui %lt3A_182 : i1 to i32
        %cond3A_184 = arith.constant 0 : i32
        %cond3A_185 = arith.cmpi ne, %convert_element_type3A_183, %cond3A_184 : i32
        scf.if %cond3A_185 {
          %add3A_270 = arith.constant 5 : i32
          %add3A_271 = arith.addi %add3A_161, %add3A_270 : i32
          %sub3A_272 = arith.constant 1 : i32
          %sub3A_273 = arith.subi %add3A_271, %sub3A_272 : i32
          %dma_wait3A_274 = arith.constant 0 : i32
          %dma_wait3A_275 = arith.constant 0 : i32
          %dma_wait3A_276 = tpu.memref_slice %arg4[%arg1, %sub3A_273, %dma_wait3A_274, %dma_wait3A_275] : memref<16x160x2x125xi32, #tpu.memory_space<hbm>> -> memref<1x1x2x125xi32, #tpu.memory_space<hbm>>
          %dma_wait3A_277 = tpu.memref_squeeze %dma_wait3A_276 : memref<1x1x2x125xi32, #tpu.memory_space<hbm>> -> memref<2x125xi32, #tpu.memory_space<hbm>>
          %dma_wait3A_278 = arith.constant 0 : i32
          %dma_wait3A_279 = arith.constant 0 : i32
          %dma_wait3A_280 = tpu.memref_slice %arg4[%arg1, %sub3A_273, %dma_wait3A_278, %dma_wait3A_279] : memref<16x160x2x125xi32, #tpu.memory_space<hbm>> -> memref<1x1x2x125xi32, #tpu.memory_space<hbm>>
          %dma_wait3A_281 = tpu.memref_squeeze %dma_wait3A_280 : memref<1x1x2x125xi32, #tpu.memory_space<hbm>> -> memref<2x125xi32, #tpu.memory_space<hbm>>
          tpu.wait_dma2 semaphore(%arg16 : memref<!tpu.dma_semaphore, #tpu.memory_space<semaphore_mem>>) src(%dma_wait3A_281 : memref<2x125xi32, #tpu.memory_space<hbm>>) dst(%arg6 : memref<2x125xi32, #tpu.memory_space<vmem>>)
          %dma_start3A_282 = arith.constant 0 : i32
          %dma_start3A_283 = arith.constant 0 : i32
          %dma_start3A_284 = tpu.memref_slice %arg6[%dma_start3A_282, %dma_start3A_283] : memref<2x125xi32, #tpu.memory_space<vmem>> -> memref<1x125xi32, #tpu.memory_space<vmem>>
          %dma_start3A_285 = tpu.memref_squeeze %dma_start3A_284 : memref<1x125xi32, #tpu.memory_space<vmem>> -> memref<125xi32, #tpu.memory_space<vmem>>
          %dma_start3A_286 = arith.constant 0 : i32
          %dma_start3A_287 = arith.constant 0 : i32
          %dma_start3A_288 = tpu.memref_slice %arg3[%dma_start3A_286, %dma_start3A_287] : memref<10000x80xf32, #tpu.memory_space<hbm>> -> memref<10000x80xf32, #tpu.memory_space<hbm>>
          tpu.enqueue_indirect_dma source(%dma_start3A_288 : memref<10000x80xf32, #tpu.memory_space<hbm>>) target(%arg11 : memref<125x80xf32, #tpu.memory_space<vmem>>) offsets(%dma_start3A_285 : memref<125xi32, #tpu.memory_space<vmem>>) semaphore(%arg21 : memref<!tpu.dma_semaphore, #tpu.memory_space<semaphore_mem>>)
        } else {
        }
        %mul3A_186 = arith.constant 5 : i32
        %mul3A_187 = arith.muli %mul3A_186, %scan3A_133 : i32
        %add3A_188 = arith.constant 2 : i32
        %add3A_189 = arith.addi %mul3A_187, %add3A_188 : i32
        %dma_wait3A_190 = arith.constant 0 : i32
        %dma_wait3A_191 = arith.constant 0 : i32
        %dma_wait3A_192 = tpu.memref_slice %arg8[%dma_wait3A_190, %dma_wait3A_191] : memref<2x125xi32, #tpu.memory_space<vmem>> -> memref<1x125xi32, #tpu.memory_space<vmem>>
        %dma_wait3A_193 = tpu.memref_squeeze %dma_wait3A_192 : memref<1x125xi32, #tpu.memory_space<vmem>> -> memref<125xi32, #tpu.memory_space<vmem>>
        %dma_wait3A_194 = arith.constant 0 : i32
        %dma_wait3A_195 = arith.constant 0 : i32
        %dma_wait3A_196 = tpu.memref_slice %arg3[%dma_wait3A_194, %dma_wait3A_195] : memref<10000x80xf32, #tpu.memory_space<hbm>> -> memref<10000x80xf32, #tpu.memory_space<hbm>>
        tpu.wait_indirect_dma semaphore(%arg23 : memref<!tpu.dma_semaphore, #tpu.memory_space<semaphore_mem>>) src(%dma_wait3A_196 : memref<10000x80xf32, #tpu.memory_space<hbm>>) dst(%arg13 : memref<125x80xf32, #tpu.memory_space<vmem>>)
        %run_scoped3A_197 = arith.constant 1 : i32
        "tpu.region"() ({
          %run_scoped3A_270 = tpu.sem_alloc : memref<!tpu.dma_semaphore, #tpu.memory_space<semaphore_mem>>
          %dma_start3A_271 = arith.constant 0 : i32
          %dma_start3A_272 = tpu.memref_slice %arg8[%run_scoped3A_197, %dma_start3A_271] : memref<2x125xi32, #tpu.memory_space<vmem>> -> memref<1x125xi32, #tpu.memory_space<vmem>>
          %dma_start3A_273 = tpu.memref_squeeze %dma_start3A_272 : memref<1x125xi32, #tpu.memory_space<vmem>> -> memref<125xi32, #tpu.memory_space<vmem>>
          %dma_start3A_274 = arith.constant 0 : i32
          %dma_start3A_275 = arith.constant 0 : i32
          %dma_start3A_276 = tpu.memref_slice %arg26[%dma_start3A_274, %dma_start3A_275] : memref<10000x80xf32, #tpu.memory_space<vmem_shared>> -> memref<10000x80xf32, #tpu.memory_space<vmem_shared>>
          tpu.enqueue_indirect_dma source(%arg13 : memref<125x80xf32, #tpu.memory_space<vmem>>) target(%dma_start3A_276 : memref<10000x80xf32, #tpu.memory_space<vmem_shared>>) offsets(%dma_start3A_273 : memref<125xi32, #tpu.memory_space<vmem>>) semaphore(%run_scoped3A_270 : memref<!tpu.dma_semaphore, #tpu.memory_space<semaphore_mem>>) {add = true}
          %dma_wait3A_277 = arith.constant 0 : i32
          %dma_wait3A_278 = tpu.memref_slice %arg8[%run_scoped3A_197, %dma_wait3A_277] : memref<2x125xi32, #tpu.memory_space<vmem>> -> memref<1x125xi32, #tpu.memory_space<vmem>>
          %dma_wait3A_279 = tpu.memref_squeeze %dma_wait3A_278 : memref<1x125xi32, #tpu.memory_space<vmem>> -> memref<125xi32, #tpu.memory_space<vmem>>
          %dma_wait3A_280 = arith.constant 0 : i32
          %dma_wait3A_281 = arith.constant 0 : i32
          %dma_wait3A_282 = tpu.memref_slice %arg26[%dma_wait3A_280, %dma_wait3A_281] : memref<10000x80xf32, #tpu.memory_space<vmem_shared>> -> memref<10000x80xf32, #tpu.memory_space<vmem_shared>>
          tpu.wait_indirect_dma semaphore(%run_scoped3A_270 : memref<!tpu.dma_semaphore, #tpu.memory_space<semaphore_mem>>) src(%arg13 : memref<125x80xf32, #tpu.memory_space<vmem>>) dst(%dma_wait3A_282 : memref<10000x80xf32, #tpu.memory_space<vmem_shared>>)
          tpu.yield
        }) : () -> ()
        %add3A_198 = arith.constant 5 : i32
        %add3A_199 = arith.addi %add3A_189, %add3A_198 : i32
        %lt3A_200 = arith.constant 160 : i32
        %lt3A_201 = arith.cmpi slt, %add3A_199, %lt3A_200 : i32
        %convert_element_type3A_202 = arith.extui %lt3A_201 : i1 to i32
        %cond3A_203 = arith.constant 0 : i32
        %cond3A_204 = arith.cmpi ne, %convert_element_type3A_202, %cond3A_203 : i32
        scf.if %cond3A_204 {
          %add3A_270 = arith.constant 5 : i32
          %add3A_271 = arith.addi %add3A_189, %add3A_270 : i32
          %dma_start3A_272 = arith.constant 0 : i32
          %dma_start3A_273 = arith.constant 0 : i32
          %dma_start3A_274 = tpu.memref_slice %arg4[%arg1, %add3A_271, %dma_start3A_272, %dma_start3A_273] : memref<16x160x2x125xi32, #tpu.memory_space<hbm>> -> memref<1x1x2x125xi32, #tpu.memory_space<hbm>>
          %dma_start3A_275 = tpu.memref_squeeze %dma_start3A_274 : memref<1x1x2x125xi32, #tpu.memory_space<hbm>> -> memref<2x125xi32, #tpu.memory_space<hbm>>
          %dma_start3A_276 = arith.constant 0 : i32
          %dma_start3A_277 = arith.constant 0 : i32
          %dma_start3A_278 = tpu.memref_slice %arg4[%arg1, %add3A_271, %dma_start3A_276, %dma_start3A_277] : memref<16x160x2x125xi32, #tpu.memory_space<hbm>> -> memref<1x1x2x125xi32, #tpu.memory_space<hbm>>
          %dma_start3A_279 = tpu.memref_squeeze %dma_start3A_278 : memref<1x1x2x125xi32, #tpu.memory_space<hbm>> -> memref<2x125xi32, #tpu.memory_space<hbm>>
          tpu.enqueue_dma source(%dma_start3A_279 : memref<2x125xi32, #tpu.memory_space<hbm>>) target(%arg8 : memref<2x125xi32, #tpu.memory_space<vmem>>) target_semaphore(%arg18 : memref<!tpu.dma_semaphore, #tpu.memory_space<semaphore_mem>>)
        } else {
        }
        %add3A_205 = arith.constant 5 : i32
        %add3A_206 = arith.addi %add3A_189, %add3A_205 : i32
        %sub3A_207 = arith.constant 1 : i32
        %sub3A_208 = arith.subi %add3A_206, %sub3A_207 : i32
        %lt3A_209 = arith.constant 160 : i32
        %lt3A_210 = arith.cmpi slt, %sub3A_208, %lt3A_209 : i32
        %convert_element_type3A_211 = arith.extui %lt3A_210 : i1 to i32
        %cond3A_212 = arith.constant 0 : i32
        %cond3A_213 = arith.cmpi ne, %convert_element_type3A_211, %cond3A_212 : i32
        scf.if %cond3A_213 {
          %add3A_270 = arith.constant 5 : i32
          %add3A_271 = arith.addi %add3A_189, %add3A_270 : i32
          %sub3A_272 = arith.constant 1 : i32
          %sub3A_273 = arith.subi %add3A_271, %sub3A_272 : i32
          %dma_wait3A_274 = arith.constant 0 : i32
          %dma_wait3A_275 = arith.constant 0 : i32
          %dma_wait3A_276 = tpu.memref_slice %arg4[%arg1, %sub3A_273, %dma_wait3A_274, %dma_wait3A_275] : memref<16x160x2x125xi32, #tpu.memory_space<hbm>> -> memref<1x1x2x125xi32, #tpu.memory_space<hbm>>
          %dma_wait3A_277 = tpu.memref_squeeze %dma_wait3A_276 : memref<1x1x2x125xi32, #tpu.memory_space<hbm>> -> memref<2x125xi32, #tpu.memory_space<hbm>>
          %dma_wait3A_278 = arith.constant 0 : i32
          %dma_wait3A_279 = arith.constant 0 : i32
          %dma_wait3A_280 = tpu.memref_slice %arg4[%arg1, %sub3A_273, %dma_wait3A_278, %dma_wait3A_279] : memref<16x160x2x125xi32, #tpu.memory_space<hbm>> -> memref<1x1x2x125xi32, #tpu.memory_space<hbm>>
          %dma_wait3A_281 = tpu.memref_squeeze %dma_wait3A_280 : memref<1x1x2x125xi32, #tpu.memory_space<hbm>> -> memref<2x125xi32, #tpu.memory_space<hbm>>
          tpu.wait_dma2 semaphore(%arg17 : memref<!tpu.dma_semaphore, #tpu.memory_space<semaphore_mem>>) src(%dma_wait3A_281 : memref<2x125xi32, #tpu.memory_space<hbm>>) dst(%arg7 : memref<2x125xi32, #tpu.memory_space<vmem>>)
          %dma_start3A_282 = arith.constant 0 : i32
          %dma_start3A_283 = arith.constant 0 : i32
          %dma_start3A_284 = tpu.memref_slice %arg7[%dma_start3A_282, %dma_start3A_283] : memref<2x125xi32, #tpu.memory_space<vmem>> -> memref<1x125xi32, #tpu.memory_space<vmem>>
          %dma_start3A_285 = tpu.memref_squeeze %dma_start3A_284 : memref<1x125xi32, #tpu.memory_space<vmem>> -> memref<125xi32, #tpu.memory_space<vmem>>
          %dma_start3A_286 = arith.constant 0 : i32
          %dma_start3A_287 = arith.constant 0 : i32
          %dma_start3A_288 = tpu.memref_slice %arg3[%dma_start3A_286, %dma_start3A_287] : memref<10000x80xf32, #tpu.memory_space<hbm>> -> memref<10000x80xf32, #tpu.memory_space<hbm>>
          tpu.enqueue_indirect_dma source(%dma_start3A_288 : memref<10000x80xf32, #tpu.memory_space<hbm>>) target(%arg12 : memref<125x80xf32, #tpu.memory_space<vmem>>) offsets(%dma_start3A_285 : memref<125xi32, #tpu.memory_space<vmem>>) semaphore(%arg22 : memref<!tpu.dma_semaphore, #tpu.memory_space<semaphore_mem>>)
        } else {
        }
        %mul3A_214 = arith.constant 5 : i32
        %mul3A_215 = arith.muli %mul3A_214, %scan3A_133 : i32
        %add3A_216 = arith.constant 3 : i32
        %add3A_217 = arith.addi %mul3A_215, %add3A_216 : i32
        %dma_wait3A_218 = arith.constant 0 : i32
        %dma_wait3A_219 = arith.constant 0 : i32
        %dma_wait3A_220 = tpu.memref_slice %arg9[%dma_wait3A_218, %dma_wait3A_219] : memref<2x125xi32, #tpu.memory_space<vmem>> -> memref<1x125xi32, #tpu.memory_space<vmem>>
        %dma_wait3A_221 = tpu.memref_squeeze %dma_wait3A_220 : memref<1x125xi32, #tpu.memory_space<vmem>> -> memref<125xi32, #tpu.memory_space<vmem>>
        %dma_wait3A_222 = arith.constant 0 : i32
        %dma_wait3A_223 = arith.constant 0 : i32
        %dma_wait3A_224 = tpu.memref_slice %arg3[%dma_wait3A_222, %dma_wait3A_223] : memref<10000x80xf32, #tpu.memory_space<hbm>> -> memref<10000x80xf32, #tpu.memory_space<hbm>>
        tpu.wait_indirect_dma semaphore(%arg24 : memref<!tpu.dma_semaphore, #tpu.memory_space<semaphore_mem>>) src(%dma_wait3A_224 : memref<10000x80xf32, #tpu.memory_space<hbm>>) dst(%arg14 : memref<125x80xf32, #tpu.memory_space<vmem>>)
        %run_scoped3A_225 = arith.constant 1 : i32
        "tpu.region"() ({
          %run_scoped3A_270 = tpu.sem_alloc : memref<!tpu.dma_semaphore, #tpu.memory_space<semaphore_mem>>
          %dma_start3A_271 = arith.constant 0 : i32
          %dma_start3A_272 = tpu.memref_slice %arg9[%run_scoped3A_225, %dma_start3A_271] : memref<2x125xi32, #tpu.memory_space<vmem>> -> memref<1x125xi32, #tpu.memory_space<vmem>>
          %dma_start3A_273 = tpu.memref_squeeze %dma_start3A_272 : memref<1x125xi32, #tpu.memory_space<vmem>> -> memref<125xi32, #tpu.memory_space<vmem>>
          %dma_start3A_274 = arith.constant 0 : i32
          %dma_start3A_275 = arith.constant 0 : i32
          %dma_start3A_276 = tpu.memref_slice %arg26[%dma_start3A_274, %dma_start3A_275] : memref<10000x80xf32, #tpu.memory_space<vmem_shared>> -> memref<10000x80xf32, #tpu.memory_space<vmem_shared>>
          tpu.enqueue_indirect_dma source(%arg14 : memref<125x80xf32, #tpu.memory_space<vmem>>) target(%dma_start3A_276 : memref<10000x80xf32, #tpu.memory_space<vmem_shared>>) offsets(%dma_start3A_273 : memref<125xi32, #tpu.memory_space<vmem>>) semaphore(%run_scoped3A_270 : memref<!tpu.dma_semaphore, #tpu.memory_space<semaphore_mem>>) {add = true}
          %dma_wait3A_277 = arith.constant 0 : i32
          %dma_wait3A_278 = tpu.memref_slice %arg9[%run_scoped3A_225, %dma_wait3A_277] : memref<2x125xi32, #tpu.memory_space<vmem>> -> memref<1x125xi32, #tpu.memory_space<vmem>>
          %dma_wait3A_279 = tpu.memref_squeeze %dma_wait3A_278 : memref<1x125xi32, #tpu.memory_space<vmem>> -> memref<125xi32, #tpu.memory_space<vmem>>
          %dma_wait3A_280 = arith.constant 0 : i32
          %dma_wait3A_281 = arith.constant 0 : i32
          %dma_wait3A_282 = tpu.memref_slice %arg26[%dma_wait3A_280, %dma_wait3A_281] : memref<10000x80xf32, #tpu.memory_space<vmem_shared>> -> memref<10000x80xf32, #tpu.memory_space<vmem_shared>>
          tpu.wait_indirect_dma semaphore(%run_scoped3A_270 : memref<!tpu.dma_semaphore, #tpu.memory_space<semaphore_mem>>) src(%arg14 : memref<125x80xf32, #tpu.memory_space<vmem>>) dst(%dma_wait3A_282 : memref<10000x80xf32, #tpu.memory_space<vmem_shared>>)
          tpu.yield
        }) : () -> ()
        %add3A_226 = arith.constant 5 : i32
        %add3A_227 = arith.addi %add3A_217, %add3A_226 : i32
        %lt3A_228 = arith.constant 160 : i32
        %lt3A_229 = arith.cmpi slt, %add3A_227, %lt3A_228 : i32
        %convert_element_type3A_230 = arith.extui %lt3A_229 : i1 to i32
        %cond3A_231 = arith.constant 0 : i32
        %cond3A_232 = arith.cmpi ne, %convert_element_type3A_230, %cond3A_231 : i32
        scf.if %cond3A_232 {
          %add3A_270 = arith.constant 5 : i32
          %add3A_271 = arith.addi %add3A_217, %add3A_270 : i32
          %dma_start3A_272 = arith.constant 0 : i32
          %dma_start3A_273 = arith.constant 0 : i32
          %dma_start3A_274 = tpu.memref_slice %arg4[%arg1, %add3A_271, %dma_start3A_272, %dma_start3A_273] : memref<16x160x2x125xi32, #tpu.memory_space<hbm>> -> memref<1x1x2x125xi32, #tpu.memory_space<hbm>>
          %dma_start3A_275 = tpu.memref_squeeze %dma_start3A_274 : memref<1x1x2x125xi32, #tpu.memory_space<hbm>> -> memref<2x125xi32, #tpu.memory_space<hbm>>
          %dma_start3A_276 = arith.constant 0 : i32
          %dma_start3A_277 = arith.constant 0 : i32
          %dma_start3A_278 = tpu.memref_slice %arg4[%arg1, %add3A_271, %dma_start3A_276, %dma_start3A_277] : memref<16x160x2x125xi32, #tpu.memory_space<hbm>> -> memref<1x1x2x125xi32, #tpu.memory_space<hbm>>
          %dma_start3A_279 = tpu.memref_squeeze %dma_start3A_278 : memref<1x1x2x125xi32, #tpu.memory_space<hbm>> -> memref<2x125xi32, #tpu.memory_space<hbm>>
          tpu.enqueue_dma source(%dma_start3A_279 : memref<2x125xi32, #tpu.memory_space<hbm>>) target(%arg9 : memref<2x125xi32, #tpu.memory_space<vmem>>) target_semaphore(%arg19 : memref<!tpu.dma_semaphore, #tpu.memory_space<semaphore_mem>>)
        } else {
        }
        %add3A_233 = arith.constant 5 : i32
        %add3A_234 = arith.addi %add3A_217, %add3A_233 : i32
        %sub3A_235 = arith.constant 1 : i32
        %sub3A_236 = arith.subi %add3A_234, %sub3A_235 : i32
        %lt3A_237 = arith.constant 160 : i32
        %lt3A_238 = arith.cmpi slt, %sub3A_236, %lt3A_237 : i32
        %convert_element_type3A_239 = arith.extui %lt3A_238 : i1 to i32
        %cond3A_240 = arith.constant 0 : i32
        %cond3A_241 = arith.cmpi ne, %convert_element_type3A_239, %cond3A_240 : i32
        scf.if %cond3A_241 {
          %add3A_270 = arith.constant 5 : i32
          %add3A_271 = arith.addi %add3A_217, %add3A_270 : i32
          %sub3A_272 = arith.constant 1 : i32
          %sub3A_273 = arith.subi %add3A_271, %sub3A_272 : i32
          %dma_wait3A_274 = arith.constant 0 : i32
          %dma_wait3A_275 = arith.constant 0 : i32
          %dma_wait3A_276 = tpu.memref_slice %arg4[%arg1, %sub3A_273, %dma_wait3A_274, %dma_wait3A_275] : memref<16x160x2x125xi32, #tpu.memory_space<hbm>> -> memref<1x1x2x125xi32, #tpu.memory_space<hbm>>
          %dma_wait3A_277 = tpu.memref_squeeze %dma_wait3A_276 : memref<1x1x2x125xi32, #tpu.memory_space<hbm>> -> memref<2x125xi32, #tpu.memory_space<hbm>>
          %dma_wait3A_278 = arith.constant 0 : i32
          %dma_wait3A_279 = arith.constant 0 : i32
          %dma_wait3A_280 = tpu.memref_slice %arg4[%arg1, %sub3A_273, %dma_wait3A_278, %dma_wait3A_279] : memref<16x160x2x125xi32, #tpu.memory_space<hbm>> -> memref<1x1x2x125xi32, #tpu.memory_space<hbm>>
          %dma_wait3A_281 = tpu.memref_squeeze %dma_wait3A_280 : memref<1x1x2x125xi32, #tpu.memory_space<hbm>> -> memref<2x125xi32, #tpu.memory_space<hbm>>
          tpu.wait_dma2 semaphore(%arg18 : memref<!tpu.dma_semaphore, #tpu.memory_space<semaphore_mem>>) src(%dma_wait3A_281 : memref<2x125xi32, #tpu.memory_space<hbm>>) dst(%arg8 : memref<2x125xi32, #tpu.memory_space<vmem>>)
          %dma_start3A_282 = arith.constant 0 : i32
          %dma_start3A_283 = arith.constant 0 : i32
          %dma_start3A_284 = tpu.memref_slice %arg8[%dma_start3A_282, %dma_start3A_283] : memref<2x125xi32, #tpu.memory_space<vmem>> -> memref<1x125xi32, #tpu.memory_space<vmem>>
          %dma_start3A_285 = tpu.memref_squeeze %dma_start3A_284 : memref<1x125xi32, #tpu.memory_space<vmem>> -> memref<125xi32, #tpu.memory_space<vmem>>
          %dma_start3A_286 = arith.constant 0 : i32
          %dma_start3A_287 = arith.constant 0 : i32
          %dma_start3A_288 = tpu.memref_slice %arg3[%dma_start3A_286, %dma_start3A_287] : memref<10000x80xf32, #tpu.memory_space<hbm>> -> memref<10000x80xf32, #tpu.memory_space<hbm>>
          tpu.enqueue_indirect_dma source(%dma_start3A_288 : memref<10000x80xf32, #tpu.memory_space<hbm>>) target(%arg13 : memref<125x80xf32, #tpu.memory_space<vmem>>) offsets(%dma_start3A_285 : memref<125xi32, #tpu.memory_space<vmem>>) semaphore(%arg23 : memref<!tpu.dma_semaphore, #tpu.memory_space<semaphore_mem>>)
        } else {
        }
        %mul3A_242 = arith.constant 5 : i32
        %mul3A_243 = arith.muli %mul3A_242, %scan3A_133 : i32
        %add3A_244 = arith.constant 4 : i32
        %add3A_245 = arith.addi %mul3A_243, %add3A_244 : i32
        %dma_wait3A_246 = arith.constant 0 : i32
        %dma_wait3A_247 = arith.constant 0 : i32
        %dma_wait3A_248 = tpu.memref_slice %arg10[%dma_wait3A_246, %dma_wait3A_247] : memref<2x125xi32, #tpu.memory_space<vmem>> -> memref<1x125xi32, #tpu.memory_space<vmem>>
        %dma_wait3A_249 = tpu.memref_squeeze %dma_wait3A_248 : memref<1x125xi32, #tpu.memory_space<vmem>> -> memref<125xi32, #tpu.memory_space<vmem>>
        %dma_wait3A_250 = arith.constant 0 : i32
        %dma_wait3A_251 = arith.constant 0 : i32
        %dma_wait3A_252 = tpu.memref_slice %arg3[%dma_wait3A_250, %dma_wait3A_251] : memref<10000x80xf32, #tpu.memory_space<hbm>> -> memref<10000x80xf32, #tpu.memory_space<hbm>>
        tpu.wait_indirect_dma semaphore(%arg25 : memref<!tpu.dma_semaphore, #tpu.memory_space<semaphore_mem>>) src(%dma_wait3A_252 : memref<10000x80xf32, #tpu.memory_space<hbm>>) dst(%arg15 : memref<125x80xf32, #tpu.memory_space<vmem>>)
        %run_scoped3A_253 = arith.constant 1 : i32
        "tpu.region"() ({
          %run_scoped3A_270 = tpu.sem_alloc : memref<!tpu.dma_semaphore, #tpu.memory_space<semaphore_mem>>
          %dma_start3A_271 = arith.constant 0 : i32
          %dma_start3A_272 = tpu.memref_slice %arg10[%run_scoped3A_253, %dma_start3A_271] : memref<2x125xi32, #tpu.memory_space<vmem>> -> memref<1x125xi32, #tpu.memory_space<vmem>>
          %dma_start3A_273 = tpu.memref_squeeze %dma_start3A_272 : memref<1x125xi32, #tpu.memory_space<vmem>> -> memref<125xi32, #tpu.memory_space<vmem>>
          %dma_start3A_274 = arith.constant 0 : i32
          %dma_start3A_275 = arith.constant 0 : i32
          %dma_start3A_276 = tpu.memref_slice %arg26[%dma_start3A_274, %dma_start3A_275] : memref<10000x80xf32, #tpu.memory_space<vmem_shared>> -> memref<10000x80xf32, #tpu.memory_space<vmem_shared>>
          tpu.enqueue_indirect_dma source(%arg15 : memref<125x80xf32, #tpu.memory_space<vmem>>) target(%dma_start3A_276 : memref<10000x80xf32, #tpu.memory_space<vmem_shared>>) offsets(%dma_start3A_273 : memref<125xi32, #tpu.memory_space<vmem>>) semaphore(%run_scoped3A_270 : memref<!tpu.dma_semaphore, #tpu.memory_space<semaphore_mem>>) {add = true}
          %dma_wait3A_277 = arith.constant 0 : i32
          %dma_wait3A_278 = tpu.memref_slice %arg10[%run_scoped3A_253, %dma_wait3A_277] : memref<2x125xi32, #tpu.memory_space<vmem>> -> memref<1x125xi32, #tpu.memory_space<vmem>>
          %dma_wait3A_279 = tpu.memref_squeeze %dma_wait3A_278 : memref<1x125xi32, #tpu.memory_space<vmem>> -> memref<125xi32, #tpu.memory_space<vmem>>
          %dma_wait3A_280 = arith.constant 0 : i32
          %dma_wait3A_281 = arith.constant 0 : i32
          %dma_wait3A_282 = tpu.memref_slice %arg26[%dma_wait3A_280, %dma_wait3A_281] : memref<10000x80xf32, #tpu.memory_space<vmem_shared>> -> memref<10000x80xf32, #tpu.memory_space<vmem_shared>>
          tpu.wait_indirect_dma semaphore(%run_scoped3A_270 : memref<!tpu.dma_semaphore, #tpu.memory_space<semaphore_mem>>) src(%arg15 : memref<125x80xf32, #tpu.memory_space<vmem>>) dst(%dma_wait3A_282 : memref<10000x80xf32, #tpu.memory_space<vmem_shared>>)
          tpu.yield
        }) : () -> ()
        %add3A_254 = arith.constant 5 : i32
        %add3A_255 = arith.addi %add3A_245, %add3A_254 : i32
        %lt3A_256 = arith.constant 160 : i32
        %lt3A_257 = arith.cmpi slt, %add3A_255, %lt3A_256 : i32
        %convert_element_type3A_258 = arith.extui %lt3A_257 : i1 to i32
        %cond3A_259 = arith.constant 0 : i32
        %cond3A_260 = arith.cmpi ne, %convert_element_type3A_258, %cond3A_259 : i32
        scf.if %cond3A_260 {
          %add3A_270 = arith.constant 5 : i32
          %add3A_271 = arith.addi %add3A_245, %add3A_270 : i32
          %dma_start3A_272 = arith.constant 0 : i32
          %dma_start3A_273 = arith.constant 0 : i32
          %dma_start3A_274 = tpu.memref_slice %arg4[%arg1, %add3A_271, %dma_start3A_272, %dma_start3A_273] : memref<16x160x2x125xi32, #tpu.memory_space<hbm>> -> memref<1x1x2x125xi32, #tpu.memory_space<hbm>>
          %dma_start3A_275 = tpu.memref_squeeze %dma_start3A_274 : memref<1x1x2x125xi32, #tpu.memory_space<hbm>> -> memref<2x125xi32, #tpu.memory_space<hbm>>
          %dma_start3A_276 = arith.constant 0 : i32
          %dma_start3A_277 = arith.constant 0 : i32
          %dma_start3A_278 = tpu.memref_slice %arg4[%arg1, %add3A_271, %dma_start3A_276, %dma_start3A_277] : memref<16x160x2x125xi32, #tpu.memory_space<hbm>> -> memref<1x1x2x125xi32, #tpu.memory_space<hbm>>
          %dma_start3A_279 = tpu.memref_squeeze %dma_start3A_278 : memref<1x1x2x125xi32, #tpu.memory_space<hbm>> -> memref<2x125xi32, #tpu.memory_space<hbm>>
          tpu.enqueue_dma source(%dma_start3A_279 : memref<2x125xi32, #tpu.memory_space<hbm>>) target(%arg10 : memref<2x125xi32, #tpu.memory_space<vmem>>) target_semaphore(%arg20 : memref<!tpu.dma_semaphore, #tpu.memory_space<semaphore_mem>>)
        } else {
        }
        %add3A_261 = arith.constant 5 : i32
        %add3A_262 = arith.addi %add3A_245, %add3A_261 : i32
        %sub3A_263 = arith.constant 1 : i32
        %sub3A_264 = arith.subi %add3A_262, %sub3A_263 : i32
        %lt3A_265 = arith.constant 160 : i32
        %lt3A_266 = arith.cmpi slt, %sub3A_264, %lt3A_265 : i32
        %convert_element_type3A_267 = arith.extui %lt3A_266 : i1 to i32
        %cond3A_268 = arith.constant 0 : i32
        %cond3A_269 = arith.cmpi ne, %convert_element_type3A_267, %cond3A_268 : i32
        scf.if %cond3A_269 {
          %add3A_270 = arith.constant 5 : i32
          %add3A_271 = arith.addi %add3A_245, %add3A_270 : i32
          %sub3A_272 = arith.constant 1 : i32
          %sub3A_273 = arith.subi %add3A_271, %sub3A_272 : i32
          %dma_wait3A_274 = arith.constant 0 : i32
          %dma_wait3A_275 = arith.constant 0 : i32
          %dma_wait3A_276 = tpu.memref_slice %arg4[%arg1, %sub3A_273, %dma_wait3A_274, %dma_wait3A_275] : memref<16x160x2x125xi32, #tpu.memory_space<hbm>> -> memref<1x1x2x125xi32, #tpu.memory_space<hbm>>
          %dma_wait3A_277 = tpu.memref_squeeze %dma_wait3A_276 : memref<1x1x2x125xi32, #tpu.memory_space<hbm>> -> memref<2x125xi32, #tpu.memory_space<hbm>>
          %dma_wait3A_278 = arith.constant 0 : i32
          %dma_wait3A_279 = arith.constant 0 : i32
          %dma_wait3A_280 = tpu.memref_slice %arg4[%arg1, %sub3A_273, %dma_wait3A_278, %dma_wait3A_279] : memref<16x160x2x125xi32, #tpu.memory_space<hbm>> -> memref<1x1x2x125xi32, #tpu.memory_space<hbm>>
          %dma_wait3A_281 = tpu.memref_squeeze %dma_wait3A_280 : memref<1x1x2x125xi32, #tpu.memory_space<hbm>> -> memref<2x125xi32, #tpu.memory_space<hbm>>
          tpu.wait_dma2 semaphore(%arg19 : memref<!tpu.dma_semaphore, #tpu.memory_space<semaphore_mem>>) src(%dma_wait3A_281 : memref<2x125xi32, #tpu.memory_space<hbm>>) dst(%arg9 : memref<2x125xi32, #tpu.memory_space<vmem>>)
          %dma_start3A_282 = arith.constant 0 : i32
          %dma_start3A_283 = arith.constant 0 : i32
          %dma_start3A_284 = tpu.memref_slice %arg9[%dma_start3A_282, %dma_start3A_283] : memref<2x125xi32, #tpu.memory_space<vmem>> -> memref<1x125xi32, #tpu.memory_space<vmem>>
          %dma_start3A_285 = tpu.memref_squeeze %dma_start3A_284 : memref<1x125xi32, #tpu.memory_space<vmem>> -> memref<125xi32, #tpu.memory_space<vmem>>
          %dma_start3A_286 = arith.constant 0 : i32
          %dma_start3A_287 = arith.constant 0 : i32
          %dma_start3A_288 = tpu.memref_slice %arg3[%dma_start3A_286, %dma_start3A_287] : memref<10000x80xf32, #tpu.memory_space<hbm>> -> memref<10000x80xf32, #tpu.memory_space<hbm>>
          tpu.enqueue_indirect_dma source(%dma_start3A_288 : memref<10000x80xf32, #tpu.memory_space<hbm>>) target(%arg14 : memref<125x80xf32, #tpu.memory_space<vmem>>) offsets(%dma_start3A_285 : memref<125xi32, #tpu.memory_space<vmem>>) semaphore(%arg24 : memref<!tpu.dma_semaphore, #tpu.memory_space<semaphore_mem>>)
        } else {
        }
      }
      %scan3A_132 = arith.constant 32 : i32
    } else {
    }
    %barrier3A = arith.constant 0 : index
    tpu.barrier barrier_id(%barrier3A)
    %mul3A = arith.constant 624 : i32
    %mul3A_6 = arith.muli %arg1, %mul3A : i32
    %multiple_of3A = tpu.assume_multiple %mul3A_6, 8 : i32
    "tpu.region"() ({
      %run_scoped3A = tpu.sem_alloc : memref<!tpu.dma_semaphore, #tpu.memory_space<semaphore_mem>>
      %dma_start3A = arith.constant 0 : i32
      %dma_start3A_12 = tpu.memref_slice %arg5[%arg0, %multiple_of3A, %dma_start3A] : memref<2x10000x80xf32, #tpu.memory_space<hbm>> -> memref<1x624x80xf32, #tpu.memory_space<hbm>>
      %dma_start3A_13 = tpu.memref_squeeze %dma_start3A_12 : memref<1x624x80xf32, #tpu.memory_space<hbm>> -> memref<624x80xf32, #tpu.memory_space<hbm>>
      %dma_start3A_14 = arith.constant 0 : i32
      %dma_start3A_15 = tpu.memref_slice %arg26[%multiple_of3A, %dma_start3A_14] : memref<10000x80xf32, #tpu.memory_space<vmem_shared>> -> memref<624x80xf32, #tpu.memory_space<vmem_shared>>
      tpu.enqueue_dma source(%dma_start3A_15 : memref<624x80xf32, #tpu.memory_space<vmem_shared>>) target(%dma_start3A_13 : memref<624x80xf32, #tpu.memory_space<hbm>>) target_semaphore(%run_scoped3A : memref<!tpu.dma_semaphore, #tpu.memory_space<semaphore_mem>>)
      %dma_wait3A = arith.constant 0 : i32
      %dma_wait3A_16 = tpu.memref_slice %arg5[%arg0, %multiple_of3A, %dma_wait3A] : memref<2x10000x80xf32, #tpu.memory_space<hbm>> -> memref<1x624x80xf32, #tpu.memory_space<hbm>>
      %dma_wait3A_17 = tpu.memref_squeeze %dma_wait3A_16 : memref<1x624x80xf32, #tpu.memory_space<hbm>> -> memref<624x80xf32, #tpu.memory_space<hbm>>
      %dma_wait3A_18 = arith.constant 0 : i32
      %dma_wait3A_19 = tpu.memref_slice %arg26[%multiple_of3A, %dma_wait3A_18] : memref<10000x80xf32, #tpu.memory_space<vmem_shared>> -> memref<624x80xf32, #tpu.memory_space<vmem_shared>>
      tpu.wait_dma2 semaphore(%run_scoped3A : memref<!tpu.dma_semaphore, #tpu.memory_space<semaphore_mem>>) src(%dma_wait3A_19 : memref<624x80xf32, #tpu.memory_space<vmem_shared>>) dst(%dma_wait3A_17 : memref<624x80xf32, #tpu.memory_space<hbm>>)
      tpu.yield
    }) : () -> ()
    %eq3A_7 = arith.constant 15 : i32
    %eq3A_8 = arith.cmpi eq, %arg1, %eq3A_7 : i32
    %convert_element_type3A_9 = arith.extui %eq3A_8 : i1 to i32
    %cond3A_10 = arith.constant 0 : i32
    %cond3A_11 = arith.cmpi ne, %convert_element_type3A_9, %cond3A_10 : i32
    scf.if %cond3A_11 {
      "tpu.region"() ({
        %run_scoped3A = tpu.sem_alloc : memref<!tpu.dma_semaphore, #tpu.memory_space<semaphore_mem>>
        %dma_start3A = arith.constant 9984 : i32
        %dma_start3A_12 = arith.constant 0 : i32
        %dma_start3A_13 = tpu.memref_slice %arg5[%arg0, %dma_start3A, %dma_start3A_12] : memref<2x10000x80xf32, #tpu.memory_space<hbm>> -> memref<1x16x80xf32, #tpu.memory_space<hbm>>
        %dma_start3A_14 = tpu.memref_squeeze %dma_start3A_13 : memref<1x16x80xf32, #tpu.memory_space<hbm>> -> memref<16x80xf32, #tpu.memory_space<hbm>>
        %dma_start3A_15 = arith.constant 9984 : i32
        %dma_start3A_16 = arith.constant 0 : i32
        %dma_start3A_17 = tpu.memref_slice %arg26[%dma_start3A_15, %dma_start3A_16] : memref<10000x80xf32, #tpu.memory_space<vmem_shared>> -> memref<16x80xf32, #tpu.memory_space<vmem_shared>>
        tpu.enqueue_dma source(%dma_start3A_17 : memref<16x80xf32, #tpu.memory_space<vmem_shared>>) target(%dma_start3A_14 : memref<16x80xf32, #tpu.memory_space<hbm>>) target_semaphore(%run_scoped3A : memref<!tpu.dma_semaphore, #tpu.memory_space<semaphore_mem>>)
        %dma_wait3A = arith.constant 9984 : i32
        %dma_wait3A_18 = arith.constant 0 : i32
        %dma_wait3A_19 = tpu.memref_slice %arg5[%arg0, %dma_wait3A, %dma_wait3A_18] : memref<2x10000x80xf32, #tpu.memory_space<hbm>> -> memref<1x16x80xf32, #tpu.memory_space<hbm>>
        %dma_wait3A_20 = tpu.memref_squeeze %dma_wait3A_19 : memref<1x16x80xf32, #tpu.memory_space<hbm>> -> memref<16x80xf32, #tpu.memory_space<hbm>>
        %dma_wait3A_21 = arith.constant 9984 : i32
        %dma_wait3A_22 = arith.constant 0 : i32
        %dma_wait3A_23 = tpu.memref_slice %arg26[%dma_wait3A_21, %dma_wait3A_22] : memref<10000x80xf32, #tpu.memory_space<vmem_shared>> -> memref<16x80xf32, #tpu.memory_space<vmem_shared>>
        tpu.wait_dma2 semaphore(%run_scoped3A : memref<!tpu.dma_semaphore, #tpu.memory_space<semaphore_mem>>) src(%dma_wait3A_23 : memref<16x80xf32, #tpu.memory_space<vmem_shared>>) dst(%dma_wait3A_20 : memref<16x80xf32, #tpu.memory_space<hbm>>)
        tpu.yield
      }) : () -> ()
    } else {
    }
    return
  }
}

module attributes {stable_mosaic.version = 14 : i64} {
  func.func @_tc_layer0_body(%arg0: memref<10000x128xf32, #tpu.memory_space<vmem>>, %arg1: memref<128x160xf32, #tpu.memory_space<vmem>>, %arg2: memref<2x10000x16xf32, #tpu.memory_space<vmem>>, %arg3: memref<10000x80xf32, #tpu.memory_space<vmem>>, %arg4: memref<10000x80xf32, #tpu.memory_space<vmem>>, %arg5: memref<10000x1xf32, #tpu.memory_space<vmem>>) attributes {dimension_semantics = [], scalar_prefetch = 0 : i64, scratch_operands = 0 : i64, tpu.core_type = #tpu.core_type<tc>} {
    %get3A = arith.constant 0 : index
    %get3A_0 = arith.constant 0 : index
    %get3A_1 = arith.constant 0 : index
    %get3A_2 = vector.load %arg2[%get3A, %get3A_0, %get3A_1] : memref<2x10000x16xf32, #tpu.memory_space<vmem>>, vector<1x10000x1xf32>
    %get3A_3 = vector.shape_cast %get3A_2 : vector<1x10000x1xf32> to vector<10000x1xf32>
    %get3A_4 = arith.constant 1 : index
    %get3A_5 = arith.constant 0 : index
    %get3A_6 = arith.constant 0 : index
    %get3A_7 = vector.load %arg2[%get3A_4, %get3A_5, %get3A_6] : memref<2x10000x16xf32, #tpu.memory_space<vmem>>, vector<1x10000x1xf32>
    %get3A_8 = vector.shape_cast %get3A_7 : vector<1x10000x1xf32> to vector<10000x1xf32>
    %add3A = arith.addf %get3A_3, %get3A_8 : vector<10000x1xf32>
    %add3A_9 = arith.constant 1.000000e+00 : f32
    %add3A_10 = vector.broadcast %add3A_9 : f32 to vector<10000x1xf32>
    %add3A_11 = arith.addf %add3A, %add3A_10 : vector<10000x1xf32>
    %rsqrt3A = math.rsqrt %add3A_11 : vector<10000x1xf32>
    %get3A_12 = arith.constant 0 : index
    %get3A_13 = arith.constant 0 : index
    %get3A_14 = vector.load %arg0[%get3A_12, %get3A_13] : memref<10000x128xf32, #tpu.memory_space<vmem>>, vector<10000x128xf32>
    %get3A_15 = arith.constant 0 : index
    %get3A_16 = arith.constant 0 : index
    %get3A_17 = vector.load %arg1[%get3A_15, %get3A_16] : memref<128x160xf32, #tpu.memory_space<vmem>>, vector<128x160xf32>
    %dot_general3A = arith.constant dense<0.000000e+00> : vector<10000x160xf32>
    %dot_general3A_18 = tpu.matmul %get3A_14, %get3A_17, %dot_general3A {dimension_numbers = #tpu.dot_dimension_numbers<[1], [0], [0], [1], [0, 0, 1, 1], [], []>, transpose_lhs_hint = false} : vector<10000x128xf32>, vector<128x160xf32>, vector<10000x160xf32> -> vector<10000x160xf32>
    %mul3A = vector.broadcast %rsqrt3A : vector<10000x1xf32> to vector<10000x160xf32>
    %mul3A_19 = arith.mulf %dot_general3A_18, %mul3A : vector<10000x160xf32>
    %slice3A = vector.extract_strided_slice %mul3A_19 {offsets = [0, 0], sizes = [10000, 80], strides = [1, 1]} : vector<10000x160xf32> to vector<10000x80xf32>
    %swap3A = arith.constant 0 : index
    %swap3A_20 = arith.constant 0 : index
    %swap3A_21 = vector.load %arg3[%swap3A, %swap3A_20] : memref<10000x80xf32, #tpu.memory_space<vmem>>, vector<10000x80xf32>
    tpu.vector_store %arg3[%swap3A, %swap3A_20], %slice3A {strides = array<i32>} : memref<10000x80xf32, #tpu.memory_space<vmem>>, vector<10000x80xf32>,
    %slice3A_22 = vector.extract_strided_slice %mul3A_19 {offsets = [0, 80], sizes = [10000, 80], strides = [1, 1]} : vector<10000x160xf32> to vector<10000x80xf32>
    %swap3A_23 = arith.constant 0 : index
    %swap3A_24 = arith.constant 0 : index
    %swap3A_25 = vector.load %arg4[%swap3A_23, %swap3A_24] : memref<10000x80xf32, #tpu.memory_space<vmem>>, vector<10000x80xf32>
    tpu.vector_store %arg4[%swap3A_23, %swap3A_24], %slice3A_22 {strides = array<i32>} : memref<10000x80xf32, #tpu.memory_space<vmem>>, vector<10000x80xf32>,
    %swap3A_26 = arith.constant 0 : index
    %swap3A_27 = arith.constant 0 : index
    %swap3A_28 = vector.load %arg5[%swap3A_26, %swap3A_27] : memref<10000x1xf32, #tpu.memory_space<vmem>>, vector<10000x1xf32>
    tpu.vector_store %arg5[%swap3A_26, %swap3A_27], %rsqrt3A {strides = array<i32>} : memref<10000x1xf32, #tpu.memory_space<vmem>>, vector<10000x1xf32>,
    return
  }
}

module attributes {stable_mosaic.version = 14 : i64} {
  func.func @_tc_mid_body(%arg0: memref<2x10000x80xf32, #tpu.memory_space<vmem>>, %arg1: memref<10000x1xf32, #tpu.memory_space<vmem>>, %arg2: memref<1x160xf32, #tpu.memory_space<vmem>>, %arg3: memref<1x160xf32, #tpu.memory_space<vmem>>, %arg4: memref<1x160xf32, #tpu.memory_space<vmem>>, %arg5: memref<160x160xf32, #tpu.memory_space<vmem>>, %arg6: memref<10000x80xf32, #tpu.memory_space<vmem>>, %arg7: memref<10000x80xf32, #tpu.memory_space<vmem>>) attributes {dimension_semantics = [], scalar_prefetch = 0 : i64, scratch_operands = 0 : i64, tpu.core_type = #tpu.core_type<tc>} {
    %get3A = arith.constant 0 : index
    %get3A_0 = arith.constant 0 : index
    %get3A_1 = arith.constant 0 : index
    %get3A_2 = vector.load %arg0[%get3A, %get3A_0, %get3A_1] : memref<2x10000x80xf32, #tpu.memory_space<vmem>>, vector<1x10000x80xf32>
    %get3A_3 = vector.shape_cast %get3A_2 : vector<1x10000x80xf32> to vector<10000x80xf32>
    %get3A_4 = arith.constant 1 : index
    %get3A_5 = arith.constant 0 : index
    %get3A_6 = arith.constant 0 : index
    %get3A_7 = vector.load %arg0[%get3A_4, %get3A_5, %get3A_6] : memref<2x10000x80xf32, #tpu.memory_space<vmem>>, vector<1x10000x80xf32>
    %get3A_8 = vector.shape_cast %get3A_7 : vector<1x10000x80xf32> to vector<10000x80xf32>
    %concatenate3A = tpu.concatenate %get3A_3, %get3A_8 in 1 : vector<10000x80xf32>, vector<10000x80xf32> -> vector<10000x160xf32>
    %get3A_9 = arith.constant 0 : index
    %get3A_10 = arith.constant 0 : index
    %get3A_11 = vector.load %arg1[%get3A_9, %get3A_10] : memref<10000x1xf32, #tpu.memory_space<vmem>>, vector<10000x1xf32>
    %mul3A = vector.broadcast %get3A_11 : vector<10000x1xf32> to vector<10000x160xf32>
    %mul3A_12 = arith.mulf %concatenate3A, %mul3A : vector<10000x160xf32>
    %get3A_13 = arith.constant 0 : index
    %get3A_14 = arith.constant 0 : index
    %get3A_15 = vector.load %arg2[%get3A_13, %get3A_14] : memref<1x160xf32, #tpu.memory_space<vmem>>, vector<1x160xf32>
    %add3A = vector.broadcast %get3A_15 : vector<1x160xf32> to vector<10000x160xf32>
    %add3A_16 = arith.addf %mul3A_12, %add3A : vector<10000x160xf32>
    %reduce_sum3A = arith.constant dense<0.000000e+00> : vector<160xf32>
    %reduce_sum3A_17 = vector.multi_reduction <add>, %add3A_16, %reduce_sum3A [0] : vector<10000x160xf32> to vector<160xf32>
    %broadcast_in_dim3A = vector.shape_cast %reduce_sum3A_17 : vector<160xf32> to vector<1x160xf32>
    %div3A = arith.constant 1.000000e+04 : f32
    %div3A_18 = vector.broadcast %div3A : f32 to vector<1x160xf32>
    %div3A_19 = arith.divf %broadcast_in_dim3A, %div3A_18 : vector<1x160xf32>
    %mul3A_20 = arith.mulf %add3A_16, %add3A_16 : vector<10000x160xf32>
    %reduce_sum3A_21 = arith.constant dense<0.000000e+00> : vector<160xf32>
    %reduce_sum3A_22 = vector.multi_reduction <add>, %mul3A_20, %reduce_sum3A_21 [0] : vector<10000x160xf32> to vector<160xf32>
    %broadcast_in_dim3A_23 = vector.shape_cast %reduce_sum3A_22 : vector<160xf32> to vector<1x160xf32>
    %div3A_24 = arith.constant 1.000000e+04 : f32
    %div3A_25 = vector.broadcast %div3A_24 : f32 to vector<1x160xf32>
    %div3A_26 = arith.divf %broadcast_in_dim3A_23, %div3A_25 : vector<1x160xf32>
    %mul3A_27 = arith.mulf %div3A_19, %div3A_19 : vector<1x160xf32>
    %sub3A = arith.subf %div3A_26, %mul3A_27 : vector<1x160xf32>
    %get3A_28 = arith.constant 0 : index
    %get3A_29 = arith.constant 0 : index
    %get3A_30 = vector.load %arg3[%get3A_28, %get3A_29] : memref<1x160xf32, #tpu.memory_space<vmem>>, vector<1x160xf32>
    %add3A_31 = arith.constant 9.99999974E-6 : f32
    %add3A_32 = vector.broadcast %add3A_31 : f32 to vector<1x160xf32>
    %add3A_33 = arith.addf %sub3A, %add3A_32 : vector<1x160xf32>
    %rsqrt3A = math.rsqrt %add3A_33 : vector<1x160xf32>
    %mul3A_34 = arith.mulf %get3A_30, %rsqrt3A : vector<1x160xf32>
    %get3A_35 = arith.constant 0 : index
    %get3A_36 = arith.constant 0 : index
    %get3A_37 = vector.load %arg4[%get3A_35, %get3A_36] : memref<1x160xf32, #tpu.memory_space<vmem>>, vector<1x160xf32>
    %mul3A_38 = arith.mulf %div3A_19, %mul3A_34 : vector<1x160xf32>
    %sub3A_39 = arith.subf %get3A_37, %mul3A_38 : vector<1x160xf32>
    %mul3A_40 = vector.broadcast %mul3A_34 : vector<1x160xf32> to vector<10000x160xf32>
    %mul3A_41 = arith.mulf %add3A_16, %mul3A_40 : vector<10000x160xf32>
    %add3A_42 = vector.broadcast %sub3A_39 : vector<1x160xf32> to vector<10000x160xf32>
    %add3A_43 = arith.addf %mul3A_41, %add3A_42 : vector<10000x160xf32>
    %max3A = arith.constant 0.000000e+00 : f32
    %max3A_44 = vector.broadcast %max3A : f32 to vector<10000x160xf32>
    %max3A_45 = arith.maximumf %add3A_43, %max3A_44 : vector<10000x160xf32>
    %get3A_46 = arith.constant 0 : index
    %get3A_47 = arith.constant 0 : index
    %get3A_48 = vector.load %arg5[%get3A_46, %get3A_47] : memref<160x160xf32, #tpu.memory_space<vmem>>, vector<160x160xf32>
    %dot_general3A = arith.constant dense<0.000000e+00> : vector<10000x160xf32>
    %dot_general3A_49 = tpu.matmul %max3A_45, %get3A_48, %dot_general3A {dimension_numbers = #tpu.dot_dimension_numbers<[1], [0], [0], [1], [0, 0, 1, 1], [], []>, transpose_lhs_hint = false} : vector<10000x160xf32>, vector<160x160xf32>, vector<10000x160xf32> -> vector<10000x160xf32>
    %get3A_50 = arith.constant 0 : index
    %get3A_51 = arith.constant 0 : index
    %get3A_52 = vector.load %arg1[%get3A_50, %get3A_51] : memref<10000x1xf32, #tpu.memory_space<vmem>>, vector<10000x1xf32>
    %mul3A_53 = vector.broadcast %get3A_52 : vector<10000x1xf32> to vector<10000x160xf32>
    %mul3A_54 = arith.mulf %dot_general3A_49, %mul3A_53 : vector<10000x160xf32>
    %slice3A = vector.extract_strided_slice %mul3A_54 {offsets = [0, 0], sizes = [10000, 80], strides = [1, 1]} : vector<10000x160xf32> to vector<10000x80xf32>
    %swap3A = arith.constant 0 : index
    %swap3A_55 = arith.constant 0 : index
    %swap3A_56 = vector.load %arg6[%swap3A, %swap3A_55] : memref<10000x80xf32, #tpu.memory_space<vmem>>, vector<10000x80xf32>
    tpu.vector_store %arg6[%swap3A, %swap3A_55], %slice3A {strides = array<i32>} : memref<10000x80xf32, #tpu.memory_space<vmem>>, vector<10000x80xf32>,
    %slice3A_57 = vector.extract_strided_slice %mul3A_54 {offsets = [0, 80], sizes = [10000, 80], strides = [1, 1]} : vector<10000x160xf32> to vector<10000x80xf32>
    %swap3A_58 = arith.constant 0 : index
    %swap3A_59 = arith.constant 0 : index
    %swap3A_60 = vector.load %arg7[%swap3A_58, %swap3A_59] : memref<10000x80xf32, #tpu.memory_space<vmem>>, vector<10000x80xf32>
    tpu.vector_store %arg7[%swap3A_58, %swap3A_59], %slice3A_57 {strides = array<i32>} : memref<10000x80xf32, #tpu.memory_space<vmem>>, vector<10000x80xf32>,
    return
  }
}

module attributes {stable_mosaic.version = 14 : i64} {
  func.func @_tc_final_body(%arg0: memref<2x10000x80xf32, #tpu.memory_space<vmem>>, %arg1: memref<10000x1xf32, #tpu.memory_space<vmem>>, %arg2: memref<1x160xf32, #tpu.memory_space<vmem>>, %arg3: memref<1x160xf32, #tpu.memory_space<vmem>>, %arg4: memref<1x160xf32, #tpu.memory_space<vmem>>, %arg5: memref<10000x1xi32, #tpu.memory_space<vmem>>, %arg6: memref<160x80xf32, #tpu.memory_space<vmem>>, %arg7: memref<1x80xf32, #tpu.memory_space<vmem>>, %arg8: memref<80x2xf32, #tpu.memory_space<vmem>>, %arg9: memref<1x2xf32, #tpu.memory_space<vmem>>, %arg10: memref<64x2xf32, #tpu.memory_space<vmem>>) attributes {dimension_semantics = [], scalar_prefetch = 0 : i64, scratch_operands = 0 : i64, tpu.core_type = #tpu.core_type<tc>} {
    %get3A = arith.constant 0 : index
    %get3A_0 = arith.constant 0 : index
    %get3A_1 = arith.constant 0 : index
    %get3A_2 = vector.load %arg0[%get3A, %get3A_0, %get3A_1] : memref<2x10000x80xf32, #tpu.memory_space<vmem>>, vector<1x10000x80xf32>
    %get3A_3 = vector.shape_cast %get3A_2 : vector<1x10000x80xf32> to vector<10000x80xf32>
    %get3A_4 = arith.constant 1 : index
    %get3A_5 = arith.constant 0 : index
    %get3A_6 = arith.constant 0 : index
    %get3A_7 = vector.load %arg0[%get3A_4, %get3A_5, %get3A_6] : memref<2x10000x80xf32, #tpu.memory_space<vmem>>, vector<1x10000x80xf32>
    %get3A_8 = vector.shape_cast %get3A_7 : vector<1x10000x80xf32> to vector<10000x80xf32>
    %concatenate3A = tpu.concatenate %get3A_3, %get3A_8 in 1 : vector<10000x80xf32>, vector<10000x80xf32> -> vector<10000x160xf32>
    %get3A_9 = arith.constant 0 : index
    %get3A_10 = arith.constant 0 : index
    %get3A_11 = vector.load %arg1[%get3A_9, %get3A_10] : memref<10000x1xf32, #tpu.memory_space<vmem>>, vector<10000x1xf32>
    %mul3A = vector.broadcast %get3A_11 : vector<10000x1xf32> to vector<10000x160xf32>
    %mul3A_12 = arith.mulf %concatenate3A, %mul3A : vector<10000x160xf32>
    %get3A_13 = arith.constant 0 : index
    %get3A_14 = arith.constant 0 : index
    %get3A_15 = vector.load %arg2[%get3A_13, %get3A_14] : memref<1x160xf32, #tpu.memory_space<vmem>>, vector<1x160xf32>
    %add3A = vector.broadcast %get3A_15 : vector<1x160xf32> to vector<10000x160xf32>
    %add3A_16 = arith.addf %mul3A_12, %add3A : vector<10000x160xf32>
    %reduce_sum3A = arith.constant dense<0.000000e+00> : vector<160xf32>
    %reduce_sum3A_17 = vector.multi_reduction <add>, %add3A_16, %reduce_sum3A [0] : vector<10000x160xf32> to vector<160xf32>
    %broadcast_in_dim3A = vector.shape_cast %reduce_sum3A_17 : vector<160xf32> to vector<1x160xf32>
    %div3A = arith.constant 1.000000e+04 : f32
    %div3A_18 = vector.broadcast %div3A : f32 to vector<1x160xf32>
    %div3A_19 = arith.divf %broadcast_in_dim3A, %div3A_18 : vector<1x160xf32>
    %mul3A_20 = arith.mulf %add3A_16, %add3A_16 : vector<10000x160xf32>
    %reduce_sum3A_21 = arith.constant dense<0.000000e+00> : vector<160xf32>
    %reduce_sum3A_22 = vector.multi_reduction <add>, %mul3A_20, %reduce_sum3A_21 [0] : vector<10000x160xf32> to vector<160xf32>
    %broadcast_in_dim3A_23 = vector.shape_cast %reduce_sum3A_22 : vector<160xf32> to vector<1x160xf32>
    %div3A_24 = arith.constant 1.000000e+04 : f32
    %div3A_25 = vector.broadcast %div3A_24 : f32 to vector<1x160xf32>
    %div3A_26 = arith.divf %broadcast_in_dim3A_23, %div3A_25 : vector<1x160xf32>
    %mul3A_27 = arith.mulf %div3A_19, %div3A_19 : vector<1x160xf32>
    %sub3A = arith.subf %div3A_26, %mul3A_27 : vector<1x160xf32>
    %get3A_28 = arith.constant 0 : index
    %get3A_29 = arith.constant 0 : index
    %get3A_30 = vector.load %arg3[%get3A_28, %get3A_29] : memref<1x160xf32, #tpu.memory_space<vmem>>, vector<1x160xf32>
    %add3A_31 = arith.constant 9.99999974E-6 : f32
    %add3A_32 = vector.broadcast %add3A_31 : f32 to vector<1x160xf32>
    %add3A_33 = arith.addf %sub3A, %add3A_32 : vector<1x160xf32>
    %rsqrt3A = math.rsqrt %add3A_33 : vector<1x160xf32>
    %mul3A_34 = arith.mulf %get3A_30, %rsqrt3A : vector<1x160xf32>
    %get3A_35 = arith.constant 0 : index
    %get3A_36 = arith.constant 0 : index
    %get3A_37 = vector.load %arg4[%get3A_35, %get3A_36] : memref<1x160xf32, #tpu.memory_space<vmem>>, vector<1x160xf32>
    %mul3A_38 = arith.mulf %div3A_19, %mul3A_34 : vector<1x160xf32>
    %sub3A_39 = arith.subf %get3A_37, %mul3A_38 : vector<1x160xf32>
    %mul3A_40 = vector.broadcast %mul3A_34 : vector<1x160xf32> to vector<10000x160xf32>
    %mul3A_41 = arith.mulf %add3A_16, %mul3A_40 : vector<10000x160xf32>
    %add3A_42 = vector.broadcast %sub3A_39 : vector<1x160xf32> to vector<10000x160xf32>
    %add3A_43 = arith.addf %mul3A_41, %add3A_42 : vector<10000x160xf32>
    %max3A = arith.constant 0.000000e+00 : f32
    %max3A_44 = vector.broadcast %max3A : f32 to vector<10000x160xf32>
    %max3A_45 = arith.maximumf %add3A_43, %max3A_44 : vector<10000x160xf32>
    %iota3A = tpu.iota {dimensions = array<i32: 1>} : vector<10000x64xi32>
    %get3A_46 = arith.constant 0 : index
    %get3A_47 = arith.constant 0 : index
    %get3A_48 = vector.load %arg5[%get3A_46, %get3A_47] : memref<10000x1xi32, #tpu.memory_space<vmem>>, vector<10000x1xi32>
    %eq3A = vector.broadcast %get3A_48 : vector<10000x1xi32> to vector<10000x64xi32>
    %eq3A_49 = arith.cmpi eq, %eq3A, %iota3A : vector<10000x64xi32>
    %convert_element_type3A = arith.extui %eq3A_49 : vector<10000x64xi1> to vector<10000x64xi32>
    %convert_element_type3A_50 = arith.sitofp %convert_element_type3A : vector<10000x64xi32> to vector<10000x64xf32>
    %dot_general3A = arith.constant dense<0.000000e+00> : vector<64x160xf32>
    %dot_general3A_51 = tpu.matmul %convert_element_type3A_50, %max3A_45, %dot_general3A {dimension_numbers = #tpu.dot_dimension_numbers<[0], [0], [1], [1], [0, 1, 1, 1], [], []>, transpose_lhs_hint = false} : vector<10000x64xf32>, vector<10000x160xf32>, vector<64x160xf32> -> vector<64x160xf32>
    %broadcast_in_dim3A_52 = arith.constant 1.000000e+00 : f32
    %broadcast_in_dim3A_53 = vector.broadcast %broadcast_in_dim3A_52 : f32 to vector<10000x1xf32>
    %dot_general3A_54 = arith.constant dense<0.000000e+00> : vector<64x1xf32>
    %dot_general3A_55 = tpu.matmul %convert_element_type3A_50, %broadcast_in_dim3A_53, %dot_general3A_54 {dimension_numbers = #tpu.dot_dimension_numbers<[0], [0], [1], [1], [0, 1, 1, 1], [], []>, transpose_lhs_hint = false} : vector<10000x64xf32>, vector<10000x1xf32>, vector<64x1xf32> -> vector<64x1xf32>
    %max3A_56 = arith.constant 1.000000e+00 : f32
    %max3A_57 = vector.broadcast %max3A_56 : f32 to vector<64x1xf32>
    %max3A_58 = arith.maximumf %dot_general3A_55, %max3A_57 : vector<64x1xf32>
    %div3A_59 = vector.broadcast %max3A_58 : vector<64x1xf32> to vector<64x160xf32>
    %div3A_60 = arith.divf %dot_general3A_51, %div3A_59 : vector<64x160xf32>
    %get3A_61 = arith.constant 0 : index
    %get3A_62 = arith.constant 0 : index
    %get3A_63 = vector.load %arg6[%get3A_61, %get3A_62] : memref<160x80xf32, #tpu.memory_space<vmem>>, vector<160x80xf32>
    %dot_general3A_64 = arith.constant dense<0.000000e+00> : vector<64x80xf32>
    %dot_general3A_65 = tpu.matmul %div3A_60, %get3A_63, %dot_general3A_64 {dimension_numbers = #tpu.dot_dimension_numbers<[1], [0], [0], [1], [0, 0, 1, 1], [], []>, transpose_lhs_hint = false} : vector<64x160xf32>, vector<160x80xf32>, vector<64x80xf32> -> vector<64x80xf32>
    %get3A_66 = arith.constant 0 : index
    %get3A_67 = arith.constant 0 : index
    %get3A_68 = vector.load %arg7[%get3A_66, %get3A_67] : memref<1x80xf32, #tpu.memory_space<vmem>>, vector<1x80xf32>
    %add3A_69 = vector.broadcast %get3A_68 : vector<1x80xf32> to vector<64x80xf32>
    %add3A_70 = arith.addf %dot_general3A_65, %add3A_69 : vector<64x80xf32>
    %max3A_71 = arith.constant 0.000000e+00 : f32
    %max3A_72 = vector.broadcast %max3A_71 : f32 to vector<64x80xf32>
    %max3A_73 = arith.maximumf %add3A_70, %max3A_72 : vector<64x80xf32>
    %get3A_74 = arith.constant 0 : index
    %get3A_75 = arith.constant 0 : index
    %get3A_76 = vector.load %arg8[%get3A_74, %get3A_75] : memref<80x2xf32, #tpu.memory_space<vmem>>, vector<80x2xf32>
    %dot_general3A_77 = arith.constant dense<0.000000e+00> : vector<64x2xf32>
    %dot_general3A_78 = tpu.matmul %max3A_73, %get3A_76, %dot_general3A_77 {dimension_numbers = #tpu.dot_dimension_numbers<[1], [0], [0], [1], [0, 0, 1, 1], [], []>, transpose_lhs_hint = false} : vector<64x80xf32>, vector<80x2xf32>, vector<64x2xf32> -> vector<64x2xf32>
    %get3A_79 = arith.constant 0 : index
    %get3A_80 = arith.constant 0 : index
    %get3A_81 = vector.load %arg9[%get3A_79, %get3A_80] : memref<1x2xf32, #tpu.memory_space<vmem>>, vector<1x2xf32>
    %add3A_82 = vector.broadcast %get3A_81 : vector<1x2xf32> to vector<64x2xf32>
    %add3A_83 = arith.addf %dot_general3A_78, %add3A_82 : vector<64x2xf32>
    %swap3A = arith.constant 0 : index
    %swap3A_84 = arith.constant 0 : index
    %swap3A_85 = vector.load %arg10[%swap3A, %swap3A_84] : memref<64x2xf32, #tpu.memory_space<vmem>>, vector<64x2xf32>
    tpu.vector_store %arg10[%swap3A, %swap3A_84], %add3A_83 {strides = array<i32>} : memref<64x2xf32, #tpu.memory_space<vmem>>, vector<64x2xf32>,
    return
  }
}

</mosaic_0001>

<sc_bundles>
// kernel: kernel.10.cloned.1.call-start
scs
__scs_entry_jumppad:
0x0: {  	(pc) =	sbr.rel $0x88, $3  }
0x1: {  	(tag) =	ssettag $0x0;
	lr =	simm.s32 $0x1  }
0x2: {  	[smem:$0x3F8E] =	sst lr;
	_ =	strace $0xD0000000  }
0x3: {  	_ = 	snop  }
0x4: {  	_ = 	snop  }
0x5: {  	_ = 	snop  }
0x6: {  	_ = 	snop  }
0x7: {  	_ = 	snop  }
__scs_overlays_trampoline_lowered:
0x8: {  	[smem:$0x3F9D] =	sst s0  }
0x9: {  	[smem:$0x3F9E] =	sst s1  }
0xa: {  	[smem:$0x3F9F] =	sst s2  }
0xb: {  	[smem:$0x3FA0] =	sst s3  }
0xc: {  	[smem:$0x3FA1] =	sst s4  }
0xd: {  	[smem:$0x3FA2] =	sst s5  }
0xe: {  	[smem:$0x3FA3] =	sst s6  }
0xf: {  	[smem:$0x3FA4] =	sst s7  }
0x10: {  	[smem:$0x3FA5] =	sst s8  }
0x11: {  	[smem:$0x3FA6] =	sst s9;
	s0 =	simm.s32 @!p0 $0x0  }
0x12: {  	s1 =	sld [smem:$0x3F8C];
	s0 =	simm.s32 @p0 $0x1  }
0x13: {  	[smem:$0x3FA7] =	sst s0;
	s0 =	simm.s32 @!p1 $0x0  }
0x14: {  	s2 =	sld [smem:$0x3F8B];
	s0 =	simm.s32 @p1 $0x1  }
0x15: {  	[smem:$0x3FA8] =	sst s0;
	s0 =	simm.s32 @!p2 $0x0  }
0x16: {  	s3 =	sld [smem:$0x3FDB];
	s0 =	simm.s32 @p2 $0x1  }
0x17: {  	s4 =	simm.s32 $0x1BF5;
	[smem:$0x3FAA] =	sst s0  }
0x18: {  	s0 =	sld [smem:$0x3F8D];
	_ =	swait.ge [sflag:s4], $0x0  }
0x19: {  	s7 =	sld [smem:$0x3F8E]  }
0x1a: {  	s8 =	sadd.s32 $0xFFFFE003, lr  }
0x1b: {  	s9 =	sadd.s32 $0xFFFFFEF7, lr;
	s5 =	simm.s32 $0xFFFFFFFF;
	p2 =	slt.u32 s8, $0xFFFFF086  }
0x1c: {  	p1 =	slt.u32 s9, $0xF7A;
	s5 =	simm.s32 @!p2 $0x0  }
0x1d: {  	s5 =	simm.s32 @p1 $0x1;
	p0 =	seq.s32 s7, s2  }
0x1e: {  	s7 =	smul.u32 @!p0 $0xF7A, s2;
	p2 =	seq.s32 @!p0 s5, $0x0  }
0x1f: {  	s9 =	smul.u32 $0xF7A, s1;
	s8 =	simm.s32 @!p0 $0x1BF5;
	p2 =	por !p2, p0  }
0x20: {  	[sflag:s8] =	ssyncset.s32 @!p0 $0xFFFFF086;
	s6 =	sadd.s32 @!p0 s3, s7;
	s7 =	simm.s32 @!p0 $0x108  }
0x21: {  	s3 =	sadd.s32 s3, s9;
	s6 =	sadd.s32 @!p0 $0x88, s6;
	s7 =	simm.s32 @p2 $0x1082  }
0x22: {  	[simem:s7], [sflag:s8] =	dma.local @!p0 [hbm:s6], $0xF7A  }
0x23: {  	s9 =	sor.u32 $0xD0000000, s2;
	s6 =	simm.s32 $0x108;
	_ =	swait.ge @!p0 [sflag:s8], $0x0  }
0x24: {  	s3 =	sadd.s32 $0x88, s3;
	s6 =	simm.s32 @!p1 $0x1082;
	[sflag:s4] =	ssyncset.s32 $0xFFFFF086  }
0x25: {  	[simem:s6], [sflag:s4] =	dma.local [hbm:s3], $0xF7A  }
0x26: {  	[smem:$0x3F8E] =	sst s1;
	(tag) =	ssettag s2;
	_ =	strace s9  }
0x27: {  	s1 =	sld [smem:$0x3F9E]  }
0x28: {  	s2 =	sld [smem:$0x3F9F]  }
0x29: {  	s4 =	sld [smem:$0x3FA1]  }
0x2a: {  	p0 =	seq.s32 s5, $0x0;
	s5 =	sld [smem:$0x3FA2]  }
0x2b: {  	s6 =	sld [smem:$0x3FA3]  }
0x2c: {  	s7 =	sld [smem:$0x3FA4]  }
0x2d: {  	s3 =	simm.s32 $0x108;
	s8 =	sld [smem:$0x3FA5]  }
0x2e: {  	s3 =	simm.s32 @!p0 $0x1082;
	s9 =	sld [smem:$0x3FA6]  }
0x2f: {  	lr =	sadd.s32 s0, s3;
	s0 =	sld [smem:$0x3F9D]  }
0x30: {  	s3 =	sld [smem:$0x3FA0]  }
0x31: {  	[smem:$0x3FA9] =	sst s10  }
0x32: {  	s10 =	sld [smem:$0x3FA7];
	_ =	sdelay $0x3  }
0x33: {  	p0 =	seq.s32 s10, $0x1;
	s10 =	sld [smem:$0x3FA9];
	_ =	sdelay $0x3  }
0x34: {  	[smem:$0x3FA9] =	sst s10  }
0x35: {  	s10 =	sld [smem:$0x3FA8];
	_ =	sdelay $0x3  }
0x36: {  	p1 =	seq.s32 s10, $0x1;
	s10 =	sld [smem:$0x3FA9];
	_ =	sdelay $0x3  }
0x37: {  	[smem:$0x3FA9] =	sst s10  }
0x38: {  	s10 =	sld [smem:$0x3FAA]  }
0x39: {  	_ = 	snop;
	(pc) =	sbr.ind lr, $3  }
0x3a: {  	_ = 	snop  }
0x3b: {  	_ = 	snop  }
0x3c: {  	p2 =	seq.s32 s10, $0x1;
	s10 =	sld [smem:$0x3FA9]  }
0x3d: {  	_ =	shalt  }
0x3e: {  	_ =	shalt  }
0x3f: {  	_ =	shalt  }
0x40: {  	_ =	shalt  }
0x41: {  	_ =	shalt  }
0x42: {  	_ =	shalt  }
0x43: {  	_ =	shalt  }
0x44: {  	_ =	shalt  }
0x45: {  	_ =	shalt  }
0x46: {  	_ =	shalt  }
0x47: {  	_ =	shalt  }
0x48: {  	_ =	shalt  }
0x49: {  	_ =	shalt  }
0x4a: {  	_ =	shalt  }
0x4b: {  	_ =	shalt  }
0x4c: {  	_ =	shalt  }
0x4d: {  	_ =	shalt  }
0x4e: {  	_ =	shalt  }
0x4f: {  	_ =	shalt  }
0x50: {  	_ =	shalt  }
0x51: {  	_ =	shalt  }
0x52: {  	_ =	shalt  }
0x53: {  	_ =	shalt  }
0x54: {  	_ =	shalt  }
0x55: {  	_ =	shalt  }
0x56: {  	_ =	shalt  }
0x57: {  	_ =	shalt  }
0x58: {  	_ =	shalt  }
0x59: {  	_ =	shalt  }
0x5a: {  	_ =	shalt  }
0x5b: {  	_ =	shalt  }
0x5c: {  	_ =	shalt  }
0x5d: {  	_ =	shalt  }
0x5e: {  	_ =	shalt  }
0x5f: {  	_ =	shalt  }
0x60: {  	_ =	shalt  }
0x61: {  	_ =	shalt  }
0x62: {  	_ =	shalt  }
0x63: {  	_ =	shalt  }
0x64: {  	_ =	shalt  }
0x65: {  	_ =	shalt  }
0x66: {  	_ =	shalt  }
0x67: {  	_ =	shalt  }
0x68: {  	_ =	shalt  }
0x69: {  	_ =	shalt  }
0x6a: {  	_ =	shalt  }
0x6b: {  	_ =	shalt  }
0x6c: {  	_ =	shalt  }
0x6d: {  	_ =	shalt  }
0x6e: {  	_ =	shalt  }
0x6f: {  	_ =	shalt  }
0x70: {  	_ =	shalt  }
0x71: {  	_ =	shalt  }
0x72: {  	_ =	shalt  }
0x73: {  	_ =	shalt  }
0x74: {  	_ =	shalt  }
0x75: {  	_ =	shalt  }
0x76: {  	_ =	shalt  }
0x77: {  	_ =	shalt  }
0x78: {  	_ =	shalt  }
0x79: {  	_ =	shalt  }
0x7a: {  	_ =	shalt  }
0x7b: {  	_ =	shalt  }
0x7c: {  	_ =	shalt  }
0x7d: {  	_ =	shalt  }
0x7e: {  	_ =	shalt  }
0x7f: {  	_ =	shalt  }
0x80: {  	_ =	shalt  }
0x81: {  	_ =	shalt  }
0x82: {  	_ =	shalt  }
0x83: {  	_ =	shalt  }
0x84: {  	_ =	shalt  }
0x85: {  	_ =	shalt  }
0x86: {  	_ =	shalt  }
0x87: {  	_ =	shalt  }
.Lfunc_end0:
.L_simem_size_0:
called_computation_lowered:
.L_overlay_start_0:
0x88: {  	s2 =	sld [smem:$0x3FD9]  }
0x89: {  	s3 =	sld [smem:$0x3FFE];
	_ =	sdelay $0x1  }
0x8a: {  	s1 =	srdreg.scid  }
0x8b: {  	s0 =	sand.u32 $0x1, s1  }
0x8c: {  	s16 =	sshll.u32 s0, $0xA;
	s2 =	sadd.s32 s3, s2  }
0x8d: {  	s2 =	sadd.s32 s2, s16  }
0x8e: {  	[smem:$0x3FB5] =	sst s2  }
0x8f: {  	_ = 	snop  }
0x90: {  	(tm) =	ssettm $0x1  }
0x91: {  	s17 =	sld [smem:$0x3FFB];
	_ =	sdelay $0x3  }
0x92: {  	_ =	strace s17  }
0x93: {  	s2 =	sld [smem:$0x3FFC];
	_ =	sdelay $0x3  }
0x94: {  	_ =	strace s2  }
0x95: {  	s2 =	sld [smem:$0x3FFD];
	_ =	sdelay $0x3  }
0x96: {  	_ =	strace s2  }
0x97: {  	_ =	strace $0x8FFFFFFF  }
0x98: {  	s18 =	sld [smem:$0x3FDB];
	_ =	sdelay $0x1  }
0x99: {  	s19 =	simm.s32 $_scs_section_size  }
0x9a: {  	s4 =	simm.s32 $_size__tile_overlayer_lowered;
	s5 =	simm.s32 $_tile_overlayer_lowered  }
0x9b: {  	s22 =	simm.s32 $0x1BFF;
	s21 =	sshll.u32 s5, $0x1;
	s2 =	sadd.s32 s19, s18  }
0x9c: {  	s6 =	simm.s32 $0x0;
	s20 =	sshll.u32 s4, $0x1;
	s4 =	sadd.s32 s21, s2  }
0x9d: {  	[timem:s6], [sflag:s22] =	dma.local [hbm:s4], s20  }
0x9e: {  	_ =	swait.ge [sflag:s22], s20  }
0x9f: {  	s3 =	ssub.s32 $0x0, s20;
	[sflag:s22] =	ssyncset.done $0x0  }
0xa0: {  	[sflag:s22] =	ssyncadd.s32 s3;
	_ =	sdelay $0x1  }
0xa1: {  	s23 =	simm.s32 $0x1B8B  }
0xa2: {  	_ =	swait.ge [sflag:s23], $0x1  }
0xa3: {  	[sflag:s23] =	ssyncset.done $0x0  }
0xa4: {  	s25 =	simm.s32 $0x1B8E;
	s24 =	sld [smem:$0x3FFE];
	[sflag:s23] =	ssyncadd.s32 $0xFFFFFFFF  }
0xa5: {  	s26 =	simm.s32 $execute0_lowered;
	[smem:$0x3FD2] =	sst s25  }
0xa6: {  	s4 =	sshll.u32 s26, $0x1;
	_ =	strace $0x80000046;
	[dreg:$0x1] =	wrdreg $0xFFFFFFFF  }
0xa7: {  	s28 =	simm.s32 $_size_execute0_lowered;
	s2 =	sadd.s32 s2, s4;
	[dreg:$0x0] =	wrdreg $0x0  }
0xa8: {  	s4 =	sshll.u32 s28, $0x1;
	[dreg:$0x2] =	wrdreg s2  }
0xa9: {  	[dreg:$0x3] =	wrdreg s4  }
0xaa: {  	[dreg:$0x4] =	wrdreg $0xC0  }
0xab: {  	_ =	task [dreg:s6], $0x5FFFF  }
0xac: {  	[dreg:$0x1] =	wrdreg $0xFFFFFFFF  }
0xad: {  	[dreg:$0x0] =	wrdreg $0x60  }
0xae: {  	[dreg:$0x2] =	wrdreg s24  }
0xaf: {  	[dreg:$0x3] =	wrdreg $0x2FD00  }
0xb0: {  	[dreg:$0x4] =	wrdreg $0x9  }
0xb1: {  	_ =	task.clear_ibuf [dreg:s6], $0x5FFFF;
	_ =	strace $0x90000046  }
0xb2: {  	s29 =	simm.s32 $0x9;
	_ =	strace $0x80000048  }
0xb3: {  	_ =	swait.ge [sflag:s29], $0x1  }
0xb4: {  	[sflag:s29] =	ssyncadd.s32 $0xFFFFFFFF  }
0xb5: {  	_ =	strace $0x90000048  }
0xb6: {  	_ =	sfence  }
0xb7: {  	s30 =	sld [smem:$0x0];
	_ =	sdelay $0x2  }
0xb8: {  	s31 =	sshll.u32 s1, $0xD;
	s1 =	sshrl.u32 s1, $0x2  }
0xb9: {  	s3 =	sand.u32 $0x4000, s31;
	s1 =	sadd.s32 s1, s30  }
0xba: {  	s0 =	sor.u32 s3, s0;
	s1 =	sshll.u32 s1, $0x11  }
0xbb: {  	s0 =	sor.u32 s1, s0  }
0xbc: {  	s0 =	sadd.s32 $0x8F2B, s0  }
0xbd: {  	[sflag:s0] =	ssyncadd.remote.s32 $0x1  }
0xbe: {  	_ =	sfence.sel $0xFFFF  }
0xbf: {  	[dreg:$0x0] =	wrdreg $0xFFFFFFFF;
	(pc) =	sbr.abs _section_cstart, $3  }
0xc0: {  	[dreg:$0x1] =	wrdreg $0xFFFFFFFF  }
0xc1: {  	_ =	task.clear_ibuf [dreg:s6], $0x2FFFF;
	_ =	strace $0x9FFFFFFF  }
0xc2: {  	(tm) =	ssettm $0x7FFFFFFF  }
0xc3: {  	_ =	shalt  }
tec
execute0_lowered:
.L_overlay_start_1:
0x0: {  	(tag) =	ssettag $0x1  }
0x1: {  	s1 =	srdreg.scid;
	s7 =	rddreg [dreg:$0x0]  }
0x2: {  	s0 =	stileid.u32;
	s2 =	rddreg [dreg:$0x1];
	s3 =	simm.s32 $0x0  }
0x3: {  	s16 =	simm.s32 $0x7D;
	s5 =	sand.u32 $0x1, s1;
	s1 =	rddreg [dreg:$0x2]  }
0x4: {  	s17 =	simm.s32 $0x0;
	s4 =	smul.u32 $0x5000, s0;
	[smem:$0x7FF] =	sst s3  }
0x5: {  	s8 =	smul.u32 $0x2700, s0;
	s12 =	sadd.s32 $0x12A00, s7;
	s31 =	sshll.u32 s0, $0x6  }
0x6: {  	s14 =	sadd.s32 $0x27000, s2;
	p0 =	sne.s32 s0, $0xF;
	s6 =	smul.u32 $0x2800, s5  }
0x7: {  	_ =	strace $0x80000047;
	s10 =	ssub.s32 $0x2, s5;
	s30 =	smul.u32 $0x27100, s5  }
0x8: {  	s14 =	sshrl.u32 @!p0 s14, $0x3;
	s29 =	sshrl.u32 s8, $0x3;
	s11 =	sshrl.u32 s10, $0x1  }
0x9: {  	s13 =	sadd.s32 s8, s2;
	s4 =	sadd.s32 s6, s4;
	s6 =	sadd.s32 s29, s7  }
0xa: {  	s11 =	ssub.s32 s10, s11;
	s8 =	sadd.s32 s8, s30;
	s10 =	sshrl.u32 s30, $0x3  }
0xb: {  	s4 =	sshrl.u32 s4, $0x3;
	s5 =	sadd.s32 $0xDA00, s6;
	s6 =	sor.u32 $0x1C01, s31  }
0xc: {  	s15 =	sshrl.u32 s8, $0x3;
	s10 =	sadd.s32 s12, s10;
	s11 =	smax.u32 s11, $0x1  }
0xd: {  	s9 =	sadd.s32 s4, s7;
	s4 =	sadd.s32 $0xD800, s7;
	s7 =	sadd.s32 $0x12800, s7  }
0xe: {  	s10 =	sadd.s32 $0x4E00, s10;
	s8 =	sadd.s32 $0x3800, s9;
	s9 =	sadd.s32 s12, s15  }
0xf: {  	s12 =	sshrl.u32 s13, $0x3;
	s13 =	simm.s32 $0x1;
	s15 =	simm.s32 $0x2800  }
.LBB2_1:
0x10: {  	[spmem:s12], [sflag:s6] =	dma.local [hbm:s5], $0x4E0  }
0x11: {  	_ =	swait.ge [sflag:s13], $0x4E0  }
0x12: {  	[sflag:s13] =	ssyncset.done $0x0  }
0x13: {  	s18 =	simm.s32 @!p0 $0x1;
	[sflag:s13] =	ssyncadd.s32 $0xFFFFFB20  }
0x14: {  	[spmem:s14], [sflag:s6] =	dma.local @!p0 [hbm:s7], $0x20  }
0x15: {  	_ =	swait.ge @!p0 [sflag:s18], $0x20  }
0x16: {  	[sflag:s18] =	ssyncset.done @!p0 $0x0  }
0x17: {  	[sflag:s18] =	ssyncadd.s32 @!p0 $0xFFFFFFE0  }
0x18: {  	[tilespmem:s3], [sflag:$0x1] =	stream.linear.gather [hbm4b:s8+s3], $0x2800, $0x38;
	[tilespmem:$0x56E0] =	vst v63  }
0x19: {  	_ =	swait.ge [sflag:s13], $0x2800  }
0x1a: {  	[sflag:s13] =	ssyncset.done $0x0  }
0x1b: {  	[sflag:s13] =	ssyncadd.s32 $0xFFFFD800  }
0x1c: {  	[tilespmem:s15], [sflag:$0x1] =	stream.linear.gather [hbm4b:s4+s3], $0x7D0, $0x38;
	[tilespmem:$0x56E0] =	vst v63  }
0x1d: {  	_ =	swait.ge [sflag:s13], $0x7D0  }
0x1e: {  	[sflag:s13] =	ssyncset.done $0x0  }
0x1f: {  	[sflag:s13] =	ssyncadd.s32 $0xFFFFF830  }
0x20: {  	s31 =	simm.s32 $0x0;
	[bflag:$0x0] =	sbarrier.arrive $0xFFFF  }
0x21: {  	[spmem:s2] =	stream.indirect.scatter.add.f32 [tilespmem:s15], [sflag:$0x1], $0x10, s31, s16, $0xb8;
	[tilespmem:$0x56E0] =	vst v63  }
0x22: {  	_ =	swait.ge [sflag:s13], $0x7D0  }
0x23: {  	s18 =	simm.s32 $0x200;
	[sflag:s13] =	ssyncset.done $0x0  }
.LBB2_2:
0x24: {  	s19 =	sshra.s32 s18, $0x2;
	[sflag:s13] =	ssyncadd.s32 $0xFFFFF830;
	p1 =	sne.s32 s18, $0x9E00  }
0x25: {  	[spmem:s2] =	stream.indirect.scatter.add.f32 [tilespmem:s15], [sflag:$0x1], $0x10, s19, s16, $0xb8;
	[tilespmem:$0x56E0] =	vst v63  }
.Ltmp0:
0x26: {  	_ = 	snop;
	(pc) =	sbr.rel @p1 .LBB2_2-.Ltmp0, $4  }
0x27: {  	_ = 	snop  }
0x28: {  	s18 =	sadd.s32 $0x200, s18  }
0x29: {  	_ =	swait.ge [sflag:s13], $0x7D0  }
0x2a: {  	[sflag:s13] =	ssyncset.done $0x0  }
0x2b: {  	[sflag:s13] =	ssyncadd.s32 $0xFFFFF830  }
0x2c: {  	[bflag:$0x0] =	sbarrier.arrive $0xFFFF  }
0x2d: {  	[hbm:s9], [sflag:s6] =	dma.local [spmem:s12], $0x4E0  }
0x2e: {  	s17 =	sadd.s32 $0x1, s17;
	_ =	swait.ge [sflag:s13], $0x4E0  }
0x2f: {  	p1 =	sne.s32 s17, s11;
	[sflag:s13] =	ssyncset.done $0x0  }
.Ltmp1:
0x30: {  	s18 =	simm.s32 @!p0 $0x1;
	[sflag:s13] =	ssyncadd.s32 $0xFFFFFB20;
	(pc) =	sbr.rel @p1 .LBB2_1-.Ltmp1, $4  }
0x31: {  	[hbm:s10], [sflag:s6] =	dma.local @!p0 [spmem:s14], $0x20  }
0x32: {  	_ =	swait.ge @!p0 [sflag:s18], $0x20  }
0x33: {  	[sflag:s18] =	ssyncset.done @!p0 $0x0  }
0x34: {  	[sflag:s18] =	ssyncadd.s32 @!p0 $0xFFFFFFE0  }
0x35: {  	_ =	sfence.sel $0x180000  }
0x36: {  	[bflag:$0x0] =	sbarrier.arrive $0xFFFF  }
0x37: {  	p0 =	sne.s32 s0, $0x0;
	_ =	strace $0x90000047  }
0x38: {  	s0 =	sadd.s32 @!p0 $0x100000, s1;
	[bflag:$0x2] =	sbarrier.arrive $0xFFFF  }
0x39: {  	[sflag:s0] =	ssyncadd.tile.s32 @!p0 $0x1;
	_ =	shalt  }
.Lfunc_end2:
_tile_overlayer_lowered:
.L_overlay_start_2:
0x3a: {  	(tag) =	ssettag $0x2  }
0x3b: {  	s0 =	rddreg [dreg:$0x0];
	s2 =	stileid.u32  }
0x3c: {  	s1 =	rddreg [dreg:$0x1];
	p0 =	sne.s32 s2, $0x0  }
0x3d: {  	s3 =	rddreg [dreg:$0x2];
	[bflag:$0x3] =	sbarrier.arrive $0xFFFF;
	s2 =	simm.s32 @!p0 $0x1C01  }
0x3e: {  	[timem:s3], [sflag:s2] =	dma.local @!p0 [hbm:s0], s1  }
0x3f: {  	s0 =	simm.s32 @!p0 $0x1  }
0x40: {  	_ =	swait.ge @!p0 [sflag:s0], s1  }
0x41: {  	s1 =	ssub.s32 @!p0 $0x0, s1;
	[sflag:s0] =	ssyncset.done @!p0 $0x0  }
0x42: {  	[sflag:s0] =	ssyncadd.s32 @!p0 s1  }
0x43: {  	[bflag:$0x3] =	sbarrier.arrive $0xFFFF  }
0x44: {  	_ =	shalt  }

// kernel: kernel.13.cloned.1.call-start
scs
__scs_entry_jumppad:
0x0: {  	(pc) =	sbr.rel $0x88, $3  }
0x1: {  	(tag) =	ssettag $0x0;
	lr =	simm.s32 $0x1  }
0x2: {  	[smem:$0x3F8E] =	sst lr;
	_ =	strace $0xD0000000  }
0x3: {  	_ = 	snop  }
0x4: {  	_ = 	snop  }
0x5: {  	_ = 	snop  }
0x6: {  	_ = 	snop  }
0x7: {  	_ = 	snop  }
__scs_overlays_trampoline_lowered:
0x8: {  	[smem:$0x3F9D] =	sst s0  }
0x9: {  	[smem:$0x3F9E] =	sst s1  }
0xa: {  	[smem:$0x3F9F] =	sst s2  }
0xb: {  	[smem:$0x3FA0] =	sst s3  }
0xc: {  	[smem:$0x3FA1] =	sst s4  }
0xd: {  	[smem:$0x3FA2] =	sst s5  }
0xe: {  	[smem:$0x3FA3] =	sst s6  }
0xf: {  	[smem:$0x3FA4] =	sst s7  }
0x10: {  	[smem:$0x3FA5] =	sst s8  }
0x11: {  	[smem:$0x3FA6] =	sst s9;
	s0 =	simm.s32 @!p0 $0x0  }
0x12: {  	s1 =	sld [smem:$0x3F8C];
	s0 =	simm.s32 @p0 $0x1  }
0x13: {  	[smem:$0x3FA7] =	sst s0;
	s0 =	simm.s32 @!p1 $0x0  }
0x14: {  	s2 =	sld [smem:$0x3F8B];
	s0 =	simm.s32 @p1 $0x1  }
0x15: {  	[smem:$0x3FA8] =	sst s0;
	s0 =	simm.s32 @!p2 $0x0  }
0x16: {  	s3 =	sld [smem:$0x3FDB];
	s0 =	simm.s32 @p2 $0x1  }
0x17: {  	s4 =	simm.s32 $0x1BF5;
	[smem:$0x3FAA] =	sst s0  }
0x18: {  	s0 =	sld [smem:$0x3F8D];
	_ =	swait.ge [sflag:s4], $0x0  }
0x19: {  	s7 =	sld [smem:$0x3F8E]  }
0x1a: {  	s8 =	sadd.s32 $0xFFFFE003, lr  }
0x1b: {  	s9 =	sadd.s32 $0xFFFFFEF7, lr;
	s5 =	simm.s32 $0xFFFFFFFF;
	p2 =	slt.u32 s8, $0xFFFFF086  }
0x1c: {  	p1 =	slt.u32 s9, $0xF7A;
	s5 =	simm.s32 @!p2 $0x0  }
0x1d: {  	s5 =	simm.s32 @p1 $0x1;
	p0 =	seq.s32 s7, s2  }
0x1e: {  	s7 =	smul.u32 @!p0 $0xF7A, s2;
	p2 =	seq.s32 @!p0 s5, $0x0  }
0x1f: {  	s9 =	smul.u32 $0xF7A, s1;
	s8 =	simm.s32 @!p0 $0x1BF5;
	p2 =	por !p2, p0  }
0x20: {  	[sflag:s8] =	ssyncset.s32 @!p0 $0xFFFFF086;
	s6 =	sadd.s32 @!p0 s3, s7;
	s7 =	simm.s32 @!p0 $0x108  }
0x21: {  	s3 =	sadd.s32 s3, s9;
	s6 =	sadd.s32 @!p0 $0x88, s6;
	s7 =	simm.s32 @p2 $0x1082  }
0x22: {  	[simem:s7], [sflag:s8] =	dma.local @!p0 [hbm:s6], $0xF7A  }
0x23: {  	s9 =	sor.u32 $0xD0000000, s2;
	s6 =	simm.s32 $0x108;
	_ =	swait.ge @!p0 [sflag:s8], $0x0  }
0x24: {  	s3 =	sadd.s32 $0x88, s3;
	s6 =	simm.s32 @!p1 $0x1082;
	[sflag:s4] =	ssyncset.s32 $0xFFFFF086  }
0x25: {  	[simem:s6], [sflag:s4] =	dma.local [hbm:s3], $0xF7A  }
0x26: {  	[smem:$0x3F8E] =	sst s1;
	(tag) =	ssettag s2;
	_ =	strace s9  }
0x27: {  	s1 =	sld [smem:$0x3F9E]  }
0x28: {  	s2 =	sld [smem:$0x3F9F]  }
0x29: {  	s4 =	sld [smem:$0x3FA1]  }
0x2a: {  	p0 =	seq.s32 s5, $0x0;
	s5 =	sld [smem:$0x3FA2]  }
0x2b: {  	s6 =	sld [smem:$0x3FA3]  }
0x2c: {  	s7 =	sld [smem:$0x3FA4]  }
0x2d: {  	s3 =	simm.s32 $0x108;
	s8 =	sld [smem:$0x3FA5]  }
0x2e: {  	s3 =	simm.s32 @!p0 $0x1082;
	s9 =	sld [smem:$0x3FA6]  }
0x2f: {  	lr =	sadd.s32 s0, s3;
	s0 =	sld [smem:$0x3F9D]  }
0x30: {  	s3 =	sld [smem:$0x3FA0]  }
0x31: {  	[smem:$0x3FA9] =	sst s10  }
0x32: {  	s10 =	sld [smem:$0x3FA7];
	_ =	sdelay $0x3  }
0x33: {  	p0 =	seq.s32 s10, $0x1;
	s10 =	sld [smem:$0x3FA9];
	_ =	sdelay $0x3  }
0x34: {  	[smem:$0x3FA9] =	sst s10  }
0x35: {  	s10 =	sld [smem:$0x3FA8];
	_ =	sdelay $0x3  }
0x36: {  	p1 =	seq.s32 s10, $0x1;
	s10 =	sld [smem:$0x3FA9];
	_ =	sdelay $0x3  }
0x37: {  	[smem:$0x3FA9] =	sst s10  }
0x38: {  	s10 =	sld [smem:$0x3FAA]  }
0x39: {  	_ = 	snop;
	(pc) =	sbr.ind lr, $3  }
0x3a: {  	_ = 	snop  }
0x3b: {  	_ = 	snop  }
0x3c: {  	p2 =	seq.s32 s10, $0x1;
	s10 =	sld [smem:$0x3FA9]  }
0x3d: {  	_ =	shalt  }
0x3e: {  	_ =	shalt  }
0x3f: {  	_ =	shalt  }
0x40: {  	_ =	shalt  }
0x41: {  	_ =	shalt  }
0x42: {  	_ =	shalt  }
0x43: {  	_ =	shalt  }
0x44: {  	_ =	shalt  }
0x45: {  	_ =	shalt  }
0x46: {  	_ =	shalt  }
0x47: {  	_ =	shalt  }
0x48: {  	_ =	shalt  }
0x49: {  	_ =	shalt  }
0x4a: {  	_ =	shalt  }
0x4b: {  	_ =	shalt  }
0x4c: {  	_ =	shalt  }
0x4d: {  	_ =	shalt  }
0x4e: {  	_ =	shalt  }
0x4f: {  	_ =	shalt  }
0x50: {  	_ =	shalt  }
0x51: {  	_ =	shalt  }
0x52: {  	_ =	shalt  }
0x53: {  	_ =	shalt  }
0x54: {  	_ =	shalt  }
0x55: {  	_ =	shalt  }
0x56: {  	_ =	shalt  }
0x57: {  	_ =	shalt  }
0x58: {  	_ =	shalt  }
0x59: {  	_ =	shalt  }
0x5a: {  	_ =	shalt  }
0x5b: {  	_ =	shalt  }
0x5c: {  	_ =	shalt  }
0x5d: {  	_ =	shalt  }
0x5e: {  	_ =	shalt  }
0x5f: {  	_ =	shalt  }
0x60: {  	_ =	shalt  }
0x61: {  	_ =	shalt  }
0x62: {  	_ =	shalt  }
0x63: {  	_ =	shalt  }
0x64: {  	_ =	shalt  }
0x65: {  	_ =	shalt  }
0x66: {  	_ =	shalt  }
0x67: {  	_ =	shalt  }
0x68: {  	_ =	shalt  }
0x69: {  	_ =	shalt  }
0x6a: {  	_ =	shalt  }
0x6b: {  	_ =	shalt  }
0x6c: {  	_ =	shalt  }
0x6d: {  	_ =	shalt  }
0x6e: {  	_ =	shalt  }
0x6f: {  	_ =	shalt  }
0x70: {  	_ =	shalt  }
0x71: {  	_ =	shalt  }
0x72: {  	_ =	shalt  }
0x73: {  	_ =	shalt  }
0x74: {  	_ =	shalt  }
0x75: {  	_ =	shalt  }
0x76: {  	_ =	shalt  }
0x77: {  	_ =	shalt  }
0x78: {  	_ =	shalt  }
0x79: {  	_ =	shalt  }
0x7a: {  	_ =	shalt  }
0x7b: {  	_ =	shalt  }
0x7c: {  	_ =	shalt  }
0x7d: {  	_ =	shalt  }
0x7e: {  	_ =	shalt  }
0x7f: {  	_ =	shalt  }
0x80: {  	_ =	shalt  }
0x81: {  	_ =	shalt  }
0x82: {  	_ =	shalt  }
0x83: {  	_ =	shalt  }
0x84: {  	_ =	shalt  }
0x85: {  	_ =	shalt  }
0x86: {  	_ =	shalt  }
0x87: {  	_ =	shalt  }
.Lfunc_end0:
.L_simem_size_0:
called_computation.1_lowered:
.L_overlay_start_0:
0x88: {  	s2 =	sld [smem:$0x3FD9]  }
0x89: {  	s3 =	sld [smem:$0x3FFE];
	_ =	sdelay $0x1  }
0x8a: {  	s1 =	srdreg.scid  }
0x8b: {  	s0 =	sand.u32 $0x1, s1  }
0x8c: {  	s16 =	sshll.u32 s0, $0xA;
	s2 =	sadd.s32 s3, s2  }
0x8d: {  	s2 =	sadd.s32 s2, s16  }
0x8e: {  	[smem:$0x3FB5] =	sst s2  }
0x8f: {  	_ = 	snop  }
0x90: {  	(tm) =	ssettm $0x1  }
0x91: {  	s17 =	sld [smem:$0x3FFB];
	_ =	sdelay $0x3  }
0x92: {  	_ =	strace s17  }
0x93: {  	s2 =	sld [smem:$0x3FFC];
	_ =	sdelay $0x3  }
0x94: {  	_ =	strace s2  }
0x95: {  	s2 =	sld [smem:$0x3FFD];
	_ =	sdelay $0x3  }
0x96: {  	_ =	strace s2  }
0x97: {  	_ =	strace $0x8FFFFFFF  }
0x98: {  	s18 =	sld [smem:$0x3FDB];
	_ =	sdelay $0x1  }
0x99: {  	s19 =	simm.s32 $_scs_section_size  }
0x9a: {  	s4 =	simm.s32 $_size__tile_overlayer_lowered;
	s5 =	simm.s32 $_tile_overlayer_lowered  }
0x9b: {  	s22 =	simm.s32 $0x1BFF;
	s21 =	sshll.u32 s5, $0x1;
	s2 =	sadd.s32 s19, s18  }
0x9c: {  	s6 =	simm.s32 $0x0;
	s20 =	sshll.u32 s4, $0x1;
	s4 =	sadd.s32 s21, s2  }
0x9d: {  	[timem:s6], [sflag:s22] =	dma.local [hbm:s4], s20  }
0x9e: {  	_ =	swait.ge [sflag:s22], s20  }
0x9f: {  	s3 =	ssub.s32 $0x0, s20;
	[sflag:s22] =	ssyncset.done $0x0  }
0xa0: {  	[sflag:s22] =	ssyncadd.s32 s3;
	_ =	sdelay $0x1  }
0xa1: {  	s23 =	simm.s32 $0x1B8B  }
0xa2: {  	_ =	swait.ge [sflag:s23], $0x1  }
0xa3: {  	[sflag:s23] =	ssyncset.done $0x0  }
0xa4: {  	s25 =	simm.s32 $0x1B8E;
	s24 =	sld [smem:$0x3FFE];
	[sflag:s23] =	ssyncadd.s32 $0xFFFFFFFF  }
0xa5: {  	s26 =	simm.s32 $execute0_lowered;
	[smem:$0x3FD2] =	sst s25  }
0xa6: {  	s4 =	sshll.u32 s26, $0x1;
	_ =	strace $0x80000049;
	[dreg:$0x1] =	wrdreg $0xFFFFFFFF  }
0xa7: {  	s28 =	simm.s32 $_size_execute0_lowered;
	s2 =	sadd.s32 s2, s4;
	[dreg:$0x0] =	wrdreg $0x0  }
0xa8: {  	s4 =	sshll.u32 s28, $0x1;
	[dreg:$0x2] =	wrdreg s2  }
0xa9: {  	[dreg:$0x3] =	wrdreg s4  }
0xaa: {  	[dreg:$0x4] =	wrdreg $0xC0  }
0xab: {  	_ =	task [dreg:s6], $0x5FFFF  }
0xac: {  	[dreg:$0x1] =	wrdreg $0xFFFFFFFF  }
0xad: {  	[dreg:$0x0] =	wrdreg $0x60  }
0xae: {  	[dreg:$0x2] =	wrdreg s24  }
0xaf: {  	[dreg:$0x3] =	wrdreg $0xC8500  }
0xb0: {  	[dreg:$0x4] =	wrdreg $0x9  }
0xb1: {  	_ =	task.clear_ibuf [dreg:s6], $0x5FFFF;
	_ =	strace $0x90000049  }
0xb2: {  	s29 =	simm.s32 $0x9;
	_ =	strace $0x8000004B  }
0xb3: {  	_ =	swait.ge [sflag:s29], $0x1  }
0xb4: {  	[sflag:s29] =	ssyncadd.s32 $0xFFFFFFFF  }
0xb5: {  	_ =	strace $0x9000004B  }
0xb6: {  	_ =	sfence  }
0xb7: {  	s30 =	sld [smem:$0x0];
	_ =	sdelay $0x2  }
0xb8: {  	s31 =	sshll.u32 s1, $0xD;
	s1 =	sshrl.u32 s1, $0x2  }
0xb9: {  	s3 =	sand.u32 $0x4000, s31;
	s1 =	sadd.s32 s1, s30  }
0xba: {  	s0 =	sor.u32 s3, s0;
	s1 =	sshll.u32 s1, $0x11  }
0xbb: {  	s0 =	sor.u32 s1, s0  }
0xbc: {  	s0 =	sadd.s32 $0x8F2B, s0  }
0xbd: {  	[sflag:s0] =	ssyncadd.remote.s32 $0x1  }
0xbe: {  	_ =	sfence.sel $0xFFFF  }
0xbf: {  	[dreg:$0x0] =	wrdreg $0xFFFFFFFF;
	(pc) =	sbr.abs _section_cstart, $3  }
0xc0: {  	[dreg:$0x1] =	wrdreg $0xFFFFFFFF  }
0xc1: {  	_ =	task.clear_ibuf [dreg:s6], $0x2FFFF;
	_ =	strace $0x9FFFFFFF  }
0xc2: {  	(tm) =	ssettm $0x7FFFFFFF  }
0xc3: {  	_ =	shalt  }
tec
execute0_lowered:
.L_overlay_start_1:
0x0: {  	(tag) =	ssettag $0x1  }
0x1: {  	s0 =	rddreg [dreg:$0x0]  }
0x2: {  	s1 =	rddreg [dreg:$0x1];
	s2 =	simm.s32 $0x0;
	s3 =	srdreg.scid  }
0x3: {  	s12 =	stileid.u32;
	s29 =	simm.s32 $0x7D;
	s30 =	simm.s32 $0x500  }
0x4: {  	s15 =	simm.s32 $0x7A30;
	[smem:$0x7FF] =	sst s2;
	s4 =	sadd.s32 $0x3800, s0  }
0x5: {  	s3 =	sand.u32 $0x1, s3;
	s5 =	sadd.s32 $0x30800, s0;
	s7 =	smul.u32 $0xC300, s12  }
0x6: {  	s8 =	sadd.s32 $0x1C800, s0;
	s10 =	smul.u32 $0xA000, s12;
	s11 =	sadd.s32 $0x49000, s0  }
0x7: {  	s18 =	sadd.s32 $0xC3000, s1;
	s19 =	sadd.s32 $0x48E00, s0;
	s0 =	sadd.s32 $0x1BE00, s0  }
0x8: {  	s25 =	smul.u32 $0x1400, s12;
	s31 =	sshll.u32 s12, $0x6;
	p1 =	sne.s32 s12, $0xF  }
0x9: {  	s12 =	simm.s32 $0x7;
	_ =	strace $0x8000004A;
	[dreg:$0x5] =	wrdreg s18  }
0xa: {  	s6 =	ssub.s32 $0x2, s3;
	[dreg:$0x6] =	wrdreg s19;
	s22 =	smul.u32 $0xC3500, s3  }
0xb: {  	[dreg:$0xd] =	wrdreg s0;
	p0 =	sne.s32 s3, $0x0;
	s3 =	simm.s32 $0x3  }
0xc: {  	s18 =	simm.s32 $0xA;
	s19 =	simm.s32 $0x480;
	s9 =	sshrl.u32 s6, $0x1  }
0xd: {  	s16 =	sshrl.u32 s7, $0x3;
	s13 =	sadd.s32 s7, s1;
	s10 =	sshrl.u32 s10, $0x3  }
0xe: {  	s6 =	ssub.s32 s6, s9;
	[dreg:$0x3] =	wrdreg s13;
	s17 =	sadd.s32 s5, s16  }
0xf: {  	s20 =	sadd.s32 s8, s10;
	s9 =	sadd.s32 s4, s16;
	s23 =	sadd.s32 s7, s22  }
0x10: {  	s24 =	sshrl.u32 s22, $0x3;
	s22 =	simm.s32 $0xB;
	s16 =	simm.s32 $0x6  }
0x11: {  	[dreg:$0x4] =	wrdreg s17;
	s10 =	sadd.s32 $0x20, s20;
	s21 =	sadd.s32 $0x40, s20  }
0x12: {  	s14 =	sadd.s32 $0x60, s20;
	[dreg:$0x7] =	wrdreg s20;
	s13 =	sadd.s32 $0x80, s20  }
0x13: {  	[dreg:$0xc] =	wrdreg s9;
	s0 =	sshrl.u32 s23, $0x3;
	s7 =	sadd.s32 s11, s24  }
0x14: {  	s28 =	smax.u32 s6, $0x1;
	s20 =	sadd.s32 s25, s8;
	[dreg:$0x8] =	wrdreg s10  }
0x15: {  	s25 =	simm.s32 $0x300;
	s9 =	simm.s32 $0x4;
	[dreg:$0x9] =	wrdreg s21  }
0x16: {  	s8 =	simm.s32 $0x5;
	s17 =	simm.s32 $0x380;
	[dreg:$0xa] =	wrdreg s14  }
.Ltmp0:
0x17: {  	s6 =	simm.s32 $0x0;
	[dreg:$0xb] =	wrdreg s13;
	(pc) =	sbr.rel .LBB2_1-.Ltmp0, $4  }
0x18: {  	s0 =	sadd.s32 s11, s0;
	s26 =	sadd.s32 $0x18600, s7;
	[dreg:$0x10] =	wrdreg s28  }
0x19: {  	s21 =	sor.u32 $0x1C0B, s31;
	s11 =	simm.s32 $0xA140;
	[dreg:$0xe] =	wrdreg s0  }
0x1a: {  	s13 =	simm.s32 $0x180;
	s14 =	simm.s32 $0x9;
	[dreg:$0xf] =	wrdreg s26  }
0x1b: {  	s26 =	simm.s32 $0x400;
	s0 =	simm.s32 $0x2C10;
	[dreg:$0x11] =	wrdreg s21  }
.LBB2_8:
0x1c: {  	_ =	swait.ge [sflag:s18], $0x2710  }
0x1d: {  	[sflag:s18] =	ssyncset.done $0x0  }
0x1e: {  	[sflag:s18] =	ssyncadd.s32 $0xFFFFD8F0  }
0x1f: {  	[spmem:s1] =	stream.indirect.scatter.add.f32 [tilespmem:s11], [sflag:$0xB], $0x50, s19, s29, $0xb8;
	[tilespmem:$0x18BA0] =	vst v63  }
0x20: {  	_ =	swait.ge [sflag:s22], $0x2710  }
0x21: {  	[sflag:s22] =	ssyncset.done $0x0  }
0x22: {  	[sflag:s22] =	ssyncadd.s32 $0xFFFFD8F0  }
0x23: {  	[bflag:$0x0] =	sbarrier.arrive $0xFFFF  }
0x24: {  	s7 =	rddreg [dreg:$0xe]  }
0x25: {  	s21 =	rddreg [dreg:$0x11]  }
0x26: {  	s6 =	rddreg [dreg:$0x14]  }
0x27: {  	[hbm:s7], [sflag:s21] =	dma.local [spmem:s6], $0x1860  }
0x28: {  	_ =	swait.ge [sflag:s22], $0x1860  }
0x29: {  	[sflag:s22] =	ssyncset.done $0x0;
	s7 =	rddreg [dreg:$0xf]  }
0x2a: {  	s6 =	rddreg [dreg:$0x13];
	[sflag:s22] =	ssyncadd.s32 $0xFFFFE7A0  }
0x2b: {  	[hbm:s7], [sflag:s21] =	dma.local @!p1 [spmem:s6], $0xA0  }
0x2c: {  	s7 =	simm.s32 @!p1 $0xB  }
0x2d: {  	_ =	swait.ge @!p1 [sflag:s7], $0xA0  }
0x2e: {  	s31 =	rddreg [dreg:$0x12]  }
0x2f: {  	s10 =	rddreg [dreg:$0x10];
	s6 =	sadd.s32 $0x1, s31  }
0x30: {  	p2 =	sne.s32 s6, s10  }
.Ltmp1:
0x31: {  	_ = 	snop;
	(pc) =	sbr.rel @!p2 .LBB2_9-.Ltmp1, $3  }
0x32: {  	_ =	sdelay $0x1  }
0x33: {  	[sflag:s7] =	ssyncset.done @!p1 $0x0  }
0x34: {  	[sflag:s7] =	ssyncadd.s32 @!p1 $0xFFFFFF60  }
.LBB2_1:
.Ltmp2:
0x35: {  	[dreg:$0x12] =	wrdreg s6;
	(pc) =	sbr.rel @p0 .LBB2_5-.Ltmp2, $4  }
0x36: {  	s7 =	rddreg [dreg:$0x5]  }
0x37: {  	s31 =	rddreg [dreg:$0x3];
	s6 =	sshrl.u32 @!p1 s7, $0x3  }
0x38: {  	s10 =	sshrl.u32 s31, $0x3;
	[dreg:$0x13] =	wrdreg s6  }
0x39: {  	[dreg:$0x14] =	wrdreg s10  }
0x3a: {  	s7 =	rddreg [dreg:$0xc]  }
0x3b: {  	[spmem:s10], [sflag:s21] =	dma.local [hbm:s7], $0x1860  }
0x3c: {  	_ =	swait.ge [sflag:s22], $0x1860  }
0x3d: {  	[sflag:s22] =	ssyncset.done $0x0  }
0x3e: {  	s31 =	simm.s32 @!p1 $0xB;
	s7 =	rddreg [dreg:$0xd];
	[sflag:s22] =	ssyncadd.s32 $0xFFFFE7A0  }
0x3f: {  	[spmem:s6], [sflag:s21] =	dma.local @!p1 [hbm:s7], $0xA0  }
0x40: {  	_ =	swait.ge @!p1 [sflag:s31], $0xA0  }
0x41: {  	[sflag:s31] =	ssyncset.done @!p1 $0x0  }
0x42: {  	s21 =	rddreg [dreg:$0x7];
	[sflag:s31] =	ssyncadd.s32 @!p1 $0xFFFFFF60;
	s31 =	simm.s32 $0x0  }
0x43: {  	[tilespmem:s31], [sflag:$0x1] =	stream.linear.gather [hbm4b:s21+s31], $0x100, $0x38;
	[tilespmem:$0x18BA0] =	vst v63  }
0x44: {  	s10 =	simm.s32 $0x100;
	s23 =	rddreg [dreg:$0x8]  }
0x45: {  	[tilespmem:s10], [sflag:$0x2] =	stream.linear.gather [hbm4b:s23+s31], $0x100, $0x38;
	[tilespmem:$0x18BA0] =	vst v63  }
0x46: {  	s24 =	rddreg [dreg:$0x9];
	s21 =	simm.s32 $0x200  }
0x47: {  	[tilespmem:s21], [sflag:$0x3] =	stream.linear.gather [hbm4b:s24+s31], $0x100, $0x38;
	[tilespmem:$0x18BA0] =	vst v63  }
0x48: {  	s28 =	rddreg [dreg:$0xa]  }
0x49: {  	[tilespmem:s25], [sflag:$0x4] =	stream.linear.gather [hbm4b:s28+s31], $0x100, $0x38;
	[tilespmem:$0x18BA0] =	vst v63  }
0x4a: {  	s6 =	rddreg [dreg:$0xb]  }
0x4b: {  	[tilespmem:s26], [sflag:$0x5] =	stream.linear.gather [hbm4b:s6+s31], $0x100, $0x38;
	[tilespmem:$0x18BA0] =	vst v63  }
0x4c: {  	s23 =	simm.s32 $0x1;
	[bflag:$0x0] =	sbarrier.arrive $0xFFFF  }
0x4d: {  	_ =	swait.ge [sflag:s23], $0x100  }
0x4e: {  	[sflag:s23] =	ssyncset.done $0x0  }
0x4f: {  	s24 =	simm.s32 $0x2;
	[sflag:s23] =	ssyncadd.s32 $0xFFFFFF00  }
0x50: {  	[tilespmem:s30], [sflag:$0x6] =	stream.indirect.gather [hbm4b:s4+s29], $0x50, s31, s29, $0xb8;
	[tilespmem:$0x18BA0] =	vst v63  }
0x51: {  	_ =	swait.ge [sflag:s24], $0x100  }
0x52: {  	[sflag:s24] =	ssyncset.done $0x0  }
0x53: {  	[sflag:s24] =	ssyncadd.s32 $0xFFFFFF00  }
0x54: {  	[tilespmem:s0], [sflag:$0x7] =	stream.indirect.gather [hbm4b:s4+s29], $0x50, s10, s29, $0xb8;
	[tilespmem:$0x18BA0] =	vst v63  }
0x55: {  	_ =	swait.ge [sflag:s3], $0x100  }
0x56: {  	[sflag:s3] =	ssyncset.done $0x0  }
0x57: {  	s28 =	simm.s32 $0x5320;
	[sflag:s3] =	ssyncadd.s32 $0xFFFFFF00  }
0x58: {  	[tilespmem:s28], [sflag:$0x8] =	stream.indirect.gather [hbm4b:s4+s29], $0x50, s21, s29, $0xb8;
	[tilespmem:$0x18BA0] =	vst v63  }
0x59: {  	_ =	swait.ge [sflag:s9], $0x100  }
0x5a: {  	[sflag:s9] =	ssyncset.done $0x0  }
0x5b: {  	s6 =	simm.s32 $0x200;
	[sflag:s9] =	ssyncadd.s32 $0xFFFFFF00  }
0x5c: {  	[tilespmem:s15], [sflag:$0x9] =	stream.indirect.gather [hbm4b:s4+s29], $0x50, s25, s29, $0xb8;
	[tilespmem:$0x18BA0] =	vst v63  }
.LBB2_3:
0x5d: {  	_ =	swait.ge [sflag:s16], $0x2710  }
0x5e: {  	[sflag:s16] =	ssyncset.done $0x0  }
0x5f: {  	s7 =	simm.s32 $0x80;
	[sflag:s16] =	ssyncadd.s32 $0xFFFFD8F0  }
0x60: {  	[spmem:s1] =	stream.indirect.scatter.add.f32 [tilespmem:s30], [sflag:$0xB], $0x50, s7, s29, $0xb8;
	[tilespmem:$0x18BA0] =	vst v63  }
0x61: {  	p2 =	seq.s32 s31, $0x1360;
	_ =	swait.ge [sflag:s22], $0x2710  }
0x62: {  	s10 =	sadd.s32 @!p2 s31, s20;
	[sflag:s22] =	ssyncset.done $0x0  }
0x63: {  	s21 =	simm.s32 @!p2 $0x0;
	s28 =	sadd.s32 @!p2 $0xA0, s10;
	[sflag:s22] =	ssyncadd.s32 $0xFFFFD8F0  }
0x64: {  	[tilespmem:s21], [sflag:$0x1] =	stream.linear.gather @!p2 [hbm4b:s28+s21], $0x100, $0x38;
	[tilespmem:$0x18BA0] =	vst v63  }
0x65: {  	_ =	swait.ge [sflag:s8], $0x100  }
0x66: {  	[sflag:s8] =	ssyncset.done $0x0  }
0x67: {  	[sflag:s8] =	ssyncadd.s32 $0xFFFFFF00  }
0x68: {  	[tilespmem:s11], [sflag:$0xA] =	stream.indirect.gather [hbm4b:s4+s29], $0x50, s26, s29, $0xb8;
	[tilespmem:$0x18BA0] =	vst v63  }
0x69: {  	_ =	swait.ge [sflag:s12], $0x2710  }
0x6a: {  	[sflag:s12] =	ssyncset.done $0x0  }
0x6b: {  	[sflag:s12] =	ssyncadd.s32 $0xFFFFD8F0  }
0x6c: {  	[spmem:s1] =	stream.indirect.scatter.add.f32 [tilespmem:s0], [sflag:$0xB], $0x50, s13, s29, $0xb8;
	[tilespmem:$0x18BA0] =	vst v63  }
0x6d: {  	_ =	swait.ge [sflag:s22], $0x2710  }
0x6e: {  	[sflag:s22] =	ssyncset.done $0x0  }
0x6f: {  	s28 =	simm.s32 @p2 $0x8;
	[sflag:s22] =	ssyncadd.s32 $0xFFFFD8F0  }
0x70: {  	_ =	swait.ge @p2 [sflag:s28], $0x2710  }
0x71: {  	s23 =	simm.s32 @p2 $0x280;
	[sflag:s28] =	ssyncset.done @p2 $0x0  }
0x72: {  	s7 =	simm.s32 @p2 $0x5320;
	[sflag:s28] =	ssyncadd.s32 @p2 $0xFFFFD8F0;
	s28 =	simm.s32 @p2 $0x7D  }
0x73: {  	[spmem:s1] =	stream.indirect.scatter.add.f32 @p2 [tilespmem:s7], [sflag:$0xB], $0x50, s23, s28, $0xb8;
	[tilespmem:$0x18BA0] =	vst v63  }
0x74: {  	s7 =	simm.s32 @p2 $0xB  }
0x75: {  	_ =	swait.ge @p2 [sflag:s7], $0x2710  }
0x76: {  	[sflag:s7] =	ssyncset.done @p2 $0x0  }
0x77: {  	s23 =	simm.s32 @!p2 $0x100;
	[sflag:s7] =	ssyncadd.s32 @p2 $0xFFFFD8F0;
	s7 =	sadd.s32 @!p2 $0xC0, s10  }
0x78: {  	[tilespmem:s23], [sflag:$0x2] =	stream.linear.gather @!p2 [hbm4b:s7+s21], $0x100, $0x38;
	[tilespmem:$0x18BA0] =	vst v63  }
0x79: {  	s7 =	simm.s32 @!p2 $0x1  }
0x7a: {  	_ =	swait.ge @!p2 [sflag:s7], $0x100  }
0x7b: {  	[sflag:s7] =	ssyncset.done @!p2 $0x0  }
0x7c: {  	s28 =	simm.s32 @!p2 $0x500;
	[sflag:s7] =	ssyncadd.s32 @!p2 $0xFFFFFF00;
	s7 =	simm.s32 @!p2 $0x7D  }
0x7d: {  	[tilespmem:s28], [sflag:$0x6] =	stream.indirect.gather @!p2 [hbm4b:s4+s7], $0x50, s21, s7, $0xb8;
	[tilespmem:$0x18BA0] =	vst v63  }
0x7e: {  	s28 =	simm.s32 @!p2 $0x8  }
0x7f: {  	_ =	swait.ge @!p2 [sflag:s28], $0x2710  }
0x80: {  	[sflag:s28] =	ssyncset.done @!p2 $0x0  }
0x81: {  	s24 =	simm.s32 @!p2 $0x5320;
	[sflag:s28] =	ssyncadd.s32 @!p2 $0xFFFFD8F0;
	s28 =	simm.s32 @!p2 $0x280  }
0x82: {  	[spmem:s1] =	stream.indirect.scatter.add.f32 @!p2 [tilespmem:s24], [sflag:$0xB], $0x50, s28, s7, $0xb8;
	[tilespmem:$0x18BA0] =	vst v63  }
0x83: {  	s24 =	simm.s32 @!p2 $0xB  }
0x84: {  	_ =	swait.ge @!p2 [sflag:s24], $0x2710  }
0x85: {  	[sflag:s24] =	ssyncset.done @!p2 $0x0  }
0x86: {  	s10 =	sadd.s32 @!p2 $0xE0, s10;
	[sflag:s24] =	ssyncadd.s32 @!p2 $0xFFFFD8F0;
	s24 =	simm.s32 @!p2 $0x200  }
0x87: {  	[tilespmem:s24], [sflag:$0x3] =	stream.linear.gather @!p2 [hbm4b:s10+s21], $0x100, $0x38;
	[tilespmem:$0x18BA0] =	vst v63  }
0x88: {  	s10 =	simm.s32 @!p2 $0x2  }
0x89: {  	_ =	swait.ge @!p2 [sflag:s10], $0x100  }
0x8a: {  	[sflag:s10] =	ssyncset.done @!p2 $0x0  }
0x8b: {  	[sflag:s10] =	ssyncadd.s32 @!p2 $0xFFFFFF00;
	s10 =	simm.s32 @!p2 $0x2C10  }
0x8c: {  	[tilespmem:s10], [sflag:$0x7] =	stream.indirect.gather @!p2 [hbm4b:s4+s7], $0x50, s23, s7, $0xb8;
	[tilespmem:$0x18BA0] =	vst v63  }
0x8d: {  	_ =	swait.ge [sflag:s14], $0x2710  }
0x8e: {  	[sflag:s14] =	ssyncset.done $0x0  }
.Ltmp3:
0x8f: {  	[sflag:s14] =	ssyncadd.s32 $0xFFFFD8F0;
	(pc) =	sbr.rel @p2 .LBB2_8-.Ltmp3, $4  }
0x90: {  	[spmem:s1] =	stream.indirect.scatter.add.f32 [tilespmem:s15], [sflag:$0xB], $0x50, s17, s29, $0xb8;
	[tilespmem:$0x18BA0] =	vst v63  }
0x91: {  	_ =	swait.ge [sflag:s22], $0x2710  }
0x92: {  	[sflag:s22] =	ssyncset.done $0x0  }
0x93: {  	[sflag:s22] =	ssyncadd.s32 $0xFFFFD8F0  }
0x94: {  	s7 =	sadd.s32 s31, s20  }
0x95: {  	s10 =	sadd.s32 $0x100, s7  }
0x96: {  	[tilespmem:s25], [sflag:$0x4] =	stream.linear.gather [hbm4b:s10+s2], $0x100, $0x38;
	[tilespmem:$0x18BA0] =	vst v63  }
0x97: {  	_ =	swait.ge [sflag:s3], $0x100  }
0x98: {  	[sflag:s3] =	ssyncset.done $0x0  }
0x99: {  	s28 =	simm.s32 $0x5320;
	[sflag:s3] =	ssyncadd.s32 $0xFFFFFF00  }
0x9a: {  	[tilespmem:s28], [sflag:$0x8] =	stream.indirect.gather [hbm4b:s4+s29], $0x50, s6, s29, $0xb8;
	[tilespmem:$0x18BA0] =	vst v63  }
0x9b: {  	_ =	swait.ge [sflag:s18], $0x2710  }
0x9c: {  	[sflag:s18] =	ssyncset.done $0x0  }
0x9d: {  	[sflag:s18] =	ssyncadd.s32 $0xFFFFD8F0  }
0x9e: {  	[spmem:s1] =	stream.indirect.scatter.add.f32 [tilespmem:s11], [sflag:$0xB], $0x50, s19, s29, $0xb8;
	[tilespmem:$0x18BA0] =	vst v63  }
0x9f: {  	_ =	swait.ge [sflag:s22], $0x2710  }
0xa0: {  	[sflag:s22] =	ssyncset.done $0x0  }
0xa1: {  	s7 =	sadd.s32 $0x120, s7;
	[sflag:s22] =	ssyncadd.s32 $0xFFFFD8F0  }
0xa2: {  	[tilespmem:s26], [sflag:$0x5] =	stream.linear.gather [hbm4b:s7+s2], $0x100, $0x38;
	[tilespmem:$0x18BA0] =	vst v63  }
.Ltmp4:
0xa3: {  	_ = 	snop;
	(pc) =	sbr.rel .LBB2_3-.Ltmp4, $4  }
0xa4: {  	_ =	swait.ge [sflag:s9], $0x100  }
0xa5: {  	[sflag:s9] =	ssyncset.done $0x0  }
0xa6: {  	s31 =	sadd.s32 $0xA0, s31;
	[sflag:s9] =	ssyncadd.s32 $0xFFFFFF00  }
0xa7: {  	[tilespmem:s15], [sflag:$0x9] =	stream.indirect.gather [hbm4b:s4+s29], $0x50, s25, s29, $0xb8;
	[tilespmem:$0x18BA0] =	vst v63  }
.LBB2_5:
0xa8: {  	s7 =	rddreg [dreg:$0x4]  }
0xa9: {  	[spmem:s10], [sflag:s21] =	dma.local [hbm:s7], $0x1860  }
0xaa: {  	_ =	swait.ge [sflag:s22], $0x1860  }
0xab: {  	[sflag:s22] =	ssyncset.done $0x0  }
0xac: {  	s7 =	rddreg [dreg:$0x6];
	[sflag:s22] =	ssyncadd.s32 $0xFFFFE7A0  }
0xad: {  	[spmem:s6], [sflag:s21] =	dma.local @!p1 [hbm:s7], $0xA0  }
0xae: {  	s7 =	simm.s32 @!p1 $0xB  }
0xaf: {  	_ =	swait.ge @!p1 [sflag:s7], $0xA0  }
0xb0: {  	[sflag:s7] =	ssyncset.done @!p1 $0x0  }
0xb1: {  	s31 =	simm.s32 $0x0;
	s21 =	rddreg [dreg:$0x7];
	[sflag:s7] =	ssyncadd.s32 @!p1 $0xFFFFFF60  }
0xb2: {  	[tilespmem:s31], [sflag:$0x1] =	stream.linear.gather [hbm4b:s21+s31], $0x100, $0x38;
	[tilespmem:$0x18BA0] =	vst v63  }
0xb3: {  	s10 =	simm.s32 $0x100;
	s23 =	rddreg [dreg:$0x8]  }
0xb4: {  	[tilespmem:s10], [sflag:$0x2] =	stream.linear.gather [hbm4b:s23+s31], $0x100, $0x38;
	[tilespmem:$0x18BA0] =	vst v63  }
0xb5: {  	s24 =	rddreg [dreg:$0x9];
	s21 =	simm.s32 $0x200  }
0xb6: {  	[tilespmem:s21], [sflag:$0x3] =	stream.linear.gather [hbm4b:s24+s31], $0x100, $0x38;
	[tilespmem:$0x18BA0] =	vst v63  }
0xb7: {  	s28 =	rddreg [dreg:$0xa]  }
0xb8: {  	[tilespmem:s25], [sflag:$0x4] =	stream.linear.gather [hbm4b:s28+s31], $0x100, $0x38;
	[tilespmem:$0x18BA0] =	vst v63  }
0xb9: {  	s6 =	rddreg [dreg:$0xb]  }
0xba: {  	[tilespmem:s26], [sflag:$0x5] =	stream.linear.gather [hbm4b:s6+s31], $0x100, $0x38;
	[tilespmem:$0x18BA0] =	vst v63  }
0xbb: {  	s23 =	simm.s32 $0x1;
	[bflag:$0x0] =	sbarrier.arrive $0xFFFF  }
0xbc: {  	_ =	swait.ge [sflag:s23], $0x100  }
0xbd: {  	[sflag:s23] =	ssyncset.done $0x0  }
0xbe: {  	s24 =	simm.s32 $0x2;
	[sflag:s23] =	ssyncadd.s32 $0xFFFFFF00  }
0xbf: {  	[tilespmem:s30], [sflag:$0x6] =	stream.indirect.gather [hbm4b:s5+s29], $0x50, s31, s29, $0xb8;
	[tilespmem:$0x18BA0] =	vst v63  }
0xc0: {  	_ =	swait.ge [sflag:s24], $0x100  }
0xc1: {  	[sflag:s24] =	ssyncset.done $0x0  }
0xc2: {  	[sflag:s24] =	ssyncadd.s32 $0xFFFFFF00  }
0xc3: {  	[tilespmem:s0], [sflag:$0x7] =	stream.indirect.gather [hbm4b:s5+s29], $0x50, s10, s29, $0xb8;
	[tilespmem:$0x18BA0] =	vst v63  }
0xc4: {  	_ =	swait.ge [sflag:s3], $0x100  }
0xc5: {  	[sflag:s3] =	ssyncset.done $0x0  }
0xc6: {  	s28 =	simm.s32 $0x5320;
	[sflag:s3] =	ssyncadd.s32 $0xFFFFFF00  }
0xc7: {  	[tilespmem:s28], [sflag:$0x8] =	stream.indirect.gather [hbm4b:s5+s29], $0x50, s21, s29, $0xb8;
	[tilespmem:$0x18BA0] =	vst v63  }
0xc8: {  	_ =	swait.ge [sflag:s9], $0x100  }
0xc9: {  	[sflag:s9] =	ssyncset.done $0x0  }
0xca: {  	s6 =	simm.s32 $0x200;
	[sflag:s9] =	ssyncadd.s32 $0xFFFFFF00  }
0xcb: {  	[tilespmem:s15], [sflag:$0x9] =	stream.indirect.gather [hbm4b:s5+s29], $0x50, s25, s29, $0xb8;
	[tilespmem:$0x18BA0] =	vst v63  }
.LBB2_6:
0xcc: {  	_ =	swait.ge [sflag:s16], $0x2710  }
0xcd: {  	[sflag:s16] =	ssyncset.done $0x0  }
0xce: {  	s7 =	simm.s32 $0x80;
	[sflag:s16] =	ssyncadd.s32 $0xFFFFD8F0  }
0xcf: {  	[spmem:s1] =	stream.indirect.scatter.add.f32 [tilespmem:s30], [sflag:$0xB], $0x50, s7, s29, $0xb8;
	[tilespmem:$0x18BA0] =	vst v63  }
0xd0: {  	p2 =	seq.s32 s31, $0x1360;
	_ =	swait.ge [sflag:s22], $0x2710  }
0xd1: {  	s7 =	sadd.s32 @!p2 s31, s20;
	[sflag:s22] =	ssyncset.done $0x0  }
0xd2: {  	s21 =	simm.s32 @!p2 $0x0;
	s10 =	sadd.s32 @!p2 $0xA0, s7;
	[sflag:s22] =	ssyncadd.s32 $0xFFFFD8F0  }
0xd3: {  	[tilespmem:s21], [sflag:$0x1] =	stream.linear.gather @!p2 [hbm4b:s10+s21], $0x100, $0x38;
	[tilespmem:$0x18BA0] =	vst v63  }
0xd4: {  	_ =	swait.ge [sflag:s8], $0x100  }
0xd5: {  	[sflag:s8] =	ssyncset.done $0x0  }
0xd6: {  	[sflag:s8] =	ssyncadd.s32 $0xFFFFFF00  }
0xd7: {  	[tilespmem:s11], [sflag:$0xA] =	stream.indirect.gather [hbm4b:s5+s29], $0x50, s26, s29, $0xb8;
	[tilespmem:$0x18BA0] =	vst v63  }
0xd8: {  	_ =	swait.ge [sflag:s12], $0x2710  }
0xd9: {  	[sflag:s12] =	ssyncset.done $0x0  }
0xda: {  	[sflag:s12] =	ssyncadd.s32 $0xFFFFD8F0  }
0xdb: {  	[spmem:s1] =	stream.indirect.scatter.add.f32 [tilespmem:s0], [sflag:$0xB], $0x50, s13, s29, $0xb8;
	[tilespmem:$0x18BA0] =	vst v63  }
0xdc: {  	_ =	swait.ge [sflag:s22], $0x2710  }
0xdd: {  	[sflag:s22] =	ssyncset.done $0x0  }
0xde: {  	s10 =	simm.s32 @p2 $0x8;
	[sflag:s22] =	ssyncadd.s32 $0xFFFFD8F0  }
0xdf: {  	_ =	swait.ge @p2 [sflag:s10], $0x2710  }
0xe0: {  	s23 =	simm.s32 @p2 $0x280;
	[sflag:s10] =	ssyncset.done @p2 $0x0  }
0xe1: {  	s24 =	simm.s32 @p2 $0x5320;
	[sflag:s10] =	ssyncadd.s32 @p2 $0xFFFFD8F0;
	s10 =	simm.s32 @p2 $0x7D  }
0xe2: {  	[spmem:s1] =	stream.indirect.scatter.add.f32 @p2 [tilespmem:s24], [sflag:$0xB], $0x50, s23, s10, $0xb8;
	[tilespmem:$0x18BA0] =	vst v63  }
0xe3: {  	s10 =	simm.s32 @p2 $0xB  }
0xe4: {  	_ =	swait.ge @p2 [sflag:s10], $0x2710  }
0xe5: {  	[sflag:s10] =	ssyncset.done @p2 $0x0  }
0xe6: {  	s23 =	simm.s32 @!p2 $0x100;
	[sflag:s10] =	ssyncadd.s32 @p2 $0xFFFFD8F0;
	s10 =	sadd.s32 @!p2 $0xC0, s7  }
0xe7: {  	[tilespmem:s23], [sflag:$0x2] =	stream.linear.gather @!p2 [hbm4b:s10+s21], $0x100, $0x38;
	[tilespmem:$0x18BA0] =	vst v63  }
0xe8: {  	s10 =	simm.s32 @!p2 $0x1  }
0xe9: {  	_ =	swait.ge @!p2 [sflag:s10], $0x100  }
0xea: {  	[sflag:s10] =	ssyncset.done @!p2 $0x0  }
0xeb: {  	s24 =	simm.s32 @!p2 $0x500;
	[sflag:s10] =	ssyncadd.s32 @!p2 $0xFFFFFF00;
	s10 =	simm.s32 @!p2 $0x7D  }
0xec: {  	[tilespmem:s24], [sflag:$0x6] =	stream.indirect.gather @!p2 [hbm4b:s5+s10], $0x50, s21, s10, $0xb8;
	[tilespmem:$0x18BA0] =	vst v63  }
0xed: {  	s24 =	simm.s32 @!p2 $0x8  }
0xee: {  	_ =	swait.ge @!p2 [sflag:s24], $0x2710  }
0xef: {  	[sflag:s24] =	ssyncset.done @!p2 $0x0  }
0xf0: {  	s28 =	simm.s32 @!p2 $0x5320;
	[sflag:s24] =	ssyncadd.s32 @!p2 $0xFFFFD8F0;
	s24 =	simm.s32 @!p2 $0x280  }
0xf1: {  	[spmem:s1] =	stream.indirect.scatter.add.f32 @!p2 [tilespmem:s28], [sflag:$0xB], $0x50, s24, s10, $0xb8;
	[tilespmem:$0x18BA0] =	vst v63  }
0xf2: {  	s24 =	simm.s32 @!p2 $0xB  }
0xf3: {  	_ =	swait.ge @!p2 [sflag:s24], $0x2710  }
0xf4: {  	[sflag:s24] =	ssyncset.done @!p2 $0x0  }
0xf5: {  	s7 =	sadd.s32 @!p2 $0xE0, s7;
	[sflag:s24] =	ssyncadd.s32 @!p2 $0xFFFFD8F0;
	s24 =	simm.s32 @!p2 $0x200  }
0xf6: {  	[tilespmem:s24], [sflag:$0x3] =	stream.linear.gather @!p2 [hbm4b:s7+s21], $0x100, $0x38;
	[tilespmem:$0x18BA0] =	vst v63  }
0xf7: {  	s7 =	simm.s32 @!p2 $0x2  }
0xf8: {  	_ =	swait.ge @!p2 [sflag:s7], $0x100  }
0xf9: {  	[sflag:s7] =	ssyncset.done @!p2 $0x0  }
0xfa: {  	[sflag:s7] =	ssyncadd.s32 @!p2 $0xFFFFFF00;
	s7 =	simm.s32 @!p2 $0x2C10  }
0xfb: {  	[tilespmem:s7], [sflag:$0x7] =	stream.indirect.gather @!p2 [hbm4b:s5+s10], $0x50, s23, s10, $0xb8;
	[tilespmem:$0x18BA0] =	vst v63  }
0xfc: {  	_ =	swait.ge [sflag:s14], $0x2710  }
0xfd: {  	[sflag:s14] =	ssyncset.done $0x0  }
.Ltmp5:
0xfe: {  	[sflag:s14] =	ssyncadd.s32 $0xFFFFD8F0;
	(pc) =	sbr.rel @p2 .LBB2_8-.Ltmp5, $4  }
0xff: {  	[spmem:s1] =	stream.indirect.scatter.add.f32 [tilespmem:s15], [sflag:$0xB], $0x50, s17, s29, $0xb8;
	[tilespmem:$0x18BA0] =	vst v63  }
0x100: {  	_ =	swait.ge [sflag:s22], $0x2710  }
0x101: {  	[sflag:s22] =	ssyncset.done $0x0  }
0x102: {  	[sflag:s22] =	ssyncadd.s32 $0xFFFFD8F0  }
0x103: {  	s7 =	sadd.s32 s31, s20  }
0x104: {  	s10 =	sadd.s32 $0x100, s7  }
0x105: {  	[tilespmem:s25], [sflag:$0x4] =	stream.linear.gather [hbm4b:s10+s2], $0x100, $0x38;
	[tilespmem:$0x18BA0] =	vst v63  }
0x106: {  	_ =	swait.ge [sflag:s3], $0x100  }
0x107: {  	[sflag:s3] =	ssyncset.done $0x0  }
0x108: {  	s28 =	simm.s32 $0x5320;
	[sflag:s3] =	ssyncadd.s32 $0xFFFFFF00  }
0x109: {  	[tilespmem:s28], [sflag:$0x8] =	stream.indirect.gather [hbm4b:s5+s29], $0x50, s6, s29, $0xb8;
	[tilespmem:$0x18BA0] =	vst v63  }
0x10a: {  	_ =	swait.ge [sflag:s18], $0x2710  }
0x10b: {  	[sflag:s18] =	ssyncset.done $0x0  }
0x10c: {  	[sflag:s18] =	ssyncadd.s32 $0xFFFFD8F0  }
0x10d: {  	[spmem:s1] =	stream.indirect.scatter.add.f32 [tilespmem:s11], [sflag:$0xB], $0x50, s19, s29, $0xb8;
	[tilespmem:$0x18BA0] =	vst v63  }
0x10e: {  	_ =	swait.ge [sflag:s22], $0x2710  }
0x10f: {  	[sflag:s22] =	ssyncset.done $0x0  }
0x110: {  	s7 =	sadd.s32 $0x120, s7;
	[sflag:s22] =	ssyncadd.s32 $0xFFFFD8F0  }
0x111: {  	[tilespmem:s26], [sflag:$0x5] =	stream.linear.gather [hbm4b:s7+s2], $0x100, $0x38;
	[tilespmem:$0x18BA0] =	vst v63  }
.Ltmp6:
0x112: {  	_ = 	snop;
	(pc) =	sbr.rel .LBB2_6-.Ltmp6, $4  }
0x113: {  	_ =	swait.ge [sflag:s9], $0x100  }
0x114: {  	[sflag:s9] =	ssyncset.done $0x0  }
0x115: {  	s31 =	sadd.s32 $0xA0, s31;
	[sflag:s9] =	ssyncadd.s32 $0xFFFFFF00  }
0x116: {  	[tilespmem:s15], [sflag:$0x9] =	stream.indirect.gather [hbm4b:s5+s29], $0x50, s25, s29, $0xb8;
	[tilespmem:$0x18BA0] =	vst v63  }
.LBB2_9:
0x117: {  	_ =	sfence.sel $0x180000  }
0x118: {  	[bflag:$0x0] =	sbarrier.arrive $0xFFFF  }
0x119: {  	_ =	strace $0x9000004A  }
0x11a: {  	s0 =	stileid.u32;
	[bflag:$0x2] =	sbarrier.arrive $0xFFFF  }
0x11b: {  	p0 =	sne.s32 s0, $0x0;
	s0 =	rddreg [dreg:$0x2]  }
0x11c: {  	s0 =	sadd.s32 @!p0 $0x100000, s0  }
0x11d: {  	[sflag:s0] =	ssyncadd.tile.s32 @!p0 $0x1;
	_ =	shalt  }
.Lfunc_end2:
_tile_overlayer_lowered:
.L_overlay_start_2:
0x11e: {  	(tag) =	ssettag $0x2  }
0x11f: {  	s0 =	rddreg [dreg:$0x0];
	s2 =	stileid.u32  }
0x120: {  	s1 =	rddreg [dreg:$0x1];
	p0 =	sne.s32 s2, $0x0  }
0x121: {  	s3 =	rddreg [dreg:$0x2];
	[bflag:$0x3] =	sbarrier.arrive $0xFFFF;
	s2 =	simm.s32 @!p0 $0x1C0B  }
0x122: {  	[timem:s3], [sflag:s2] =	dma.local @!p0 [hbm:s0], s1  }
0x123: {  	s0 =	simm.s32 @!p0 $0xB  }
0x124: {  	_ =	swait.ge @!p0 [sflag:s0], s1  }
0x125: {  	s1 =	ssub.s32 @!p0 $0x0, s1;
	[sflag:s0] =	ssyncset.done @!p0 $0x0  }
0x126: {  	[sflag:s0] =	ssyncadd.s32 @!p0 s1  }
0x127: {  	[bflag:$0x3] =	sbarrier.arrive $0xFFFF  }
0x128: {  	_ =	shalt  }

// kernel: kernel.16.cloned.1.call-start
scs
__scs_entry_jumppad:
0x0: {  	(pc) =	sbr.rel $0x88, $3  }
0x1: {  	(tag) =	ssettag $0x0;
	lr =	simm.s32 $0x1  }
0x2: {  	[smem:$0x3F8E] =	sst lr;
	_ =	strace $0xD0000000  }
0x3: {  	_ = 	snop  }
0x4: {  	_ = 	snop  }
0x5: {  	_ = 	snop  }
0x6: {  	_ = 	snop  }
0x7: {  	_ = 	snop  }
__scs_overlays_trampoline_lowered:
0x8: {  	[smem:$0x3F9D] =	sst s0  }
0x9: {  	[smem:$0x3F9E] =	sst s1  }
0xa: {  	[smem:$0x3F9F] =	sst s2  }
0xb: {  	[smem:$0x3FA0] =	sst s3  }
0xc: {  	[smem:$0x3FA1] =	sst s4  }
0xd: {  	[smem:$0x3FA2] =	sst s5  }
0xe: {  	[smem:$0x3FA3] =	sst s6  }
0xf: {  	[smem:$0x3FA4] =	sst s7  }
0x10: {  	[smem:$0x3FA5] =	sst s8  }
0x11: {  	[smem:$0x3FA6] =	sst s9;
	s0 =	simm.s32 @!p0 $0x0  }
0x12: {  	s1 =	sld [smem:$0x3F8C];
	s0 =	simm.s32 @p0 $0x1  }
0x13: {  	[smem:$0x3FA7] =	sst s0;
	s0 =	simm.s32 @!p1 $0x0  }
0x14: {  	s2 =	sld [smem:$0x3F8B];
	s0 =	simm.s32 @p1 $0x1  }
0x15: {  	[smem:$0x3FA8] =	sst s0;
	s0 =	simm.s32 @!p2 $0x0  }
0x16: {  	s3 =	sld [smem:$0x3FDB];
	s0 =	simm.s32 @p2 $0x1  }
0x17: {  	s4 =	simm.s32 $0x1BF5;
	[smem:$0x3FAA] =	sst s0  }
0x18: {  	s0 =	sld [smem:$0x3F8D];
	_ =	swait.ge [sflag:s4], $0x0  }
0x19: {  	s7 =	sld [smem:$0x3F8E]  }
0x1a: {  	s8 =	sadd.s32 $0xFFFFE003, lr  }
0x1b: {  	s9 =	sadd.s32 $0xFFFFFEF7, lr;
	s5 =	simm.s32 $0xFFFFFFFF;
	p2 =	slt.u32 s8, $0xFFFFF086  }
0x1c: {  	p1 =	slt.u32 s9, $0xF7A;
	s5 =	simm.s32 @!p2 $0x0  }
0x1d: {  	s5 =	simm.s32 @p1 $0x1;
	p0 =	seq.s32 s7, s2  }
0x1e: {  	s7 =	smul.u32 @!p0 $0xF7A, s2;
	p2 =	seq.s32 @!p0 s5, $0x0  }
0x1f: {  	s9 =	smul.u32 $0xF7A, s1;
	s8 =	simm.s32 @!p0 $0x1BF5;
	p2 =	por !p2, p0  }
0x20: {  	[sflag:s8] =	ssyncset.s32 @!p0 $0xFFFFF086;
	s6 =	sadd.s32 @!p0 s3, s7;
	s7 =	simm.s32 @!p0 $0x108  }
0x21: {  	s3 =	sadd.s32 s3, s9;
	s6 =	sadd.s32 @!p0 $0x88, s6;
	s7 =	simm.s32 @p2 $0x1082  }
0x22: {  	[simem:s7], [sflag:s8] =	dma.local @!p0 [hbm:s6], $0xF7A  }
0x23: {  	s9 =	sor.u32 $0xD0000000, s2;
	s6 =	simm.s32 $0x108;
	_ =	swait.ge @!p0 [sflag:s8], $0x0  }
0x24: {  	s3 =	sadd.s32 $0x88, s3;
	s6 =	simm.s32 @!p1 $0x1082;
	[sflag:s4] =	ssyncset.s32 $0xFFFFF086  }
0x25: {  	[simem:s6], [sflag:s4] =	dma.local [hbm:s3], $0xF7A  }
0x26: {  	[smem:$0x3F8E] =	sst s1;
	(tag) =	ssettag s2;
	_ =	strace s9  }
0x27: {  	s1 =	sld [smem:$0x3F9E]  }
0x28: {  	s2 =	sld [smem:$0x3F9F]  }
0x29: {  	s4 =	sld [smem:$0x3FA1]  }
0x2a: {  	p0 =	seq.s32 s5, $0x0;
	s5 =	sld [smem:$0x3FA2]  }
0x2b: {  	s6 =	sld [smem:$0x3FA3]  }
0x2c: {  	s7 =	sld [smem:$0x3FA4]  }
0x2d: {  	s3 =	simm.s32 $0x108;
	s8 =	sld [smem:$0x3FA5]  }
0x2e: {  	s3 =	simm.s32 @!p0 $0x1082;
	s9 =	sld [smem:$0x3FA6]  }
0x2f: {  	lr =	sadd.s32 s0, s3;
	s0 =	sld [smem:$0x3F9D]  }
0x30: {  	s3 =	sld [smem:$0x3FA0]  }
0x31: {  	[smem:$0x3FA9] =	sst s10  }
0x32: {  	s10 =	sld [smem:$0x3FA7];
	_ =	sdelay $0x3  }
0x33: {  	p0 =	seq.s32 s10, $0x1;
	s10 =	sld [smem:$0x3FA9];
	_ =	sdelay $0x3  }
0x34: {  	[smem:$0x3FA9] =	sst s10  }
0x35: {  	s10 =	sld [smem:$0x3FA8];
	_ =	sdelay $0x3  }
0x36: {  	p1 =	seq.s32 s10, $0x1;
	s10 =	sld [smem:$0x3FA9];
	_ =	sdelay $0x3  }
0x37: {  	[smem:$0x3FA9] =	sst s10  }
0x38: {  	s10 =	sld [smem:$0x3FAA]  }
0x39: {  	_ = 	snop;
	(pc) =	sbr.ind lr, $3  }
0x3a: {  	_ = 	snop  }
0x3b: {  	_ = 	snop  }
0x3c: {  	p2 =	seq.s32 s10, $0x1;
	s10 =	sld [smem:$0x3FA9]  }
0x3d: {  	_ =	shalt  }
0x3e: {  	_ =	shalt  }
0x3f: {  	_ =	shalt  }
0x40: {  	_ =	shalt  }
0x41: {  	_ =	shalt  }
0x42: {  	_ =	shalt  }
0x43: {  	_ =	shalt  }
0x44: {  	_ =	shalt  }
0x45: {  	_ =	shalt  }
0x46: {  	_ =	shalt  }
0x47: {  	_ =	shalt  }
0x48: {  	_ =	shalt  }
0x49: {  	_ =	shalt  }
0x4a: {  	_ =	shalt  }
0x4b: {  	_ =	shalt  }
0x4c: {  	_ =	shalt  }
0x4d: {  	_ =	shalt  }
0x4e: {  	_ =	shalt  }
0x4f: {  	_ =	shalt  }
0x50: {  	_ =	shalt  }
0x51: {  	_ =	shalt  }
0x52: {  	_ =	shalt  }
0x53: {  	_ =	shalt  }
0x54: {  	_ =	shalt  }
0x55: {  	_ =	shalt  }
0x56: {  	_ =	shalt  }
0x57: {  	_ =	shalt  }
0x58: {  	_ =	shalt  }
0x59: {  	_ =	shalt  }
0x5a: {  	_ =	shalt  }
0x5b: {  	_ =	shalt  }
0x5c: {  	_ =	shalt  }
0x5d: {  	_ =	shalt  }
0x5e: {  	_ =	shalt  }
0x5f: {  	_ =	shalt  }
0x60: {  	_ =	shalt  }
0x61: {  	_ =	shalt  }
0x62: {  	_ =	shalt  }
0x63: {  	_ =	shalt  }
0x64: {  	_ =	shalt  }
0x65: {  	_ =	shalt  }
0x66: {  	_ =	shalt  }
0x67: {  	_ =	shalt  }
0x68: {  	_ =	shalt  }
0x69: {  	_ =	shalt  }
0x6a: {  	_ =	shalt  }
0x6b: {  	_ =	shalt  }
0x6c: {  	_ =	shalt  }
0x6d: {  	_ =	shalt  }
0x6e: {  	_ =	shalt  }
0x6f: {  	_ =	shalt  }
0x70: {  	_ =	shalt  }
0x71: {  	_ =	shalt  }
0x72: {  	_ =	shalt  }
0x73: {  	_ =	shalt  }
0x74: {  	_ =	shalt  }
0x75: {  	_ =	shalt  }
0x76: {  	_ =	shalt  }
0x77: {  	_ =	shalt  }
0x78: {  	_ =	shalt  }
0x79: {  	_ =	shalt  }
0x7a: {  	_ =	shalt  }
0x7b: {  	_ =	shalt  }
0x7c: {  	_ =	shalt  }
0x7d: {  	_ =	shalt  }
0x7e: {  	_ =	shalt  }
0x7f: {  	_ =	shalt  }
0x80: {  	_ =	shalt  }
0x81: {  	_ =	shalt  }
0x82: {  	_ =	shalt  }
0x83: {  	_ =	shalt  }
0x84: {  	_ =	shalt  }
0x85: {  	_ =	shalt  }
0x86: {  	_ =	shalt  }
0x87: {  	_ =	shalt  }
.Lfunc_end0:
.L_simem_size_0:
called_computation.2_lowered:
.L_overlay_start_0:
0x88: {  	s2 =	sld [smem:$0x3FD9]  }
0x89: {  	s3 =	sld [smem:$0x3FFE];
	_ =	sdelay $0x1  }
0x8a: {  	s1 =	srdreg.scid  }
0x8b: {  	s0 =	sand.u32 $0x1, s1  }
0x8c: {  	s16 =	sshll.u32 s0, $0xA;
	s2 =	sadd.s32 s3, s2  }
0x8d: {  	s2 =	sadd.s32 s2, s16  }
0x8e: {  	[smem:$0x3FB5] =	sst s2  }
0x8f: {  	_ = 	snop  }
0x90: {  	(tm) =	ssettm $0x1  }
0x91: {  	s17 =	sld [smem:$0x3FFB];
	_ =	sdelay $0x3  }
0x92: {  	_ =	strace s17  }
0x93: {  	s2 =	sld [smem:$0x3FFC];
	_ =	sdelay $0x3  }
0x94: {  	_ =	strace s2  }
0x95: {  	s2 =	sld [smem:$0x3FFD];
	_ =	sdelay $0x3  }
0x96: {  	_ =	strace s2  }
0x97: {  	_ =	strace $0x8FFFFFFF  }
0x98: {  	s18 =	sld [smem:$0x3FDB];
	_ =	sdelay $0x1  }
0x99: {  	s19 =	simm.s32 $_scs_section_size  }
0x9a: {  	s4 =	simm.s32 $_size__tile_overlayer_lowered;
	s5 =	simm.s32 $_tile_overlayer_lowered  }
0x9b: {  	s22 =	simm.s32 $0x1BFF;
	s21 =	sshll.u32 s5, $0x1;
	s2 =	sadd.s32 s19, s18  }
0x9c: {  	s6 =	simm.s32 $0x0;
	s20 =	sshll.u32 s4, $0x1;
	s4 =	sadd.s32 s21, s2  }
0x9d: {  	[timem:s6], [sflag:s22] =	dma.local [hbm:s4], s20  }
0x9e: {  	_ =	swait.ge [sflag:s22], s20  }
0x9f: {  	s3 =	ssub.s32 $0x0, s20;
	[sflag:s22] =	ssyncset.done $0x0  }
0xa0: {  	[sflag:s22] =	ssyncadd.s32 s3;
	_ =	sdelay $0x1  }
0xa1: {  	s23 =	simm.s32 $0x1B8B  }
0xa2: {  	_ =	swait.ge [sflag:s23], $0x1  }
0xa3: {  	[sflag:s23] =	ssyncset.done $0x0  }
0xa4: {  	s25 =	simm.s32 $0x1B8E;
	s24 =	sld [smem:$0x3FFE];
	[sflag:s23] =	ssyncadd.s32 $0xFFFFFFFF  }
0xa5: {  	s26 =	simm.s32 $execute0_lowered;
	[smem:$0x3FD2] =	sst s25  }
0xa6: {  	s4 =	sshll.u32 s26, $0x1;
	_ =	strace $0x8000004C;
	[dreg:$0x1] =	wrdreg $0xFFFFFFFF  }
0xa7: {  	s28 =	simm.s32 $_size_execute0_lowered;
	s2 =	sadd.s32 s2, s4;
	[dreg:$0x0] =	wrdreg $0x0  }
0xa8: {  	s4 =	sshll.u32 s28, $0x1;
	[dreg:$0x2] =	wrdreg s2  }
0xa9: {  	[dreg:$0x3] =	wrdreg s4  }
0xaa: {  	[dreg:$0x4] =	wrdreg $0xC0  }
0xab: {  	_ =	task [dreg:s6], $0x5FFFF  }
0xac: {  	[dreg:$0x1] =	wrdreg $0xFFFFFFFF  }
0xad: {  	[dreg:$0x0] =	wrdreg $0x60  }
0xae: {  	[dreg:$0x2] =	wrdreg s24  }
0xaf: {  	[dreg:$0x3] =	wrdreg $0xC8500  }
0xb0: {  	[dreg:$0x4] =	wrdreg $0x9  }
0xb1: {  	_ =	task.clear_ibuf [dreg:s6], $0x5FFFF;
	_ =	strace $0x9000004C  }
0xb2: {  	s29 =	simm.s32 $0x9;
	_ =	strace $0x8000004E  }
0xb3: {  	_ =	swait.ge [sflag:s29], $0x1  }
0xb4: {  	[sflag:s29] =	ssyncadd.s32 $0xFFFFFFFF  }
0xb5: {  	_ =	strace $0x9000004E  }
0xb6: {  	_ =	sfence  }
0xb7: {  	s30 =	sld [smem:$0x0];
	_ =	sdelay $0x2  }
0xb8: {  	s31 =	sshll.u32 s1, $0xD;
	s1 =	sshrl.u32 s1, $0x2  }
0xb9: {  	s3 =	sand.u32 $0x4000, s31;
	s1 =	sadd.s32 s1, s30  }
0xba: {  	s0 =	sor.u32 s3, s0;
	s1 =	sshll.u32 s1, $0x11  }
0xbb: {  	s0 =	sor.u32 s1, s0  }
0xbc: {  	s0 =	sadd.s32 $0x8F2B, s0  }
0xbd: {  	[sflag:s0] =	ssyncadd.remote.s32 $0x1  }
0xbe: {  	_ =	sfence.sel $0xFFFF  }
0xbf: {  	[dreg:$0x0] =	wrdreg $0xFFFFFFFF;
	(pc) =	sbr.abs _section_cstart, $3  }
0xc0: {  	[dreg:$0x1] =	wrdreg $0xFFFFFFFF  }
0xc1: {  	_ =	task.clear_ibuf [dreg:s6], $0x2FFFF;
	_ =	strace $0x9FFFFFFF  }
0xc2: {  	(tm) =	ssettm $0x7FFFFFFF  }
0xc3: {  	_ =	shalt  }
tec
execute0_lowered:
.L_overlay_start_1:
0x0: {  	(tag) =	ssettag $0x1  }
0x1: {  	s0 =	rddreg [dreg:$0x0]  }
0x2: {  	s1 =	rddreg [dreg:$0x1];
	s2 =	simm.s32 $0x0;
	s3 =	srdreg.scid  }
0x3: {  	s12 =	stileid.u32;
	s29 =	simm.s32 $0x7D;
	s30 =	simm.s32 $0x500  }
0x4: {  	s15 =	simm.s32 $0x7A30;
	[smem:$0x7FF] =	sst s2;
	s4 =	sadd.s32 $0x3800, s0  }
0x5: {  	s3 =	sand.u32 $0x1, s3;
	s5 =	sadd.s32 $0x30800, s0;
	s7 =	smul.u32 $0xC300, s12  }
0x6: {  	s8 =	sadd.s32 $0x1C800, s0;
	s10 =	smul.u32 $0xA000, s12;
	s11 =	sadd.s32 $0x49000, s0  }
0x7: {  	s18 =	sadd.s32 $0xC3000, s1;
	s19 =	sadd.s32 $0x48E00, s0;
	s0 =	sadd.s32 $0x1BE00, s0  }
0x8: {  	s25 =	smul.u32 $0x1400, s12;
	s31 =	sshll.u32 s12, $0x6;
	p1 =	sne.s32 s12, $0xF  }
0x9: {  	s12 =	simm.s32 $0x7;
	_ =	strace $0x8000004D;
	[dreg:$0x5] =	wrdreg s18  }
0xa: {  	s6 =	ssub.s32 $0x2, s3;
	[dreg:$0x6] =	wrdreg s19;
	s22 =	smul.u32 $0xC3500, s3  }
0xb: {  	[dreg:$0xd] =	wrdreg s0;
	p0 =	sne.s32 s3, $0x0;
	s3 =	simm.s32 $0x3  }
0xc: {  	s18 =	simm.s32 $0xA;
	s19 =	simm.s32 $0x480;
	s9 =	sshrl.u32 s6, $0x1  }
0xd: {  	s16 =	sshrl.u32 s7, $0x3;
	s13 =	sadd.s32 s7, s1;
	s10 =	sshrl.u32 s10, $0x3  }
0xe: {  	s6 =	ssub.s32 s6, s9;
	[dreg:$0x3] =	wrdreg s13;
	s17 =	sadd.s32 s5, s16  }
0xf: {  	s20 =	sadd.s32 s8, s10;
	s9 =	sadd.s32 s4, s16;
	s23 =	sadd.s32 s7, s22  }
0x10: {  	s24 =	sshrl.u32 s22, $0x3;
	s22 =	simm.s32 $0xB;
	s16 =	simm.s32 $0x6  }
0x11: {  	[dreg:$0x4] =	wrdreg s17;
	s10 =	sadd.s32 $0x20, s20;
	s21 =	sadd.s32 $0x40, s20  }
0x12: {  	s14 =	sadd.s32 $0x60, s20;
	[dreg:$0x7] =	wrdreg s20;
	s13 =	sadd.s32 $0x80, s20  }
0x13: {  	[dreg:$0xc] =	wrdreg s9;
	s0 =	sshrl.u32 s23, $0x3;
	s7 =	sadd.s32 s11, s24  }
0x14: {  	s28 =	smax.u32 s6, $0x1;
	s20 =	sadd.s32 s25, s8;
	[dreg:$0x8] =	wrdreg s10  }
0x15: {  	s25 =	simm.s32 $0x300;
	s9 =	simm.s32 $0x4;
	[dreg:$0x9] =	wrdreg s21  }
0x16: {  	s8 =	simm.s32 $0x5;
	s17 =	simm.s32 $0x380;
	[dreg:$0xa] =	wrdreg s14  }
.Ltmp0:
0x17: {  	s6 =	simm.s32 $0x0;
	[dreg:$0xb] =	wrdreg s13;
	(pc) =	sbr.rel .LBB2_1-.Ltmp0, $4  }
0x18: {  	s0 =	sadd.s32 s11, s0;
	s26 =	sadd.s32 $0x18600, s7;
	[dreg:$0x10] =	wrdreg s28  }
0x19: {  	s21 =	sor.u32 $0x1C0B, s31;
	s11 =	simm.s32 $0xA140;
	[dreg:$0xe] =	wrdreg s0  }
0x1a: {  	s13 =	simm.s32 $0x180;
	s14 =	simm.s32 $0x9;
	[dreg:$0xf] =	wrdreg s26  }
0x1b: {  	s26 =	simm.s32 $0x400;
	s0 =	simm.s32 $0x2C10;
	[dreg:$0x11] =	wrdreg s21  }
.LBB2_8:
0x1c: {  	_ =	swait.ge [sflag:s18], $0x2710  }
0x1d: {  	[sflag:s18] =	ssyncset.done $0x0  }
0x1e: {  	[sflag:s18] =	ssyncadd.s32 $0xFFFFD8F0  }
0x1f: {  	[spmem:s1] =	stream.indirect.scatter.add.f32 [tilespmem:s11], [sflag:$0xB], $0x50, s19, s29, $0xb8;
	[tilespmem:$0x18BA0] =	vst v63  }
0x20: {  	_ =	swait.ge [sflag:s22], $0x2710  }
0x21: {  	[sflag:s22] =	ssyncset.done $0x0  }
0x22: {  	[sflag:s22] =	ssyncadd.s32 $0xFFFFD8F0  }
0x23: {  	[bflag:$0x0] =	sbarrier.arrive $0xFFFF  }
0x24: {  	s7 =	rddreg [dreg:$0xe]  }
0x25: {  	s21 =	rddreg [dreg:$0x11]  }
0x26: {  	s6 =	rddreg [dreg:$0x14]  }
0x27: {  	[hbm:s7], [sflag:s21] =	dma.local [spmem:s6], $0x1860  }
0x28: {  	_ =	swait.ge [sflag:s22], $0x1860  }
0x29: {  	[sflag:s22] =	ssyncset.done $0x0;
	s7 =	rddreg [dreg:$0xf]  }
0x2a: {  	s6 =	rddreg [dreg:$0x13];
	[sflag:s22] =	ssyncadd.s32 $0xFFFFE7A0  }
0x2b: {  	[hbm:s7], [sflag:s21] =	dma.local @!p1 [spmem:s6], $0xA0  }
0x2c: {  	s7 =	simm.s32 @!p1 $0xB  }
0x2d: {  	_ =	swait.ge @!p1 [sflag:s7], $0xA0  }
0x2e: {  	s31 =	rddreg [dreg:$0x12]  }
0x2f: {  	s10 =	rddreg [dreg:$0x10];
	s6 =	sadd.s32 $0x1, s31  }
0x30: {  	p2 =	sne.s32 s6, s10  }
.Ltmp1:
0x31: {  	_ = 	snop;
	(pc) =	sbr.rel @!p2 .LBB2_9-.Ltmp1, $3  }
0x32: {  	_ =	sdelay $0x1  }
0x33: {  	[sflag:s7] =	ssyncset.done @!p1 $0x0  }
0x34: {  	[sflag:s7] =	ssyncadd.s32 @!p1 $0xFFFFFF60  }
.LBB2_1:
.Ltmp2:
0x35: {  	[dreg:$0x12] =	wrdreg s6;
	(pc) =	sbr.rel @p0 .LBB2_5-.Ltmp2, $4  }
0x36: {  	s7 =	rddreg [dreg:$0x5]  }
0x37: {  	s31 =	rddreg [dreg:$0x3];
	s6 =	sshrl.u32 @!p1 s7, $0x3  }
0x38: {  	s10 =	sshrl.u32 s31, $0x3;
	[dreg:$0x13] =	wrdreg s6  }
0x39: {  	[dreg:$0x14] =	wrdreg s10  }
0x3a: {  	s7 =	rddreg [dreg:$0xc]  }
0x3b: {  	[spmem:s10], [sflag:s21] =	dma.local [hbm:s7], $0x1860  }
0x3c: {  	_ =	swait.ge [sflag:s22], $0x1860  }
0x3d: {  	[sflag:s22] =	ssyncset.done $0x0  }
0x3e: {  	s31 =	simm.s32 @!p1 $0xB;
	s7 =	rddreg [dreg:$0xd];
	[sflag:s22] =	ssyncadd.s32 $0xFFFFE7A0  }
0x3f: {  	[spmem:s6], [sflag:s21] =	dma.local @!p1 [hbm:s7], $0xA0  }
0x40: {  	_ =	swait.ge @!p1 [sflag:s31], $0xA0  }
0x41: {  	[sflag:s31] =	ssyncset.done @!p1 $0x0  }
0x42: {  	s21 =	rddreg [dreg:$0x7];
	[sflag:s31] =	ssyncadd.s32 @!p1 $0xFFFFFF60;
	s31 =	simm.s32 $0x0  }
0x43: {  	[tilespmem:s31], [sflag:$0x1] =	stream.linear.gather [hbm4b:s21+s31], $0x100, $0x38;
	[tilespmem:$0x18BA0] =	vst v63  }
0x44: {  	s10 =	simm.s32 $0x100;
	s23 =	rddreg [dreg:$0x8]  }
0x45: {  	[tilespmem:s10], [sflag:$0x2] =	stream.linear.gather [hbm4b:s23+s31], $0x100, $0x38;
	[tilespmem:$0x18BA0] =	vst v63  }
0x46: {  	s24 =	rddreg [dreg:$0x9];
	s21 =	simm.s32 $0x200  }
0x47: {  	[tilespmem:s21], [sflag:$0x3] =	stream.linear.gather [hbm4b:s24+s31], $0x100, $0x38;
	[tilespmem:$0x18BA0] =	vst v63  }
0x48: {  	s28 =	rddreg [dreg:$0xa]  }
0x49: {  	[tilespmem:s25], [sflag:$0x4] =	stream.linear.gather [hbm4b:s28+s31], $0x100, $0x38;
	[tilespmem:$0x18BA0] =	vst v63  }
0x4a: {  	s6 =	rddreg [dreg:$0xb]  }
0x4b: {  	[tilespmem:s26], [sflag:$0x5] =	stream.linear.gather [hbm4b:s6+s31], $0x100, $0x38;
	[tilespmem:$0x18BA0] =	vst v63  }
0x4c: {  	s23 =	simm.s32 $0x1;
	[bflag:$0x0] =	sbarrier.arrive $0xFFFF  }
0x4d: {  	_ =	swait.ge [sflag:s23], $0x100  }
0x4e: {  	[sflag:s23] =	ssyncset.done $0x0  }
0x4f: {  	s24 =	simm.s32 $0x2;
	[sflag:s23] =	ssyncadd.s32 $0xFFFFFF00  }
0x50: {  	[tilespmem:s30], [sflag:$0x6] =	stream.indirect.gather [hbm4b:s4+s29], $0x50, s31, s29, $0xb8;
	[tilespmem:$0x18BA0] =	vst v63  }
0x51: {  	_ =	swait.ge [sflag:s24], $0x100  }
0x52: {  	[sflag:s24] =	ssyncset.done $0x0  }
0x53: {  	[sflag:s24] =	ssyncadd.s32 $0xFFFFFF00  }
0x54: {  	[tilespmem:s0], [sflag:$0x7] =	stream.indirect.gather [hbm4b:s4+s29], $0x50, s10, s29, $0xb8;
	[tilespmem:$0x18BA0] =	vst v63  }
0x55: {  	_ =	swait.ge [sflag:s3], $0x100  }
0x56: {  	[sflag:s3] =	ssyncset.done $0x0  }
0x57: {  	s28 =	simm.s32 $0x5320;
	[sflag:s3] =	ssyncadd.s32 $0xFFFFFF00  }
0x58: {  	[tilespmem:s28], [sflag:$0x8] =	stream.indirect.gather [hbm4b:s4+s29], $0x50, s21, s29, $0xb8;
	[tilespmem:$0x18BA0] =	vst v63  }
0x59: {  	_ =	swait.ge [sflag:s9], $0x100  }
0x5a: {  	[sflag:s9] =	ssyncset.done $0x0  }
0x5b: {  	s6 =	simm.s32 $0x200;
	[sflag:s9] =	ssyncadd.s32 $0xFFFFFF00  }
0x5c: {  	[tilespmem:s15], [sflag:$0x9] =	stream.indirect.gather [hbm4b:s4+s29], $0x50, s25, s29, $0xb8;
	[tilespmem:$0x18BA0] =	vst v63  }
.LBB2_3:
0x5d: {  	_ =	swait.ge [sflag:s16], $0x2710  }
0x5e: {  	[sflag:s16] =	ssyncset.done $0x0  }
0x5f: {  	s7 =	simm.s32 $0x80;
	[sflag:s16] =	ssyncadd.s32 $0xFFFFD8F0  }
0x60: {  	[spmem:s1] =	stream.indirect.scatter.add.f32 [tilespmem:s30], [sflag:$0xB], $0x50, s7, s29, $0xb8;
	[tilespmem:$0x18BA0] =	vst v63  }
0x61: {  	p2 =	seq.s32 s31, $0x1360;
	_ =	swait.ge [sflag:s22], $0x2710  }
0x62: {  	s10 =	sadd.s32 @!p2 s31, s20;
	[sflag:s22] =	ssyncset.done $0x0  }
0x63: {  	s21 =	simm.s32 @!p2 $0x0;
	s28 =	sadd.s32 @!p2 $0xA0, s10;
	[sflag:s22] =	ssyncadd.s32 $0xFFFFD8F0  }
0x64: {  	[tilespmem:s21], [sflag:$0x1] =	stream.linear.gather @!p2 [hbm4b:s28+s21], $0x100, $0x38;
	[tilespmem:$0x18BA0] =	vst v63  }
0x65: {  	_ =	swait.ge [sflag:s8], $0x100  }
0x66: {  	[sflag:s8] =	ssyncset.done $0x0  }
0x67: {  	[sflag:s8] =	ssyncadd.s32 $0xFFFFFF00  }
0x68: {  	[tilespmem:s11], [sflag:$0xA] =	stream.indirect.gather [hbm4b:s4+s29], $0x50, s26, s29, $0xb8;
	[tilespmem:$0x18BA0] =	vst v63  }
0x69: {  	_ =	swait.ge [sflag:s12], $0x2710  }
0x6a: {  	[sflag:s12] =	ssyncset.done $0x0  }
0x6b: {  	[sflag:s12] =	ssyncadd.s32 $0xFFFFD8F0  }
0x6c: {  	[spmem:s1] =	stream.indirect.scatter.add.f32 [tilespmem:s0], [sflag:$0xB], $0x50, s13, s29, $0xb8;
	[tilespmem:$0x18BA0] =	vst v63  }
0x6d: {  	_ =	swait.ge [sflag:s22], $0x2710  }
0x6e: {  	[sflag:s22] =	ssyncset.done $0x0  }
0x6f: {  	s28 =	simm.s32 @p2 $0x8;
	[sflag:s22] =	ssyncadd.s32 $0xFFFFD8F0  }
0x70: {  	_ =	swait.ge @p2 [sflag:s28], $0x2710  }
0x71: {  	s23 =	simm.s32 @p2 $0x280;
	[sflag:s28] =	ssyncset.done @p2 $0x0  }
0x72: {  	s7 =	simm.s32 @p2 $0x5320;
	[sflag:s28] =	ssyncadd.s32 @p2 $0xFFFFD8F0;
	s28 =	simm.s32 @p2 $0x7D  }
0x73: {  	[spmem:s1] =	stream.indirect.scatter.add.f32 @p2 [tilespmem:s7], [sflag:$0xB], $0x50, s23, s28, $0xb8;
	[tilespmem:$0x18BA0] =	vst v63  }
0x74: {  	s7 =	simm.s32 @p2 $0xB  }
0x75: {  	_ =	swait.ge @p2 [sflag:s7], $0x2710  }
0x76: {  	[sflag:s7] =	ssyncset.done @p2 $0x0  }
0x77: {  	s23 =	simm.s32 @!p2 $0x100;
	[sflag:s7] =	ssyncadd.s32 @p2 $0xFFFFD8F0;
	s7 =	sadd.s32 @!p2 $0xC0, s10  }
0x78: {  	[tilespmem:s23], [sflag:$0x2] =	stream.linear.gather @!p2 [hbm4b:s7+s21], $0x100, $0x38;
	[tilespmem:$0x18BA0] =	vst v63  }
0x79: {  	s7 =	simm.s32 @!p2 $0x1  }
0x7a: {  	_ =	swait.ge @!p2 [sflag:s7], $0x100  }
0x7b: {  	[sflag:s7] =	ssyncset.done @!p2 $0x0  }
0x7c: {  	s28 =	simm.s32 @!p2 $0x500;
	[sflag:s7] =	ssyncadd.s32 @!p2 $0xFFFFFF00;
	s7 =	simm.s32 @!p2 $0x7D  }
0x7d: {  	[tilespmem:s28], [sflag:$0x6] =	stream.indirect.gather @!p2 [hbm4b:s4+s7], $0x50, s21, s7, $0xb8;
	[tilespmem:$0x18BA0] =	vst v63  }
0x7e: {  	s28 =	simm.s32 @!p2 $0x8  }
0x7f: {  	_ =	swait.ge @!p2 [sflag:s28], $0x2710  }
0x80: {  	[sflag:s28] =	ssyncset.done @!p2 $0x0  }
0x81: {  	s24 =	simm.s32 @!p2 $0x5320;
	[sflag:s28] =	ssyncadd.s32 @!p2 $0xFFFFD8F0;
	s28 =	simm.s32 @!p2 $0x280  }
0x82: {  	[spmem:s1] =	stream.indirect.scatter.add.f32 @!p2 [tilespmem:s24], [sflag:$0xB], $0x50, s28, s7, $0xb8;
	[tilespmem:$0x18BA0] =	vst v63  }
0x83: {  	s24 =	simm.s32 @!p2 $0xB  }
0x84: {  	_ =	swait.ge @!p2 [sflag:s24], $0x2710  }
0x85: {  	[sflag:s24] =	ssyncset.done @!p2 $0x0  }
0x86: {  	s10 =	sadd.s32 @!p2 $0xE0, s10;
	[sflag:s24] =	ssyncadd.s32 @!p2 $0xFFFFD8F0;
	s24 =	simm.s32 @!p2 $0x200  }
0x87: {  	[tilespmem:s24], [sflag:$0x3] =	stream.linear.gather @!p2 [hbm4b:s10+s21], $0x100, $0x38;
	[tilespmem:$0x18BA0] =	vst v63  }
0x88: {  	s10 =	simm.s32 @!p2 $0x2  }
0x89: {  	_ =	swait.ge @!p2 [sflag:s10], $0x100  }
0x8a: {  	[sflag:s10] =	ssyncset.done @!p2 $0x0  }
0x8b: {  	[sflag:s10] =	ssyncadd.s32 @!p2 $0xFFFFFF00;
	s10 =	simm.s32 @!p2 $0x2C10  }
0x8c: {  	[tilespmem:s10], [sflag:$0x7] =	stream.indirect.gather @!p2 [hbm4b:s4+s7], $0x50, s23, s7, $0xb8;
	[tilespmem:$0x18BA0] =	vst v63  }
0x8d: {  	_ =	swait.ge [sflag:s14], $0x2710  }
0x8e: {  	[sflag:s14] =	ssyncset.done $0x0  }
.Ltmp3:
0x8f: {  	[sflag:s14] =	ssyncadd.s32 $0xFFFFD8F0;
	(pc) =	sbr.rel @p2 .LBB2_8-.Ltmp3, $4  }
0x90: {  	[spmem:s1] =	stream.indirect.scatter.add.f32 [tilespmem:s15], [sflag:$0xB], $0x50, s17, s29, $0xb8;
	[tilespmem:$0x18BA0] =	vst v63  }
0x91: {  	_ =	swait.ge [sflag:s22], $0x2710  }
0x92: {  	[sflag:s22] =	ssyncset.done $0x0  }
0x93: {  	[sflag:s22] =	ssyncadd.s32 $0xFFFFD8F0  }
0x94: {  	s7 =	sadd.s32 s31, s20  }
0x95: {  	s10 =	sadd.s32 $0x100, s7  }
0x96: {  	[tilespmem:s25], [sflag:$0x4] =	stream.linear.gather [hbm4b:s10+s2], $0x100, $0x38;
	[tilespmem:$0x18BA0] =	vst v63  }
0x97: {  	_ =	swait.ge [sflag:s3], $0x100  }
0x98: {  	[sflag:s3] =	ssyncset.done $0x0  }
0x99: {  	s28 =	simm.s32 $0x5320;
	[sflag:s3] =	ssyncadd.s32 $0xFFFFFF00  }
0x9a: {  	[tilespmem:s28], [sflag:$0x8] =	stream.indirect.gather [hbm4b:s4+s29], $0x50, s6, s29, $0xb8;
	[tilespmem:$0x18BA0] =	vst v63  }
0x9b: {  	_ =	swait.ge [sflag:s18], $0x2710  }
0x9c: {  	[sflag:s18] =	ssyncset.done $0x0  }
0x9d: {  	[sflag:s18] =	ssyncadd.s32 $0xFFFFD8F0  }
0x9e: {  	[spmem:s1] =	stream.indirect.scatter.add.f32 [tilespmem:s11], [sflag:$0xB], $0x50, s19, s29, $0xb8;
	[tilespmem:$0x18BA0] =	vst v63  }
0x9f: {  	_ =	swait.ge [sflag:s22], $0x2710  }
0xa0: {  	[sflag:s22] =	ssyncset.done $0x0  }
0xa1: {  	s7 =	sadd.s32 $0x120, s7;
	[sflag:s22] =	ssyncadd.s32 $0xFFFFD8F0  }
0xa2: {  	[tilespmem:s26], [sflag:$0x5] =	stream.linear.gather [hbm4b:s7+s2], $0x100, $0x38;
	[tilespmem:$0x18BA0] =	vst v63  }
.Ltmp4:
0xa3: {  	_ = 	snop;
	(pc) =	sbr.rel .LBB2_3-.Ltmp4, $4  }
0xa4: {  	_ =	swait.ge [sflag:s9], $0x100  }
0xa5: {  	[sflag:s9] =	ssyncset.done $0x0  }
0xa6: {  	s31 =	sadd.s32 $0xA0, s31;
	[sflag:s9] =	ssyncadd.s32 $0xFFFFFF00  }
0xa7: {  	[tilespmem:s15], [sflag:$0x9] =	stream.indirect.gather [hbm4b:s4+s29], $0x50, s25, s29, $0xb8;
	[tilespmem:$0x18BA0] =	vst v63  }
.LBB2_5:
0xa8: {  	s7 =	rddreg [dreg:$0x4]  }
0xa9: {  	[spmem:s10], [sflag:s21] =	dma.local [hbm:s7], $0x1860  }
0xaa: {  	_ =	swait.ge [sflag:s22], $0x1860  }
0xab: {  	[sflag:s22] =	ssyncset.done $0x0  }
0xac: {  	s7 =	rddreg [dreg:$0x6];
	[sflag:s22] =	ssyncadd.s32 $0xFFFFE7A0  }
0xad: {  	[spmem:s6], [sflag:s21] =	dma.local @!p1 [hbm:s7], $0xA0  }
0xae: {  	s7 =	simm.s32 @!p1 $0xB  }
0xaf: {  	_ =	swait.ge @!p1 [sflag:s7], $0xA0  }
0xb0: {  	[sflag:s7] =	ssyncset.done @!p1 $0x0  }
0xb1: {  	s31 =	simm.s32 $0x0;
	s21 =	rddreg [dreg:$0x7];
	[sflag:s7] =	ssyncadd.s32 @!p1 $0xFFFFFF60  }
0xb2: {  	[tilespmem:s31], [sflag:$0x1] =	stream.linear.gather [hbm4b:s21+s31], $0x100, $0x38;
	[tilespmem:$0x18BA0] =	vst v63  }
0xb3: {  	s10 =	simm.s32 $0x100;
	s23 =	rddreg [dreg:$0x8]  }
0xb4: {  	[tilespmem:s10], [sflag:$0x2] =	stream.linear.gather [hbm4b:s23+s31], $0x100, $0x38;
	[tilespmem:$0x18BA0] =	vst v63  }
0xb5: {  	s24 =	rddreg [dreg:$0x9];
	s21 =	simm.s32 $0x200  }
0xb6: {  	[tilespmem:s21], [sflag:$0x3] =	stream.linear.gather [hbm4b:s24+s31], $0x100, $0x38;
	[tilespmem:$0x18BA0] =	vst v63  }
0xb7: {  	s28 =	rddreg [dreg:$0xa]  }
0xb8: {  	[tilespmem:s25], [sflag:$0x4] =	stream.linear.gather [hbm4b:s28+s31], $0x100, $0x38;
	[tilespmem:$0x18BA0] =	vst v63  }
0xb9: {  	s6 =	rddreg [dreg:$0xb]  }
0xba: {  	[tilespmem:s26], [sflag:$0x5] =	stream.linear.gather [hbm4b:s6+s31], $0x100, $0x38;
	[tilespmem:$0x18BA0] =	vst v63  }
0xbb: {  	s23 =	simm.s32 $0x1;
	[bflag:$0x0] =	sbarrier.arrive $0xFFFF  }
0xbc: {  	_ =	swait.ge [sflag:s23], $0x100  }
0xbd: {  	[sflag:s23] =	ssyncset.done $0x0  }
0xbe: {  	s24 =	simm.s32 $0x2;
	[sflag:s23] =	ssyncadd.s32 $0xFFFFFF00  }
0xbf: {  	[tilespmem:s30], [sflag:$0x6] =	stream.indirect.gather [hbm4b:s5+s29], $0x50, s31, s29, $0xb8;
	[tilespmem:$0x18BA0] =	vst v63  }
0xc0: {  	_ =	swait.ge [sflag:s24], $0x100  }
0xc1: {  	[sflag:s24] =	ssyncset.done $0x0  }
0xc2: {  	[sflag:s24] =	ssyncadd.s32 $0xFFFFFF00  }
0xc3: {  	[tilespmem:s0], [sflag:$0x7] =	stream.indirect.gather [hbm4b:s5+s29], $0x50, s10, s29, $0xb8;
	[tilespmem:$0x18BA0] =	vst v63  }
0xc4: {  	_ =	swait.ge [sflag:s3], $0x100  }
0xc5: {  	[sflag:s3] =	ssyncset.done $0x0  }
0xc6: {  	s28 =	simm.s32 $0x5320;
	[sflag:s3] =	ssyncadd.s32 $0xFFFFFF00  }
0xc7: {  	[tilespmem:s28], [sflag:$0x8] =	stream.indirect.gather [hbm4b:s5+s29], $0x50, s21, s29, $0xb8;
	[tilespmem:$0x18BA0] =	vst v63  }
0xc8: {  	_ =	swait.ge [sflag:s9], $0x100  }
0xc9: {  	[sflag:s9] =	ssyncset.done $0x0  }
0xca: {  	s6 =	simm.s32 $0x200;
	[sflag:s9] =	ssyncadd.s32 $0xFFFFFF00  }
0xcb: {  	[tilespmem:s15], [sflag:$0x9] =	stream.indirect.gather [hbm4b:s5+s29], $0x50, s25, s29, $0xb8;
	[tilespmem:$0x18BA0] =	vst v63  }
.LBB2_6:
0xcc: {  	_ =	swait.ge [sflag:s16], $0x2710  }
0xcd: {  	[sflag:s16] =	ssyncset.done $0x0  }
0xce: {  	s7 =	simm.s32 $0x80;
	[sflag:s16] =	ssyncadd.s32 $0xFFFFD8F0  }
0xcf: {  	[spmem:s1] =	stream.indirect.scatter.add.f32 [tilespmem:s30], [sflag:$0xB], $0x50, s7, s29, $0xb8;
	[tilespmem:$0x18BA0] =	vst v63  }
0xd0: {  	p2 =	seq.s32 s31, $0x1360;
	_ =	swait.ge [sflag:s22], $0x2710  }
0xd1: {  	s7 =	sadd.s32 @!p2 s31, s20;
	[sflag:s22] =	ssyncset.done $0x0  }
0xd2: {  	s21 =	simm.s32 @!p2 $0x0;
	s10 =	sadd.s32 @!p2 $0xA0, s7;
	[sflag:s22] =	ssyncadd.s32 $0xFFFFD8F0  }
0xd3: {  	[tilespmem:s21], [sflag:$0x1] =	stream.linear.gather @!p2 [hbm4b:s10+s21], $0x100, $0x38;
	[tilespmem:$0x18BA0] =	vst v63  }
0xd4: {  	_ =	swait.ge [sflag:s8], $0x100  }
0xd5: {  	[sflag:s8] =	ssyncset.done $0x0  }
0xd6: {  	[sflag:s8] =	ssyncadd.s32 $0xFFFFFF00  }
0xd7: {  	[tilespmem:s11], [sflag:$0xA] =	stream.indirect.gather [hbm4b:s5+s29], $0x50, s26, s29, $0xb8;
	[tilespmem:$0x18BA0] =	vst v63  }
0xd8: {  	_ =	swait.ge [sflag:s12], $0x2710  }
0xd9: {  	[sflag:s12] =	ssyncset.done $0x0  }
0xda: {  	[sflag:s12] =	ssyncadd.s32 $0xFFFFD8F0  }
0xdb: {  	[spmem:s1] =	stream.indirect.scatter.add.f32 [tilespmem:s0], [sflag:$0xB], $0x50, s13, s29, $0xb8;
	[tilespmem:$0x18BA0] =	vst v63  }
0xdc: {  	_ =	swait.ge [sflag:s22], $0x2710  }
0xdd: {  	[sflag:s22] =	ssyncset.done $0x0  }
0xde: {  	s10 =	simm.s32 @p2 $0x8;
	[sflag:s22] =	ssyncadd.s32 $0xFFFFD8F0  }
0xdf: {  	_ =	swait.ge @p2 [sflag:s10], $0x2710  }
0xe0: {  	s23 =	simm.s32 @p2 $0x280;
	[sflag:s10] =	ssyncset.done @p2 $0x0  }
0xe1: {  	s24 =	simm.s32 @p2 $0x5320;
	[sflag:s10] =	ssyncadd.s32 @p2 $0xFFFFD8F0;
	s10 =	simm.s32 @p2 $0x7D  }
0xe2: {  	[spmem:s1] =	stream.indirect.scatter.add.f32 @p2 [tilespmem:s24], [sflag:$0xB], $0x50, s23, s10, $0xb8;
	[tilespmem:$0x18BA0] =	vst v63  }
0xe3: {  	s10 =	simm.s32 @p2 $0xB  }
0xe4: {  	_ =	swait.ge @p2 [sflag:s10], $0x2710  }
0xe5: {  	[sflag:s10] =	ssyncset.done @p2 $0x0  }
0xe6: {  	s23 =	simm.s32 @!p2 $0x100;
	[sflag:s10] =	ssyncadd.s32 @p2 $0xFFFFD8F0;
	s10 =	sadd.s32 @!p2 $0xC0, s7  }
0xe7: {  	[tilespmem:s23], [sflag:$0x2] =	stream.linear.gather @!p2 [hbm4b:s10+s21], $0x100, $0x38;
	[tilespmem:$0x18BA0] =	vst v63  }
0xe8: {  	s10 =	simm.s32 @!p2 $0x1  }
0xe9: {  	_ =	swait.ge @!p2 [sflag:s10], $0x100  }
0xea: {  	[sflag:s10] =	ssyncset.done @!p2 $0x0  }
0xeb: {  	s24 =	simm.s32 @!p2 $0x500;
	[sflag:s10] =	ssyncadd.s32 @!p2 $0xFFFFFF00;
	s10 =	simm.s32 @!p2 $0x7D  }
0xec: {  	[tilespmem:s24], [sflag:$0x6] =	stream.indirect.gather @!p2 [hbm4b:s5+s10], $0x50, s21, s10, $0xb8;
	[tilespmem:$0x18BA0] =	vst v63  }
0xed: {  	s24 =	simm.s32 @!p2 $0x8  }
0xee: {  	_ =	swait.ge @!p2 [sflag:s24], $0x2710  }
0xef: {  	[sflag:s24] =	ssyncset.done @!p2 $0x0  }
0xf0: {  	s28 =	simm.s32 @!p2 $0x5320;
	[sflag:s24] =	ssyncadd.s32 @!p2 $0xFFFFD8F0;
	s24 =	simm.s32 @!p2 $0x280  }
0xf1: {  	[spmem:s1] =	stream.indirect.scatter.add.f32 @!p2 [tilespmem:s28], [sflag:$0xB], $0x50, s24, s10, $0xb8;
	[tilespmem:$0x18BA0] =	vst v63  }
0xf2: {  	s24 =	simm.s32 @!p2 $0xB  }
0xf3: {  	_ =	swait.ge @!p2 [sflag:s24], $0x2710  }
0xf4: {  	[sflag:s24] =	ssyncset.done @!p2 $0x0  }
0xf5: {  	s7 =	sadd.s32 @!p2 $0xE0, s7;
	[sflag:s24] =	ssyncadd.s32 @!p2 $0xFFFFD8F0;
	s24 =	simm.s32 @!p2 $0x200  }
0xf6: {  	[tilespmem:s24], [sflag:$0x3] =	stream.linear.gather @!p2 [hbm4b:s7+s21], $0x100, $0x38;
	[tilespmem:$0x18BA0] =	vst v63  }
0xf7: {  	s7 =	simm.s32 @!p2 $0x2  }
0xf8: {  	_ =	swait.ge @!p2 [sflag:s7], $0x100  }
0xf9: {  	[sflag:s7] =	ssyncset.done @!p2 $0x0  }
0xfa: {  	[sflag:s7] =	ssyncadd.s32 @!p2 $0xFFFFFF00;
	s7 =	simm.s32 @!p2 $0x2C10  }
0xfb: {  	[tilespmem:s7], [sflag:$0x7] =	stream.indirect.gather @!p2 [hbm4b:s5+s10], $0x50, s23, s10, $0xb8;
	[tilespmem:$0x18BA0] =	vst v63  }
0xfc: {  	_ =	swait.ge [sflag:s14], $0x2710  }
0xfd: {  	[sflag:s14] =	ssyncset.done $0x0  }
.Ltmp5:
0xfe: {  	[sflag:s14] =	ssyncadd.s32 $0xFFFFD8F0;
	(pc) =	sbr.rel @p2 .LBB2_8-.Ltmp5, $4  }
0xff: {  	[spmem:s1] =	stream.indirect.scatter.add.f32 [tilespmem:s15], [sflag:$0xB], $0x50, s17, s29, $0xb8;
	[tilespmem:$0x18BA0] =	vst v63  }
0x100: {  	_ =	swait.ge [sflag:s22], $0x2710  }
0x101: {  	[sflag:s22] =	ssyncset.done $0x0  }
0x102: {  	[sflag:s22] =	ssyncadd.s32 $0xFFFFD8F0  }
0x103: {  	s7 =	sadd.s32 s31, s20  }
0x104: {  	s10 =	sadd.s32 $0x100, s7  }
0x105: {  	[tilespmem:s25], [sflag:$0x4] =	stream.linear.gather [hbm4b:s10+s2], $0x100, $0x38;
	[tilespmem:$0x18BA0] =	vst v63  }
0x106: {  	_ =	swait.ge [sflag:s3], $0x100  }
0x107: {  	[sflag:s3] =	ssyncset.done $0x0  }
0x108: {  	s28 =	simm.s32 $0x5320;
	[sflag:s3] =	ssyncadd.s32 $0xFFFFFF00  }
0x109: {  	[tilespmem:s28], [sflag:$0x8] =	stream.indirect.gather [hbm4b:s5+s29], $0x50, s6, s29, $0xb8;
	[tilespmem:$0x18BA0] =	vst v63  }
0x10a: {  	_ =	swait.ge [sflag:s18], $0x2710  }
0x10b: {  	[sflag:s18] =	ssyncset.done $0x0  }
0x10c: {  	[sflag:s18] =	ssyncadd.s32 $0xFFFFD8F0  }
0x10d: {  	[spmem:s1] =	stream.indirect.scatter.add.f32 [tilespmem:s11], [sflag:$0xB], $0x50, s19, s29, $0xb8;
	[tilespmem:$0x18BA0] =	vst v63  }
0x10e: {  	_ =	swait.ge [sflag:s22], $0x2710  }
0x10f: {  	[sflag:s22] =	ssyncset.done $0x0  }
0x110: {  	s7 =	sadd.s32 $0x120, s7;
	[sflag:s22] =	ssyncadd.s32 $0xFFFFD8F0  }
0x111: {  	[tilespmem:s26], [sflag:$0x5] =	stream.linear.gather [hbm4b:s7+s2], $0x100, $0x38;
	[tilespmem:$0x18BA0] =	vst v63  }
.Ltmp6:
0x112: {  	_ = 	snop;
	(pc) =	sbr.rel .LBB2_6-.Ltmp6, $4  }
0x113: {  	_ =	swait.ge [sflag:s9], $0x100  }
0x114: {  	[sflag:s9] =	ssyncset.done $0x0  }
0x115: {  	s31 =	sadd.s32 $0xA0, s31;
	[sflag:s9] =	ssyncadd.s32 $0xFFFFFF00  }
0x116: {  	[tilespmem:s15], [sflag:$0x9] =	stream.indirect.gather [hbm4b:s5+s29], $0x50, s25, s29, $0xb8;
	[tilespmem:$0x18BA0] =	vst v63  }
.LBB2_9:
0x117: {  	_ =	sfence.sel $0x180000  }
0x118: {  	[bflag:$0x0] =	sbarrier.arrive $0xFFFF  }
0x119: {  	_ =	strace $0x9000004D  }
0x11a: {  	s0 =	stileid.u32;
	[bflag:$0x2] =	sbarrier.arrive $0xFFFF  }
0x11b: {  	p0 =	sne.s32 s0, $0x0;
	s0 =	rddreg [dreg:$0x2]  }
0x11c: {  	s0 =	sadd.s32 @!p0 $0x100000, s0  }
0x11d: {  	[sflag:s0] =	ssyncadd.tile.s32 @!p0 $0x1;
	_ =	shalt  }
.Lfunc_end2:
_tile_overlayer_lowered:
.L_overlay_start_2:
0x11e: {  	(tag) =	ssettag $0x2  }
0x11f: {  	s0 =	rddreg [dreg:$0x0];
	s2 =	stileid.u32  }
0x120: {  	s1 =	rddreg [dreg:$0x1];
	p0 =	sne.s32 s2, $0x0  }
0x121: {  	s3 =	rddreg [dreg:$0x2];
	[bflag:$0x3] =	sbarrier.arrive $0xFFFF;
	s2 =	simm.s32 @!p0 $0x1C0B  }
0x122: {  	[timem:s3], [sflag:s2] =	dma.local @!p0 [hbm:s0], s1  }
0x123: {  	s0 =	simm.s32 @!p0 $0xB  }
0x124: {  	_ =	swait.ge @!p0 [sflag:s0], s1  }
0x125: {  	s1 =	ssub.s32 @!p0 $0x0, s1;
	[sflag:s0] =	ssyncset.done @!p0 $0x0  }
0x126: {  	[sflag:s0] =	ssyncadd.s32 @!p0 s1  }
0x127: {  	[bflag:$0x3] =	sbarrier.arrive $0xFFFF  }
0x128: {  	_ =	shalt  }

// kernel: kernel.19.cloned.1.call-start
scs
__scs_entry_jumppad:
0x0: {  	(pc) =	sbr.rel $0x88, $3  }
0x1: {  	(tag) =	ssettag $0x0;
	lr =	simm.s32 $0x1  }
0x2: {  	[smem:$0x3F8E] =	sst lr;
	_ =	strace $0xD0000000  }
0x3: {  	_ = 	snop  }
0x4: {  	_ = 	snop  }
0x5: {  	_ = 	snop  }
0x6: {  	_ = 	snop  }
0x7: {  	_ = 	snop  }
__scs_overlays_trampoline_lowered:
0x8: {  	[smem:$0x3F9D] =	sst s0  }
0x9: {  	[smem:$0x3F9E] =	sst s1  }
0xa: {  	[smem:$0x3F9F] =	sst s2  }
0xb: {  	[smem:$0x3FA0] =	sst s3  }
0xc: {  	[smem:$0x3FA1] =	sst s4  }
0xd: {  	[smem:$0x3FA2] =	sst s5  }
0xe: {  	[smem:$0x3FA3] =	sst s6  }
0xf: {  	[smem:$0x3FA4] =	sst s7  }
0x10: {  	[smem:$0x3FA5] =	sst s8  }
0x11: {  	[smem:$0x3FA6] =	sst s9;
	s0 =	simm.s32 @!p0 $0x0  }
0x12: {  	s1 =	sld [smem:$0x3F8C];
	s0 =	simm.s32 @p0 $0x1  }
0x13: {  	[smem:$0x3FA7] =	sst s0;
	s0 =	simm.s32 @!p1 $0x0  }
0x14: {  	s2 =	sld [smem:$0x3F8B];
	s0 =	simm.s32 @p1 $0x1  }
0x15: {  	[smem:$0x3FA8] =	sst s0;
	s0 =	simm.s32 @!p2 $0x0  }
0x16: {  	s3 =	sld [smem:$0x3FDB];
	s0 =	simm.s32 @p2 $0x1  }
0x17: {  	s4 =	simm.s32 $0x1BF5;
	[smem:$0x3FAA] =	sst s0  }
0x18: {  	s0 =	sld [smem:$0x3F8D];
	_ =	swait.ge [sflag:s4], $0x0  }
0x19: {  	s7 =	sld [smem:$0x3F8E]  }
0x1a: {  	s8 =	sadd.s32 $0xFFFFE003, lr  }
0x1b: {  	s9 =	sadd.s32 $0xFFFFFEF7, lr;
	s5 =	simm.s32 $0xFFFFFFFF;
	p2 =	slt.u32 s8, $0xFFFFF086  }
0x1c: {  	p1 =	slt.u32 s9, $0xF7A;
	s5 =	simm.s32 @!p2 $0x0  }
0x1d: {  	s5 =	simm.s32 @p1 $0x1;
	p0 =	seq.s32 s7, s2  }
0x1e: {  	s7 =	smul.u32 @!p0 $0xF7A, s2;
	p2 =	seq.s32 @!p0 s5, $0x0  }
0x1f: {  	s9 =	smul.u32 $0xF7A, s1;
	s8 =	simm.s32 @!p0 $0x1BF5;
	p2 =	por !p2, p0  }
0x20: {  	[sflag:s8] =	ssyncset.s32 @!p0 $0xFFFFF086;
	s6 =	sadd.s32 @!p0 s3, s7;
	s7 =	simm.s32 @!p0 $0x108  }
0x21: {  	s3 =	sadd.s32 s3, s9;
	s6 =	sadd.s32 @!p0 $0x88, s6;
	s7 =	simm.s32 @p2 $0x1082  }
0x22: {  	[simem:s7], [sflag:s8] =	dma.local @!p0 [hbm:s6], $0xF7A  }
0x23: {  	s9 =	sor.u32 $0xD0000000, s2;
	s6 =	simm.s32 $0x108;
	_ =	swait.ge @!p0 [sflag:s8], $0x0  }
0x24: {  	s3 =	sadd.s32 $0x88, s3;
	s6 =	simm.s32 @!p1 $0x1082;
	[sflag:s4] =	ssyncset.s32 $0xFFFFF086  }
0x25: {  	[simem:s6], [sflag:s4] =	dma.local [hbm:s3], $0xF7A  }
0x26: {  	[smem:$0x3F8E] =	sst s1;
	(tag) =	ssettag s2;
	_ =	strace s9  }
0x27: {  	s1 =	sld [smem:$0x3F9E]  }
0x28: {  	s2 =	sld [smem:$0x3F9F]  }
0x29: {  	s4 =	sld [smem:$0x3FA1]  }
0x2a: {  	p0 =	seq.s32 s5, $0x0;
	s5 =	sld [smem:$0x3FA2]  }
0x2b: {  	s6 =	sld [smem:$0x3FA3]  }
0x2c: {  	s7 =	sld [smem:$0x3FA4]  }
0x2d: {  	s3 =	simm.s32 $0x108;
	s8 =	sld [smem:$0x3FA5]  }
0x2e: {  	s3 =	simm.s32 @!p0 $0x1082;
	s9 =	sld [smem:$0x3FA6]  }
0x2f: {  	lr =	sadd.s32 s0, s3;
	s0 =	sld [smem:$0x3F9D]  }
0x30: {  	s3 =	sld [smem:$0x3FA0]  }
0x31: {  	[smem:$0x3FA9] =	sst s10  }
0x32: {  	s10 =	sld [smem:$0x3FA7];
	_ =	sdelay $0x3  }
0x33: {  	p0 =	seq.s32 s10, $0x1;
	s10 =	sld [smem:$0x3FA9];
	_ =	sdelay $0x3  }
0x34: {  	[smem:$0x3FA9] =	sst s10  }
0x35: {  	s10 =	sld [smem:$0x3FA8];
	_ =	sdelay $0x3  }
0x36: {  	p1 =	seq.s32 s10, $0x1;
	s10 =	sld [smem:$0x3FA9];
	_ =	sdelay $0x3  }
0x37: {  	[smem:$0x3FA9] =	sst s10  }
0x38: {  	s10 =	sld [smem:$0x3FAA]  }
0x39: {  	_ = 	snop;
	(pc) =	sbr.ind lr, $3  }
0x3a: {  	_ = 	snop  }
0x3b: {  	_ = 	snop  }
0x3c: {  	p2 =	seq.s32 s10, $0x1;
	s10 =	sld [smem:$0x3FA9]  }
0x3d: {  	_ =	shalt  }
0x3e: {  	_ =	shalt  }
0x3f: {  	_ =	shalt  }
0x40: {  	_ =	shalt  }
0x41: {  	_ =	shalt  }
0x42: {  	_ =	shalt  }
0x43: {  	_ =	shalt  }
0x44: {  	_ =	shalt  }
0x45: {  	_ =	shalt  }
0x46: {  	_ =	shalt  }
0x47: {  	_ =	shalt  }
0x48: {  	_ =	shalt  }
0x49: {  	_ =	shalt  }
0x4a: {  	_ =	shalt  }
0x4b: {  	_ =	shalt  }
0x4c: {  	_ =	shalt  }
0x4d: {  	_ =	shalt  }
0x4e: {  	_ =	shalt  }
0x4f: {  	_ =	shalt  }
0x50: {  	_ =	shalt  }
0x51: {  	_ =	shalt  }
0x52: {  	_ =	shalt  }
0x53: {  	_ =	shalt  }
0x54: {  	_ =	shalt  }
0x55: {  	_ =	shalt  }
0x56: {  	_ =	shalt  }
0x57: {  	_ =	shalt  }
0x58: {  	_ =	shalt  }
0x59: {  	_ =	shalt  }
0x5a: {  	_ =	shalt  }
0x5b: {  	_ =	shalt  }
0x5c: {  	_ =	shalt  }
0x5d: {  	_ =	shalt  }
0x5e: {  	_ =	shalt  }
0x5f: {  	_ =	shalt  }
0x60: {  	_ =	shalt  }
0x61: {  	_ =	shalt  }
0x62: {  	_ =	shalt  }
0x63: {  	_ =	shalt  }
0x64: {  	_ =	shalt  }
0x65: {  	_ =	shalt  }
0x66: {  	_ =	shalt  }
0x67: {  	_ =	shalt  }
0x68: {  	_ =	shalt  }
0x69: {  	_ =	shalt  }
0x6a: {  	_ =	shalt  }
0x6b: {  	_ =	shalt  }
0x6c: {  	_ =	shalt  }
0x6d: {  	_ =	shalt  }
0x6e: {  	_ =	shalt  }
0x6f: {  	_ =	shalt  }
0x70: {  	_ =	shalt  }
0x71: {  	_ =	shalt  }
0x72: {  	_ =	shalt  }
0x73: {  	_ =	shalt  }
0x74: {  	_ =	shalt  }
0x75: {  	_ =	shalt  }
0x76: {  	_ =	shalt  }
0x77: {  	_ =	shalt  }
0x78: {  	_ =	shalt  }
0x79: {  	_ =	shalt  }
0x7a: {  	_ =	shalt  }
0x7b: {  	_ =	shalt  }
0x7c: {  	_ =	shalt  }
0x7d: {  	_ =	shalt  }
0x7e: {  	_ =	shalt  }
0x7f: {  	_ =	shalt  }
0x80: {  	_ =	shalt  }
0x81: {  	_ =	shalt  }
0x82: {  	_ =	shalt  }
0x83: {  	_ =	shalt  }
0x84: {  	_ =	shalt  }
0x85: {  	_ =	shalt  }
0x86: {  	_ =	shalt  }
0x87: {  	_ =	shalt  }
.Lfunc_end0:
.L_simem_size_0:
called_computation.3_lowered:
.L_overlay_start_0:
0x88: {  	s2 =	sld [smem:$0x3FD9]  }
0x89: {  	s3 =	sld [smem:$0x3FFE];
	_ =	sdelay $0x1  }
0x8a: {  	s1 =	srdreg.scid  }
0x8b: {  	s0 =	sand.u32 $0x1, s1  }
0x8c: {  	s16 =	sshll.u32 s0, $0xA;
	s2 =	sadd.s32 s3, s2  }
0x8d: {  	s2 =	sadd.s32 s2, s16  }
0x8e: {  	[smem:$0x3FB5] =	sst s2  }
0x8f: {  	_ = 	snop  }
0x90: {  	(tm) =	ssettm $0x1  }
0x91: {  	s17 =	sld [smem:$0x3FFB];
	_ =	sdelay $0x3  }
0x92: {  	_ =	strace s17  }
0x93: {  	s2 =	sld [smem:$0x3FFC];
	_ =	sdelay $0x3  }
0x94: {  	_ =	strace s2  }
0x95: {  	s2 =	sld [smem:$0x3FFD];
	_ =	sdelay $0x3  }
0x96: {  	_ =	strace s2  }
0x97: {  	_ =	strace $0x8FFFFFFF  }
0x98: {  	s18 =	sld [smem:$0x3FDB];
	_ =	sdelay $0x1  }
0x99: {  	s19 =	simm.s32 $_scs_section_size  }
0x9a: {  	s4 =	simm.s32 $_size__tile_overlayer_lowered;
	s5 =	simm.s32 $_tile_overlayer_lowered  }
0x9b: {  	s22 =	simm.s32 $0x1BFF;
	s21 =	sshll.u32 s5, $0x1;
	s2 =	sadd.s32 s19, s18  }
0x9c: {  	s6 =	simm.s32 $0x0;
	s20 =	sshll.u32 s4, $0x1;
	s4 =	sadd.s32 s21, s2  }
0x9d: {  	[timem:s6], [sflag:s22] =	dma.local [hbm:s4], s20  }
0x9e: {  	_ =	swait.ge [sflag:s22], s20  }
0x9f: {  	s3 =	ssub.s32 $0x0, s20;
	[sflag:s22] =	ssyncset.done $0x0  }
0xa0: {  	[sflag:s22] =	ssyncadd.s32 s3;
	_ =	sdelay $0x1  }
0xa1: {  	s23 =	simm.s32 $0x1B8B  }
0xa2: {  	_ =	swait.ge [sflag:s23], $0x1  }
0xa3: {  	[sflag:s23] =	ssyncset.done $0x0  }
0xa4: {  	s25 =	simm.s32 $0x1B8E;
	s24 =	sld [smem:$0x3FFE];
	[sflag:s23] =	ssyncadd.s32 $0xFFFFFFFF  }
0xa5: {  	s26 =	simm.s32 $execute0_lowered;
	[smem:$0x3FD2] =	sst s25  }
0xa6: {  	s4 =	sshll.u32 s26, $0x1;
	_ =	strace $0x8000004F;
	[dreg:$0x1] =	wrdreg $0xFFFFFFFF  }
0xa7: {  	s28 =	simm.s32 $_size_execute0_lowered;
	s2 =	sadd.s32 s2, s4;
	[dreg:$0x0] =	wrdreg $0x0  }
0xa8: {  	s4 =	sshll.u32 s28, $0x1;
	[dreg:$0x2] =	wrdreg s2  }
0xa9: {  	[dreg:$0x3] =	wrdreg s4  }
0xaa: {  	[dreg:$0x4] =	wrdreg $0xC0  }
0xab: {  	_ =	task [dreg:s6], $0x5FFFF  }
0xac: {  	[dreg:$0x1] =	wrdreg $0xFFFFFFFF  }
0xad: {  	[dreg:$0x0] =	wrdreg $0x60  }
0xae: {  	[dreg:$0x2] =	wrdreg s24  }
0xaf: {  	[dreg:$0x3] =	wrdreg $0xC8500  }
0xb0: {  	[dreg:$0x4] =	wrdreg $0x9  }
0xb1: {  	_ =	task.clear_ibuf [dreg:s6], $0x5FFFF;
	_ =	strace $0x9000004F  }
0xb2: {  	s29 =	simm.s32 $0x9;
	_ =	strace $0x80000051  }
0xb3: {  	_ =	swait.ge [sflag:s29], $0x1  }
0xb4: {  	[sflag:s29] =	ssyncadd.s32 $0xFFFFFFFF  }
0xb5: {  	_ =	strace $0x90000051  }
0xb6: {  	_ =	sfence  }
0xb7: {  	s30 =	sld [smem:$0x0];
	_ =	sdelay $0x2  }
0xb8: {  	s31 =	sshll.u32 s1, $0xD;
	s1 =	sshrl.u32 s1, $0x2  }
0xb9: {  	s3 =	sand.u32 $0x4000, s31;
	s1 =	sadd.s32 s1, s30  }
0xba: {  	s0 =	sor.u32 s3, s0;
	s1 =	sshll.u32 s1, $0x11  }
0xbb: {  	s0 =	sor.u32 s1, s0  }
0xbc: {  	s0 =	sadd.s32 $0x8F2B, s0  }
0xbd: {  	[sflag:s0] =	ssyncadd.remote.s32 $0x1  }
0xbe: {  	_ =	sfence.sel $0xFFFF  }
0xbf: {  	[dreg:$0x0] =	wrdreg $0xFFFFFFFF;
	(pc) =	sbr.abs _section_cstart, $3  }
0xc0: {  	[dreg:$0x1] =	wrdreg $0xFFFFFFFF  }
0xc1: {  	_ =	task.clear_ibuf [dreg:s6], $0x2FFFF;
	_ =	strace $0x9FFFFFFF  }
0xc2: {  	(tm) =	ssettm $0x7FFFFFFF  }
0xc3: {  	_ =	shalt  }
tec
execute0_lowered:
.L_overlay_start_1:
0x0: {  	(tag) =	ssettag $0x1  }
0x1: {  	s0 =	rddreg [dreg:$0x0]  }
0x2: {  	s1 =	rddreg [dreg:$0x1];
	s2 =	simm.s32 $0x0;
	s3 =	srdreg.scid  }
0x3: {  	s12 =	stileid.u32;
	s29 =	simm.s32 $0x7D;
	s30 =	simm.s32 $0x500  }
0x4: {  	s15 =	simm.s32 $0x7A30;
	[smem:$0x7FF] =	sst s2;
	s4 =	sadd.s32 $0x3800, s0  }
0x5: {  	s3 =	sand.u32 $0x1, s3;
	s5 =	sadd.s32 $0x30800, s0;
	s7 =	smul.u32 $0xC300, s12  }
0x6: {  	s8 =	sadd.s32 $0x1C800, s0;
	s10 =	smul.u32 $0xA000, s12;
	s11 =	sadd.s32 $0x49000, s0  }
0x7: {  	s18 =	sadd.s32 $0xC3000, s1;
	s19 =	sadd.s32 $0x48E00, s0;
	s0 =	sadd.s32 $0x1BE00, s0  }
0x8: {  	s25 =	smul.u32 $0x1400, s12;
	s31 =	sshll.u32 s12, $0x6;
	p1 =	sne.s32 s12, $0xF  }
0x9: {  	s12 =	simm.s32 $0x7;
	_ =	strace $0x80000050;
	[dreg:$0x5] =	wrdreg s18  }
0xa: {  	s6 =	ssub.s32 $0x2, s3;
	[dreg:$0x6] =	wrdreg s19;
	s22 =	smul.u32 $0xC3500, s3  }
0xb: {  	[dreg:$0xd] =	wrdreg s0;
	p0 =	sne.s32 s3, $0x0;
	s3 =	simm.s32 $0x3  }
0xc: {  	s18 =	simm.s32 $0xA;
	s19 =	simm.s32 $0x480;
	s9 =	sshrl.u32 s6, $0x1  }
0xd: {  	s16 =	sshrl.u32 s7, $0x3;
	s13 =	sadd.s32 s7, s1;
	s10 =	sshrl.u32 s10, $0x3  }
0xe: {  	s6 =	ssub.s32 s6, s9;
	[dreg:$0x3] =	wrdreg s13;
	s17 =	sadd.s32 s5, s16  }
0xf: {  	s20 =	sadd.s32 s8, s10;
	s9 =	sadd.s32 s4, s16;
	s23 =	sadd.s32 s7, s22  }
0x10: {  	s24 =	sshrl.u32 s22, $0x3;
	s22 =	simm.s32 $0xB;
	s16 =	simm.s32 $0x6  }
0x11: {  	[dreg:$0x4] =	wrdreg s17;
	s10 =	sadd.s32 $0x20, s20;
	s21 =	sadd.s32 $0x40, s20  }
0x12: {  	s14 =	sadd.s32 $0x60, s20;
	[dreg:$0x7] =	wrdreg s20;
	s13 =	sadd.s32 $0x80, s20  }
0x13: {  	[dreg:$0xc] =	wrdreg s9;
	s0 =	sshrl.u32 s23, $0x3;
	s7 =	sadd.s32 s11, s24  }
0x14: {  	s28 =	smax.u32 s6, $0x1;
	s20 =	sadd.s32 s25, s8;
	[dreg:$0x8] =	wrdreg s10  }
0x15: {  	s25 =	simm.s32 $0x300;
	s9 =	simm.s32 $0x4;
	[dreg:$0x9] =	wrdreg s21  }
0x16: {  	s8 =	simm.s32 $0x5;
	s17 =	simm.s32 $0x380;
	[dreg:$0xa] =	wrdreg s14  }
.Ltmp0:
0x17: {  	s6 =	simm.s32 $0x0;
	[dreg:$0xb] =	wrdreg s13;
	(pc) =	sbr.rel .LBB2_1-.Ltmp0, $4  }
0x18: {  	s0 =	sadd.s32 s11, s0;
	s26 =	sadd.s32 $0x18600, s7;
	[dreg:$0x10] =	wrdreg s28  }
0x19: {  	s21 =	sor.u32 $0x1C0B, s31;
	s11 =	simm.s32 $0xA140;
	[dreg:$0xe] =	wrdreg s0  }
0x1a: {  	s13 =	simm.s32 $0x180;
	s14 =	simm.s32 $0x9;
	[dreg:$0xf] =	wrdreg s26  }
0x1b: {  	s26 =	simm.s32 $0x400;
	s0 =	simm.s32 $0x2C10;
	[dreg:$0x11] =	wrdreg s21  }
.LBB2_8:
0x1c: {  	_ =	swait.ge [sflag:s18], $0x2710  }
0x1d: {  	[sflag:s18] =	ssyncset.done $0x0  }
0x1e: {  	[sflag:s18] =	ssyncadd.s32 $0xFFFFD8F0  }
0x1f: {  	[spmem:s1] =	stream.indirect.scatter.add.f32 [tilespmem:s11], [sflag:$0xB], $0x50, s19, s29, $0xb8;
	[tilespmem:$0x18BA0] =	vst v63  }
0x20: {  	_ =	swait.ge [sflag:s22], $0x2710  }
0x21: {  	[sflag:s22] =	ssyncset.done $0x0  }
0x22: {  	[sflag:s22] =	ssyncadd.s32 $0xFFFFD8F0  }
0x23: {  	[bflag:$0x0] =	sbarrier.arrive $0xFFFF  }
0x24: {  	s7 =	rddreg [dreg:$0xe]  }
0x25: {  	s21 =	rddreg [dreg:$0x11]  }
0x26: {  	s6 =	rddreg [dreg:$0x14]  }
0x27: {  	[hbm:s7], [sflag:s21] =	dma.local [spmem:s6], $0x1860  }
0x28: {  	_ =	swait.ge [sflag:s22], $0x1860  }
0x29: {  	[sflag:s22] =	ssyncset.done $0x0;
	s7 =	rddreg [dreg:$0xf]  }
0x2a: {  	s6 =	rddreg [dreg:$0x13];
	[sflag:s22] =	ssyncadd.s32 $0xFFFFE7A0  }
0x2b: {  	[hbm:s7], [sflag:s21] =	dma.local @!p1 [spmem:s6], $0xA0  }
0x2c: {  	s7 =	simm.s32 @!p1 $0xB  }
0x2d: {  	_ =	swait.ge @!p1 [sflag:s7], $0xA0  }
0x2e: {  	s31 =	rddreg [dreg:$0x12]  }
0x2f: {  	s10 =	rddreg [dreg:$0x10];
	s6 =	sadd.s32 $0x1, s31  }
0x30: {  	p2 =	sne.s32 s6, s10  }
.Ltmp1:
0x31: {  	_ = 	snop;
	(pc) =	sbr.rel @!p2 .LBB2_9-.Ltmp1, $3  }
0x32: {  	_ =	sdelay $0x1  }
0x33: {  	[sflag:s7] =	ssyncset.done @!p1 $0x0  }
0x34: {  	[sflag:s7] =	ssyncadd.s32 @!p1 $0xFFFFFF60  }
.LBB2_1:
.Ltmp2:
0x35: {  	[dreg:$0x12] =	wrdreg s6;
	(pc) =	sbr.rel @p0 .LBB2_5-.Ltmp2, $4  }
0x36: {  	s7 =	rddreg [dreg:$0x5]  }
0x37: {  	s31 =	rddreg [dreg:$0x3];
	s6 =	sshrl.u32 @!p1 s7, $0x3  }
0x38: {  	s10 =	sshrl.u32 s31, $0x3;
	[dreg:$0x13] =	wrdreg s6  }
0x39: {  	[dreg:$0x14] =	wrdreg s10  }
0x3a: {  	s7 =	rddreg [dreg:$0xc]  }
0x3b: {  	[spmem:s10], [sflag:s21] =	dma.local [hbm:s7], $0x1860  }
0x3c: {  	_ =	swait.ge [sflag:s22], $0x1860  }
0x3d: {  	[sflag:s22] =	ssyncset.done $0x0  }
0x3e: {  	s31 =	simm.s32 @!p1 $0xB;
	s7 =	rddreg [dreg:$0xd];
	[sflag:s22] =	ssyncadd.s32 $0xFFFFE7A0  }
0x3f: {  	[spmem:s6], [sflag:s21] =	dma.local @!p1 [hbm:s7], $0xA0  }
0x40: {  	_ =	swait.ge @!p1 [sflag:s31], $0xA0  }
0x41: {  	[sflag:s31] =	ssyncset.done @!p1 $0x0  }
0x42: {  	s21 =	rddreg [dreg:$0x7];
	[sflag:s31] =	ssyncadd.s32 @!p1 $0xFFFFFF60;
	s31 =	simm.s32 $0x0  }
0x43: {  	[tilespmem:s31], [sflag:$0x1] =	stream.linear.gather [hbm4b:s21+s31], $0x100, $0x38;
	[tilespmem:$0x18BA0] =	vst v63  }
0x44: {  	s10 =	simm.s32 $0x100;
	s23 =	rddreg [dreg:$0x8]  }
0x45: {  	[tilespmem:s10], [sflag:$0x2] =	stream.linear.gather [hbm4b:s23+s31], $0x100, $0x38;
	[tilespmem:$0x18BA0] =	vst v63  }
0x46: {  	s24 =	rddreg [dreg:$0x9];
	s21 =	simm.s32 $0x200  }
0x47: {  	[tilespmem:s21], [sflag:$0x3] =	stream.linear.gather [hbm4b:s24+s31], $0x100, $0x38;
	[tilespmem:$0x18BA0] =	vst v63  }
0x48: {  	s28 =	rddreg [dreg:$0xa]  }
0x49: {  	[tilespmem:s25], [sflag:$0x4] =	stream.linear.gather [hbm4b:s28+s31], $0x100, $0x38;
	[tilespmem:$0x18BA0] =	vst v63  }
0x4a: {  	s6 =	rddreg [dreg:$0xb]  }
0x4b: {  	[tilespmem:s26], [sflag:$0x5] =	stream.linear.gather [hbm4b:s6+s31], $0x100, $0x38;
	[tilespmem:$0x18BA0] =	vst v63  }
0x4c: {  	s23 =	simm.s32 $0x1;
	[bflag:$0x0] =	sbarrier.arrive $0xFFFF  }
0x4d: {  	_ =	swait.ge [sflag:s23], $0x100  }
0x4e: {  	[sflag:s23] =	ssyncset.done $0x0  }
0x4f: {  	s24 =	simm.s32 $0x2;
	[sflag:s23] =	ssyncadd.s32 $0xFFFFFF00  }
0x50: {  	[tilespmem:s30], [sflag:$0x6] =	stream.indirect.gather [hbm4b:s4+s29], $0x50, s31, s29, $0xb8;
	[tilespmem:$0x18BA0] =	vst v63  }
0x51: {  	_ =	swait.ge [sflag:s24], $0x100  }
0x52: {  	[sflag:s24] =	ssyncset.done $0x0  }
0x53: {  	[sflag:s24] =	ssyncadd.s32 $0xFFFFFF00  }
0x54: {  	[tilespmem:s0], [sflag:$0x7] =	stream.indirect.gather [hbm4b:s4+s29], $0x50, s10, s29, $0xb8;
	[tilespmem:$0x18BA0] =	vst v63  }
0x55: {  	_ =	swait.ge [sflag:s3], $0x100  }
0x56: {  	[sflag:s3] =	ssyncset.done $0x0  }
0x57: {  	s28 =	simm.s32 $0x5320;
	[sflag:s3] =	ssyncadd.s32 $0xFFFFFF00  }
0x58: {  	[tilespmem:s28], [sflag:$0x8] =	stream.indirect.gather [hbm4b:s4+s29], $0x50, s21, s29, $0xb8;
	[tilespmem:$0x18BA0] =	vst v63  }
0x59: {  	_ =	swait.ge [sflag:s9], $0x100  }
0x5a: {  	[sflag:s9] =	ssyncset.done $0x0  }
0x5b: {  	s6 =	simm.s32 $0x200;
	[sflag:s9] =	ssyncadd.s32 $0xFFFFFF00  }
0x5c: {  	[tilespmem:s15], [sflag:$0x9] =	stream.indirect.gather [hbm4b:s4+s29], $0x50, s25, s29, $0xb8;
	[tilespmem:$0x18BA0] =	vst v63  }
.LBB2_3:
0x5d: {  	_ =	swait.ge [sflag:s16], $0x2710  }
0x5e: {  	[sflag:s16] =	ssyncset.done $0x0  }
0x5f: {  	s7 =	simm.s32 $0x80;
	[sflag:s16] =	ssyncadd.s32 $0xFFFFD8F0  }
0x60: {  	[spmem:s1] =	stream.indirect.scatter.add.f32 [tilespmem:s30], [sflag:$0xB], $0x50, s7, s29, $0xb8;
	[tilespmem:$0x18BA0] =	vst v63  }
0x61: {  	p2 =	seq.s32 s31, $0x1360;
	_ =	swait.ge [sflag:s22], $0x2710  }
0x62: {  	s10 =	sadd.s32 @!p2 s31, s20;
	[sflag:s22] =	ssyncset.done $0x0  }
0x63: {  	s21 =	simm.s32 @!p2 $0x0;
	s28 =	sadd.s32 @!p2 $0xA0, s10;
	[sflag:s22] =	ssyncadd.s32 $0xFFFFD8F0  }
0x64: {  	[tilespmem:s21], [sflag:$0x1] =	stream.linear.gather @!p2 [hbm4b:s28+s21], $0x100, $0x38;
	[tilespmem:$0x18BA0] =	vst v63  }
0x65: {  	_ =	swait.ge [sflag:s8], $0x100  }
0x66: {  	[sflag:s8] =	ssyncset.done $0x0  }
0x67: {  	[sflag:s8] =	ssyncadd.s32 $0xFFFFFF00  }
0x68: {  	[tilespmem:s11], [sflag:$0xA] =	stream.indirect.gather [hbm4b:s4+s29], $0x50, s26, s29, $0xb8;
	[tilespmem:$0x18BA0] =	vst v63  }
0x69: {  	_ =	swait.ge [sflag:s12], $0x2710  }
0x6a: {  	[sflag:s12] =	ssyncset.done $0x0  }
0x6b: {  	[sflag:s12] =	ssyncadd.s32 $0xFFFFD8F0  }
0x6c: {  	[spmem:s1] =	stream.indirect.scatter.add.f32 [tilespmem:s0], [sflag:$0xB], $0x50, s13, s29, $0xb8;
	[tilespmem:$0x18BA0] =	vst v63  }
0x6d: {  	_ =	swait.ge [sflag:s22], $0x2710  }
0x6e: {  	[sflag:s22] =	ssyncset.done $0x0  }
0x6f: {  	s28 =	simm.s32 @p2 $0x8;
	[sflag:s22] =	ssyncadd.s32 $0xFFFFD8F0  }
0x70: {  	_ =	swait.ge @p2 [sflag:s28], $0x2710  }
0x71: {  	s23 =	simm.s32 @p2 $0x280;
	[sflag:s28] =	ssyncset.done @p2 $0x0  }
0x72: {  	s7 =	simm.s32 @p2 $0x5320;
	[sflag:s28] =	ssyncadd.s32 @p2 $0xFFFFD8F0;
	s28 =	simm.s32 @p2 $0x7D  }
0x73: {  	[spmem:s1] =	stream.indirect.scatter.add.f32 @p2 [tilespmem:s7], [sflag:$0xB], $0x50, s23, s28, $0xb8;
	[tilespmem:$0x18BA0] =	vst v63  }
0x74: {  	s7 =	simm.s32 @p2 $0xB  }
0x75: {  	_ =	swait.ge @p2 [sflag:s7], $0x2710  }
0x76: {  	[sflag:s7] =	ssyncset.done @p2 $0x0  }
0x77: {  	s23 =	simm.s32 @!p2 $0x100;
	[sflag:s7] =	ssyncadd.s32 @p2 $0xFFFFD8F0;
	s7 =	sadd.s32 @!p2 $0xC0, s10  }
0x78: {  	[tilespmem:s23], [sflag:$0x2] =	stream.linear.gather @!p2 [hbm4b:s7+s21], $0x100, $0x38;
	[tilespmem:$0x18BA0] =	vst v63  }
0x79: {  	s7 =	simm.s32 @!p2 $0x1  }
0x7a: {  	_ =	swait.ge @!p2 [sflag:s7], $0x100  }
0x7b: {  	[sflag:s7] =	ssyncset.done @!p2 $0x0  }
0x7c: {  	s28 =	simm.s32 @!p2 $0x500;
	[sflag:s7] =	ssyncadd.s32 @!p2 $0xFFFFFF00;
	s7 =	simm.s32 @!p2 $0x7D  }
0x7d: {  	[tilespmem:s28], [sflag:$0x6] =	stream.indirect.gather @!p2 [hbm4b:s4+s7], $0x50, s21, s7, $0xb8;
	[tilespmem:$0x18BA0] =	vst v63  }
0x7e: {  	s28 =	simm.s32 @!p2 $0x8  }
0x7f: {  	_ =	swait.ge @!p2 [sflag:s28], $0x2710  }
0x80: {  	[sflag:s28] =	ssyncset.done @!p2 $0x0  }
0x81: {  	s24 =	simm.s32 @!p2 $0x5320;
	[sflag:s28] =	ssyncadd.s32 @!p2 $0xFFFFD8F0;
	s28 =	simm.s32 @!p2 $0x280  }
0x82: {  	[spmem:s1] =	stream.indirect.scatter.add.f32 @!p2 [tilespmem:s24], [sflag:$0xB], $0x50, s28, s7, $0xb8;
	[tilespmem:$0x18BA0] =	vst v63  }
0x83: {  	s24 =	simm.s32 @!p2 $0xB  }
0x84: {  	_ =	swait.ge @!p2 [sflag:s24], $0x2710  }
0x85: {  	[sflag:s24] =	ssyncset.done @!p2 $0x0  }
0x86: {  	s10 =	sadd.s32 @!p2 $0xE0, s10;
	[sflag:s24] =	ssyncadd.s32 @!p2 $0xFFFFD8F0;
	s24 =	simm.s32 @!p2 $0x200  }
0x87: {  	[tilespmem:s24], [sflag:$0x3] =	stream.linear.gather @!p2 [hbm4b:s10+s21], $0x100, $0x38;
	[tilespmem:$0x18BA0] =	vst v63  }
0x88: {  	s10 =	simm.s32 @!p2 $0x2  }
0x89: {  	_ =	swait.ge @!p2 [sflag:s10], $0x100  }
0x8a: {  	[sflag:s10] =	ssyncset.done @!p2 $0x0  }
0x8b: {  	[sflag:s10] =	ssyncadd.s32 @!p2 $0xFFFFFF00;
	s10 =	simm.s32 @!p2 $0x2C10  }
0x8c: {  	[tilespmem:s10], [sflag:$0x7] =	stream.indirect.gather @!p2 [hbm4b:s4+s7], $0x50, s23, s7, $0xb8;
	[tilespmem:$0x18BA0] =	vst v63  }
0x8d: {  	_ =	swait.ge [sflag:s14], $0x2710  }
0x8e: {  	[sflag:s14] =	ssyncset.done $0x0  }
.Ltmp3:
0x8f: {  	[sflag:s14] =	ssyncadd.s32 $0xFFFFD8F0;
	(pc) =	sbr.rel @p2 .LBB2_8-.Ltmp3, $4  }
0x90: {  	[spmem:s1] =	stream.indirect.scatter.add.f32 [tilespmem:s15], [sflag:$0xB], $0x50, s17, s29, $0xb8;
	[tilespmem:$0x18BA0] =	vst v63  }
0x91: {  	_ =	swait.ge [sflag:s22], $0x2710  }
0x92: {  	[sflag:s22] =	ssyncset.done $0x0  }
0x93: {  	[sflag:s22] =	ssyncadd.s32 $0xFFFFD8F0  }
0x94: {  	s7 =	sadd.s32 s31, s20  }
0x95: {  	s10 =	sadd.s32 $0x100, s7  }
0x96: {  	[tilespmem:s25], [sflag:$0x4] =	stream.linear.gather [hbm4b:s10+s2], $0x100, $0x38;
	[tilespmem:$0x18BA0] =	vst v63  }
0x97: {  	_ =	swait.ge [sflag:s3], $0x100  }
0x98: {  	[sflag:s3] =	ssyncset.done $0x0  }
0x99: {  	s28 =	simm.s32 $0x5320;
	[sflag:s3] =	ssyncadd.s32 $0xFFFFFF00  }
0x9a: {  	[tilespmem:s28], [sflag:$0x8] =	stream.indirect.gather [hbm4b:s4+s29], $0x50, s6, s29, $0xb8;
	[tilespmem:$0x18BA0] =	vst v63  }
0x9b: {  	_ =	swait.ge [sflag:s18], $0x2710  }
0x9c: {  	[sflag:s18] =	ssyncset.done $0x0  }
0x9d: {  	[sflag:s18] =	ssyncadd.s32 $0xFFFFD8F0  }
0x9e: {  	[spmem:s1] =	stream.indirect.scatter.add.f32 [tilespmem:s11], [sflag:$0xB], $0x50, s19, s29, $0xb8;
	[tilespmem:$0x18BA0] =	vst v63  }
0x9f: {  	_ =	swait.ge [sflag:s22], $0x2710  }
0xa0: {  	[sflag:s22] =	ssyncset.done $0x0  }
0xa1: {  	s7 =	sadd.s32 $0x120, s7;
	[sflag:s22] =	ssyncadd.s32 $0xFFFFD8F0  }
0xa2: {  	[tilespmem:s26], [sflag:$0x5] =	stream.linear.gather [hbm4b:s7+s2], $0x100, $0x38;
	[tilespmem:$0x18BA0] =	vst v63  }
.Ltmp4:
0xa3: {  	_ = 	snop;
	(pc) =	sbr.rel .LBB2_3-.Ltmp4, $4  }
0xa4: {  	_ =	swait.ge [sflag:s9], $0x100  }
0xa5: {  	[sflag:s9] =	ssyncset.done $0x0  }
0xa6: {  	s31 =	sadd.s32 $0xA0, s31;
	[sflag:s9] =	ssyncadd.s32 $0xFFFFFF00  }
0xa7: {  	[tilespmem:s15], [sflag:$0x9] =	stream.indirect.gather [hbm4b:s4+s29], $0x50, s25, s29, $0xb8;
	[tilespmem:$0x18BA0] =	vst v63  }
.LBB2_5:
0xa8: {  	s7 =	rddreg [dreg:$0x4]  }
0xa9: {  	[spmem:s10], [sflag:s21] =	dma.local [hbm:s7], $0x1860  }
0xaa: {  	_ =	swait.ge [sflag:s22], $0x1860  }
0xab: {  	[sflag:s22] =	ssyncset.done $0x0  }
0xac: {  	s7 =	rddreg [dreg:$0x6];
	[sflag:s22] =	ssyncadd.s32 $0xFFFFE7A0  }
0xad: {  	[spmem:s6], [sflag:s21] =	dma.local @!p1 [hbm:s7], $0xA0  }
0xae: {  	s7 =	simm.s32 @!p1 $0xB  }
0xaf: {  	_ =	swait.ge @!p1 [sflag:s7], $0xA0  }
0xb0: {  	[sflag:s7] =	ssyncset.done @!p1 $0x0  }
0xb1: {  	s31 =	simm.s32 $0x0;
	s21 =	rddreg [dreg:$0x7];
	[sflag:s7] =	ssyncadd.s32 @!p1 $0xFFFFFF60  }
0xb2: {  	[tilespmem:s31], [sflag:$0x1] =	stream.linear.gather [hbm4b:s21+s31], $0x100, $0x38;
	[tilespmem:$0x18BA0] =	vst v63  }
0xb3: {  	s10 =	simm.s32 $0x100;
	s23 =	rddreg [dreg:$0x8]  }
0xb4: {  	[tilespmem:s10], [sflag:$0x2] =	stream.linear.gather [hbm4b:s23+s31], $0x100, $0x38;
	[tilespmem:$0x18BA0] =	vst v63  }
0xb5: {  	s24 =	rddreg [dreg:$0x9];
	s21 =	simm.s32 $0x200  }
0xb6: {  	[tilespmem:s21], [sflag:$0x3] =	stream.linear.gather [hbm4b:s24+s31], $0x100, $0x38;
	[tilespmem:$0x18BA0] =	vst v63  }
0xb7: {  	s28 =	rddreg [dreg:$0xa]  }
0xb8: {  	[tilespmem:s25], [sflag:$0x4] =	stream.linear.gather [hbm4b:s28+s31], $0x100, $0x38;
	[tilespmem:$0x18BA0] =	vst v63  }
0xb9: {  	s6 =	rddreg [dreg:$0xb]  }
0xba: {  	[tilespmem:s26], [sflag:$0x5] =	stream.linear.gather [hbm4b:s6+s31], $0x100, $0x38;
	[tilespmem:$0x18BA0] =	vst v63  }
0xbb: {  	s23 =	simm.s32 $0x1;
	[bflag:$0x0] =	sbarrier.arrive $0xFFFF  }
0xbc: {  	_ =	swait.ge [sflag:s23], $0x100  }
0xbd: {  	[sflag:s23] =	ssyncset.done $0x0  }
0xbe: {  	s24 =	simm.s32 $0x2;
	[sflag:s23] =	ssyncadd.s32 $0xFFFFFF00  }
0xbf: {  	[tilespmem:s30], [sflag:$0x6] =	stream.indirect.gather [hbm4b:s5+s29], $0x50, s31, s29, $0xb8;
	[tilespmem:$0x18BA0] =	vst v63  }
0xc0: {  	_ =	swait.ge [sflag:s24], $0x100  }
0xc1: {  	[sflag:s24] =	ssyncset.done $0x0  }
0xc2: {  	[sflag:s24] =	ssyncadd.s32 $0xFFFFFF00  }
0xc3: {  	[tilespmem:s0], [sflag:$0x7] =	stream.indirect.gather [hbm4b:s5+s29], $0x50, s10, s29, $0xb8;
	[tilespmem:$0x18BA0] =	vst v63  }
0xc4: {  	_ =	swait.ge [sflag:s3], $0x100  }
0xc5: {  	[sflag:s3] =	ssyncset.done $0x0  }
0xc6: {  	s28 =	simm.s32 $0x5320;
	[sflag:s3] =	ssyncadd.s32 $0xFFFFFF00  }
0xc7: {  	[tilespmem:s28], [sflag:$0x8] =	stream.indirect.gather [hbm4b:s5+s29], $0x50, s21, s29, $0xb8;
	[tilespmem:$0x18BA0] =	vst v63  }
0xc8: {  	_ =	swait.ge [sflag:s9], $0x100  }
0xc9: {  	[sflag:s9] =	ssyncset.done $0x0  }
0xca: {  	s6 =	simm.s32 $0x200;
	[sflag:s9] =	ssyncadd.s32 $0xFFFFFF00  }
0xcb: {  	[tilespmem:s15], [sflag:$0x9] =	stream.indirect.gather [hbm4b:s5+s29], $0x50, s25, s29, $0xb8;
	[tilespmem:$0x18BA0] =	vst v63  }
.LBB2_6:
0xcc: {  	_ =	swait.ge [sflag:s16], $0x2710  }
0xcd: {  	[sflag:s16] =	ssyncset.done $0x0  }
0xce: {  	s7 =	simm.s32 $0x80;
	[sflag:s16] =	ssyncadd.s32 $0xFFFFD8F0  }
0xcf: {  	[spmem:s1] =	stream.indirect.scatter.add.f32 [tilespmem:s30], [sflag:$0xB], $0x50, s7, s29, $0xb8;
	[tilespmem:$0x18BA0] =	vst v63  }
0xd0: {  	p2 =	seq.s32 s31, $0x1360;
	_ =	swait.ge [sflag:s22], $0x2710  }
0xd1: {  	s7 =	sadd.s32 @!p2 s31, s20;
	[sflag:s22] =	ssyncset.done $0x0  }
0xd2: {  	s21 =	simm.s32 @!p2 $0x0;
	s10 =	sadd.s32 @!p2 $0xA0, s7;
	[sflag:s22] =	ssyncadd.s32 $0xFFFFD8F0  }
0xd3: {  	[tilespmem:s21], [sflag:$0x1] =	stream.linear.gather @!p2 [hbm4b:s10+s21], $0x100, $0x38;
	[tilespmem:$0x18BA0] =	vst v63  }
0xd4: {  	_ =	swait.ge [sflag:s8], $0x100  }
0xd5: {  	[sflag:s8] =	ssyncset.done $0x0  }
0xd6: {  	[sflag:s8] =	ssyncadd.s32 $0xFFFFFF00  }
0xd7: {  	[tilespmem:s11], [sflag:$0xA] =	stream.indirect.gather [hbm4b:s5+s29], $0x50, s26, s29, $0xb8;
	[tilespmem:$0x18BA0] =	vst v63  }
0xd8: {  	_ =	swait.ge [sflag:s12], $0x2710  }
0xd9: {  	[sflag:s12] =	ssyncset.done $0x0  }
0xda: {  	[sflag:s12] =	ssyncadd.s32 $0xFFFFD8F0  }
0xdb: {  	[spmem:s1] =	stream.indirect.scatter.add.f32 [tilespmem:s0], [sflag:$0xB], $0x50, s13, s29, $0xb8;
	[tilespmem:$0x18BA0] =	vst v63  }
0xdc: {  	_ =	swait.ge [sflag:s22], $0x2710  }
0xdd: {  	[sflag:s22] =	ssyncset.done $0x0  }
0xde: {  	s10 =	simm.s32 @p2 $0x8;
	[sflag:s22] =	ssyncadd.s32 $0xFFFFD8F0  }
0xdf: {  	_ =	swait.ge @p2 [sflag:s10], $0x2710  }
0xe0: {  	s23 =	simm.s32 @p2 $0x280;
	[sflag:s10] =	ssyncset.done @p2 $0x0  }
0xe1: {  	s24 =	simm.s32 @p2 $0x5320;
	[sflag:s10] =	ssyncadd.s32 @p2 $0xFFFFD8F0;
	s10 =	simm.s32 @p2 $0x7D  }
0xe2: {  	[spmem:s1] =	stream.indirect.scatter.add.f32 @p2 [tilespmem:s24], [sflag:$0xB], $0x50, s23, s10, $0xb8;
	[tilespmem:$0x18BA0] =	vst v63  }
0xe3: {  	s10 =	simm.s32 @p2 $0xB  }
0xe4: {  	_ =	swait.ge @p2 [sflag:s10], $0x2710  }
0xe5: {  	[sflag:s10] =	ssyncset.done @p2 $0x0  }
0xe6: {  	s23 =	simm.s32 @!p2 $0x100;
	[sflag:s10] =	ssyncadd.s32 @p2 $0xFFFFD8F0;
	s10 =	sadd.s32 @!p2 $0xC0, s7  }
0xe7: {  	[tilespmem:s23], [sflag:$0x2] =	stream.linear.gather @!p2 [hbm4b:s10+s21], $0x100, $0x38;
	[tilespmem:$0x18BA0] =	vst v63  }
0xe8: {  	s10 =	simm.s32 @!p2 $0x1  }
0xe9: {  	_ =	swait.ge @!p2 [sflag:s10], $0x100  }
0xea: {  	[sflag:s10] =	ssyncset.done @!p2 $0x0  }
0xeb: {  	s24 =	simm.s32 @!p2 $0x500;
	[sflag:s10] =	ssyncadd.s32 @!p2 $0xFFFFFF00;
	s10 =	simm.s32 @!p2 $0x7D  }
0xec: {  	[tilespmem:s24], [sflag:$0x6] =	stream.indirect.gather @!p2 [hbm4b:s5+s10], $0x50, s21, s10, $0xb8;
	[tilespmem:$0x18BA0] =	vst v63  }
0xed: {  	s24 =	simm.s32 @!p2 $0x8  }
0xee: {  	_ =	swait.ge @!p2 [sflag:s24], $0x2710  }
0xef: {  	[sflag:s24] =	ssyncset.done @!p2 $0x0  }
0xf0: {  	s28 =	simm.s32 @!p2 $0x5320;
	[sflag:s24] =	ssyncadd.s32 @!p2 $0xFFFFD8F0;
	s24 =	simm.s32 @!p2 $0x280  }
0xf1: {  	[spmem:s1] =	stream.indirect.scatter.add.f32 @!p2 [tilespmem:s28], [sflag:$0xB], $0x50, s24, s10, $0xb8;
	[tilespmem:$0x18BA0] =	vst v63  }
0xf2: {  	s24 =	simm.s32 @!p2 $0xB  }
0xf3: {  	_ =	swait.ge @!p2 [sflag:s24], $0x2710  }
0xf4: {  	[sflag:s24] =	ssyncset.done @!p2 $0x0  }
0xf5: {  	s7 =	sadd.s32 @!p2 $0xE0, s7;
	[sflag:s24] =	ssyncadd.s32 @!p2 $0xFFFFD8F0;
	s24 =	simm.s32 @!p2 $0x200  }
0xf6: {  	[tilespmem:s24], [sflag:$0x3] =	stream.linear.gather @!p2 [hbm4b:s7+s21], $0x100, $0x38;
	[tilespmem:$0x18BA0] =	vst v63  }
0xf7: {  	s7 =	simm.s32 @!p2 $0x2  }
0xf8: {  	_ =	swait.ge @!p2 [sflag:s7], $0x100  }
0xf9: {  	[sflag:s7] =	ssyncset.done @!p2 $0x0  }
0xfa: {  	[sflag:s7] =	ssyncadd.s32 @!p2 $0xFFFFFF00;
	s7 =	simm.s32 @!p2 $0x2C10  }
0xfb: {  	[tilespmem:s7], [sflag:$0x7] =	stream.indirect.gather @!p2 [hbm4b:s5+s10], $0x50, s23, s10, $0xb8;
	[tilespmem:$0x18BA0] =	vst v63  }
0xfc: {  	_ =	swait.ge [sflag:s14], $0x2710  }
0xfd: {  	[sflag:s14] =	ssyncset.done $0x0  }
.Ltmp5:
0xfe: {  	[sflag:s14] =	ssyncadd.s32 $0xFFFFD8F0;
	(pc) =	sbr.rel @p2 .LBB2_8-.Ltmp5, $4  }
0xff: {  	[spmem:s1] =	stream.indirect.scatter.add.f32 [tilespmem:s15], [sflag:$0xB], $0x50, s17, s29, $0xb8;
	[tilespmem:$0x18BA0] =	vst v63  }
0x100: {  	_ =	swait.ge [sflag:s22], $0x2710  }
0x101: {  	[sflag:s22] =	ssyncset.done $0x0  }
0x102: {  	[sflag:s22] =	ssyncadd.s32 $0xFFFFD8F0  }
0x103: {  	s7 =	sadd.s32 s31, s20  }
0x104: {  	s10 =	sadd.s32 $0x100, s7  }
0x105: {  	[tilespmem:s25], [sflag:$0x4] =	stream.linear.gather [hbm4b:s10+s2], $0x100, $0x38;
	[tilespmem:$0x18BA0] =	vst v63  }
0x106: {  	_ =	swait.ge [sflag:s3], $0x100  }
0x107: {  	[sflag:s3] =	ssyncset.done $0x0  }
0x108: {  	s28 =	simm.s32 $0x5320;
	[sflag:s3] =	ssyncadd.s32 $0xFFFFFF00  }
0x109: {  	[tilespmem:s28], [sflag:$0x8] =	stream.indirect.gather [hbm4b:s5+s29], $0x50, s6, s29, $0xb8;
	[tilespmem:$0x18BA0] =	vst v63  }
0x10a: {  	_ =	swait.ge [sflag:s18], $0x2710  }
0x10b: {  	[sflag:s18] =	ssyncset.done $0x0  }
0x10c: {  	[sflag:s18] =	ssyncadd.s32 $0xFFFFD8F0  }
0x10d: {  	[spmem:s1] =	stream.indirect.scatter.add.f32 [tilespmem:s11], [sflag:$0xB], $0x50, s19, s29, $0xb8;
	[tilespmem:$0x18BA0] =	vst v63  }
0x10e: {  	_ =	swait.ge [sflag:s22], $0x2710  }
0x10f: {  	[sflag:s22] =	ssyncset.done $0x0  }
0x110: {  	s7 =	sadd.s32 $0x120, s7;
	[sflag:s22] =	ssyncadd.s32 $0xFFFFD8F0  }
0x111: {  	[tilespmem:s26], [sflag:$0x5] =	stream.linear.gather [hbm4b:s7+s2], $0x100, $0x38;
	[tilespmem:$0x18BA0] =	vst v63  }
.Ltmp6:
0x112: {  	_ = 	snop;
	(pc) =	sbr.rel .LBB2_6-.Ltmp6, $4  }
0x113: {  	_ =	swait.ge [sflag:s9], $0x100  }
0x114: {  	[sflag:s9] =	ssyncset.done $0x0  }
0x115: {  	s31 =	sadd.s32 $0xA0, s31;
	[sflag:s9] =	ssyncadd.s32 $0xFFFFFF00  }
0x116: {  	[tilespmem:s15], [sflag:$0x9] =	stream.indirect.gather [hbm4b:s5+s29], $0x50, s25, s29, $0xb8;
	[tilespmem:$0x18BA0] =	vst v63  }
.LBB2_9:
0x117: {  	_ =	sfence.sel $0x180000  }
0x118: {  	[bflag:$0x0] =	sbarrier.arrive $0xFFFF  }
0x119: {  	_ =	strace $0x90000050  }
0x11a: {  	s0 =	stileid.u32;
	[bflag:$0x2] =	sbarrier.arrive $0xFFFF  }
0x11b: {  	p0 =	sne.s32 s0, $0x0;
	s0 =	rddreg [dreg:$0x2]  }
0x11c: {  	s0 =	sadd.s32 @!p0 $0x100000, s0  }
0x11d: {  	[sflag:s0] =	ssyncadd.tile.s32 @!p0 $0x1;
	_ =	shalt  }
.Lfunc_end2:
_tile_overlayer_lowered:
.L_overlay_start_2:
0x11e: {  	(tag) =	ssettag $0x2  }
0x11f: {  	s0 =	rddreg [dreg:$0x0];
	s2 =	stileid.u32  }
0x120: {  	s1 =	rddreg [dreg:$0x1];
	p0 =	sne.s32 s2, $0x0  }
0x121: {  	s3 =	rddreg [dreg:$0x2];
	[bflag:$0x3] =	sbarrier.arrive $0xFFFF;
	s2 =	simm.s32 @!p0 $0x1C0B  }
0x122: {  	[timem:s3], [sflag:s2] =	dma.local @!p0 [hbm:s0], s1  }
0x123: {  	s0 =	simm.s32 @!p0 $0xB  }
0x124: {  	_ =	swait.ge @!p0 [sflag:s0], s1  }
0x125: {  	s1 =	ssub.s32 @!p0 $0x0, s1;
	[sflag:s0] =	ssyncset.done @!p0 $0x0  }
0x126: {  	[sflag:s0] =	ssyncadd.s32 @!p0 s1  }
0x127: {  	[bflag:$0x3] =	sbarrier.arrive $0xFFFF  }
0x128: {  	_ =	shalt  }

</sc_bundles>
